<compile_context>
chip_gen: v7x
topology: tpu7x:2x2x1
jax: 0.10.2.dev20260603
libtpu: 0.0.44.dev20260713+nightly
codegen_flags: <defaults>
</compile_context>

<pallas_src>
import functools

import jax
import jax.numpy as jnp
from jax import lax
from jax.experimental import pallas as pl
from jax.experimental.pallas import tpu as pltpu
from jax.experimental.pallas import tpu_sc as plsc

N = 10000
E = 320000
D = 128
G = 64
H = 64
OUT = 10

NC = 2
NS = 16
NW = NC * NS
EPW = E // NW
CH = 128
NCH = 79
EPT = NCH * CH
NP = 10240
RPT = NP // NS
PAD_DST = N + 16

_MESH = dict(core_axis_name="c", subcore_axis_name="s", num_cores=NC,
             num_subcores=NS)

BR = 1000
NBLK = N // BR


@functools.cache
def _agg_sc_kernel(table_rows):
    return pl.kernel(
        _agg_body,
        out_type=jax.ShapeDtypeStruct((NC, NP, D), jnp.float32),
        mesh=plsc.VectorSubcoreMesh(**_MESH),
        scratch_types=[
            pltpu.VMEM_SHARED((NP, D), jnp.float32),
            pltpu.VMEM((NCH, CH), jnp.int32),
            pltpu.VMEM((1, CH), jnp.int32),
            pltpu.VMEM((1, CH), jnp.int32),
            pltpu.VMEM((CH, D), jnp.float32),
            pltpu.VMEM((CH, D), jnp.float32),
            pltpu.VMEM((32, D), jnp.float32),
            pltpu.SemaphoreType.DMA,
            pltpu.SemaphoreType.DMA,
            pltpu.SemaphoreType.DMA,
            pltpu.SemaphoreType.DMA,
        ],
    )


def _agg_sc(table, src, dst):
    return _agg_sc_kernel(table.shape[0])(table, src, dst)


@functools.cache
def _deg_sc_kernel():
    return pl.kernel(
        _deg_body,
        out_type=jax.ShapeDtypeStruct((NC, NP, 16), jnp.float32),
        mesh=plsc.VectorSubcoreMesh(**_MESH),
        scratch_types=[
            pltpu.VMEM_SHARED((NP, 16), jnp.float32),
            pltpu.VMEM((1, CH), jnp.int32),
            pltpu.VMEM((1, CH), jnp.int32),
            pltpu.VMEM((CH, 16), jnp.float32),
            pltpu.SemaphoreType.DMA,
            pltpu.SemaphoreType.DMA,
        ],
    )


def _deg_sc(dst):
    return _deg_sc_kernel()(dst)


def _deg_body(dst_hbm, out_hbm, hist_sp, didx0, didx1, ones_v, sem2, sem3):
    c = lax.axis_index("c")
    s = lax.axis_index("s")
    wid = s * NC + c

    def fill_z(i, _):
        ones_v[i, :] = jnp.zeros((16,), jnp.float32)
        return 0
    lax.fori_loop(0, CH, fill_z, 0)
    for k in range(RPT // CH):
        pltpu.sync_copy(ones_v, hist_sp.at[pl.ds(s * RPT + k * CH, CH)])

    def fill_o(i, _):
        ones_v[i, :] = jnp.ones((16,), jnp.float32)
        return 0
    lax.fori_loop(0, CH, fill_o, 0)
    plsc.subcore_barrier()

    pltpu.async_copy(dst_hbm.at[wid, pl.ds(0, 1)], didx0, sem2)

    def body(jj, _):
        j0 = 2 * jj
        j1 = j0 + 1
        pltpu.make_async_copy(dst_hbm.at[wid, pl.ds(j0, 1)], didx0,
                              sem2).wait()
        pltpu.async_copy(dst_hbm.at[wid, pl.ds(j1, 1)], didx1, sem3)
        pltpu.sync_copy(ones_v, hist_sp.at[didx0.at[0]], add=True)
        pltpu.make_async_copy(dst_hbm.at[wid, pl.ds(j1, 1)], didx1,
                              sem3).wait()
        pltpu.async_copy(dst_hbm.at[wid, pl.ds(j0 + 2, 1)], didx0, sem2)
        pltpu.sync_copy(ones_v, hist_sp.at[didx1.at[0]], add=True)
        return 0
    lax.fori_loop(0, (NCH - 1) // 2, body, 0)

    pltpu.make_async_copy(dst_hbm.at[wid, pl.ds(NCH - 1, 1)], didx0,
                          sem2).wait()
    pltpu.sync_copy(ones_v, hist_sp.at[didx0.at[0]], add=True)

    plsc.subcore_barrier()
    for k in range(RPT // CH):
        pltpu.sync_copy(hist_sp.at[pl.ds(s * RPT + k * CH, CH)],
                        out_hbm.at[c, pl.ds(s * RPT + k * CH, CH)])


def _agg_body(tab_hbm, src_hbm, dst_hbm, out_hbm,
              agg_sp, sidx, didx0, didx1, rows0, rows1, zb,
              sem0, sem1, sem2, sem3):
    c = lax.axis_index("c")
    s = lax.axis_index("s")
    wid = s * NC + c

    pltpu.sync_copy(src_hbm.at[wid], sidx)
    pltpu.async_copy(tab_hbm.at[sidx.at[0]], rows0, sem0)
    pltpu.async_copy(dst_hbm.at[wid, pl.ds(0, 1)], didx0, sem2)
    pltpu.async_copy(tab_hbm.at[sidx.at[1]], rows1, sem1)
    pltpu.async_copy(dst_hbm.at[wid, pl.ds(1, 1)], didx1, sem3)

    def fill_z(i, _):
        for k in range(D // 16):
            zb[i, pl.ds(k * 16, 16)] = jnp.zeros((16,), jnp.float32)
        return 0
    lax.fori_loop(0, 32, fill_z, 0)
    for k in range(RPT // 32):
        pltpu.sync_copy(zb, agg_sp.at[pl.ds(s * RPT + k * 32, 32)])
    plsc.subcore_barrier()

    def body(jj, _):
        j0 = 2 * jj
        j1 = j0 + 1
        pltpu.make_async_copy(tab_hbm.at[sidx.at[j0]], rows0, sem0).wait()
        pltpu.make_async_copy(dst_hbm.at[wid, pl.ds(j0, 1)], didx0,
                              sem2).wait()
        pltpu.sync_copy(rows0, agg_sp.at[didx0.at[0]], add=True)
        pltpu.async_copy(dst_hbm.at[wid, pl.ds(j0 + 2, 1)], didx0, sem2)
        pltpu.async_copy(tab_hbm.at[sidx.at[j0 + 2]], rows0, sem0)
        pltpu.make_async_copy(tab_hbm.at[sidx.at[j1]], rows1, sem1).wait()
        pltpu.make_async_copy(dst_hbm.at[wid, pl.ds(j1, 1)], didx1,
                              sem3).wait()
        pltpu.sync_copy(rows1, agg_sp.at[didx1.at[0]], add=True)

        @pl.when(jj < (NCH - 1) // 2 - 1)
        def _():
            pltpu.async_copy(dst_hbm.at[wid, pl.ds(j1 + 2, 1)], didx1, sem3)
            pltpu.async_copy(tab_hbm.at[sidx.at[j1 + 2]], rows1, sem1)
        return 0
    lax.fori_loop(0, (NCH - 1) // 2, body, 0)

    pltpu.make_async_copy(tab_hbm.at[sidx.at[NCH - 1]], rows0, sem0).wait()
    pltpu.make_async_copy(dst_hbm.at[wid, pl.ds(NCH - 1, 1)], didx0,
                          sem2).wait()
    pltpu.sync_copy(rows0, agg_sp.at[didx0.at[0]], add=True)

    plsc.subcore_barrier()
    for k in range(RPT // CH):
        pltpu.sync_copy(agg_sp.at[pl.ds(s * RPT + k * CH, CH)],
                        out_hbm.at[c, pl.ds(s * RPT + k * CH, CH)])


def _dinv_block(dega, degb):
    deg = dega[:, 0:1] + degb[:, 0:1] + 1.0
    return lax.rsqrt(deg)


def _tc0a_body(x_ref, w_ref, h_ref):
    h_ref[...] = jnp.dot(x_ref[...], w_ref[...],
                         preferred_element_type=jnp.float32,
                         precision=lax.Precision.HIGHEST)


def _tc0b_body(h_ref, degp_ref, hs_ref):
    dinv = _dinv_block(degp_ref[0], degp_ref[1])
    hs_ref[...] = h_ref[...] * dinv


def _tc_first(x, w, degp):
    h = pl.pallas_call(
        _tc0a_body,
        grid=(NBLK,),
        in_specs=[
            pl.BlockSpec((BR, D), lambda i: (i, 0)),
            pl.BlockSpec((D, D), lambda i: (0, 0)),
        ],
        out_specs=pl.BlockSpec((BR, D), lambda i: (i, 0)),
        out_shape=jax.ShapeDtypeStruct((N, D), jnp.float32),
    )(x, w)
    return pl.pallas_call(
        _tc0b_body,
        grid=(NBLK,),
        in_specs=[
            pl.BlockSpec((BR, D), lambda i: (i, 0)),
            pl.BlockSpec((NC, BR, 16), lambda i: (0, i, 0)),
        ],
        out_specs=pl.BlockSpec((BR, D), lambda i: (i, 0)),
        out_shape=jax.ShapeDtypeStruct((N, D), jnp.float32),
    )(h, degp)


def _tcmid_body(aggp_ref, hsp_ref, degp_ref, b_ref, w_ref, out_ref):
    dinv = _dinv_block(degp_ref[0], degp_ref[1])
    xl = dinv * (aggp_ref[0] + aggp_ref[1] + hsp_ref[...]) + b_ref[...]
    xl = jnp.maximum(xl, 0.0)
    out_ref[...] = dinv * jnp.dot(xl, w_ref[...],
                                  preferred_element_type=jnp.float32,
                                  precision=lax.Precision.HIGHEST)


def _tc_mid(aggp, hsp, degp, b, w):
    return pl.pallas_call(
        _tcmid_body,
        grid=(NBLK,),
        in_specs=[
            pl.BlockSpec((NC, BR, D), lambda i: (0, i, 0)),
            pl.BlockSpec((BR, D), lambda i: (i, 0)),
            pl.BlockSpec((NC, BR, 16), lambda i: (0, i, 0)),
            pl.BlockSpec((1, D), lambda i: (0, 0)),
            pl.BlockSpec((D, D), lambda i: (0, 0)),
        ],
        out_specs=pl.BlockSpec((BR, D), lambda i: (i, 0)),
        out_shape=jax.ShapeDtypeStruct((N, D), jnp.float32),
    )(aggp, hsp, degp, b, w)


def _tc3_body(aggp_ref, hsp_ref, degp_ref, b_ref,
              batch_ref, wm0_ref, bm0_ref, wm1_ref, bm1_ref,
              emb_ref, logits_ref, probs_ref, sums_s, cnt_s):
    i = pl.program_id(0)
    dinv = _dinv_block(degp_ref[0], degp_ref[1])
    emb = dinv * (aggp_ref[0] + aggp_ref[1] + hsp_ref[...]) + b_ref[...]
    emb = jnp.maximum(emb, 0.0)
    emb_ref[...] = emb

    gids = lax.broadcasted_iota(jnp.int32, (1, G), 1)
    oh = (batch_ref[...] == gids).astype(jnp.float32)
    dn = (((0,), (0,)), ((), ()))
    psum = lax.dot_general(oh, emb, dn,
                           preferred_element_type=jnp.float32,
                           precision=lax.Precision.HIGHEST)
    ones = jnp.ones((BR, D), jnp.float32)
    pcnt = lax.dot_general(oh, ones, dn,
                           preferred_element_type=jnp.float32,
                           precision=lax.Precision.HIGHEST)

    @pl.when(i == 0)
    def _():
        sums_s[...] = jnp.zeros_like(sums_s)
        cnt_s[...] = jnp.zeros_like(cnt_s)

    sums_s[...] += psum
    cnt_s[...] += pcnt

    @pl.when(i == NBLK - 1)
    def _():
        pooled = sums_s[...] / jnp.maximum(cnt_s[...], 1.0)
        z = jnp.dot(pooled, wm0_ref[...],
                    preferred_element_type=jnp.float32,
                    precision=lax.Precision.HIGHEST) + bm0_ref[...]
        z = jnp.where(z > 0.0, z, jnp.exp(jnp.minimum(z, 0.0)) - 1.0)
        logits = jnp.dot(z, wm1_ref[...],
                         preferred_element_type=jnp.float32,
                         precision=lax.Precision.HIGHEST) + bm1_ref[...]
        logits_ref[...] = logits
        m = jnp.max(logits, axis=-1, keepdims=True)
        e = jnp.exp(logits - m)
        probs_ref[...] = e / jnp.sum(e, axis=-1, keepdims=True)


def _tc_last(aggp, hsp, degp, b, batch2, wm0, bm0, wm1, bm1):
    return pl.pallas_call(
        _tc3_body,
        grid=(NBLK,),
        in_specs=[
            pl.BlockSpec((NC, BR, D), lambda i: (0, i, 0)),
            pl.BlockSpec((BR, D), lambda i: (i, 0)),
            pl.BlockSpec((NC, BR, 16), lambda i: (0, i, 0)),
            pl.BlockSpec((1, D), lambda i: (0, 0)),
            pl.BlockSpec((BR, 1), lambda i: (i, 0)),
            pl.BlockSpec((D, H), lambda i: (0, 0)),
            pl.BlockSpec((1, H), lambda i: (0, 0)),
            pl.BlockSpec((H, OUT), lambda i: (0, 0)),
            pl.BlockSpec((1, OUT), lambda i: (0, 0)),
        ],
        out_specs=[
            pl.BlockSpec((BR, D), lambda i: (i, 0)),
            pl.BlockSpec((G, OUT), lambda i: (0, 0)),
            pl.BlockSpec((G, OUT), lambda i: (0, 0)),
        ],
        out_shape=[
            jax.ShapeDtypeStruct((N, D), jnp.float32),
            jax.ShapeDtypeStruct((G, OUT), jnp.float32),
            jax.ShapeDtypeStruct((G, OUT), jnp.float32),
        ],
        scratch_shapes=[
            pltpu.VMEM((G, D), jnp.float32),
            pltpu.VMEM((G, D), jnp.float32),
        ],
    )(aggp, hsp, degp, b, batch2, wm0, bm0, wm1, bm1)


def kernel(x, edge_index, batch, W1, b1, W2, b2, W3, b3, Wm0, bm0, Wm1, bm1):
    pad = ((0, 0), (0, EPT - EPW))
    src = jnp.pad(edge_index[0].reshape(NW, EPW), pad).reshape(NW, NCH, CH)
    dst = jnp.pad(edge_index[1].reshape(NW, EPW), pad,
                  constant_values=PAD_DST).reshape(NW, NCH, CH)

    degp = _deg_sc(dst)

    hs0 = _tc_first(x, W1, degp)
    agg = _agg_sc(hs0, src, dst)
    hs1 = _tc_mid(agg, hs0, degp, b1.reshape(1, D), W2)
    agg = _agg_sc(hs1, src, dst)
    hs2 = _tc_mid(agg, hs1, degp, b2.reshape(1, D), W3)
    agg = _agg_sc(hs2, src, dst)
    emb, logits, probs = _tc_last(agg, hs2, degp,
                                  b3.reshape(1, D), batch.reshape(N, 1),
                                  Wm0, bm0.reshape(1, H), Wm1,
                                  bm1.reshape(1, OUT))
    return (logits, probs, emb)

# --- scband reference (transcript-rebuilt; emitter-appended) ---
"""Pipeline reference for scband-gcnnet-8263517077504 (READ-ONLY COPY).

The authoritative reference and input builder live on the scoring server;
editing this copy changes nothing except your own understanding.
"""

import jax, jax.numpy as jnp
import numpy as np

N = 10000
E = 320000
D = 128
G = 64
H = 64
OUT = 10


def setup_inputs(seed: int = 0) -> dict:
    key = jax.random.key(seed)
    ks = jax.random.split(key, 16)
    x = jax.random.normal(ks[0], (N, D), dtype=jnp.float32)
    edge_index = jax.random.randint(ks[1], (2, E), 0, N, dtype=jnp.int32)
    batch = jnp.sort(jax.random.randint(ks[2], (N,), 0, G, dtype=jnp.int32))
    s = 0.05
    W1 = jax.random.normal(ks[3], (D, D), dtype=jnp.float32) * s
    b1 = jnp.zeros((D,), dtype=jnp.float32)
    W2 = jax.random.normal(ks[4], (D, D), dtype=jnp.float32) * s
    b2 = jnp.zeros((D,), dtype=jnp.float32)
    W3 = jax.random.normal(ks[5], (D, D), dtype=jnp.float32) * s
    b3 = jnp.zeros((D,), dtype=jnp.float32)
    Wm0 = jax.random.normal(ks[6], (D, H), dtype=jnp.float32) * s
    bm0 = jnp.zeros((H,), dtype=jnp.float32)
    Wm1 = jax.random.normal(ks[7], (H, OUT), dtype=jnp.float32) * s
    bm1 = jnp.zeros((OUT,), dtype=jnp.float32)
    return {"x": x, "edge_index": edge_index, "batch": batch,
            "W1": W1, "b1": b1, "W2": W2, "b2": b2, "W3": W3, "b3": b3,
            "Wm0": Wm0, "bm0": bm0, "Wm1": Wm1, "bm1": bm1}


def gcn_conv(x, edge_index, W, b):
    # PyG GCNConv with normalize=True: add self-loops, symmetric normalization
    n = x.shape[0]
    loop = jnp.arange(n, dtype=edge_index.dtype)
    src = jnp.concatenate([edge_index[0], loop])
    dst = jnp.concatenate([edge_index[1], loop])
    ew = jnp.ones(src.shape[0], dtype=x.dtype)
    deg = jnp.zeros((n,), dtype=x.dtype).at[dst].add(ew)
    dinv = jnp.where(deg > 0, deg ** -0.5, 0.0)
    norm = dinv[src] * dinv[dst]
    h = x @ W
    msg = h[src] * norm[:, None]
    out = jnp.zeros((n, W.shape[1]), dtype=x.dtype).at[dst].add(msg)
    return out + b


def reference(x, edge_index, batch, W1, b1, W2, b2, W3, b3, Wm0, bm0, Wm1, bm1):
    h = jax.nn.relu(gcn_conv(x, edge_index, W1, b1))
    h = jax.nn.relu(gcn_conv(h, edge_index, W2, b2))
    h = jax.nn.relu(gcn_conv(h, edge_index, W3, b3))
    emb = h
    # global_mean_pool readout
    sums = jax.ops.segment_sum(emb, batch, num_segments=G)
    counts = jax.ops.segment_sum(jnp.ones((emb.shape[0],), dtype=emb.dtype), batch, num_segments=G)
    pooled = sums / jnp.clip(counts, 1.0)[:, None]
    # MLP head (dropout p=0.0 -> identity)
    z = jax.nn.elu(pooled @ Wm0 + bm0)
    logits = z @ Wm1 + bm1
    probs = jax.nn.softmax(logits, axis=-1)
    return (logits, probs, emb)

if __name__ == "__main__":
    import jax
    _d = setup_inputs()
    print(jax.jit(kernel)(*tuple(_d.values())))

</pallas_src>

<mosaic_0001>
#map = affine_map<(d0, d1) -> (0, 0)>
#map1 = affine_map<(d0, d1) -> (0, 0, 0)>
module attributes {stable_mosaic.version = 14 : i64} {
  func.func @_agg_body(%arg0: i32, %arg1: i32, %arg2: memref<10000x128xf32, #tpu.memory_space<hbm>>, %arg3: memref<32x79x128xi32, #tpu.memory_space<hbm>>, %arg4: memref<32x79x128xi32, #tpu.memory_space<hbm>>, %arg5: memref<2x10240x128xf32, #tpu.memory_space<hbm>>, %arg6: memref<10240x128xf32, #tpu.memory_space<vmem_shared>>, %arg7: memref<79x128xi32, #tpu.memory_space<vmem>>, %arg8: memref<1x128xi32, #tpu.memory_space<vmem>>, %arg9: memref<1x128xi32, #tpu.memory_space<vmem>>, %arg10: memref<128x128xf32, #tpu.memory_space<vmem>>, %arg11: memref<128x128xf32, #tpu.memory_space<vmem>>, %arg12: memref<32x128xf32, #tpu.memory_space<vmem>>, %arg13: memref<!tpu.dma_semaphore, #tpu.memory_space<semaphore_mem>>, %arg14: memref<!tpu.dma_semaphore, #tpu.memory_space<semaphore_mem>>, %arg15: memref<!tpu.dma_semaphore, #tpu.memory_space<semaphore_mem>>, %arg16: memref<!tpu.dma_semaphore, #tpu.memory_space<semaphore_mem>>) attributes {dimension_semantics = [#tpu.dimension_semantics<core_parallel>, #tpu.dimension_semantics<subcore_parallel>], iteration_bounds = array<i64: 2, 16>, scalar_prefetch = 0 : i64, scratch_operands = 11 : i64, tpu.core_type = #tpu.core_type<sc_vector_subcore>, window_params = [{transform_indices = #map}, {transform_indices = #map1}, {transform_indices = #map1}, {transform_indices = #map1}]} {
    %mul3A = arith.constant 2 : i32
    %mul3A_0 = arith.muli %arg1, %mul3A : i32
    %add3A = arith.addi %mul3A_0, %arg0 : i32
    "tpu.region"() ({
      %run_scoped3A_178 = tpu.sem_alloc : memref<!tpu.dma_semaphore, #tpu.memory_space<semaphore_mem>>
      %dma_start3A_179 = arith.constant 0 : i32
      %dma_start3A_180 = arith.constant 0 : i32
      %dma_start3A_181 = tpu.memref_slice %arg3[%add3A, %dma_start3A_179, %dma_start3A_180] : memref<32x79x128xi32, #tpu.memory_space<hbm>> -> memref<1x79x128xi32, #tpu.memory_space<hbm>>
      %dma_start3A_182 = tpu.memref_squeeze %dma_start3A_181 : memref<1x79x128xi32, #tpu.memory_space<hbm>> -> memref<79x128xi32, #tpu.memory_space<hbm>>
      %dma_start3A_183 = arith.constant 0 : i32
      %dma_start3A_184 = arith.constant 0 : i32
      %dma_start3A_185 = tpu.memref_slice %arg3[%add3A, %dma_start3A_183, %dma_start3A_184] : memref<32x79x128xi32, #tpu.memory_space<hbm>> -> memref<1x79x128xi32, #tpu.memory_space<hbm>>
      %dma_start3A_186 = tpu.memref_squeeze %dma_start3A_185 : memref<1x79x128xi32, #tpu.memory_space<hbm>> -> memref<79x128xi32, #tpu.memory_space<hbm>>
      tpu.enqueue_dma source(%dma_start3A_186 : memref<79x128xi32, #tpu.memory_space<hbm>>) target(%arg7 : memref<79x128xi32, #tpu.memory_space<vmem>>) target_semaphore(%run_scoped3A_178 : memref<!tpu.dma_semaphore, #tpu.memory_space<semaphore_mem>>)
      %dma_wait3A_187 = arith.constant 0 : i32
      %dma_wait3A_188 = arith.constant 0 : i32
      %dma_wait3A_189 = tpu.memref_slice %arg3[%add3A, %dma_wait3A_187, %dma_wait3A_188] : memref<32x79x128xi32, #tpu.memory_space<hbm>> -> memref<1x79x128xi32, #tpu.memory_space<hbm>>
      %dma_wait3A_190 = tpu.memref_squeeze %dma_wait3A_189 : memref<1x79x128xi32, #tpu.memory_space<hbm>> -> memref<79x128xi32, #tpu.memory_space<hbm>>
      %dma_wait3A_191 = arith.constant 0 : i32
      %dma_wait3A_192 = arith.constant 0 : i32
      %dma_wait3A_193 = tpu.memref_slice %arg3[%add3A, %dma_wait3A_191, %dma_wait3A_192] : memref<32x79x128xi32, #tpu.memory_space<hbm>> -> memref<1x79x128xi32, #tpu.memory_space<hbm>>
      %dma_wait3A_194 = tpu.memref_squeeze %dma_wait3A_193 : memref<1x79x128xi32, #tpu.memory_space<hbm>> -> memref<79x128xi32, #tpu.memory_space<hbm>>
      tpu.wait_dma2 semaphore(%run_scoped3A_178 : memref<!tpu.dma_semaphore, #tpu.memory_space<semaphore_mem>>) src(%dma_wait3A_194 : memref<79x128xi32, #tpu.memory_space<hbm>>) dst(%arg7 : memref<79x128xi32, #tpu.memory_space<vmem>>)
      tpu.yield
    }) : () -> ()
    %dma_start3A = arith.constant 0 : i32
    %dma_start3A_1 = arith.constant 0 : i32
    %dma_start3A_2 = tpu.memref_slice %arg7[%dma_start3A, %dma_start3A_1] : memref<79x128xi32, #tpu.memory_space<vmem>> -> memref<1x128xi32, #tpu.memory_space<vmem>>
    %dma_start3A_3 = tpu.memref_squeeze %dma_start3A_2 : memref<1x128xi32, #tpu.memory_space<vmem>> -> memref<128xi32, #tpu.memory_space<vmem>>
    %dma_start3A_4 = arith.constant 0 : i32
    %dma_start3A_5 = arith.constant 0 : i32
    %dma_start3A_6 = tpu.memref_slice %arg2[%dma_start3A_4, %dma_start3A_5] : memref<10000x128xf32, #tpu.memory_space<hbm>> -> memref<10000x128xf32, #tpu.memory_space<hbm>>
    tpu.enqueue_indirect_dma source(%dma_start3A_6 : memref<10000x128xf32, #tpu.memory_space<hbm>>) target(%arg10 : memref<128x128xf32, #tpu.memory_space<vmem>>) offsets(%dma_start3A_3 : memref<128xi32, #tpu.memory_space<vmem>>) semaphore(%arg13 : memref<!tpu.dma_semaphore, #tpu.memory_space<semaphore_mem>>)
    %dma_start3A_7 = arith.constant 0 : i32
    %dma_start3A_8 = arith.constant 0 : i32
    %dma_start3A_9 = tpu.memref_slice %arg4[%add3A, %dma_start3A_7, %dma_start3A_8] : memref<32x79x128xi32, #tpu.memory_space<hbm>> -> memref<1x1x128xi32, #tpu.memory_space<hbm>>
    %dma_start3A_10 = tpu.memref_squeeze %dma_start3A_9 : memref<1x1x128xi32, #tpu.memory_space<hbm>> -> memref<1x128xi32, #tpu.memory_space<hbm>>
    %dma_start3A_11 = arith.constant 0 : i32
    %dma_start3A_12 = arith.constant 0 : i32
    %dma_start3A_13 = tpu.memref_slice %arg4[%add3A, %dma_start3A_11, %dma_start3A_12] : memref<32x79x128xi32, #tpu.memory_space<hbm>> -> memref<1x1x128xi32, #tpu.memory_space<hbm>>
    %dma_start3A_14 = tpu.memref_squeeze %dma_start3A_13 : memref<1x1x128xi32, #tpu.memory_space<hbm>> -> memref<1x128xi32, #tpu.memory_space<hbm>>
    tpu.enqueue_dma source(%dma_start3A_14 : memref<1x128xi32, #tpu.memory_space<hbm>>) target(%arg8 : memref<1x128xi32, #tpu.memory_space<vmem>>) target_semaphore(%arg15 : memref<!tpu.dma_semaphore, #tpu.memory_space<semaphore_mem>>)
    %dma_start3A_15 = arith.constant 1 : i32
    %dma_start3A_16 = arith.constant 0 : i32
    %dma_start3A_17 = tpu.memref_slice %arg7[%dma_start3A_15, %dma_start3A_16] : memref<79x128xi32, #tpu.memory_space<vmem>> -> memref<1x128xi32, #tpu.memory_space<vmem>>
    %dma_start3A_18 = tpu.memref_squeeze %dma_start3A_17 : memref<1x128xi32, #tpu.memory_space<vmem>> -> memref<128xi32, #tpu.memory_space<vmem>>
    %dma_start3A_19 = arith.constant 0 : i32
    %dma_start3A_20 = arith.constant 0 : i32
    %dma_start3A_21 = tpu.memref_slice %arg2[%dma_start3A_19, %dma_start3A_20] : memref<10000x128xf32, #tpu.memory_space<hbm>> -> memref<10000x128xf32, #tpu.memory_space<hbm>>
    tpu.enqueue_indirect_dma source(%dma_start3A_21 : memref<10000x128xf32, #tpu.memory_space<hbm>>) target(%arg11 : memref<128x128xf32, #tpu.memory_space<vmem>>) offsets(%dma_start3A_18 : memref<128xi32, #tpu.memory_space<vmem>>) semaphore(%arg14 : memref<!tpu.dma_semaphore, #tpu.memory_space<semaphore_mem>>)
    %dma_start3A_22 = arith.constant 1 : i32
    %dma_start3A_23 = arith.constant 0 : i32
    %dma_start3A_24 = tpu.memref_slice %arg4[%add3A, %dma_start3A_22, %dma_start3A_23] : memref<32x79x128xi32, #tpu.memory_space<hbm>> -> memref<1x1x128xi32, #tpu.memory_space<hbm>>
    %dma_start3A_25 = tpu.memref_squeeze %dma_start3A_24 : memref<1x1x128xi32, #tpu.memory_space<hbm>> -> memref<1x128xi32, #tpu.memory_space<hbm>>
    %dma_start3A_26 = arith.constant 1 : i32
    %dma_start3A_27 = arith.constant 0 : i32
    %dma_start3A_28 = tpu.memref_slice %arg4[%add3A, %dma_start3A_26, %dma_start3A_27] : memref<32x79x128xi32, #tpu.memory_space<hbm>> -> memref<1x1x128xi32, #tpu.memory_space<hbm>>
    %dma_start3A_29 = tpu.memref_squeeze %dma_start3A_28 : memref<1x1x128xi32, #tpu.memory_space<hbm>> -> memref<1x128xi32, #tpu.memory_space<hbm>>
    tpu.enqueue_dma source(%dma_start3A_29 : memref<1x128xi32, #tpu.memory_space<hbm>>) target(%arg9 : memref<1x128xi32, #tpu.memory_space<vmem>>) target_semaphore(%arg16 : memref<!tpu.dma_semaphore, #tpu.memory_space<semaphore_mem>>)
    %scan3A = arith.constant 0 : i32
    %scan3A_30 = arith.constant 0 : i32
    %scan3A_31 = arith.constant 32 : i32
    %scan3A_32 = arith.addi %scan3A_30, %scan3A_31 : i32
    %scan3A_33 = arith.constant 1 : i32
    %scan3A_34 = scf.for %scan3A_178 = %scan3A_30 to %scan3A_32 step %scan3A_33 iter_args(%scan3A_179 = %scan3A) -> (i32)  : i32 {
      %broadcast_in_dim3A = arith.constant 0.000000e+00 : f32
      %broadcast_in_dim3A_180 = vector.broadcast %broadcast_in_dim3A : f32 to vector<16xf32>
      %swap3A = arith.index_cast %scan3A_178 : i32 to index
      %swap3A_181 = arith.constant 0 : index
      %swap3A_182 = tpu.vector_load %arg12[%swap3A, %swap3A_181] {strides = array<i32>} : memref<32x128xf32, #tpu.memory_space<vmem>>, vector<1x16xf32>,
      %swap3A_183 = vector.shape_cast %swap3A_182 : vector<1x16xf32> to vector<16xf32>
      %swap3A_184 = vector.shape_cast %broadcast_in_dim3A_180 : vector<16xf32> to vector<1x16xf32>
      tpu.vector_store %arg12[%swap3A, %swap3A_181], %swap3A_184 {strides = array<i32>} : memref<32x128xf32, #tpu.memory_space<vmem>>, vector<1x16xf32>,
      %broadcast_in_dim3A_185 = arith.constant 0.000000e+00 : f32
      %broadcast_in_dim3A_186 = vector.broadcast %broadcast_in_dim3A_185 : f32 to vector<16xf32>
      %swap3A_187 = arith.index_cast %scan3A_178 : i32 to index
      %swap3A_188 = arith.constant 16 : index
      %swap3A_189 = tpu.vector_load %arg12[%swap3A_187, %swap3A_188] {strides = array<i32>} : memref<32x128xf32, #tpu.memory_space<vmem>>, vector<1x16xf32>,
      %swap3A_190 = vector.shape_cast %swap3A_189 : vector<1x16xf32> to vector<16xf32>
      %swap3A_191 = vector.shape_cast %broadcast_in_dim3A_186 : vector<16xf32> to vector<1x16xf32>
      tpu.vector_store %arg12[%swap3A_187, %swap3A_188], %swap3A_191 {strides = array<i32>} : memref<32x128xf32, #tpu.memory_space<vmem>>, vector<1x16xf32>,
      %broadcast_in_dim3A_192 = arith.constant 0.000000e+00 : f32
      %broadcast_in_dim3A_193 = vector.broadcast %broadcast_in_dim3A_192 : f32 to vector<16xf32>
      %swap3A_194 = arith.index_cast %scan3A_178 : i32 to index
      %swap3A_195 = arith.constant 32 : index
      %swap3A_196 = tpu.vector_load %arg12[%swap3A_194, %swap3A_195] {strides = array<i32>} : memref<32x128xf32, #tpu.memory_space<vmem>>, vector<1x16xf32>,
      %swap3A_197 = vector.shape_cast %swap3A_196 : vector<1x16xf32> to vector<16xf32>
      %swap3A_198 = vector.shape_cast %broadcast_in_dim3A_193 : vector<16xf32> to vector<1x16xf32>
      tpu.vector_store %arg12[%swap3A_194, %swap3A_195], %swap3A_198 {strides = array<i32>} : memref<32x128xf32, #tpu.memory_space<vmem>>, vector<1x16xf32>,
      %broadcast_in_dim3A_199 = arith.constant 0.000000e+00 : f32
      %broadcast_in_dim3A_200 = vector.broadcast %broadcast_in_dim3A_199 : f32 to vector<16xf32>
      %swap3A_201 = arith.index_cast %scan3A_178 : i32 to index
      %swap3A_202 = arith.constant 48 : index
      %swap3A_203 = tpu.vector_load %arg12[%swap3A_201, %swap3A_202] {strides = array<i32>} : memref<32x128xf32, #tpu.memory_space<vmem>>, vector<1x16xf32>,
      %swap3A_204 = vector.shape_cast %swap3A_203 : vector<1x16xf32> to vector<16xf32>
      %swap3A_205 = vector.shape_cast %broadcast_in_dim3A_200 : vector<16xf32> to vector<1x16xf32>
      tpu.vector_store %arg12[%swap3A_201, %swap3A_202], %swap3A_205 {strides = array<i32>} : memref<32x128xf32, #tpu.memory_space<vmem>>, vector<1x16xf32>,
      %broadcast_in_dim3A_206 = arith.constant 0.000000e+00 : f32
      %broadcast_in_dim3A_207 = vector.broadcast %broadcast_in_dim3A_206 : f32 to vector<16xf32>
      %swap3A_208 = arith.index_cast %scan3A_178 : i32 to index
      %swap3A_209 = arith.constant 64 : index
      %swap3A_210 = tpu.vector_load %arg12[%swap3A_208, %swap3A_209] {strides = array<i32>} : memref<32x128xf32, #tpu.memory_space<vmem>>, vector<1x16xf32>,
      %swap3A_211 = vector.shape_cast %swap3A_210 : vector<1x16xf32> to vector<16xf32>
      %swap3A_212 = vector.shape_cast %broadcast_in_dim3A_207 : vector<16xf32> to vector<1x16xf32>
      tpu.vector_store %arg12[%swap3A_208, %swap3A_209], %swap3A_212 {strides = array<i32>} : memref<32x128xf32, #tpu.memory_space<vmem>>, vector<1x16xf32>,
      %broadcast_in_dim3A_213 = arith.constant 0.000000e+00 : f32
      %broadcast_in_dim3A_214 = vector.broadcast %broadcast_in_dim3A_213 : f32 to vector<16xf32>
      %swap3A_215 = arith.index_cast %scan3A_178 : i32 to index
      %swap3A_216 = arith.constant 80 : index
      %swap3A_217 = tpu.vector_load %arg12[%swap3A_215, %swap3A_216] {strides = array<i32>} : memref<32x128xf32, #tpu.memory_space<vmem>>, vector<1x16xf32>,
      %swap3A_218 = vector.shape_cast %swap3A_217 : vector<1x16xf32> to vector<16xf32>
      %swap3A_219 = vector.shape_cast %broadcast_in_dim3A_214 : vector<16xf32> to vector<1x16xf32>
      tpu.vector_store %arg12[%swap3A_215, %swap3A_216], %swap3A_219 {strides = array<i32>} : memref<32x128xf32, #tpu.memory_space<vmem>>, vector<1x16xf32>,
      %broadcast_in_dim3A_220 = arith.constant 0.000000e+00 : f32
      %broadcast_in_dim3A_221 = vector.broadcast %broadcast_in_dim3A_220 : f32 to vector<16xf32>
      %swap3A_222 = arith.index_cast %scan3A_178 : i32 to index
      %swap3A_223 = arith.constant 96 : index
      %swap3A_224 = tpu.vector_load %arg12[%swap3A_222, %swap3A_223] {strides = array<i32>} : memref<32x128xf32, #tpu.memory_space<vmem>>, vector<1x16xf32>,
      %swap3A_225 = vector.shape_cast %swap3A_224 : vector<1x16xf32> to vector<16xf32>
      %swap3A_226 = vector.shape_cast %broadcast_in_dim3A_221 : vector<16xf32> to vector<1x16xf32>
      tpu.vector_store %arg12[%swap3A_222, %swap3A_223], %swap3A_226 {strides = array<i32>} : memref<32x128xf32, #tpu.memory_space<vmem>>, vector<1x16xf32>,
      %broadcast_in_dim3A_227 = arith.constant 0.000000e+00 : f32
      %broadcast_in_dim3A_228 = vector.broadcast %broadcast_in_dim3A_227 : f32 to vector<16xf32>
      %swap3A_229 = arith.index_cast %scan3A_178 : i32 to index
      %swap3A_230 = arith.constant 112 : index
      %swap3A_231 = tpu.vector_load %arg12[%swap3A_229, %swap3A_230] {strides = array<i32>} : memref<32x128xf32, #tpu.memory_space<vmem>>, vector<1x16xf32>,
      %swap3A_232 = vector.shape_cast %swap3A_231 : vector<1x16xf32> to vector<16xf32>
      %swap3A_233 = vector.shape_cast %broadcast_in_dim3A_228 : vector<16xf32> to vector<1x16xf32>
      tpu.vector_store %arg12[%swap3A_229, %swap3A_230], %swap3A_233 {strides = array<i32>} : memref<32x128xf32, #tpu.memory_space<vmem>>, vector<1x16xf32>,
      %scan3A_234 = arith.constant 0 : i32
      scf.yield %scan3A_234 : i32
    }
    %scan3A_35 = arith.constant 32 : i32
    %mul3A_36 = arith.constant 640 : i32
    %mul3A_37 = arith.muli %arg1, %mul3A_36 : i32
    %add3A_38 = arith.constant 0 : i32
    %add3A_39 = arith.addi %mul3A_37, %add3A_38 : i32
    "tpu.region"() ({
      %run_scoped3A_178 = tpu.sem_alloc : memref<!tpu.dma_semaphore, #tpu.memory_space<semaphore_mem>>
      %dma_start3A_179 = arith.constant 0 : i32
      %dma_start3A_180 = tpu.memref_slice %arg6[%add3A_39, %dma_start3A_179] : memref<10240x128xf32, #tpu.memory_space<vmem_shared>> -> memref<32x128xf32, #tpu.memory_space<vmem_shared>>
      %dma_start3A_181 = arith.constant 0 : i32
      %dma_start3A_182 = tpu.memref_slice %arg6[%add3A_39, %dma_start3A_181] : memref<10240x128xf32, #tpu.memory_space<vmem_shared>> -> memref<32x128xf32, #tpu.memory_space<vmem_shared>>
      tpu.enqueue_dma source(%arg12 : memref<32x128xf32, #tpu.memory_space<vmem>>) target(%dma_start3A_182 : memref<32x128xf32, #tpu.memory_space<vmem_shared>>) target_semaphore(%run_scoped3A_178 : memref<!tpu.dma_semaphore, #tpu.memory_space<semaphore_mem>>)
      %dma_wait3A_183 = arith.constant 0 : i32
      %dma_wait3A_184 = tpu.memref_slice %arg6[%add3A_39, %dma_wait3A_183] : memref<10240x128xf32, #tpu.memory_space<vmem_shared>> -> memref<32x128xf32, #tpu.memory_space<vmem_shared>>
      %dma_wait3A_185 = arith.constant 0 : i32
      %dma_wait3A_186 = tpu.memref_slice %arg6[%add3A_39, %dma_wait3A_185] : memref<10240x128xf32, #tpu.memory_space<vmem_shared>> -> memref<32x128xf32, #tpu.memory_space<vmem_shared>>
      tpu.wait_dma2 semaphore(%run_scoped3A_178 : memref<!tpu.dma_semaphore, #tpu.memory_space<semaphore_mem>>) src(%arg12 : memref<32x128xf32, #tpu.memory_space<vmem>>) dst(%dma_wait3A_186 : memref<32x128xf32, #tpu.memory_space<vmem_shared>>)
      tpu.yield
    }) : () -> ()
    %mul3A_40 = arith.constant 640 : i32
    %mul3A_41 = arith.muli %arg1, %mul3A_40 : i32
    %add3A_42 = arith.constant 32 : i32
    %add3A_43 = arith.addi %mul3A_41, %add3A_42 : i32
    "tpu.region"() ({
      %run_scoped3A_178 = tpu.sem_alloc : memref<!tpu.dma_semaphore, #tpu.memory_space<semaphore_mem>>
      %dma_start3A_179 = arith.constant 0 : i32
      %dma_start3A_180 = tpu.memref_slice %arg6[%add3A_43, %dma_start3A_179] : memref<10240x128xf32, #tpu.memory_space<vmem_shared>> -> memref<32x128xf32, #tpu.memory_space<vmem_shared>>
      %dma_start3A_181 = arith.constant 0 : i32
      %dma_start3A_182 = tpu.memref_slice %arg6[%add3A_43, %dma_start3A_181] : memref<10240x128xf32, #tpu.memory_space<vmem_shared>> -> memref<32x128xf32, #tpu.memory_space<vmem_shared>>
      tpu.enqueue_dma source(%arg12 : memref<32x128xf32, #tpu.memory_space<vmem>>) target(%dma_start3A_182 : memref<32x128xf32, #tpu.memory_space<vmem_shared>>) target_semaphore(%run_scoped3A_178 : memref<!tpu.dma_semaphore, #tpu.memory_space<semaphore_mem>>)
      %dma_wait3A_183 = arith.constant 0 : i32
      %dma_wait3A_184 = tpu.memref_slice %arg6[%add3A_43, %dma_wait3A_183] : memref<10240x128xf32, #tpu.memory_space<vmem_shared>> -> memref<32x128xf32, #tpu.memory_space<vmem_shared>>
      %dma_wait3A_185 = arith.constant 0 : i32
      %dma_wait3A_186 = tpu.memref_slice %arg6[%add3A_43, %dma_wait3A_185] : memref<10240x128xf32, #tpu.memory_space<vmem_shared>> -> memref<32x128xf32, #tpu.memory_space<vmem_shared>>
      tpu.wait_dma2 semaphore(%run_scoped3A_178 : memref<!tpu.dma_semaphore, #tpu.memory_space<semaphore_mem>>) src(%arg12 : memref<32x128xf32, #tpu.memory_space<vmem>>) dst(%dma_wait3A_186 : memref<32x128xf32, #tpu.memory_space<vmem_shared>>)
      tpu.yield
    }) : () -> ()
    %mul3A_44 = arith.constant 640 : i32
    %mul3A_45 = arith.muli %arg1, %mul3A_44 : i32
    %add3A_46 = arith.constant 64 : i32
    %add3A_47 = arith.addi %mul3A_45, %add3A_46 : i32
    "tpu.region"() ({
      %run_scoped3A_178 = tpu.sem_alloc : memref<!tpu.dma_semaphore, #tpu.memory_space<semaphore_mem>>
      %dma_start3A_179 = arith.constant 0 : i32
      %dma_start3A_180 = tpu.memref_slice %arg6[%add3A_47, %dma_start3A_179] : memref<10240x128xf32, #tpu.memory_space<vmem_shared>> -> memref<32x128xf32, #tpu.memory_space<vmem_shared>>
      %dma_start3A_181 = arith.constant 0 : i32
      %dma_start3A_182 = tpu.memref_slice %arg6[%add3A_47, %dma_start3A_181] : memref<10240x128xf32, #tpu.memory_space<vmem_shared>> -> memref<32x128xf32, #tpu.memory_space<vmem_shared>>
      tpu.enqueue_dma source(%arg12 : memref<32x128xf32, #tpu.memory_space<vmem>>) target(%dma_start3A_182 : memref<32x128xf32, #tpu.memory_space<vmem_shared>>) target_semaphore(%run_scoped3A_178 : memref<!tpu.dma_semaphore, #tpu.memory_space<semaphore_mem>>)
      %dma_wait3A_183 = arith.constant 0 : i32
      %dma_wait3A_184 = tpu.memref_slice %arg6[%add3A_47, %dma_wait3A_183] : memref<10240x128xf32, #tpu.memory_space<vmem_shared>> -> memref<32x128xf32, #tpu.memory_space<vmem_shared>>
      %dma_wait3A_185 = arith.constant 0 : i32
      %dma_wait3A_186 = tpu.memref_slice %arg6[%add3A_47, %dma_wait3A_185] : memref<10240x128xf32, #tpu.memory_space<vmem_shared>> -> memref<32x128xf32, #tpu.memory_space<vmem_shared>>
      tpu.wait_dma2 semaphore(%run_scoped3A_178 : memref<!tpu.dma_semaphore, #tpu.memory_space<semaphore_mem>>) src(%arg12 : memref<32x128xf32, #tpu.memory_space<vmem>>) dst(%dma_wait3A_186 : memref<32x128xf32, #tpu.memory_space<vmem_shared>>)
      tpu.yield
    }) : () -> ()
    %mul3A_48 = arith.constant 640 : i32
    %mul3A_49 = arith.muli %arg1, %mul3A_48 : i32
    %add3A_50 = arith.constant 96 : i32
    %add3A_51 = arith.addi %mul3A_49, %add3A_50 : i32
    "tpu.region"() ({
      %run_scoped3A_178 = tpu.sem_alloc : memref<!tpu.dma_semaphore, #tpu.memory_space<semaphore_mem>>
      %dma_start3A_179 = arith.constant 0 : i32
      %dma_start3A_180 = tpu.memref_slice %arg6[%add3A_51, %dma_start3A_179] : memref<10240x128xf32, #tpu.memory_space<vmem_shared>> -> memref<32x128xf32, #tpu.memory_space<vmem_shared>>
      %dma_start3A_181 = arith.constant 0 : i32
      %dma_start3A_182 = tpu.memref_slice %arg6[%add3A_51, %dma_start3A_181] : memref<10240x128xf32, #tpu.memory_space<vmem_shared>> -> memref<32x128xf32, #tpu.memory_space<vmem_shared>>
      tpu.enqueue_dma source(%arg12 : memref<32x128xf32, #tpu.memory_space<vmem>>) target(%dma_start3A_182 : memref<32x128xf32, #tpu.memory_space<vmem_shared>>) target_semaphore(%run_scoped3A_178 : memref<!tpu.dma_semaphore, #tpu.memory_space<semaphore_mem>>)
      %dma_wait3A_183 = arith.constant 0 : i32
      %dma_wait3A_184 = tpu.memref_slice %arg6[%add3A_51, %dma_wait3A_183] : memref<10240x128xf32, #tpu.memory_space<vmem_shared>> -> memref<32x128xf32, #tpu.memory_space<vmem_shared>>
      %dma_wait3A_185 = arith.constant 0 : i32
      %dma_wait3A_186 = tpu.memref_slice %arg6[%add3A_51, %dma_wait3A_185] : memref<10240x128xf32, #tpu.memory_space<vmem_shared>> -> memref<32x128xf32, #tpu.memory_space<vmem_shared>>
      tpu.wait_dma2 semaphore(%run_scoped3A_178 : memref<!tpu.dma_semaphore, #tpu.memory_space<semaphore_mem>>) src(%arg12 : memref<32x128xf32, #tpu.memory_space<vmem>>) dst(%dma_wait3A_186 : memref<32x128xf32, #tpu.memory_space<vmem_shared>>)
      tpu.yield
    }) : () -> ()
    %mul3A_52 = arith.constant 640 : i32
    %mul3A_53 = arith.muli %arg1, %mul3A_52 : i32
    %add3A_54 = arith.constant 128 : i32
    %add3A_55 = arith.addi %mul3A_53, %add3A_54 : i32
    "tpu.region"() ({
      %run_scoped3A_178 = tpu.sem_alloc : memref<!tpu.dma_semaphore, #tpu.memory_space<semaphore_mem>>
      %dma_start3A_179 = arith.constant 0 : i32
      %dma_start3A_180 = tpu.memref_slice %arg6[%add3A_55, %dma_start3A_179] : memref<10240x128xf32, #tpu.memory_space<vmem_shared>> -> memref<32x128xf32, #tpu.memory_space<vmem_shared>>
      %dma_start3A_181 = arith.constant 0 : i32
      %dma_start3A_182 = tpu.memref_slice %arg6[%add3A_55, %dma_start3A_181] : memref<10240x128xf32, #tpu.memory_space<vmem_shared>> -> memref<32x128xf32, #tpu.memory_space<vmem_shared>>
      tpu.enqueue_dma source(%arg12 : memref<32x128xf32, #tpu.memory_space<vmem>>) target(%dma_start3A_182 : memref<32x128xf32, #tpu.memory_space<vmem_shared>>) target_semaphore(%run_scoped3A_178 : memref<!tpu.dma_semaphore, #tpu.memory_space<semaphore_mem>>)
      %dma_wait3A_183 = arith.constant 0 : i32
      %dma_wait3A_184 = tpu.memref_slice %arg6[%add3A_55, %dma_wait3A_183] : memref<10240x128xf32, #tpu.memory_space<vmem_shared>> -> memref<32x128xf32, #tpu.memory_space<vmem_shared>>
      %dma_wait3A_185 = arith.constant 0 : i32
      %dma_wait3A_186 = tpu.memref_slice %arg6[%add3A_55, %dma_wait3A_185] : memref<10240x128xf32, #tpu.memory_space<vmem_shared>> -> memref<32x128xf32, #tpu.memory_space<vmem_shared>>
      tpu.wait_dma2 semaphore(%run_scoped3A_178 : memref<!tpu.dma_semaphore, #tpu.memory_space<semaphore_mem>>) src(%arg12 : memref<32x128xf32, #tpu.memory_space<vmem>>) dst(%dma_wait3A_186 : memref<32x128xf32, #tpu.memory_space<vmem_shared>>)
      tpu.yield
    }) : () -> ()
    %mul3A_56 = arith.constant 640 : i32
    %mul3A_57 = arith.muli %arg1, %mul3A_56 : i32
    %add3A_58 = arith.constant 160 : i32
    %add3A_59 = arith.addi %mul3A_57, %add3A_58 : i32
    "tpu.region"() ({
      %run_scoped3A_178 = tpu.sem_alloc : memref<!tpu.dma_semaphore, #tpu.memory_space<semaphore_mem>>
      %dma_start3A_179 = arith.constant 0 : i32
      %dma_start3A_180 = tpu.memref_slice %arg6[%add3A_59, %dma_start3A_179] : memref<10240x128xf32, #tpu.memory_space<vmem_shared>> -> memref<32x128xf32, #tpu.memory_space<vmem_shared>>
      %dma_start3A_181 = arith.constant 0 : i32
      %dma_start3A_182 = tpu.memref_slice %arg6[%add3A_59, %dma_start3A_181] : memref<10240x128xf32, #tpu.memory_space<vmem_shared>> -> memref<32x128xf32, #tpu.memory_space<vmem_shared>>
      tpu.enqueue_dma source(%arg12 : memref<32x128xf32, #tpu.memory_space<vmem>>) target(%dma_start3A_182 : memref<32x128xf32, #tpu.memory_space<vmem_shared>>) target_semaphore(%run_scoped3A_178 : memref<!tpu.dma_semaphore, #tpu.memory_space<semaphore_mem>>)
      %dma_wait3A_183 = arith.constant 0 : i32
      %dma_wait3A_184 = tpu.memref_slice %arg6[%add3A_59, %dma_wait3A_183] : memref<10240x128xf32, #tpu.memory_space<vmem_shared>> -> memref<32x128xf32, #tpu.memory_space<vmem_shared>>
      %dma_wait3A_185 = arith.constant 0 : i32
      %dma_wait3A_186 = tpu.memref_slice %arg6[%add3A_59, %dma_wait3A_185] : memref<10240x128xf32, #tpu.memory_space<vmem_shared>> -> memref<32x128xf32, #tpu.memory_space<vmem_shared>>
      tpu.wait_dma2 semaphore(%run_scoped3A_178 : memref<!tpu.dma_semaphore, #tpu.memory_space<semaphore_mem>>) src(%arg12 : memref<32x128xf32, #tpu.memory_space<vmem>>) dst(%dma_wait3A_186 : memref<32x128xf32, #tpu.memory_space<vmem_shared>>)
      tpu.yield
    }) : () -> ()
    %mul3A_60 = arith.constant 640 : i32
    %mul3A_61 = arith.muli %arg1, %mul3A_60 : i32
    %add3A_62 = arith.constant 192 : i32
    %add3A_63 = arith.addi %mul3A_61, %add3A_62 : i32
    "tpu.region"() ({
      %run_scoped3A_178 = tpu.sem_alloc : memref<!tpu.dma_semaphore, #tpu.memory_space<semaphore_mem>>
      %dma_start3A_179 = arith.constant 0 : i32
      %dma_start3A_180 = tpu.memref_slice %arg6[%add3A_63, %dma_start3A_179] : memref<10240x128xf32, #tpu.memory_space<vmem_shared>> -> memref<32x128xf32, #tpu.memory_space<vmem_shared>>
      %dma_start3A_181 = arith.constant 0 : i32
      %dma_start3A_182 = tpu.memref_slice %arg6[%add3A_63, %dma_start3A_181] : memref<10240x128xf32, #tpu.memory_space<vmem_shared>> -> memref<32x128xf32, #tpu.memory_space<vmem_shared>>
      tpu.enqueue_dma source(%arg12 : memref<32x128xf32, #tpu.memory_space<vmem>>) target(%dma_start3A_182 : memref<32x128xf32, #tpu.memory_space<vmem_shared>>) target_semaphore(%run_scoped3A_178 : memref<!tpu.dma_semaphore, #tpu.memory_space<semaphore_mem>>)
      %dma_wait3A_183 = arith.constant 0 : i32
      %dma_wait3A_184 = tpu.memref_slice %arg6[%add3A_63, %dma_wait3A_183] : memref<10240x128xf32, #tpu.memory_space<vmem_shared>> -> memref<32x128xf32, #tpu.memory_space<vmem_shared>>
      %dma_wait3A_185 = arith.constant 0 : i32
      %dma_wait3A_186 = tpu.memref_slice %arg6[%add3A_63, %dma_wait3A_185] : memref<10240x128xf32, #tpu.memory_space<vmem_shared>> -> memref<32x128xf32, #tpu.memory_space<vmem_shared>>
      tpu.wait_dma2 semaphore(%run_scoped3A_178 : memref<!tpu.dma_semaphore, #tpu.memory_space<semaphore_mem>>) src(%arg12 : memref<32x128xf32, #tpu.memory_space<vmem>>) dst(%dma_wait3A_186 : memref<32x128xf32, #tpu.memory_space<vmem_shared>>)
      tpu.yield
    }) : () -> ()
    %mul3A_64 = arith.constant 640 : i32
    %mul3A_65 = arith.muli %arg1, %mul3A_64 : i32
    %add3A_66 = arith.constant 224 : i32
    %add3A_67 = arith.addi %mul3A_65, %add3A_66 : i32
    "tpu.region"() ({
      %run_scoped3A_178 = tpu.sem_alloc : memref<!tpu.dma_semaphore, #tpu.memory_space<semaphore_mem>>
      %dma_start3A_179 = arith.constant 0 : i32
      %dma_start3A_180 = tpu.memref_slice %arg6[%add3A_67, %dma_start3A_179] : memref<10240x128xf32, #tpu.memory_space<vmem_shared>> -> memref<32x128xf32, #tpu.memory_space<vmem_shared>>
      %dma_start3A_181 = arith.constant 0 : i32
      %dma_start3A_182 = tpu.memref_slice %arg6[%add3A_67, %dma_start3A_181] : memref<10240x128xf32, #tpu.memory_space<vmem_shared>> -> memref<32x128xf32, #tpu.memory_space<vmem_shared>>
      tpu.enqueue_dma source(%arg12 : memref<32x128xf32, #tpu.memory_space<vmem>>) target(%dma_start3A_182 : memref<32x128xf32, #tpu.memory_space<vmem_shared>>) target_semaphore(%run_scoped3A_178 : memref<!tpu.dma_semaphore, #tpu.memory_space<semaphore_mem>>)
      %dma_wait3A_183 = arith.constant 0 : i32
      %dma_wait3A_184 = tpu.memref_slice %arg6[%add3A_67, %dma_wait3A_183] : memref<10240x128xf32, #tpu.memory_space<vmem_shared>> -> memref<32x128xf32, #tpu.memory_space<vmem_shared>>
      %dma_wait3A_185 = arith.constant 0 : i32
      %dma_wait3A_186 = tpu.memref_slice %arg6[%add3A_67, %dma_wait3A_185] : memref<10240x128xf32, #tpu.memory_space<vmem_shared>> -> memref<32x128xf32, #tpu.memory_space<vmem_shared>>
      tpu.wait_dma2 semaphore(%run_scoped3A_178 : memref<!tpu.dma_semaphore, #tpu.memory_space<semaphore_mem>>) src(%arg12 : memref<32x128xf32, #tpu.memory_space<vmem>>) dst(%dma_wait3A_186 : memref<32x128xf32, #tpu.memory_space<vmem_shared>>)
      tpu.yield
    }) : () -> ()
    %mul3A_68 = arith.constant 640 : i32
    %mul3A_69 = arith.muli %arg1, %mul3A_68 : i32
    %add3A_70 = arith.constant 256 : i32
    %add3A_71 = arith.addi %mul3A_69, %add3A_70 : i32
    "tpu.region"() ({
      %run_scoped3A_178 = tpu.sem_alloc : memref<!tpu.dma_semaphore, #tpu.memory_space<semaphore_mem>>
      %dma_start3A_179 = arith.constant 0 : i32
      %dma_start3A_180 = tpu.memref_slice %arg6[%add3A_71, %dma_start3A_179] : memref<10240x128xf32, #tpu.memory_space<vmem_shared>> -> memref<32x128xf32, #tpu.memory_space<vmem_shared>>
      %dma_start3A_181 = arith.constant 0 : i32
      %dma_start3A_182 = tpu.memref_slice %arg6[%add3A_71, %dma_start3A_181] : memref<10240x128xf32, #tpu.memory_space<vmem_shared>> -> memref<32x128xf32, #tpu.memory_space<vmem_shared>>
      tpu.enqueue_dma source(%arg12 : memref<32x128xf32, #tpu.memory_space<vmem>>) target(%dma_start3A_182 : memref<32x128xf32, #tpu.memory_space<vmem_shared>>) target_semaphore(%run_scoped3A_178 : memref<!tpu.dma_semaphore, #tpu.memory_space<semaphore_mem>>)
      %dma_wait3A_183 = arith.constant 0 : i32
      %dma_wait3A_184 = tpu.memref_slice %arg6[%add3A_71, %dma_wait3A_183] : memref<10240x128xf32, #tpu.memory_space<vmem_shared>> -> memref<32x128xf32, #tpu.memory_space<vmem_shared>>
      %dma_wait3A_185 = arith.constant 0 : i32
      %dma_wait3A_186 = tpu.memref_slice %arg6[%add3A_71, %dma_wait3A_185] : memref<10240x128xf32, #tpu.memory_space<vmem_shared>> -> memref<32x128xf32, #tpu.memory_space<vmem_shared>>
      tpu.wait_dma2 semaphore(%run_scoped3A_178 : memref<!tpu.dma_semaphore, #tpu.memory_space<semaphore_mem>>) src(%arg12 : memref<32x128xf32, #tpu.memory_space<vmem>>) dst(%dma_wait3A_186 : memref<32x128xf32, #tpu.memory_space<vmem_shared>>)
      tpu.yield
    }) : () -> ()
    %mul3A_72 = arith.constant 640 : i32
    %mul3A_73 = arith.muli %arg1, %mul3A_72 : i32
    %add3A_74 = arith.constant 288 : i32
    %add3A_75 = arith.addi %mul3A_73, %add3A_74 : i32
    "tpu.region"() ({
      %run_scoped3A_178 = tpu.sem_alloc : memref<!tpu.dma_semaphore, #tpu.memory_space<semaphore_mem>>
      %dma_start3A_179 = arith.constant 0 : i32
      %dma_start3A_180 = tpu.memref_slice %arg6[%add3A_75, %dma_start3A_179] : memref<10240x128xf32, #tpu.memory_space<vmem_shared>> -> memref<32x128xf32, #tpu.memory_space<vmem_shared>>
      %dma_start3A_181 = arith.constant 0 : i32
      %dma_start3A_182 = tpu.memref_slice %arg6[%add3A_75, %dma_start3A_181] : memref<10240x128xf32, #tpu.memory_space<vmem_shared>> -> memref<32x128xf32, #tpu.memory_space<vmem_shared>>
      tpu.enqueue_dma source(%arg12 : memref<32x128xf32, #tpu.memory_space<vmem>>) target(%dma_start3A_182 : memref<32x128xf32, #tpu.memory_space<vmem_shared>>) target_semaphore(%run_scoped3A_178 : memref<!tpu.dma_semaphore, #tpu.memory_space<semaphore_mem>>)
      %dma_wait3A_183 = arith.constant 0 : i32
      %dma_wait3A_184 = tpu.memref_slice %arg6[%add3A_75, %dma_wait3A_183] : memref<10240x128xf32, #tpu.memory_space<vmem_shared>> -> memref<32x128xf32, #tpu.memory_space<vmem_shared>>
      %dma_wait3A_185 = arith.constant 0 : i32
      %dma_wait3A_186 = tpu.memref_slice %arg6[%add3A_75, %dma_wait3A_185] : memref<10240x128xf32, #tpu.memory_space<vmem_shared>> -> memref<32x128xf32, #tpu.memory_space<vmem_shared>>
      tpu.wait_dma2 semaphore(%run_scoped3A_178 : memref<!tpu.dma_semaphore, #tpu.memory_space<semaphore_mem>>) src(%arg12 : memref<32x128xf32, #tpu.memory_space<vmem>>) dst(%dma_wait3A_186 : memref<32x128xf32, #tpu.memory_space<vmem_shared>>)
      tpu.yield
    }) : () -> ()
    %mul3A_76 = arith.constant 640 : i32
    %mul3A_77 = arith.muli %arg1, %mul3A_76 : i32
    %add3A_78 = arith.constant 320 : i32
    %add3A_79 = arith.addi %mul3A_77, %add3A_78 : i32
    "tpu.region"() ({
      %run_scoped3A_178 = tpu.sem_alloc : memref<!tpu.dma_semaphore, #tpu.memory_space<semaphore_mem>>
      %dma_start3A_179 = arith.constant 0 : i32
      %dma_start3A_180 = tpu.memref_slice %arg6[%add3A_79, %dma_start3A_179] : memref<10240x128xf32, #tpu.memory_space<vmem_shared>> -> memref<32x128xf32, #tpu.memory_space<vmem_shared>>
      %dma_start3A_181 = arith.constant 0 : i32
      %dma_start3A_182 = tpu.memref_slice %arg6[%add3A_79, %dma_start3A_181] : memref<10240x128xf32, #tpu.memory_space<vmem_shared>> -> memref<32x128xf32, #tpu.memory_space<vmem_shared>>
      tpu.enqueue_dma source(%arg12 : memref<32x128xf32, #tpu.memory_space<vmem>>) target(%dma_start3A_182 : memref<32x128xf32, #tpu.memory_space<vmem_shared>>) target_semaphore(%run_scoped3A_178 : memref<!tpu.dma_semaphore, #tpu.memory_space<semaphore_mem>>)
      %dma_wait3A_183 = arith.constant 0 : i32
      %dma_wait3A_184 = tpu.memref_slice %arg6[%add3A_79, %dma_wait3A_183] : memref<10240x128xf32, #tpu.memory_space<vmem_shared>> -> memref<32x128xf32, #tpu.memory_space<vmem_shared>>
      %dma_wait3A_185 = arith.constant 0 : i32
      %dma_wait3A_186 = tpu.memref_slice %arg6[%add3A_79, %dma_wait3A_185] : memref<10240x128xf32, #tpu.memory_space<vmem_shared>> -> memref<32x128xf32, #tpu.memory_space<vmem_shared>>
      tpu.wait_dma2 semaphore(%run_scoped3A_178 : memref<!tpu.dma_semaphore, #tpu.memory_space<semaphore_mem>>) src(%arg12 : memref<32x128xf32, #tpu.memory_space<vmem>>) dst(%dma_wait3A_186 : memref<32x128xf32, #tpu.memory_space<vmem_shared>>)
      tpu.yield
    }) : () -> ()
    %mul3A_80 = arith.constant 640 : i32
    %mul3A_81 = arith.muli %arg1, %mul3A_80 : i32
    %add3A_82 = arith.constant 352 : i32
    %add3A_83 = arith.addi %mul3A_81, %add3A_82 : i32
    "tpu.region"() ({
      %run_scoped3A_178 = tpu.sem_alloc : memref<!tpu.dma_semaphore, #tpu.memory_space<semaphore_mem>>
      %dma_start3A_179 = arith.constant 0 : i32
      %dma_start3A_180 = tpu.memref_slice %arg6[%add3A_83, %dma_start3A_179] : memref<10240x128xf32, #tpu.memory_space<vmem_shared>> -> memref<32x128xf32, #tpu.memory_space<vmem_shared>>
      %dma_start3A_181 = arith.constant 0 : i32
      %dma_start3A_182 = tpu.memref_slice %arg6[%add3A_83, %dma_start3A_181] : memref<10240x128xf32, #tpu.memory_space<vmem_shared>> -> memref<32x128xf32, #tpu.memory_space<vmem_shared>>
      tpu.enqueue_dma source(%arg12 : memref<32x128xf32, #tpu.memory_space<vmem>>) target(%dma_start3A_182 : memref<32x128xf32, #tpu.memory_space<vmem_shared>>) target_semaphore(%run_scoped3A_178 : memref<!tpu.dma_semaphore, #tpu.memory_space<semaphore_mem>>)
      %dma_wait3A_183 = arith.constant 0 : i32
      %dma_wait3A_184 = tpu.memref_slice %arg6[%add3A_83, %dma_wait3A_183] : memref<10240x128xf32, #tpu.memory_space<vmem_shared>> -> memref<32x128xf32, #tpu.memory_space<vmem_shared>>
      %dma_wait3A_185 = arith.constant 0 : i32
      %dma_wait3A_186 = tpu.memref_slice %arg6[%add3A_83, %dma_wait3A_185] : memref<10240x128xf32, #tpu.memory_space<vmem_shared>> -> memref<32x128xf32, #tpu.memory_space<vmem_shared>>
      tpu.wait_dma2 semaphore(%run_scoped3A_178 : memref<!tpu.dma_semaphore, #tpu.memory_space<semaphore_mem>>) src(%arg12 : memref<32x128xf32, #tpu.memory_space<vmem>>) dst(%dma_wait3A_186 : memref<32x128xf32, #tpu.memory_space<vmem_shared>>)
      tpu.yield
    }) : () -> ()
    %mul3A_84 = arith.constant 640 : i32
    %mul3A_85 = arith.muli %arg1, %mul3A_84 : i32
    %add3A_86 = arith.constant 384 : i32
    %add3A_87 = arith.addi %mul3A_85, %add3A_86 : i32
    "tpu.region"() ({
      %run_scoped3A_178 = tpu.sem_alloc : memref<!tpu.dma_semaphore, #tpu.memory_space<semaphore_mem>>
      %dma_start3A_179 = arith.constant 0 : i32
      %dma_start3A_180 = tpu.memref_slice %arg6[%add3A_87, %dma_start3A_179] : memref<10240x128xf32, #tpu.memory_space<vmem_shared>> -> memref<32x128xf32, #tpu.memory_space<vmem_shared>>
      %dma_start3A_181 = arith.constant 0 : i32
      %dma_start3A_182 = tpu.memref_slice %arg6[%add3A_87, %dma_start3A_181] : memref<10240x128xf32, #tpu.memory_space<vmem_shared>> -> memref<32x128xf32, #tpu.memory_space<vmem_shared>>
      tpu.enqueue_dma source(%arg12 : memref<32x128xf32, #tpu.memory_space<vmem>>) target(%dma_start3A_182 : memref<32x128xf32, #tpu.memory_space<vmem_shared>>) target_semaphore(%run_scoped3A_178 : memref<!tpu.dma_semaphore, #tpu.memory_space<semaphore_mem>>)
      %dma_wait3A_183 = arith.constant 0 : i32
      %dma_wait3A_184 = tpu.memref_slice %arg6[%add3A_87, %dma_wait3A_183] : memref<10240x128xf32, #tpu.memory_space<vmem_shared>> -> memref<32x128xf32, #tpu.memory_space<vmem_shared>>
      %dma_wait3A_185 = arith.constant 0 : i32
      %dma_wait3A_186 = tpu.memref_slice %arg6[%add3A_87, %dma_wait3A_185] : memref<10240x128xf32, #tpu.memory_space<vmem_shared>> -> memref<32x128xf32, #tpu.memory_space<vmem_shared>>
      tpu.wait_dma2 semaphore(%run_scoped3A_178 : memref<!tpu.dma_semaphore, #tpu.memory_space<semaphore_mem>>) src(%arg12 : memref<32x128xf32, #tpu.memory_space<vmem>>) dst(%dma_wait3A_186 : memref<32x128xf32, #tpu.memory_space<vmem_shared>>)
      tpu.yield
    }) : () -> ()
    %mul3A_88 = arith.constant 640 : i32
    %mul3A_89 = arith.muli %arg1, %mul3A_88 : i32
    %add3A_90 = arith.constant 416 : i32
    %add3A_91 = arith.addi %mul3A_89, %add3A_90 : i32
    "tpu.region"() ({
      %run_scoped3A_178 = tpu.sem_alloc : memref<!tpu.dma_semaphore, #tpu.memory_space<semaphore_mem>>
      %dma_start3A_179 = arith.constant 0 : i32
      %dma_start3A_180 = tpu.memref_slice %arg6[%add3A_91, %dma_start3A_179] : memref<10240x128xf32, #tpu.memory_space<vmem_shared>> -> memref<32x128xf32, #tpu.memory_space<vmem_shared>>
      %dma_start3A_181 = arith.constant 0 : i32
      %dma_start3A_182 = tpu.memref_slice %arg6[%add3A_91, %dma_start3A_181] : memref<10240x128xf32, #tpu.memory_space<vmem_shared>> -> memref<32x128xf32, #tpu.memory_space<vmem_shared>>
      tpu.enqueue_dma source(%arg12 : memref<32x128xf32, #tpu.memory_space<vmem>>) target(%dma_start3A_182 : memref<32x128xf32, #tpu.memory_space<vmem_shared>>) target_semaphore(%run_scoped3A_178 : memref<!tpu.dma_semaphore, #tpu.memory_space<semaphore_mem>>)
      %dma_wait3A_183 = arith.constant 0 : i32
      %dma_wait3A_184 = tpu.memref_slice %arg6[%add3A_91, %dma_wait3A_183] : memref<10240x128xf32, #tpu.memory_space<vmem_shared>> -> memref<32x128xf32, #tpu.memory_space<vmem_shared>>
      %dma_wait3A_185 = arith.constant 0 : i32
      %dma_wait3A_186 = tpu.memref_slice %arg6[%add3A_91, %dma_wait3A_185] : memref<10240x128xf32, #tpu.memory_space<vmem_shared>> -> memref<32x128xf32, #tpu.memory_space<vmem_shared>>
      tpu.wait_dma2 semaphore(%run_scoped3A_178 : memref<!tpu.dma_semaphore, #tpu.memory_space<semaphore_mem>>) src(%arg12 : memref<32x128xf32, #tpu.memory_space<vmem>>) dst(%dma_wait3A_186 : memref<32x128xf32, #tpu.memory_space<vmem_shared>>)
      tpu.yield
    }) : () -> ()
    %mul3A_92 = arith.constant 640 : i32
    %mul3A_93 = arith.muli %arg1, %mul3A_92 : i32
    %add3A_94 = arith.constant 448 : i32
    %add3A_95 = arith.addi %mul3A_93, %add3A_94 : i32
    "tpu.region"() ({
      %run_scoped3A_178 = tpu.sem_alloc : memref<!tpu.dma_semaphore, #tpu.memory_space<semaphore_mem>>
      %dma_start3A_179 = arith.constant 0 : i32
      %dma_start3A_180 = tpu.memref_slice %arg6[%add3A_95, %dma_start3A_179] : memref<10240x128xf32, #tpu.memory_space<vmem_shared>> -> memref<32x128xf32, #tpu.memory_space<vmem_shared>>
      %dma_start3A_181 = arith.constant 0 : i32
      %dma_start3A_182 = tpu.memref_slice %arg6[%add3A_95, %dma_start3A_181] : memref<10240x128xf32, #tpu.memory_space<vmem_shared>> -> memref<32x128xf32, #tpu.memory_space<vmem_shared>>
      tpu.enqueue_dma source(%arg12 : memref<32x128xf32, #tpu.memory_space<vmem>>) target(%dma_start3A_182 : memref<32x128xf32, #tpu.memory_space<vmem_shared>>) target_semaphore(%run_scoped3A_178 : memref<!tpu.dma_semaphore, #tpu.memory_space<semaphore_mem>>)
      %dma_wait3A_183 = arith.constant 0 : i32
      %dma_wait3A_184 = tpu.memref_slice %arg6[%add3A_95, %dma_wait3A_183] : memref<10240x128xf32, #tpu.memory_space<vmem_shared>> -> memref<32x128xf32, #tpu.memory_space<vmem_shared>>
      %dma_wait3A_185 = arith.constant 0 : i32
      %dma_wait3A_186 = tpu.memref_slice %arg6[%add3A_95, %dma_wait3A_185] : memref<10240x128xf32, #tpu.memory_space<vmem_shared>> -> memref<32x128xf32, #tpu.memory_space<vmem_shared>>
      tpu.wait_dma2 semaphore(%run_scoped3A_178 : memref<!tpu.dma_semaphore, #tpu.memory_space<semaphore_mem>>) src(%arg12 : memref<32x128xf32, #tpu.memory_space<vmem>>) dst(%dma_wait3A_186 : memref<32x128xf32, #tpu.memory_space<vmem_shared>>)
      tpu.yield
    }) : () -> ()
    %mul3A_96 = arith.constant 640 : i32
    %mul3A_97 = arith.muli %arg1, %mul3A_96 : i32
    %add3A_98 = arith.constant 480 : i32
    %add3A_99 = arith.addi %mul3A_97, %add3A_98 : i32
    "tpu.region"() ({
      %run_scoped3A_178 = tpu.sem_alloc : memref<!tpu.dma_semaphore, #tpu.memory_space<semaphore_mem>>
      %dma_start3A_179 = arith.constant 0 : i32
      %dma_start3A_180 = tpu.memref_slice %arg6[%add3A_99, %dma_start3A_179] : memref<10240x128xf32, #tpu.memory_space<vmem_shared>> -> memref<32x128xf32, #tpu.memory_space<vmem_shared>>
      %dma_start3A_181 = arith.constant 0 : i32
      %dma_start3A_182 = tpu.memref_slice %arg6[%add3A_99, %dma_start3A_181] : memref<10240x128xf32, #tpu.memory_space<vmem_shared>> -> memref<32x128xf32, #tpu.memory_space<vmem_shared>>
      tpu.enqueue_dma source(%arg12 : memref<32x128xf32, #tpu.memory_space<vmem>>) target(%dma_start3A_182 : memref<32x128xf32, #tpu.memory_space<vmem_shared>>) target_semaphore(%run_scoped3A_178 : memref<!tpu.dma_semaphore, #tpu.memory_space<semaphore_mem>>)
      %dma_wait3A_183 = arith.constant 0 : i32
      %dma_wait3A_184 = tpu.memref_slice %arg6[%add3A_99, %dma_wait3A_183] : memref<10240x128xf32, #tpu.memory_space<vmem_shared>> -> memref<32x128xf32, #tpu.memory_space<vmem_shared>>
      %dma_wait3A_185 = arith.constant 0 : i32
      %dma_wait3A_186 = tpu.memref_slice %arg6[%add3A_99, %dma_wait3A_185] : memref<10240x128xf32, #tpu.memory_space<vmem_shared>> -> memref<32x128xf32, #tpu.memory_space<vmem_shared>>
      tpu.wait_dma2 semaphore(%run_scoped3A_178 : memref<!tpu.dma_semaphore, #tpu.memory_space<semaphore_mem>>) src(%arg12 : memref<32x128xf32, #tpu.memory_space<vmem>>) dst(%dma_wait3A_186 : memref<32x128xf32, #tpu.memory_space<vmem_shared>>)
      tpu.yield
    }) : () -> ()
    %mul3A_100 = arith.constant 640 : i32
    %mul3A_101 = arith.muli %arg1, %mul3A_100 : i32
    %add3A_102 = arith.constant 512 : i32
    %add3A_103 = arith.addi %mul3A_101, %add3A_102 : i32
    "tpu.region"() ({
      %run_scoped3A_178 = tpu.sem_alloc : memref<!tpu.dma_semaphore, #tpu.memory_space<semaphore_mem>>
      %dma_start3A_179 = arith.constant 0 : i32
      %dma_start3A_180 = tpu.memref_slice %arg6[%add3A_103, %dma_start3A_179] : memref<10240x128xf32, #tpu.memory_space<vmem_shared>> -> memref<32x128xf32, #tpu.memory_space<vmem_shared>>
      %dma_start3A_181 = arith.constant 0 : i32
      %dma_start3A_182 = tpu.memref_slice %arg6[%add3A_103, %dma_start3A_181] : memref<10240x128xf32, #tpu.memory_space<vmem_shared>> -> memref<32x128xf32, #tpu.memory_space<vmem_shared>>
      tpu.enqueue_dma source(%arg12 : memref<32x128xf32, #tpu.memory_space<vmem>>) target(%dma_start3A_182 : memref<32x128xf32, #tpu.memory_space<vmem_shared>>) target_semaphore(%run_scoped3A_178 : memref<!tpu.dma_semaphore, #tpu.memory_space<semaphore_mem>>)
      %dma_wait3A_183 = arith.constant 0 : i32
      %dma_wait3A_184 = tpu.memref_slice %arg6[%add3A_103, %dma_wait3A_183] : memref<10240x128xf32, #tpu.memory_space<vmem_shared>> -> memref<32x128xf32, #tpu.memory_space<vmem_shared>>
      %dma_wait3A_185 = arith.constant 0 : i32
      %dma_wait3A_186 = tpu.memref_slice %arg6[%add3A_103, %dma_wait3A_185] : memref<10240x128xf32, #tpu.memory_space<vmem_shared>> -> memref<32x128xf32, #tpu.memory_space<vmem_shared>>
      tpu.wait_dma2 semaphore(%run_scoped3A_178 : memref<!tpu.dma_semaphore, #tpu.memory_space<semaphore_mem>>) src(%arg12 : memref<32x128xf32, #tpu.memory_space<vmem>>) dst(%dma_wait3A_186 : memref<32x128xf32, #tpu.memory_space<vmem_shared>>)
      tpu.yield
    }) : () -> ()
    %mul3A_104 = arith.constant 640 : i32
    %mul3A_105 = arith.muli %arg1, %mul3A_104 : i32
    %add3A_106 = arith.constant 544 : i32
    %add3A_107 = arith.addi %mul3A_105, %add3A_106 : i32
    "tpu.region"() ({
      %run_scoped3A_178 = tpu.sem_alloc : memref<!tpu.dma_semaphore, #tpu.memory_space<semaphore_mem>>
      %dma_start3A_179 = arith.constant 0 : i32
      %dma_start3A_180 = tpu.memref_slice %arg6[%add3A_107, %dma_start3A_179] : memref<10240x128xf32, #tpu.memory_space<vmem_shared>> -> memref<32x128xf32, #tpu.memory_space<vmem_shared>>
      %dma_start3A_181 = arith.constant 0 : i32
      %dma_start3A_182 = tpu.memref_slice %arg6[%add3A_107, %dma_start3A_181] : memref<10240x128xf32, #tpu.memory_space<vmem_shared>> -> memref<32x128xf32, #tpu.memory_space<vmem_shared>>
      tpu.enqueue_dma source(%arg12 : memref<32x128xf32, #tpu.memory_space<vmem>>) target(%dma_start3A_182 : memref<32x128xf32, #tpu.memory_space<vmem_shared>>) target_semaphore(%run_scoped3A_178 : memref<!tpu.dma_semaphore, #tpu.memory_space<semaphore_mem>>)
      %dma_wait3A_183 = arith.constant 0 : i32
      %dma_wait3A_184 = tpu.memref_slice %arg6[%add3A_107, %dma_wait3A_183] : memref<10240x128xf32, #tpu.memory_space<vmem_shared>> -> memref<32x128xf32, #tpu.memory_space<vmem_shared>>
      %dma_wait3A_185 = arith.constant 0 : i32
      %dma_wait3A_186 = tpu.memref_slice %arg6[%add3A_107, %dma_wait3A_185] : memref<10240x128xf32, #tpu.memory_space<vmem_shared>> -> memref<32x128xf32, #tpu.memory_space<vmem_shared>>
      tpu.wait_dma2 semaphore(%run_scoped3A_178 : memref<!tpu.dma_semaphore, #tpu.memory_space<semaphore_mem>>) src(%arg12 : memref<32x128xf32, #tpu.memory_space<vmem>>) dst(%dma_wait3A_186 : memref<32x128xf32, #tpu.memory_space<vmem_shared>>)
      tpu.yield
    }) : () -> ()
    %mul3A_108 = arith.constant 640 : i32
    %mul3A_109 = arith.muli %arg1, %mul3A_108 : i32
    %add3A_110 = arith.constant 576 : i32
    %add3A_111 = arith.addi %mul3A_109, %add3A_110 : i32
    "tpu.region"() ({
      %run_scoped3A_178 = tpu.sem_alloc : memref<!tpu.dma_semaphore, #tpu.memory_space<semaphore_mem>>
      %dma_start3A_179 = arith.constant 0 : i32
      %dma_start3A_180 = tpu.memref_slice %arg6[%add3A_111, %dma_start3A_179] : memref<10240x128xf32, #tpu.memory_space<vmem_shared>> -> memref<32x128xf32, #tpu.memory_space<vmem_shared>>
      %dma_start3A_181 = arith.constant 0 : i32
      %dma_start3A_182 = tpu.memref_slice %arg6[%add3A_111, %dma_start3A_181] : memref<10240x128xf32, #tpu.memory_space<vmem_shared>> -> memref<32x128xf32, #tpu.memory_space<vmem_shared>>
      tpu.enqueue_dma source(%arg12 : memref<32x128xf32, #tpu.memory_space<vmem>>) target(%dma_start3A_182 : memref<32x128xf32, #tpu.memory_space<vmem_shared>>) target_semaphore(%run_scoped3A_178 : memref<!tpu.dma_semaphore, #tpu.memory_space<semaphore_mem>>)
      %dma_wait3A_183 = arith.constant 0 : i32
      %dma_wait3A_184 = tpu.memref_slice %arg6[%add3A_111, %dma_wait3A_183] : memref<10240x128xf32, #tpu.memory_space<vmem_shared>> -> memref<32x128xf32, #tpu.memory_space<vmem_shared>>
      %dma_wait3A_185 = arith.constant 0 : i32
      %dma_wait3A_186 = tpu.memref_slice %arg6[%add3A_111, %dma_wait3A_185] : memref<10240x128xf32, #tpu.memory_space<vmem_shared>> -> memref<32x128xf32, #tpu.memory_space<vmem_shared>>
      tpu.wait_dma2 semaphore(%run_scoped3A_178 : memref<!tpu.dma_semaphore, #tpu.memory_space<semaphore_mem>>) src(%arg12 : memref<32x128xf32, #tpu.memory_space<vmem>>) dst(%dma_wait3A_186 : memref<32x128xf32, #tpu.memory_space<vmem_shared>>)
      tpu.yield
    }) : () -> ()
    %mul3A_112 = arith.constant 640 : i32
    %mul3A_113 = arith.muli %arg1, %mul3A_112 : i32
    %add3A_114 = arith.constant 608 : i32
    %add3A_115 = arith.addi %mul3A_113, %add3A_114 : i32
    "tpu.region"() ({
      %run_scoped3A_178 = tpu.sem_alloc : memref<!tpu.dma_semaphore, #tpu.memory_space<semaphore_mem>>
      %dma_start3A_179 = arith.constant 0 : i32
      %dma_start3A_180 = tpu.memref_slice %arg6[%add3A_115, %dma_start3A_179] : memref<10240x128xf32, #tpu.memory_space<vmem_shared>> -> memref<32x128xf32, #tpu.memory_space<vmem_shared>>
      %dma_start3A_181 = arith.constant 0 : i32
      %dma_start3A_182 = tpu.memref_slice %arg6[%add3A_115, %dma_start3A_181] : memref<10240x128xf32, #tpu.memory_space<vmem_shared>> -> memref<32x128xf32, #tpu.memory_space<vmem_shared>>
      tpu.enqueue_dma source(%arg12 : memref<32x128xf32, #tpu.memory_space<vmem>>) target(%dma_start3A_182 : memref<32x128xf32, #tpu.memory_space<vmem_shared>>) target_semaphore(%run_scoped3A_178 : memref<!tpu.dma_semaphore, #tpu.memory_space<semaphore_mem>>)
      %dma_wait3A_183 = arith.constant 0 : i32
      %dma_wait3A_184 = tpu.memref_slice %arg6[%add3A_115, %dma_wait3A_183] : memref<10240x128xf32, #tpu.memory_space<vmem_shared>> -> memref<32x128xf32, #tpu.memory_space<vmem_shared>>
      %dma_wait3A_185 = arith.constant 0 : i32
      %dma_wait3A_186 = tpu.memref_slice %arg6[%add3A_115, %dma_wait3A_185] : memref<10240x128xf32, #tpu.memory_space<vmem_shared>> -> memref<32x128xf32, #tpu.memory_space<vmem_shared>>
      tpu.wait_dma2 semaphore(%run_scoped3A_178 : memref<!tpu.dma_semaphore, #tpu.memory_space<semaphore_mem>>) src(%arg12 : memref<32x128xf32, #tpu.memory_space<vmem>>) dst(%dma_wait3A_186 : memref<32x128xf32, #tpu.memory_space<vmem_shared>>)
      tpu.yield
    }) : () -> ()
    %barrier3A = arith.constant 0 : index
    tpu.barrier barrier_id(%barrier3A)
    %scan3A_116 = arith.constant 0 : i32
    %scan3A_117 = arith.constant 0 : i32
    %scan3A_118 = arith.constant 39 : i32
    %scan3A_119 = arith.addi %scan3A_117, %scan3A_118 : i32
    %scan3A_120 = arith.constant 1 : i32
    %scan3A_121 = scf.for %scan3A_178 = %scan3A_117 to %scan3A_119 step %scan3A_120 iter_args(%scan3A_179 = %scan3A_116) -> (i32)  : i32 {
      %mul3A_180 = arith.constant 2 : i32
      %mul3A_181 = arith.muli %mul3A_180, %scan3A_178 : i32
      %add3A_182 = arith.constant 1 : i32
      %add3A_183 = arith.addi %mul3A_181, %add3A_182 : i32
      %dma_wait3A_184 = arith.constant 0 : i32
      %dma_wait3A_185 = tpu.memref_slice %arg7[%mul3A_181, %dma_wait3A_184] : memref<79x128xi32, #tpu.memory_space<vmem>> -> memref<1x128xi32, #tpu.memory_space<vmem>>
      %dma_wait3A_186 = tpu.memref_squeeze %dma_wait3A_185 : memref<1x128xi32, #tpu.memory_space<vmem>> -> memref<128xi32, #tpu.memory_space<vmem>>
      %dma_wait3A_187 = arith.constant 0 : i32
      %dma_wait3A_188 = arith.constant 0 : i32
      %dma_wait3A_189 = tpu.memref_slice %arg2[%dma_wait3A_187, %dma_wait3A_188] : memref<10000x128xf32, #tpu.memory_space<hbm>> -> memref<10000x128xf32, #tpu.memory_space<hbm>>
      tpu.wait_indirect_dma semaphore(%arg13 : memref<!tpu.dma_semaphore, #tpu.memory_space<semaphore_mem>>) src(%dma_wait3A_189 : memref<10000x128xf32, #tpu.memory_space<hbm>>) dst(%arg10 : memref<128x128xf32, #tpu.memory_space<vmem>>)
      %dma_wait3A_190 = arith.constant 0 : i32
      %dma_wait3A_191 = tpu.memref_slice %arg4[%add3A, %mul3A_181, %dma_wait3A_190] : memref<32x79x128xi32, #tpu.memory_space<hbm>> -> memref<1x1x128xi32, #tpu.memory_space<hbm>>
      %dma_wait3A_192 = tpu.memref_squeeze %dma_wait3A_191 : memref<1x1x128xi32, #tpu.memory_space<hbm>> -> memref<1x128xi32, #tpu.memory_space<hbm>>
      %dma_wait3A_193 = arith.constant 0 : i32
      %dma_wait3A_194 = tpu.memref_slice %arg4[%add3A, %mul3A_181, %dma_wait3A_193] : memref<32x79x128xi32, #tpu.memory_space<hbm>> -> memref<1x1x128xi32, #tpu.memory_space<hbm>>
      %dma_wait3A_195 = tpu.memref_squeeze %dma_wait3A_194 : memref<1x1x128xi32, #tpu.memory_space<hbm>> -> memref<1x128xi32, #tpu.memory_space<hbm>>
      tpu.wait_dma2 semaphore(%arg15 : memref<!tpu.dma_semaphore, #tpu.memory_space<semaphore_mem>>) src(%dma_wait3A_195 : memref<1x128xi32, #tpu.memory_space<hbm>>) dst(%arg8 : memref<1x128xi32, #tpu.memory_space<vmem>>)
      %run_scoped3A_196 = arith.constant 0 : i32
      "tpu.region"() ({
        %run_scoped3A_229 = tpu.sem_alloc : memref<!tpu.dma_semaphore, #tpu.memory_space<semaphore_mem>>
        %dma_start3A_230 = arith.constant 0 : i32
        %dma_start3A_231 = tpu.memref_slice %arg8[%run_scoped3A_196, %dma_start3A_230] : memref<1x128xi32, #tpu.memory_space<vmem>> -> memref<1x128xi32, #tpu.memory_space<vmem>>
        %dma_start3A_232 = tpu.memref_squeeze %dma_start3A_231 : memref<1x128xi32, #tpu.memory_space<vmem>> -> memref<128xi32, #tpu.memory_space<vmem>>
        %dma_start3A_233 = arith.constant 0 : i32
        %dma_start3A_234 = arith.constant 0 : i32
        %dma_start3A_235 = tpu.memref_slice %arg6[%dma_start3A_233, %dma_start3A_234] : memref<10240x128xf32, #tpu.memory_space<vmem_shared>> -> memref<10240x128xf32, #tpu.memory_space<vmem_shared>>
        tpu.enqueue_indirect_dma source(%arg10 : memref<128x128xf32, #tpu.memory_space<vmem>>) target(%dma_start3A_235 : memref<10240x128xf32, #tpu.memory_space<vmem_shared>>) offsets(%dma_start3A_232 : memref<128xi32, #tpu.memory_space<vmem>>) semaphore(%run_scoped3A_229 : memref<!tpu.dma_semaphore, #tpu.memory_space<semaphore_mem>>) {add = true}
        %dma_wait3A_236 = arith.constant 0 : i32
        %dma_wait3A_237 = tpu.memref_slice %arg8[%run_scoped3A_196, %dma_wait3A_236] : memref<1x128xi32, #tpu.memory_space<vmem>> -> memref<1x128xi32, #tpu.memory_space<vmem>>
        %dma_wait3A_238 = tpu.memref_squeeze %dma_wait3A_237 : memref<1x128xi32, #tpu.memory_space<vmem>> -> memref<128xi32, #tpu.memory_space<vmem>>
        %dma_wait3A_239 = arith.constant 0 : i32
        %dma_wait3A_240 = arith.constant 0 : i32
        %dma_wait3A_241 = tpu.memref_slice %arg6[%dma_wait3A_239, %dma_wait3A_240] : memref<10240x128xf32, #tpu.memory_space<vmem_shared>> -> memref<10240x128xf32, #tpu.memory_space<vmem_shared>>
        tpu.wait_indirect_dma semaphore(%run_scoped3A_229 : memref<!tpu.dma_semaphore, #tpu.memory_space<semaphore_mem>>) src(%arg10 : memref<128x128xf32, #tpu.memory_space<vmem>>) dst(%dma_wait3A_241 : memref<10240x128xf32, #tpu.memory_space<vmem_shared>>)
        tpu.yield
      }) : () -> ()
      %add3A_197 = arith.constant 2 : i32
      %add3A_198 = arith.addi %mul3A_181, %add3A_197 : i32
      %dma_start3A_199 = arith.constant 0 : i32
      %dma_start3A_200 = tpu.memref_slice %arg4[%add3A, %add3A_198, %dma_start3A_199] : memref<32x79x128xi32, #tpu.memory_space<hbm>> -> memref<1x1x128xi32, #tpu.memory_space<hbm>>
      %dma_start3A_201 = tpu.memref_squeeze %dma_start3A_200 : memref<1x1x128xi32, #tpu.memory_space<hbm>> -> memref<1x128xi32, #tpu.memory_space<hbm>>
      %dma_start3A_202 = arith.constant 0 : i32
      %dma_start3A_203 = tpu.memref_slice %arg4[%add3A, %add3A_198, %dma_start3A_202] : memref<32x79x128xi32, #tpu.memory_space<hbm>> -> memref<1x1x128xi32, #tpu.memory_space<hbm>>
      %dma_start3A_204 = tpu.memref_squeeze %dma_start3A_203 : memref<1x1x128xi32, #tpu.memory_space<hbm>> -> memref<1x128xi32, #tpu.memory_space<hbm>>
      tpu.enqueue_dma source(%dma_start3A_204 : memref<1x128xi32, #tpu.memory_space<hbm>>) target(%arg8 : memref<1x128xi32, #tpu.memory_space<vmem>>) target_semaphore(%arg15 : memref<!tpu.dma_semaphore, #tpu.memory_space<semaphore_mem>>)
      %add3A_205 = arith.constant 2 : i32
      %add3A_206 = arith.addi %mul3A_181, %add3A_205 : i32
      %dma_start3A_207 = arith.constant 0 : i32
      %dma_start3A_208 = tpu.memref_slice %arg7[%add3A_206, %dma_start3A_207] : memref<79x128xi32, #tpu.memory_space<vmem>> -> memref<1x128xi32, #tpu.memory_space<vmem>>
      %dma_start3A_209 = tpu.memref_squeeze %dma_start3A_208 : memref<1x128xi32, #tpu.memory_space<vmem>> -> memref<128xi32, #tpu.memory_space<vmem>>
      %dma_start3A_210 = arith.constant 0 : i32
      %dma_start3A_211 = arith.constant 0 : i32
      %dma_start3A_212 = tpu.memref_slice %arg2[%dma_start3A_210, %dma_start3A_211] : memref<10000x128xf32, #tpu.memory_space<hbm>> -> memref<10000x128xf32, #tpu.memory_space<hbm>>
      tpu.enqueue_indirect_dma source(%dma_start3A_212 : memref<10000x128xf32, #tpu.memory_space<hbm>>) target(%arg10 : memref<128x128xf32, #tpu.memory_space<vmem>>) offsets(%dma_start3A_209 : memref<128xi32, #tpu.memory_space<vmem>>) semaphore(%arg13 : memref<!tpu.dma_semaphore, #tpu.memory_space<semaphore_mem>>)
      %dma_wait3A_213 = arith.constant 0 : i32
      %dma_wait3A_214 = tpu.memref_slice %arg7[%add3A_183, %dma_wait3A_213] : memref<79x128xi32, #tpu.memory_space<vmem>> -> memref<1x128xi32, #tpu.memory_space<vmem>>
      %dma_wait3A_215 = tpu.memref_squeeze %dma_wait3A_214 : memref<1x128xi32, #tpu.memory_space<vmem>> -> memref<128xi32, #tpu.memory_space<vmem>>
      %dma_wait3A_216 = arith.constant 0 : i32
      %dma_wait3A_217 = arith.constant 0 : i32
      %dma_wait3A_218 = tpu.memref_slice %arg2[%dma_wait3A_216, %dma_wait3A_217] : memref<10000x128xf32, #tpu.memory_space<hbm>> -> memref<10000x128xf32, #tpu.memory_space<hbm>>
      tpu.wait_indirect_dma semaphore(%arg14 : memref<!tpu.dma_semaphore, #tpu.memory_space<semaphore_mem>>) src(%dma_wait3A_218 : memref<10000x128xf32, #tpu.memory_space<hbm>>) dst(%arg11 : memref<128x128xf32, #tpu.memory_space<vmem>>)
      %dma_wait3A_219 = arith.constant 0 : i32
      %dma_wait3A_220 = tpu.memref_slice %arg4[%add3A, %add3A_183, %dma_wait3A_219] : memref<32x79x128xi32, #tpu.memory_space<hbm>> -> memref<1x1x128xi32, #tpu.memory_space<hbm>>
      %dma_wait3A_221 = tpu.memref_squeeze %dma_wait3A_220 : memref<1x1x128xi32, #tpu.memory_space<hbm>> -> memref<1x128xi32, #tpu.memory_space<hbm>>
      %dma_wait3A_222 = arith.constant 0 : i32
      %dma_wait3A_223 = tpu.memref_slice %arg4[%add3A, %add3A_183, %dma_wait3A_222] : memref<32x79x128xi32, #tpu.memory_space<hbm>> -> memref<1x1x128xi32, #tpu.memory_space<hbm>>
      %dma_wait3A_224 = tpu.memref_squeeze %dma_wait3A_223 : memref<1x1x128xi32, #tpu.memory_space<hbm>> -> memref<1x128xi32, #tpu.memory_space<hbm>>
      tpu.wait_dma2 semaphore(%arg16 : memref<!tpu.dma_semaphore, #tpu.memory_space<semaphore_mem>>) src(%dma_wait3A_224 : memref<1x128xi32, #tpu.memory_space<hbm>>) dst(%arg9 : memref<1x128xi32, #tpu.memory_space<vmem>>)
      %run_scoped3A_225 = arith.constant 0 : i32
      "tpu.region"() ({
        %run_scoped3A_229 = tpu.sem_alloc : memref<!tpu.dma_semaphore, #tpu.memory_space<semaphore_mem>>
        %dma_start3A_230 = arith.constant 0 : i32
        %dma_start3A_231 = tpu.memref_slice %arg9[%run_scoped3A_225, %dma_start3A_230] : memref<1x128xi32, #tpu.memory_space<vmem>> -> memref<1x128xi32, #tpu.memory_space<vmem>>
        %dma_start3A_232 = tpu.memref_squeeze %dma_start3A_231 : memref<1x128xi32, #tpu.memory_space<vmem>> -> memref<128xi32, #tpu.memory_space<vmem>>
        %dma_start3A_233 = arith.constant 0 : i32
        %dma_start3A_234 = arith.constant 0 : i32
        %dma_start3A_235 = tpu.memref_slice %arg6[%dma_start3A_233, %dma_start3A_234] : memref<10240x128xf32, #tpu.memory_space<vmem_shared>> -> memref<10240x128xf32, #tpu.memory_space<vmem_shared>>
        tpu.enqueue_indirect_dma source(%arg11 : memref<128x128xf32, #tpu.memory_space<vmem>>) target(%dma_start3A_235 : memref<10240x128xf32, #tpu.memory_space<vmem_shared>>) offsets(%dma_start3A_232 : memref<128xi32, #tpu.memory_space<vmem>>) semaphore(%run_scoped3A_229 : memref<!tpu.dma_semaphore, #tpu.memory_space<semaphore_mem>>) {add = true}
        %dma_wait3A_236 = arith.constant 0 : i32
        %dma_wait3A_237 = tpu.memref_slice %arg9[%run_scoped3A_225, %dma_wait3A_236] : memref<1x128xi32, #tpu.memory_space<vmem>> -> memref<1x128xi32, #tpu.memory_space<vmem>>
        %dma_wait3A_238 = tpu.memref_squeeze %dma_wait3A_237 : memref<1x128xi32, #tpu.memory_space<vmem>> -> memref<128xi32, #tpu.memory_space<vmem>>
        %dma_wait3A_239 = arith.constant 0 : i32
        %dma_wait3A_240 = arith.constant 0 : i32
        %dma_wait3A_241 = tpu.memref_slice %arg6[%dma_wait3A_239, %dma_wait3A_240] : memref<10240x128xf32, #tpu.memory_space<vmem_shared>> -> memref<10240x128xf32, #tpu.memory_space<vmem_shared>>
        tpu.wait_indirect_dma semaphore(%run_scoped3A_229 : memref<!tpu.dma_semaphore, #tpu.memory_space<semaphore_mem>>) src(%arg11 : memref<128x128xf32, #tpu.memory_space<vmem>>) dst(%dma_wait3A_241 : memref<10240x128xf32, #tpu.memory_space<vmem_shared>>)
        tpu.yield
      }) : () -> ()
      %lt3A = arith.constant 38 : i32
      %lt3A_226 = arith.cmpi slt, %scan3A_178, %lt3A : i32
      %convert_element_type3A = arith.extui %lt3A_226 : i1 to i32
      %cond3A = arith.constant 0 : i32
      %cond3A_227 = arith.cmpi ne, %convert_element_type3A, %cond3A : i32
      scf.if %cond3A_227 {
        %add3A_229 = arith.constant 2 : i32
        %add3A_230 = arith.addi %add3A_183, %add3A_229 : i32
        %dma_start3A_231 = arith.constant 0 : i32
        %dma_start3A_232 = tpu.memref_slice %arg4[%add3A, %add3A_230, %dma_start3A_231] : memref<32x79x128xi32, #tpu.memory_space<hbm>> -> memref<1x1x128xi32, #tpu.memory_space<hbm>>
        %dma_start3A_233 = tpu.memref_squeeze %dma_start3A_232 : memref<1x1x128xi32, #tpu.memory_space<hbm>> -> memref<1x128xi32, #tpu.memory_space<hbm>>
        %dma_start3A_234 = arith.constant 0 : i32
        %dma_start3A_235 = tpu.memref_slice %arg4[%add3A, %add3A_230, %dma_start3A_234] : memref<32x79x128xi32, #tpu.memory_space<hbm>> -> memref<1x1x128xi32, #tpu.memory_space<hbm>>
        %dma_start3A_236 = tpu.memref_squeeze %dma_start3A_235 : memref<1x1x128xi32, #tpu.memory_space<hbm>> -> memref<1x128xi32, #tpu.memory_space<hbm>>
        tpu.enqueue_dma source(%dma_start3A_236 : memref<1x128xi32, #tpu.memory_space<hbm>>) target(%arg9 : memref<1x128xi32, #tpu.memory_space<vmem>>) target_semaphore(%arg16 : memref<!tpu.dma_semaphore, #tpu.memory_space<semaphore_mem>>)
        %add3A_237 = arith.constant 2 : i32
        %add3A_238 = arith.addi %add3A_183, %add3A_237 : i32
        %dma_start3A_239 = arith.constant 0 : i32
        %dma_start3A_240 = tpu.memref_slice %arg7[%add3A_238, %dma_start3A_239] : memref<79x128xi32, #tpu.memory_space<vmem>> -> memref<1x128xi32, #tpu.memory_space<vmem>>
        %dma_start3A_241 = tpu.memref_squeeze %dma_start3A_240 : memref<1x128xi32, #tpu.memory_space<vmem>> -> memref<128xi32, #tpu.memory_space<vmem>>
        %dma_start3A_242 = arith.constant 0 : i32
        %dma_start3A_243 = arith.constant 0 : i32
        %dma_start3A_244 = tpu.memref_slice %arg2[%dma_start3A_242, %dma_start3A_243] : memref<10000x128xf32, #tpu.memory_space<hbm>> -> memref<10000x128xf32, #tpu.memory_space<hbm>>
        tpu.enqueue_indirect_dma source(%dma_start3A_244 : memref<10000x128xf32, #tpu.memory_space<hbm>>) target(%arg11 : memref<128x128xf32, #tpu.memory_space<vmem>>) offsets(%dma_start3A_241 : memref<128xi32, #tpu.memory_space<vmem>>) semaphore(%arg14 : memref<!tpu.dma_semaphore, #tpu.memory_space<semaphore_mem>>)
      } else {
      }
      %scan3A_228 = arith.constant 0 : i32
      scf.yield %scan3A_228 : i32
    }
    %scan3A_122 = arith.constant 39 : i32
    %dma_wait3A = arith.constant 78 : i32
    %dma_wait3A_123 = arith.constant 0 : i32
    %dma_wait3A_124 = tpu.memref_slice %arg7[%dma_wait3A, %dma_wait3A_123] : memref<79x128xi32, #tpu.memory_space<vmem>> -> memref<1x128xi32, #tpu.memory_space<vmem>>
    %dma_wait3A_125 = tpu.memref_squeeze %dma_wait3A_124 : memref<1x128xi32, #tpu.memory_space<vmem>> -> memref<128xi32, #tpu.memory_space<vmem>>
    %dma_wait3A_126 = arith.constant 0 : i32
    %dma_wait3A_127 = arith.constant 0 : i32
    %dma_wait3A_128 = tpu.memref_slice %arg2[%dma_wait3A_126, %dma_wait3A_127] : memref<10000x128xf32, #tpu.memory_space<hbm>> -> memref<10000x128xf32, #tpu.memory_space<hbm>>
    tpu.wait_indirect_dma semaphore(%arg13 : memref<!tpu.dma_semaphore, #tpu.memory_space<semaphore_mem>>) src(%dma_wait3A_128 : memref<10000x128xf32, #tpu.memory_space<hbm>>) dst(%arg10 : memref<128x128xf32, #tpu.memory_space<vmem>>)
    %dma_wait3A_129 = arith.constant 78 : i32
    %dma_wait3A_130 = arith.constant 0 : i32
    %dma_wait3A_131 = tpu.memref_slice %arg4[%add3A, %dma_wait3A_129, %dma_wait3A_130] : memref<32x79x128xi32, #tpu.memory_space<hbm>> -> memref<1x1x128xi32, #tpu.memory_space<hbm>>
    %dma_wait3A_132 = tpu.memref_squeeze %dma_wait3A_131 : memref<1x1x128xi32, #tpu.memory_space<hbm>> -> memref<1x128xi32, #tpu.memory_space<hbm>>
    %dma_wait3A_133 = arith.constant 78 : i32
    %dma_wait3A_134 = arith.constant 0 : i32
    %dma_wait3A_135 = tpu.memref_slice %arg4[%add3A, %dma_wait3A_133, %dma_wait3A_134] : memref<32x79x128xi32, #tpu.memory_space<hbm>> -> memref<1x1x128xi32, #tpu.memory_space<hbm>>
    %dma_wait3A_136 = tpu.memref_squeeze %dma_wait3A_135 : memref<1x1x128xi32, #tpu.memory_space<hbm>> -> memref<1x128xi32, #tpu.memory_space<hbm>>
    tpu.wait_dma2 semaphore(%arg15 : memref<!tpu.dma_semaphore, #tpu.memory_space<semaphore_mem>>) src(%dma_wait3A_136 : memref<1x128xi32, #tpu.memory_space<hbm>>) dst(%arg8 : memref<1x128xi32, #tpu.memory_space<vmem>>)
    %run_scoped3A = arith.constant 0 : i32
    "tpu.region"() ({
      %run_scoped3A_178 = tpu.sem_alloc : memref<!tpu.dma_semaphore, #tpu.memory_space<semaphore_mem>>
      %dma_start3A_179 = arith.constant 0 : i32
      %dma_start3A_180 = tpu.memref_slice %arg8[%run_scoped3A, %dma_start3A_179] : memref<1x128xi32, #tpu.memory_space<vmem>> -> memref<1x128xi32, #tpu.memory_space<vmem>>
      %dma_start3A_181 = tpu.memref_squeeze %dma_start3A_180 : memref<1x128xi32, #tpu.memory_space<vmem>> -> memref<128xi32, #tpu.memory_space<vmem>>
      %dma_start3A_182 = arith.constant 0 : i32
      %dma_start3A_183 = arith.constant 0 : i32
      %dma_start3A_184 = tpu.memref_slice %arg6[%dma_start3A_182, %dma_start3A_183] : memref<10240x128xf32, #tpu.memory_space<vmem_shared>> -> memref<10240x128xf32, #tpu.memory_space<vmem_shared>>
      tpu.enqueue_indirect_dma source(%arg10 : memref<128x128xf32, #tpu.memory_space<vmem>>) target(%dma_start3A_184 : memref<10240x128xf32, #tpu.memory_space<vmem_shared>>) offsets(%dma_start3A_181 : memref<128xi32, #tpu.memory_space<vmem>>) semaphore(%run_scoped3A_178 : memref<!tpu.dma_semaphore, #tpu.memory_space<semaphore_mem>>) {add = true}
      %dma_wait3A_185 = arith.constant 0 : i32
      %dma_wait3A_186 = tpu.memref_slice %arg8[%run_scoped3A, %dma_wait3A_185] : memref<1x128xi32, #tpu.memory_space<vmem>> -> memref<1x128xi32, #tpu.memory_space<vmem>>
      %dma_wait3A_187 = tpu.memref_squeeze %dma_wait3A_186 : memref<1x128xi32, #tpu.memory_space<vmem>> -> memref<128xi32, #tpu.memory_space<vmem>>
      %dma_wait3A_188 = arith.constant 0 : i32
      %dma_wait3A_189 = arith.constant 0 : i32
      %dma_wait3A_190 = tpu.memref_slice %arg6[%dma_wait3A_188, %dma_wait3A_189] : memref<10240x128xf32, #tpu.memory_space<vmem_shared>> -> memref<10240x128xf32, #tpu.memory_space<vmem_shared>>
      tpu.wait_indirect_dma semaphore(%run_scoped3A_178 : memref<!tpu.dma_semaphore, #tpu.memory_space<semaphore_mem>>) src(%arg10 : memref<128x128xf32, #tpu.memory_space<vmem>>) dst(%dma_wait3A_190 : memref<10240x128xf32, #tpu.memory_space<vmem_shared>>)
      tpu.yield
    }) : () -> ()
    %barrier3A_137 = arith.constant 0 : index
    tpu.barrier barrier_id(%barrier3A_137)
    %mul3A_138 = arith.constant 640 : i32
    %mul3A_139 = arith.muli %arg1, %mul3A_138 : i32
    %add3A_140 = arith.constant 0 : i32
    %add3A_141 = arith.addi %mul3A_139, %add3A_140 : i32
    %mul3A_142 = arith.constant 640 : i32
    %mul3A_143 = arith.muli %arg1, %mul3A_142 : i32
    %add3A_144 = arith.constant 0 : i32
    %add3A_145 = arith.addi %mul3A_143, %add3A_144 : i32
    "tpu.region"() ({
      %run_scoped3A_178 = tpu.sem_alloc : memref<!tpu.dma_semaphore, #tpu.memory_space<semaphore_mem>>
      %dma_start3A_179 = arith.constant 0 : i32
      %dma_start3A_180 = tpu.memref_slice %arg5[%arg0, %add3A_145, %dma_start3A_179] : memref<2x10240x128xf32, #tpu.memory_space<hbm>> -> memref<1x128x128xf32, #tpu.memory_space<hbm>>
      %dma_start3A_181 = tpu.memref_squeeze %dma_start3A_180 : memref<1x128x128xf32, #tpu.memory_space<hbm>> -> memref<128x128xf32, #tpu.memory_space<hbm>>
      %dma_start3A_182 = arith.constant 0 : i32
      %dma_start3A_183 = tpu.memref_slice %arg6[%add3A_141, %dma_start3A_182] : memref<10240x128xf32, #tpu.memory_space<vmem_shared>> -> memref<128x128xf32, #tpu.memory_space<vmem_shared>>
      tpu.enqueue_dma source(%dma_start3A_183 : memref<128x128xf32, #tpu.memory_space<vmem_shared>>) target(%dma_start3A_181 : memref<128x128xf32, #tpu.memory_space<hbm>>) target_semaphore(%run_scoped3A_178 : memref<!tpu.dma_semaphore, #tpu.memory_space<semaphore_mem>>)
      %dma_wait3A_184 = arith.constant 0 : i32
      %dma_wait3A_185 = tpu.memref_slice %arg5[%arg0, %add3A_145, %dma_wait3A_184] : memref<2x10240x128xf32, #tpu.memory_space<hbm>> -> memref<1x128x128xf32, #tpu.memory_space<hbm>>
      %dma_wait3A_186 = tpu.memref_squeeze %dma_wait3A_185 : memref<1x128x128xf32, #tpu.memory_space<hbm>> -> memref<128x128xf32, #tpu.memory_space<hbm>>
      %dma_wait3A_187 = arith.constant 0 : i32
      %dma_wait3A_188 = tpu.memref_slice %arg6[%add3A_141, %dma_wait3A_187] : memref<10240x128xf32, #tpu.memory_space<vmem_shared>> -> memref<128x128xf32, #tpu.memory_space<vmem_shared>>
      tpu.wait_dma2 semaphore(%run_scoped3A_178 : memref<!tpu.dma_semaphore, #tpu.memory_space<semaphore_mem>>) src(%dma_wait3A_188 : memref<128x128xf32, #tpu.memory_space<vmem_shared>>) dst(%dma_wait3A_186 : memref<128x128xf32, #tpu.memory_space<hbm>>)
      tpu.yield
    }) : () -> ()
    %mul3A_146 = arith.constant 640 : i32
    %mul3A_147 = arith.muli %arg1, %mul3A_146 : i32
    %add3A_148 = arith.constant 128 : i32
    %add3A_149 = arith.addi %mul3A_147, %add3A_148 : i32
    %mul3A_150 = arith.constant 640 : i32
    %mul3A_151 = arith.muli %arg1, %mul3A_150 : i32
    %add3A_152 = arith.constant 128 : i32
    %add3A_153 = arith.addi %mul3A_151, %add3A_152 : i32
    "tpu.region"() ({
      %run_scoped3A_178 = tpu.sem_alloc : memref<!tpu.dma_semaphore, #tpu.memory_space<semaphore_mem>>
      %dma_start3A_179 = arith.constant 0 : i32
      %dma_start3A_180 = tpu.memref_slice %arg5[%arg0, %add3A_153, %dma_start3A_179] : memref<2x10240x128xf32, #tpu.memory_space<hbm>> -> memref<1x128x128xf32, #tpu.memory_space<hbm>>
      %dma_start3A_181 = tpu.memref_squeeze %dma_start3A_180 : memref<1x128x128xf32, #tpu.memory_space<hbm>> -> memref<128x128xf32, #tpu.memory_space<hbm>>
      %dma_start3A_182 = arith.constant 0 : i32
      %dma_start3A_183 = tpu.memref_slice %arg6[%add3A_149, %dma_start3A_182] : memref<10240x128xf32, #tpu.memory_space<vmem_shared>> -> memref<128x128xf32, #tpu.memory_space<vmem_shared>>
      tpu.enqueue_dma source(%dma_start3A_183 : memref<128x128xf32, #tpu.memory_space<vmem_shared>>) target(%dma_start3A_181 : memref<128x128xf32, #tpu.memory_space<hbm>>) target_semaphore(%run_scoped3A_178 : memref<!tpu.dma_semaphore, #tpu.memory_space<semaphore_mem>>)
      %dma_wait3A_184 = arith.constant 0 : i32
      %dma_wait3A_185 = tpu.memref_slice %arg5[%arg0, %add3A_153, %dma_wait3A_184] : memref<2x10240x128xf32, #tpu.memory_space<hbm>> -> memref<1x128x128xf32, #tpu.memory_space<hbm>>
      %dma_wait3A_186 = tpu.memref_squeeze %dma_wait3A_185 : memref<1x128x128xf32, #tpu.memory_space<hbm>> -> memref<128x128xf32, #tpu.memory_space<hbm>>
      %dma_wait3A_187 = arith.constant 0 : i32
      %dma_wait3A_188 = tpu.memref_slice %arg6[%add3A_149, %dma_wait3A_187] : memref<10240x128xf32, #tpu.memory_space<vmem_shared>> -> memref<128x128xf32, #tpu.memory_space<vmem_shared>>
      tpu.wait_dma2 semaphore(%run_scoped3A_178 : memref<!tpu.dma_semaphore, #tpu.memory_space<semaphore_mem>>) src(%dma_wait3A_188 : memref<128x128xf32, #tpu.memory_space<vmem_shared>>) dst(%dma_wait3A_186 : memref<128x128xf32, #tpu.memory_space<hbm>>)
      tpu.yield
    }) : () -> ()
    %mul3A_154 = arith.constant 640 : i32
    %mul3A_155 = arith.muli %arg1, %mul3A_154 : i32
    %add3A_156 = arith.constant 256 : i32
    %add3A_157 = arith.addi %mul3A_155, %add3A_156 : i32
    %mul3A_158 = arith.constant 640 : i32
    %mul3A_159 = arith.muli %arg1, %mul3A_158 : i32
    %add3A_160 = arith.constant 256 : i32
    %add3A_161 = arith.addi %mul3A_159, %add3A_160 : i32
    "tpu.region"() ({
      %run_scoped3A_178 = tpu.sem_alloc : memref<!tpu.dma_semaphore, #tpu.memory_space<semaphore_mem>>
      %dma_start3A_179 = arith.constant 0 : i32
      %dma_start3A_180 = tpu.memref_slice %arg5[%arg0, %add3A_161, %dma_start3A_179] : memref<2x10240x128xf32, #tpu.memory_space<hbm>> -> memref<1x128x128xf32, #tpu.memory_space<hbm>>
      %dma_start3A_181 = tpu.memref_squeeze %dma_start3A_180 : memref<1x128x128xf32, #tpu.memory_space<hbm>> -> memref<128x128xf32, #tpu.memory_space<hbm>>
      %dma_start3A_182 = arith.constant 0 : i32
      %dma_start3A_183 = tpu.memref_slice %arg6[%add3A_157, %dma_start3A_182] : memref<10240x128xf32, #tpu.memory_space<vmem_shared>> -> memref<128x128xf32, #tpu.memory_space<vmem_shared>>
      tpu.enqueue_dma source(%dma_start3A_183 : memref<128x128xf32, #tpu.memory_space<vmem_shared>>) target(%dma_start3A_181 : memref<128x128xf32, #tpu.memory_space<hbm>>) target_semaphore(%run_scoped3A_178 : memref<!tpu.dma_semaphore, #tpu.memory_space<semaphore_mem>>)
      %dma_wait3A_184 = arith.constant 0 : i32
      %dma_wait3A_185 = tpu.memref_slice %arg5[%arg0, %add3A_161, %dma_wait3A_184] : memref<2x10240x128xf32, #tpu.memory_space<hbm>> -> memref<1x128x128xf32, #tpu.memory_space<hbm>>
      %dma_wait3A_186 = tpu.memref_squeeze %dma_wait3A_185 : memref<1x128x128xf32, #tpu.memory_space<hbm>> -> memref<128x128xf32, #tpu.memory_space<hbm>>
      %dma_wait3A_187 = arith.constant 0 : i32
      %dma_wait3A_188 = tpu.memref_slice %arg6[%add3A_157, %dma_wait3A_187] : memref<10240x128xf32, #tpu.memory_space<vmem_shared>> -> memref<128x128xf32, #tpu.memory_space<vmem_shared>>
      tpu.wait_dma2 semaphore(%run_scoped3A_178 : memref<!tpu.dma_semaphore, #tpu.memory_space<semaphore_mem>>) src(%dma_wait3A_188 : memref<128x128xf32, #tpu.memory_space<vmem_shared>>) dst(%dma_wait3A_186 : memref<128x128xf32, #tpu.memory_space<hbm>>)
      tpu.yield
    }) : () -> ()
    %mul3A_162 = arith.constant 640 : i32
    %mul3A_163 = arith.muli %arg1, %mul3A_162 : i32
    %add3A_164 = arith.constant 384 : i32
    %add3A_165 = arith.addi %mul3A_163, %add3A_164 : i32
    %mul3A_166 = arith.constant 640 : i32
    %mul3A_167 = arith.muli %arg1, %mul3A_166 : i32
    %add3A_168 = arith.constant 384 : i32
    %add3A_169 = arith.addi %mul3A_167, %add3A_168 : i32
    "tpu.region"() ({
      %run_scoped3A_178 = tpu.sem_alloc : memref<!tpu.dma_semaphore, #tpu.memory_space<semaphore_mem>>
      %dma_start3A_179 = arith.constant 0 : i32
      %dma_start3A_180 = tpu.memref_slice %arg5[%arg0, %add3A_169, %dma_start3A_179] : memref<2x10240x128xf32, #tpu.memory_space<hbm>> -> memref<1x128x128xf32, #tpu.memory_space<hbm>>
      %dma_start3A_181 = tpu.memref_squeeze %dma_start3A_180 : memref<1x128x128xf32, #tpu.memory_space<hbm>> -> memref<128x128xf32, #tpu.memory_space<hbm>>
      %dma_start3A_182 = arith.constant 0 : i32
      %dma_start3A_183 = tpu.memref_slice %arg6[%add3A_165, %dma_start3A_182] : memref<10240x128xf32, #tpu.memory_space<vmem_shared>> -> memref<128x128xf32, #tpu.memory_space<vmem_shared>>
      tpu.enqueue_dma source(%dma_start3A_183 : memref<128x128xf32, #tpu.memory_space<vmem_shared>>) target(%dma_start3A_181 : memref<128x128xf32, #tpu.memory_space<hbm>>) target_semaphore(%run_scoped3A_178 : memref<!tpu.dma_semaphore, #tpu.memory_space<semaphore_mem>>)
      %dma_wait3A_184 = arith.constant 0 : i32
      %dma_wait3A_185 = tpu.memref_slice %arg5[%arg0, %add3A_169, %dma_wait3A_184] : memref<2x10240x128xf32, #tpu.memory_space<hbm>> -> memref<1x128x128xf32, #tpu.memory_space<hbm>>
      %dma_wait3A_186 = tpu.memref_squeeze %dma_wait3A_185 : memref<1x128x128xf32, #tpu.memory_space<hbm>> -> memref<128x128xf32, #tpu.memory_space<hbm>>
      %dma_wait3A_187 = arith.constant 0 : i32
      %dma_wait3A_188 = tpu.memref_slice %arg6[%add3A_165, %dma_wait3A_187] : memref<10240x128xf32, #tpu.memory_space<vmem_shared>> -> memref<128x128xf32, #tpu.memory_space<vmem_shared>>
      tpu.wait_dma2 semaphore(%run_scoped3A_178 : memref<!tpu.dma_semaphore, #tpu.memory_space<semaphore_mem>>) src(%dma_wait3A_188 : memref<128x128xf32, #tpu.memory_space<vmem_shared>>) dst(%dma_wait3A_186 : memref<128x128xf32, #tpu.memory_space<hbm>>)
      tpu.yield
    }) : () -> ()
    %mul3A_170 = arith.constant 640 : i32
    %mul3A_171 = arith.muli %arg1, %mul3A_170 : i32
    %add3A_172 = arith.constant 512 : i32
    %add3A_173 = arith.addi %mul3A_171, %add3A_172 : i32
    %mul3A_174 = arith.constant 640 : i32
    %mul3A_175 = arith.muli %arg1, %mul3A_174 : i32
    %add3A_176 = arith.constant 512 : i32
    %add3A_177 = arith.addi %mul3A_175, %add3A_176 : i32
    "tpu.region"() ({
      %run_scoped3A_178 = tpu.sem_alloc : memref<!tpu.dma_semaphore, #tpu.memory_space<semaphore_mem>>
      %dma_start3A_179 = arith.constant 0 : i32
      %dma_start3A_180 = tpu.memref_slice %arg5[%arg0, %add3A_177, %dma_start3A_179] : memref<2x10240x128xf32, #tpu.memory_space<hbm>> -> memref<1x128x128xf32, #tpu.memory_space<hbm>>
      %dma_start3A_181 = tpu.memref_squeeze %dma_start3A_180 : memref<1x128x128xf32, #tpu.memory_space<hbm>> -> memref<128x128xf32, #tpu.memory_space<hbm>>
      %dma_start3A_182 = arith.constant 0 : i32
      %dma_start3A_183 = tpu.memref_slice %arg6[%add3A_173, %dma_start3A_182] : memref<10240x128xf32, #tpu.memory_space<vmem_shared>> -> memref<128x128xf32, #tpu.memory_space<vmem_shared>>
      tpu.enqueue_dma source(%dma_start3A_183 : memref<128x128xf32, #tpu.memory_space<vmem_shared>>) target(%dma_start3A_181 : memref<128x128xf32, #tpu.memory_space<hbm>>) target_semaphore(%run_scoped3A_178 : memref<!tpu.dma_semaphore, #tpu.memory_space<semaphore_mem>>)
      %dma_wait3A_184 = arith.constant 0 : i32
      %dma_wait3A_185 = tpu.memref_slice %arg5[%arg0, %add3A_177, %dma_wait3A_184] : memref<2x10240x128xf32, #tpu.memory_space<hbm>> -> memref<1x128x128xf32, #tpu.memory_space<hbm>>
      %dma_wait3A_186 = tpu.memref_squeeze %dma_wait3A_185 : memref<1x128x128xf32, #tpu.memory_space<hbm>> -> memref<128x128xf32, #tpu.memory_space<hbm>>
      %dma_wait3A_187 = arith.constant 0 : i32
      %dma_wait3A_188 = tpu.memref_slice %arg6[%add3A_173, %dma_wait3A_187] : memref<10240x128xf32, #tpu.memory_space<vmem_shared>> -> memref<128x128xf32, #tpu.memory_space<vmem_shared>>
      tpu.wait_dma2 semaphore(%run_scoped3A_178 : memref<!tpu.dma_semaphore, #tpu.memory_space<semaphore_mem>>) src(%dma_wait3A_188 : memref<128x128xf32, #tpu.memory_space<vmem_shared>>) dst(%dma_wait3A_186 : memref<128x128xf32, #tpu.memory_space<hbm>>)
      tpu.yield
    }) : () -> ()
    return
  }
}

#map = affine_map<(d0, d1) -> (0, 0, 0)>
module attributes {stable_mosaic.version = 14 : i64} {
  func.func @_deg_body(%arg0: i32, %arg1: i32, %arg2: memref<32x79x128xi32, #tpu.memory_space<hbm>>, %arg3: memref<2x10240x16xf32, #tpu.memory_space<hbm>>, %arg4: memref<10240x16xf32, #tpu.memory_space<vmem_shared>>, %arg5: memref<1x128xi32, #tpu.memory_space<vmem>>, %arg6: memref<1x128xi32, #tpu.memory_space<vmem>>, %arg7: memref<128x16xf32, #tpu.memory_space<vmem>>, %arg8: memref<!tpu.dma_semaphore, #tpu.memory_space<semaphore_mem>>, %arg9: memref<!tpu.dma_semaphore, #tpu.memory_space<semaphore_mem>>) attributes {dimension_semantics = [#tpu.dimension_semantics<core_parallel>, #tpu.dimension_semantics<subcore_parallel>], iteration_bounds = array<i64: 2, 16>, scalar_prefetch = 0 : i64, scratch_operands = 6 : i64, tpu.core_type = #tpu.core_type<sc_vector_subcore>, window_params = [{transform_indices = #map}, {transform_indices = #map}]} {
    %mul3A = arith.constant 2 : i32
    %mul3A_0 = arith.muli %arg1, %mul3A : i32
    %add3A = arith.addi %mul3A_0, %arg0 : i32
    %scan3A = arith.constant 0 : i32
    %scan3A_1 = arith.constant 0 : i32
    %scan3A_2 = arith.constant 128 : i32
    %scan3A_3 = arith.addi %scan3A_1, %scan3A_2 : i32
    %scan3A_4 = arith.constant 1 : i32
    %scan3A_5 = scf.for %scan3A_96 = %scan3A_1 to %scan3A_3 step %scan3A_4 iter_args(%scan3A_97 = %scan3A) -> (i32)  : i32 {
      %broadcast_in_dim3A = arith.constant 0.000000e+00 : f32
      %broadcast_in_dim3A_98 = vector.broadcast %broadcast_in_dim3A : f32 to vector<16xf32>
      %swap3A = arith.index_cast %scan3A_96 : i32 to index
      %swap3A_99 = arith.constant 0 : index
      %swap3A_100 = tpu.vector_load %arg7[%swap3A, %swap3A_99] {strides = array<i32>} : memref<128x16xf32, #tpu.memory_space<vmem>>, vector<1x16xf32>,
      %swap3A_101 = vector.shape_cast %swap3A_100 : vector<1x16xf32> to vector<16xf32>
      %swap3A_102 = vector.shape_cast %broadcast_in_dim3A_98 : vector<16xf32> to vector<1x16xf32>
      tpu.vector_store %arg7[%swap3A, %swap3A_99], %swap3A_102 {strides = array<i32>} : memref<128x16xf32, #tpu.memory_space<vmem>>, vector<1x16xf32>,
      %scan3A_103 = arith.constant 0 : i32
      scf.yield %scan3A_103 : i32
    }
    %scan3A_6 = arith.constant 128 : i32
    %mul3A_7 = arith.constant 640 : i32
    %mul3A_8 = arith.muli %arg1, %mul3A_7 : i32
    %add3A_9 = arith.constant 0 : i32
    %add3A_10 = arith.addi %mul3A_8, %add3A_9 : i32
    "tpu.region"() ({
      %run_scoped3A_96 = tpu.sem_alloc : memref<!tpu.dma_semaphore, #tpu.memory_space<semaphore_mem>>
      %dma_start3A_97 = arith.constant 0 : i32
      %dma_start3A_98 = tpu.memref_slice %arg4[%add3A_10, %dma_start3A_97] : memref<10240x16xf32, #tpu.memory_space<vmem_shared>> -> memref<128x16xf32, #tpu.memory_space<vmem_shared>>
      %dma_start3A_99 = arith.constant 0 : i32
      %dma_start3A_100 = tpu.memref_slice %arg4[%add3A_10, %dma_start3A_99] : memref<10240x16xf32, #tpu.memory_space<vmem_shared>> -> memref<128x16xf32, #tpu.memory_space<vmem_shared>>
      tpu.enqueue_dma source(%arg7 : memref<128x16xf32, #tpu.memory_space<vmem>>) target(%dma_start3A_100 : memref<128x16xf32, #tpu.memory_space<vmem_shared>>) target_semaphore(%run_scoped3A_96 : memref<!tpu.dma_semaphore, #tpu.memory_space<semaphore_mem>>)
      %dma_wait3A_101 = arith.constant 0 : i32
      %dma_wait3A_102 = tpu.memref_slice %arg4[%add3A_10, %dma_wait3A_101] : memref<10240x16xf32, #tpu.memory_space<vmem_shared>> -> memref<128x16xf32, #tpu.memory_space<vmem_shared>>
      %dma_wait3A_103 = arith.constant 0 : i32
      %dma_wait3A_104 = tpu.memref_slice %arg4[%add3A_10, %dma_wait3A_103] : memref<10240x16xf32, #tpu.memory_space<vmem_shared>> -> memref<128x16xf32, #tpu.memory_space<vmem_shared>>
      tpu.wait_dma2 semaphore(%run_scoped3A_96 : memref<!tpu.dma_semaphore, #tpu.memory_space<semaphore_mem>>) src(%arg7 : memref<128x16xf32, #tpu.memory_space<vmem>>) dst(%dma_wait3A_104 : memref<128x16xf32, #tpu.memory_space<vmem_shared>>)
      tpu.yield
    }) : () -> ()
    %mul3A_11 = arith.constant 640 : i32
    %mul3A_12 = arith.muli %arg1, %mul3A_11 : i32
    %add3A_13 = arith.constant 128 : i32
    %add3A_14 = arith.addi %mul3A_12, %add3A_13 : i32
    "tpu.region"() ({
      %run_scoped3A_96 = tpu.sem_alloc : memref<!tpu.dma_semaphore, #tpu.memory_space<semaphore_mem>>
      %dma_start3A_97 = arith.constant 0 : i32
      %dma_start3A_98 = tpu.memref_slice %arg4[%add3A_14, %dma_start3A_97] : memref<10240x16xf32, #tpu.memory_space<vmem_shared>> -> memref<128x16xf32, #tpu.memory_space<vmem_shared>>
      %dma_start3A_99 = arith.constant 0 : i32
      %dma_start3A_100 = tpu.memref_slice %arg4[%add3A_14, %dma_start3A_99] : memref<10240x16xf32, #tpu.memory_space<vmem_shared>> -> memref<128x16xf32, #tpu.memory_space<vmem_shared>>
      tpu.enqueue_dma source(%arg7 : memref<128x16xf32, #tpu.memory_space<vmem>>) target(%dma_start3A_100 : memref<128x16xf32, #tpu.memory_space<vmem_shared>>) target_semaphore(%run_scoped3A_96 : memref<!tpu.dma_semaphore, #tpu.memory_space<semaphore_mem>>)
      %dma_wait3A_101 = arith.constant 0 : i32
      %dma_wait3A_102 = tpu.memref_slice %arg4[%add3A_14, %dma_wait3A_101] : memref<10240x16xf32, #tpu.memory_space<vmem_shared>> -> memref<128x16xf32, #tpu.memory_space<vmem_shared>>
      %dma_wait3A_103 = arith.constant 0 : i32
      %dma_wait3A_104 = tpu.memref_slice %arg4[%add3A_14, %dma_wait3A_103] : memref<10240x16xf32, #tpu.memory_space<vmem_shared>> -> memref<128x16xf32, #tpu.memory_space<vmem_shared>>
      tpu.wait_dma2 semaphore(%run_scoped3A_96 : memref<!tpu.dma_semaphore, #tpu.memory_space<semaphore_mem>>) src(%arg7 : memref<128x16xf32, #tpu.memory_space<vmem>>) dst(%dma_wait3A_104 : memref<128x16xf32, #tpu.memory_space<vmem_shared>>)
      tpu.yield
    }) : () -> ()
    %mul3A_15 = arith.constant 640 : i32
    %mul3A_16 = arith.muli %arg1, %mul3A_15 : i32
    %add3A_17 = arith.constant 256 : i32
    %add3A_18 = arith.addi %mul3A_16, %add3A_17 : i32
    "tpu.region"() ({
      %run_scoped3A_96 = tpu.sem_alloc : memref<!tpu.dma_semaphore, #tpu.memory_space<semaphore_mem>>
      %dma_start3A_97 = arith.constant 0 : i32
      %dma_start3A_98 = tpu.memref_slice %arg4[%add3A_18, %dma_start3A_97] : memref<10240x16xf32, #tpu.memory_space<vmem_shared>> -> memref<128x16xf32, #tpu.memory_space<vmem_shared>>
      %dma_start3A_99 = arith.constant 0 : i32
      %dma_start3A_100 = tpu.memref_slice %arg4[%add3A_18, %dma_start3A_99] : memref<10240x16xf32, #tpu.memory_space<vmem_shared>> -> memref<128x16xf32, #tpu.memory_space<vmem_shared>>
      tpu.enqueue_dma source(%arg7 : memref<128x16xf32, #tpu.memory_space<vmem>>) target(%dma_start3A_100 : memref<128x16xf32, #tpu.memory_space<vmem_shared>>) target_semaphore(%run_scoped3A_96 : memref<!tpu.dma_semaphore, #tpu.memory_space<semaphore_mem>>)
      %dma_wait3A_101 = arith.constant 0 : i32
      %dma_wait3A_102 = tpu.memref_slice %arg4[%add3A_18, %dma_wait3A_101] : memref<10240x16xf32, #tpu.memory_space<vmem_shared>> -> memref<128x16xf32, #tpu.memory_space<vmem_shared>>
      %dma_wait3A_103 = arith.constant 0 : i32
      %dma_wait3A_104 = tpu.memref_slice %arg4[%add3A_18, %dma_wait3A_103] : memref<10240x16xf32, #tpu.memory_space<vmem_shared>> -> memref<128x16xf32, #tpu.memory_space<vmem_shared>>
      tpu.wait_dma2 semaphore(%run_scoped3A_96 : memref<!tpu.dma_semaphore, #tpu.memory_space<semaphore_mem>>) src(%arg7 : memref<128x16xf32, #tpu.memory_space<vmem>>) dst(%dma_wait3A_104 : memref<128x16xf32, #tpu.memory_space<vmem_shared>>)
      tpu.yield
    }) : () -> ()
    %mul3A_19 = arith.constant 640 : i32
    %mul3A_20 = arith.muli %arg1, %mul3A_19 : i32
    %add3A_21 = arith.constant 384 : i32
    %add3A_22 = arith.addi %mul3A_20, %add3A_21 : i32
    "tpu.region"() ({
      %run_scoped3A_96 = tpu.sem_alloc : memref<!tpu.dma_semaphore, #tpu.memory_space<semaphore_mem>>
      %dma_start3A_97 = arith.constant 0 : i32
      %dma_start3A_98 = tpu.memref_slice %arg4[%add3A_22, %dma_start3A_97] : memref<10240x16xf32, #tpu.memory_space<vmem_shared>> -> memref<128x16xf32, #tpu.memory_space<vmem_shared>>
      %dma_start3A_99 = arith.constant 0 : i32
      %dma_start3A_100 = tpu.memref_slice %arg4[%add3A_22, %dma_start3A_99] : memref<10240x16xf32, #tpu.memory_space<vmem_shared>> -> memref<128x16xf32, #tpu.memory_space<vmem_shared>>
      tpu.enqueue_dma source(%arg7 : memref<128x16xf32, #tpu.memory_space<vmem>>) target(%dma_start3A_100 : memref<128x16xf32, #tpu.memory_space<vmem_shared>>) target_semaphore(%run_scoped3A_96 : memref<!tpu.dma_semaphore, #tpu.memory_space<semaphore_mem>>)
      %dma_wait3A_101 = arith.constant 0 : i32
      %dma_wait3A_102 = tpu.memref_slice %arg4[%add3A_22, %dma_wait3A_101] : memref<10240x16xf32, #tpu.memory_space<vmem_shared>> -> memref<128x16xf32, #tpu.memory_space<vmem_shared>>
      %dma_wait3A_103 = arith.constant 0 : i32
      %dma_wait3A_104 = tpu.memref_slice %arg4[%add3A_22, %dma_wait3A_103] : memref<10240x16xf32, #tpu.memory_space<vmem_shared>> -> memref<128x16xf32, #tpu.memory_space<vmem_shared>>
      tpu.wait_dma2 semaphore(%run_scoped3A_96 : memref<!tpu.dma_semaphore, #tpu.memory_space<semaphore_mem>>) src(%arg7 : memref<128x16xf32, #tpu.memory_space<vmem>>) dst(%dma_wait3A_104 : memref<128x16xf32, #tpu.memory_space<vmem_shared>>)
      tpu.yield
    }) : () -> ()
    %mul3A_23 = arith.constant 640 : i32
    %mul3A_24 = arith.muli %arg1, %mul3A_23 : i32
    %add3A_25 = arith.constant 512 : i32
    %add3A_26 = arith.addi %mul3A_24, %add3A_25 : i32
    "tpu.region"() ({
      %run_scoped3A_96 = tpu.sem_alloc : memref<!tpu.dma_semaphore, #tpu.memory_space<semaphore_mem>>
      %dma_start3A_97 = arith.constant 0 : i32
      %dma_start3A_98 = tpu.memref_slice %arg4[%add3A_26, %dma_start3A_97] : memref<10240x16xf32, #tpu.memory_space<vmem_shared>> -> memref<128x16xf32, #tpu.memory_space<vmem_shared>>
      %dma_start3A_99 = arith.constant 0 : i32
      %dma_start3A_100 = tpu.memref_slice %arg4[%add3A_26, %dma_start3A_99] : memref<10240x16xf32, #tpu.memory_space<vmem_shared>> -> memref<128x16xf32, #tpu.memory_space<vmem_shared>>
      tpu.enqueue_dma source(%arg7 : memref<128x16xf32, #tpu.memory_space<vmem>>) target(%dma_start3A_100 : memref<128x16xf32, #tpu.memory_space<vmem_shared>>) target_semaphore(%run_scoped3A_96 : memref<!tpu.dma_semaphore, #tpu.memory_space<semaphore_mem>>)
      %dma_wait3A_101 = arith.constant 0 : i32
      %dma_wait3A_102 = tpu.memref_slice %arg4[%add3A_26, %dma_wait3A_101] : memref<10240x16xf32, #tpu.memory_space<vmem_shared>> -> memref<128x16xf32, #tpu.memory_space<vmem_shared>>
      %dma_wait3A_103 = arith.constant 0 : i32
      %dma_wait3A_104 = tpu.memref_slice %arg4[%add3A_26, %dma_wait3A_103] : memref<10240x16xf32, #tpu.memory_space<vmem_shared>> -> memref<128x16xf32, #tpu.memory_space<vmem_shared>>
      tpu.wait_dma2 semaphore(%run_scoped3A_96 : memref<!tpu.dma_semaphore, #tpu.memory_space<semaphore_mem>>) src(%arg7 : memref<128x16xf32, #tpu.memory_space<vmem>>) dst(%dma_wait3A_104 : memref<128x16xf32, #tpu.memory_space<vmem_shared>>)
      tpu.yield
    }) : () -> ()
    %scan3A_27 = arith.constant 0 : i32
    %scan3A_28 = arith.constant 0 : i32
    %scan3A_29 = arith.constant 128 : i32
    %scan3A_30 = arith.addi %scan3A_28, %scan3A_29 : i32
    %scan3A_31 = arith.constant 1 : i32
    %scan3A_32 = scf.for %scan3A_96 = %scan3A_28 to %scan3A_30 step %scan3A_31 iter_args(%scan3A_97 = %scan3A_27) -> (i32)  : i32 {
      %broadcast_in_dim3A = arith.constant 1.000000e+00 : f32
      %broadcast_in_dim3A_98 = vector.broadcast %broadcast_in_dim3A : f32 to vector<16xf32>
      %swap3A = arith.index_cast %scan3A_96 : i32 to index
      %swap3A_99 = arith.constant 0 : index
      %swap3A_100 = tpu.vector_load %arg7[%swap3A, %swap3A_99] {strides = array<i32>} : memref<128x16xf32, #tpu.memory_space<vmem>>, vector<1x16xf32>,
      %swap3A_101 = vector.shape_cast %swap3A_100 : vector<1x16xf32> to vector<16xf32>
      %swap3A_102 = vector.shape_cast %broadcast_in_dim3A_98 : vector<16xf32> to vector<1x16xf32>
      tpu.vector_store %arg7[%swap3A, %swap3A_99], %swap3A_102 {strides = array<i32>} : memref<128x16xf32, #tpu.memory_space<vmem>>, vector<1x16xf32>,
      %scan3A_103 = arith.constant 0 : i32
      scf.yield %scan3A_103 : i32
    }
    %scan3A_33 = arith.constant 128 : i32
    %barrier3A = arith.constant 0 : index
    tpu.barrier barrier_id(%barrier3A)
    %dma_start3A = arith.constant 0 : i32
    %dma_start3A_34 = arith.constant 0 : i32
    %dma_start3A_35 = tpu.memref_slice %arg2[%add3A, %dma_start3A, %dma_start3A_34] : memref<32x79x128xi32, #tpu.memory_space<hbm>> -> memref<1x1x128xi32, #tpu.memory_space<hbm>>
    %dma_start3A_36 = tpu.memref_squeeze %dma_start3A_35 : memref<1x1x128xi32, #tpu.memory_space<hbm>> -> memref<1x128xi32, #tpu.memory_space<hbm>>
    %dma_start3A_37 = arith.constant 0 : i32
    %dma_start3A_38 = arith.constant 0 : i32
    %dma_start3A_39 = tpu.memref_slice %arg2[%add3A, %dma_start3A_37, %dma_start3A_38] : memref<32x79x128xi32, #tpu.memory_space<hbm>> -> memref<1x1x128xi32, #tpu.memory_space<hbm>>
    %dma_start3A_40 = tpu.memref_squeeze %dma_start3A_39 : memref<1x1x128xi32, #tpu.memory_space<hbm>> -> memref<1x128xi32, #tpu.memory_space<hbm>>
    tpu.enqueue_dma source(%dma_start3A_40 : memref<1x128xi32, #tpu.memory_space<hbm>>) target(%arg5 : memref<1x128xi32, #tpu.memory_space<vmem>>) target_semaphore(%arg8 : memref<!tpu.dma_semaphore, #tpu.memory_space<semaphore_mem>>)
    %scan3A_41 = arith.constant 0 : i32
    %scan3A_42 = arith.constant 0 : i32
    %scan3A_43 = arith.constant 39 : i32
    %scan3A_44 = arith.addi %scan3A_42, %scan3A_43 : i32
    %scan3A_45 = arith.constant 1 : i32
    %scan3A_46 = scf.for %scan3A_96 = %scan3A_42 to %scan3A_44 step %scan3A_45 iter_args(%scan3A_97 = %scan3A_41) -> (i32)  : i32 {
      %mul3A_98 = arith.constant 2 : i32
      %mul3A_99 = arith.muli %mul3A_98, %scan3A_96 : i32
      %add3A_100 = arith.constant 1 : i32
      %add3A_101 = arith.addi %mul3A_99, %add3A_100 : i32
      %dma_wait3A_102 = arith.constant 0 : i32
      %dma_wait3A_103 = tpu.memref_slice %arg2[%add3A, %mul3A_99, %dma_wait3A_102] : memref<32x79x128xi32, #tpu.memory_space<hbm>> -> memref<1x1x128xi32, #tpu.memory_space<hbm>>
      %dma_wait3A_104 = tpu.memref_squeeze %dma_wait3A_103 : memref<1x1x128xi32, #tpu.memory_space<hbm>> -> memref<1x128xi32, #tpu.memory_space<hbm>>
      %dma_wait3A_105 = arith.constant 0 : i32
      %dma_wait3A_106 = tpu.memref_slice %arg2[%add3A, %mul3A_99, %dma_wait3A_105] : memref<32x79x128xi32, #tpu.memory_space<hbm>> -> memref<1x1x128xi32, #tpu.memory_space<hbm>>
      %dma_wait3A_107 = tpu.memref_squeeze %dma_wait3A_106 : memref<1x1x128xi32, #tpu.memory_space<hbm>> -> memref<1x128xi32, #tpu.memory_space<hbm>>
      tpu.wait_dma2 semaphore(%arg8 : memref<!tpu.dma_semaphore, #tpu.memory_space<semaphore_mem>>) src(%dma_wait3A_107 : memref<1x128xi32, #tpu.memory_space<hbm>>) dst(%arg5 : memref<1x128xi32, #tpu.memory_space<vmem>>)
      %dma_start3A_108 = arith.constant 0 : i32
      %dma_start3A_109 = tpu.memref_slice %arg2[%add3A, %add3A_101, %dma_start3A_108] : memref<32x79x128xi32, #tpu.memory_space<hbm>> -> memref<1x1x128xi32, #tpu.memory_space<hbm>>
      %dma_start3A_110 = tpu.memref_squeeze %dma_start3A_109 : memref<1x1x128xi32, #tpu.memory_space<hbm>> -> memref<1x128xi32, #tpu.memory_space<hbm>>
      %dma_start3A_111 = arith.constant 0 : i32
      %dma_start3A_112 = tpu.memref_slice %arg2[%add3A, %add3A_101, %dma_start3A_111] : memref<32x79x128xi32, #tpu.memory_space<hbm>> -> memref<1x1x128xi32, #tpu.memory_space<hbm>>
      %dma_start3A_113 = tpu.memref_squeeze %dma_start3A_112 : memref<1x1x128xi32, #tpu.memory_space<hbm>> -> memref<1x128xi32, #tpu.memory_space<hbm>>
      tpu.enqueue_dma source(%dma_start3A_113 : memref<1x128xi32, #tpu.memory_space<hbm>>) target(%arg6 : memref<1x128xi32, #tpu.memory_space<vmem>>) target_semaphore(%arg9 : memref<!tpu.dma_semaphore, #tpu.memory_space<semaphore_mem>>)
      %run_scoped3A_114 = arith.constant 0 : i32
      "tpu.region"() ({
        %run_scoped3A_131 = tpu.sem_alloc : memref<!tpu.dma_semaphore, #tpu.memory_space<semaphore_mem>>
        %dma_start3A_132 = arith.constant 0 : i32
        %dma_start3A_133 = tpu.memref_slice %arg5[%run_scoped3A_114, %dma_start3A_132] : memref<1x128xi32, #tpu.memory_space<vmem>> -> memref<1x128xi32, #tpu.memory_space<vmem>>
        %dma_start3A_134 = tpu.memref_squeeze %dma_start3A_133 : memref<1x128xi32, #tpu.memory_space<vmem>> -> memref<128xi32, #tpu.memory_space<vmem>>
        %dma_start3A_135 = arith.constant 0 : i32
        %dma_start3A_136 = arith.constant 0 : i32
        %dma_start3A_137 = tpu.memref_slice %arg4[%dma_start3A_135, %dma_start3A_136] : memref<10240x16xf32, #tpu.memory_space<vmem_shared>> -> memref<10240x16xf32, #tpu.memory_space<vmem_shared>>
        tpu.enqueue_indirect_dma source(%arg7 : memref<128x16xf32, #tpu.memory_space<vmem>>) target(%dma_start3A_137 : memref<10240x16xf32, #tpu.memory_space<vmem_shared>>) offsets(%dma_start3A_134 : memref<128xi32, #tpu.memory_space<vmem>>) semaphore(%run_scoped3A_131 : memref<!tpu.dma_semaphore, #tpu.memory_space<semaphore_mem>>) {add = true}
        %dma_wait3A_138 = arith.constant 0 : i32
        %dma_wait3A_139 = tpu.memref_slice %arg5[%run_scoped3A_114, %dma_wait3A_138] : memref<1x128xi32, #tpu.memory_space<vmem>> -> memref<1x128xi32, #tpu.memory_space<vmem>>
        %dma_wait3A_140 = tpu.memref_squeeze %dma_wait3A_139 : memref<1x128xi32, #tpu.memory_space<vmem>> -> memref<128xi32, #tpu.memory_space<vmem>>
        %dma_wait3A_141 = arith.constant 0 : i32
        %dma_wait3A_142 = arith.constant 0 : i32
        %dma_wait3A_143 = tpu.memref_slice %arg4[%dma_wait3A_141, %dma_wait3A_142] : memref<10240x16xf32, #tpu.memory_space<vmem_shared>> -> memref<10240x16xf32, #tpu.memory_space<vmem_shared>>
        tpu.wait_indirect_dma semaphore(%run_scoped3A_131 : memref<!tpu.dma_semaphore, #tpu.memory_space<semaphore_mem>>) src(%arg7 : memref<128x16xf32, #tpu.memory_space<vmem>>) dst(%dma_wait3A_143 : memref<10240x16xf32, #tpu.memory_space<vmem_shared>>)
        tpu.yield
      }) : () -> ()
      %dma_wait3A_115 = arith.constant 0 : i32
      %dma_wait3A_116 = tpu.memref_slice %arg2[%add3A, %add3A_101, %dma_wait3A_115] : memref<32x79x128xi32, #tpu.memory_space<hbm>> -> memref<1x1x128xi32, #tpu.memory_space<hbm>>
      %dma_wait3A_117 = tpu.memref_squeeze %dma_wait3A_116 : memref<1x1x128xi32, #tpu.memory_space<hbm>> -> memref<1x128xi32, #tpu.memory_space<hbm>>
      %dma_wait3A_118 = arith.constant 0 : i32
      %dma_wait3A_119 = tpu.memref_slice %arg2[%add3A, %add3A_101, %dma_wait3A_118] : memref<32x79x128xi32, #tpu.memory_space<hbm>> -> memref<1x1x128xi32, #tpu.memory_space<hbm>>
      %dma_wait3A_120 = tpu.memref_squeeze %dma_wait3A_119 : memref<1x1x128xi32, #tpu.memory_space<hbm>> -> memref<1x128xi32, #tpu.memory_space<hbm>>
      tpu.wait_dma2 semaphore(%arg9 : memref<!tpu.dma_semaphore, #tpu.memory_space<semaphore_mem>>) src(%dma_wait3A_120 : memref<1x128xi32, #tpu.memory_space<hbm>>) dst(%arg6 : memref<1x128xi32, #tpu.memory_space<vmem>>)
      %add3A_121 = arith.constant 2 : i32
      %add3A_122 = arith.addi %mul3A_99, %add3A_121 : i32
      %dma_start3A_123 = arith.constant 0 : i32
      %dma_start3A_124 = tpu.memref_slice %arg2[%add3A, %add3A_122, %dma_start3A_123] : memref<32x79x128xi32, #tpu.memory_space<hbm>> -> memref<1x1x128xi32, #tpu.memory_space<hbm>>
      %dma_start3A_125 = tpu.memref_squeeze %dma_start3A_124 : memref<1x1x128xi32, #tpu.memory_space<hbm>> -> memref<1x128xi32, #tpu.memory_space<hbm>>
      %dma_start3A_126 = arith.constant 0 : i32
      %dma_start3A_127 = tpu.memref_slice %arg2[%add3A, %add3A_122, %dma_start3A_126] : memref<32x79x128xi32, #tpu.memory_space<hbm>> -> memref<1x1x128xi32, #tpu.memory_space<hbm>>
      %dma_start3A_128 = tpu.memref_squeeze %dma_start3A_127 : memref<1x1x128xi32, #tpu.memory_space<hbm>> -> memref<1x128xi32, #tpu.memory_space<hbm>>
      tpu.enqueue_dma source(%dma_start3A_128 : memref<1x128xi32, #tpu.memory_space<hbm>>) target(%arg5 : memref<1x128xi32, #tpu.memory_space<vmem>>) target_semaphore(%arg8 : memref<!tpu.dma_semaphore, #tpu.memory_space<semaphore_mem>>)
      %run_scoped3A_129 = arith.constant 0 : i32
      "tpu.region"() ({
        %run_scoped3A_131 = tpu.sem_alloc : memref<!tpu.dma_semaphore, #tpu.memory_space<semaphore_mem>>
        %dma_start3A_132 = arith.constant 0 : i32
        %dma_start3A_133 = tpu.memref_slice %arg6[%run_scoped3A_129, %dma_start3A_132] : memref<1x128xi32, #tpu.memory_space<vmem>> -> memref<1x128xi32, #tpu.memory_space<vmem>>
        %dma_start3A_134 = tpu.memref_squeeze %dma_start3A_133 : memref<1x128xi32, #tpu.memory_space<vmem>> -> memref<128xi32, #tpu.memory_space<vmem>>
        %dma_start3A_135 = arith.constant 0 : i32
        %dma_start3A_136 = arith.constant 0 : i32
        %dma_start3A_137 = tpu.memref_slice %arg4[%dma_start3A_135, %dma_start3A_136] : memref<10240x16xf32, #tpu.memory_space<vmem_shared>> -> memref<10240x16xf32, #tpu.memory_space<vmem_shared>>
        tpu.enqueue_indirect_dma source(%arg7 : memref<128x16xf32, #tpu.memory_space<vmem>>) target(%dma_start3A_137 : memref<10240x16xf32, #tpu.memory_space<vmem_shared>>) offsets(%dma_start3A_134 : memref<128xi32, #tpu.memory_space<vmem>>) semaphore(%run_scoped3A_131 : memref<!tpu.dma_semaphore, #tpu.memory_space<semaphore_mem>>) {add = true}
        %dma_wait3A_138 = arith.constant 0 : i32
        %dma_wait3A_139 = tpu.memref_slice %arg6[%run_scoped3A_129, %dma_wait3A_138] : memref<1x128xi32, #tpu.memory_space<vmem>> -> memref<1x128xi32, #tpu.memory_space<vmem>>
        %dma_wait3A_140 = tpu.memref_squeeze %dma_wait3A_139 : memref<1x128xi32, #tpu.memory_space<vmem>> -> memref<128xi32, #tpu.memory_space<vmem>>
        %dma_wait3A_141 = arith.constant 0 : i32
        %dma_wait3A_142 = arith.constant 0 : i32
        %dma_wait3A_143 = tpu.memref_slice %arg4[%dma_wait3A_141, %dma_wait3A_142] : memref<10240x16xf32, #tpu.memory_space<vmem_shared>> -> memref<10240x16xf32, #tpu.memory_space<vmem_shared>>
        tpu.wait_indirect_dma semaphore(%run_scoped3A_131 : memref<!tpu.dma_semaphore, #tpu.memory_space<semaphore_mem>>) src(%arg7 : memref<128x16xf32, #tpu.memory_space<vmem>>) dst(%dma_wait3A_143 : memref<10240x16xf32, #tpu.memory_space<vmem_shared>>)
        tpu.yield
      }) : () -> ()
      %scan3A_130 = arith.constant 0 : i32
      scf.yield %scan3A_130 : i32
    }
    %scan3A_47 = arith.constant 39 : i32
    %dma_wait3A = arith.constant 78 : i32
    %dma_wait3A_48 = arith.constant 0 : i32
    %dma_wait3A_49 = tpu.memref_slice %arg2[%add3A, %dma_wait3A, %dma_wait3A_48] : memref<32x79x128xi32, #tpu.memory_space<hbm>> -> memref<1x1x128xi32, #tpu.memory_space<hbm>>
    %dma_wait3A_50 = tpu.memref_squeeze %dma_wait3A_49 : memref<1x1x128xi32, #tpu.memory_space<hbm>> -> memref<1x128xi32, #tpu.memory_space<hbm>>
    %dma_wait3A_51 = arith.constant 78 : i32
    %dma_wait3A_52 = arith.constant 0 : i32
    %dma_wait3A_53 = tpu.memref_slice %arg2[%add3A, %dma_wait3A_51, %dma_wait3A_52] : memref<32x79x128xi32, #tpu.memory_space<hbm>> -> memref<1x1x128xi32, #tpu.memory_space<hbm>>
    %dma_wait3A_54 = tpu.memref_squeeze %dma_wait3A_53 : memref<1x1x128xi32, #tpu.memory_space<hbm>> -> memref<1x128xi32, #tpu.memory_space<hbm>>
    tpu.wait_dma2 semaphore(%arg8 : memref<!tpu.dma_semaphore, #tpu.memory_space<semaphore_mem>>) src(%dma_wait3A_54 : memref<1x128xi32, #tpu.memory_space<hbm>>) dst(%arg5 : memref<1x128xi32, #tpu.memory_space<vmem>>)
    %run_scoped3A = arith.constant 0 : i32
    "tpu.region"() ({
      %run_scoped3A_96 = tpu.sem_alloc : memref<!tpu.dma_semaphore, #tpu.memory_space<semaphore_mem>>
      %dma_start3A_97 = arith.constant 0 : i32
      %dma_start3A_98 = tpu.memref_slice %arg5[%run_scoped3A, %dma_start3A_97] : memref<1x128xi32, #tpu.memory_space<vmem>> -> memref<1x128xi32, #tpu.memory_space<vmem>>
      %dma_start3A_99 = tpu.memref_squeeze %dma_start3A_98 : memref<1x128xi32, #tpu.memory_space<vmem>> -> memref<128xi32, #tpu.memory_space<vmem>>
      %dma_start3A_100 = arith.constant 0 : i32
      %dma_start3A_101 = arith.constant 0 : i32
      %dma_start3A_102 = tpu.memref_slice %arg4[%dma_start3A_100, %dma_start3A_101] : memref<10240x16xf32, #tpu.memory_space<vmem_shared>> -> memref<10240x16xf32, #tpu.memory_space<vmem_shared>>
      tpu.enqueue_indirect_dma source(%arg7 : memref<128x16xf32, #tpu.memory_space<vmem>>) target(%dma_start3A_102 : memref<10240x16xf32, #tpu.memory_space<vmem_shared>>) offsets(%dma_start3A_99 : memref<128xi32, #tpu.memory_space<vmem>>) semaphore(%run_scoped3A_96 : memref<!tpu.dma_semaphore, #tpu.memory_space<semaphore_mem>>) {add = true}
      %dma_wait3A_103 = arith.constant 0 : i32
      %dma_wait3A_104 = tpu.memref_slice %arg5[%run_scoped3A, %dma_wait3A_103] : memref<1x128xi32, #tpu.memory_space<vmem>> -> memref<1x128xi32, #tpu.memory_space<vmem>>
      %dma_wait3A_105 = tpu.memref_squeeze %dma_wait3A_104 : memref<1x128xi32, #tpu.memory_space<vmem>> -> memref<128xi32, #tpu.memory_space<vmem>>
      %dma_wait3A_106 = arith.constant 0 : i32
      %dma_wait3A_107 = arith.constant 0 : i32
      %dma_wait3A_108 = tpu.memref_slice %arg4[%dma_wait3A_106, %dma_wait3A_107] : memref<10240x16xf32, #tpu.memory_space<vmem_shared>> -> memref<10240x16xf32, #tpu.memory_space<vmem_shared>>
      tpu.wait_indirect_dma semaphore(%run_scoped3A_96 : memref<!tpu.dma_semaphore, #tpu.memory_space<semaphore_mem>>) src(%arg7 : memref<128x16xf32, #tpu.memory_space<vmem>>) dst(%dma_wait3A_108 : memref<10240x16xf32, #tpu.memory_space<vmem_shared>>)
      tpu.yield
    }) : () -> ()
    %barrier3A_55 = arith.constant 0 : index
    tpu.barrier barrier_id(%barrier3A_55)
    %mul3A_56 = arith.constant 640 : i32
    %mul3A_57 = arith.muli %arg1, %mul3A_56 : i32
    %add3A_58 = arith.constant 0 : i32
    %add3A_59 = arith.addi %mul3A_57, %add3A_58 : i32
    %mul3A_60 = arith.constant 640 : i32
    %mul3A_61 = arith.muli %arg1, %mul3A_60 : i32
    %add3A_62 = arith.constant 0 : i32
    %add3A_63 = arith.addi %mul3A_61, %add3A_62 : i32
    "tpu.region"() ({
      %run_scoped3A_96 = tpu.sem_alloc : memref<!tpu.dma_semaphore, #tpu.memory_space<semaphore_mem>>
      %dma_start3A_97 = arith.constant 0 : i32
      %dma_start3A_98 = tpu.memref_slice %arg3[%arg0, %add3A_63, %dma_start3A_97] : memref<2x10240x16xf32, #tpu.memory_space<hbm>> -> memref<1x128x16xf32, #tpu.memory_space<hbm>>
      %dma_start3A_99 = tpu.memref_squeeze %dma_start3A_98 : memref<1x128x16xf32, #tpu.memory_space<hbm>> -> memref<128x16xf32, #tpu.memory_space<hbm>>
      %dma_start3A_100 = arith.constant 0 : i32
      %dma_start3A_101 = tpu.memref_slice %arg4[%add3A_59, %dma_start3A_100] : memref<10240x16xf32, #tpu.memory_space<vmem_shared>> -> memref<128x16xf32, #tpu.memory_space<vmem_shared>>
      tpu.enqueue_dma source(%dma_start3A_101 : memref<128x16xf32, #tpu.memory_space<vmem_shared>>) target(%dma_start3A_99 : memref<128x16xf32, #tpu.memory_space<hbm>>) target_semaphore(%run_scoped3A_96 : memref<!tpu.dma_semaphore, #tpu.memory_space<semaphore_mem>>)
      %dma_wait3A_102 = arith.constant 0 : i32
      %dma_wait3A_103 = tpu.memref_slice %arg3[%arg0, %add3A_63, %dma_wait3A_102] : memref<2x10240x16xf32, #tpu.memory_space<hbm>> -> memref<1x128x16xf32, #tpu.memory_space<hbm>>
      %dma_wait3A_104 = tpu.memref_squeeze %dma_wait3A_103 : memref<1x128x16xf32, #tpu.memory_space<hbm>> -> memref<128x16xf32, #tpu.memory_space<hbm>>
      %dma_wait3A_105 = arith.constant 0 : i32
      %dma_wait3A_106 = tpu.memref_slice %arg4[%add3A_59, %dma_wait3A_105] : memref<10240x16xf32, #tpu.memory_space<vmem_shared>> -> memref<128x16xf32, #tpu.memory_space<vmem_shared>>
      tpu.wait_dma2 semaphore(%run_scoped3A_96 : memref<!tpu.dma_semaphore, #tpu.memory_space<semaphore_mem>>) src(%dma_wait3A_106 : memref<128x16xf32, #tpu.memory_space<vmem_shared>>) dst(%dma_wait3A_104 : memref<128x16xf32, #tpu.memory_space<hbm>>)
      tpu.yield
    }) : () -> ()
    %mul3A_64 = arith.constant 640 : i32
    %mul3A_65 = arith.muli %arg1, %mul3A_64 : i32
    %add3A_66 = arith.constant 128 : i32
    %add3A_67 = arith.addi %mul3A_65, %add3A_66 : i32
    %mul3A_68 = arith.constant 640 : i32
    %mul3A_69 = arith.muli %arg1, %mul3A_68 : i32
    %add3A_70 = arith.constant 128 : i32
    %add3A_71 = arith.addi %mul3A_69, %add3A_70 : i32
    "tpu.region"() ({
      %run_scoped3A_96 = tpu.sem_alloc : memref<!tpu.dma_semaphore, #tpu.memory_space<semaphore_mem>>
      %dma_start3A_97 = arith.constant 0 : i32
      %dma_start3A_98 = tpu.memref_slice %arg3[%arg0, %add3A_71, %dma_start3A_97] : memref<2x10240x16xf32, #tpu.memory_space<hbm>> -> memref<1x128x16xf32, #tpu.memory_space<hbm>>
      %dma_start3A_99 = tpu.memref_squeeze %dma_start3A_98 : memref<1x128x16xf32, #tpu.memory_space<hbm>> -> memref<128x16xf32, #tpu.memory_space<hbm>>
      %dma_start3A_100 = arith.constant 0 : i32
      %dma_start3A_101 = tpu.memref_slice %arg4[%add3A_67, %dma_start3A_100] : memref<10240x16xf32, #tpu.memory_space<vmem_shared>> -> memref<128x16xf32, #tpu.memory_space<vmem_shared>>
      tpu.enqueue_dma source(%dma_start3A_101 : memref<128x16xf32, #tpu.memory_space<vmem_shared>>) target(%dma_start3A_99 : memref<128x16xf32, #tpu.memory_space<hbm>>) target_semaphore(%run_scoped3A_96 : memref<!tpu.dma_semaphore, #tpu.memory_space<semaphore_mem>>)
      %dma_wait3A_102 = arith.constant 0 : i32
      %dma_wait3A_103 = tpu.memref_slice %arg3[%arg0, %add3A_71, %dma_wait3A_102] : memref<2x10240x16xf32, #tpu.memory_space<hbm>> -> memref<1x128x16xf32, #tpu.memory_space<hbm>>
      %dma_wait3A_104 = tpu.memref_squeeze %dma_wait3A_103 : memref<1x128x16xf32, #tpu.memory_space<hbm>> -> memref<128x16xf32, #tpu.memory_space<hbm>>
      %dma_wait3A_105 = arith.constant 0 : i32
      %dma_wait3A_106 = tpu.memref_slice %arg4[%add3A_67, %dma_wait3A_105] : memref<10240x16xf32, #tpu.memory_space<vmem_shared>> -> memref<128x16xf32, #tpu.memory_space<vmem_shared>>
      tpu.wait_dma2 semaphore(%run_scoped3A_96 : memref<!tpu.dma_semaphore, #tpu.memory_space<semaphore_mem>>) src(%dma_wait3A_106 : memref<128x16xf32, #tpu.memory_space<vmem_shared>>) dst(%dma_wait3A_104 : memref<128x16xf32, #tpu.memory_space<hbm>>)
      tpu.yield
    }) : () -> ()
    %mul3A_72 = arith.constant 640 : i32
    %mul3A_73 = arith.muli %arg1, %mul3A_72 : i32
    %add3A_74 = arith.constant 256 : i32
    %add3A_75 = arith.addi %mul3A_73, %add3A_74 : i32
    %mul3A_76 = arith.constant 640 : i32
    %mul3A_77 = arith.muli %arg1, %mul3A_76 : i32
    %add3A_78 = arith.constant 256 : i32
    %add3A_79 = arith.addi %mul3A_77, %add3A_78 : i32
    "tpu.region"() ({
      %run_scoped3A_96 = tpu.sem_alloc : memref<!tpu.dma_semaphore, #tpu.memory_space<semaphore_mem>>
      %dma_start3A_97 = arith.constant 0 : i32
      %dma_start3A_98 = tpu.memref_slice %arg3[%arg0, %add3A_79, %dma_start3A_97] : memref<2x10240x16xf32, #tpu.memory_space<hbm>> -> memref<1x128x16xf32, #tpu.memory_space<hbm>>
      %dma_start3A_99 = tpu.memref_squeeze %dma_start3A_98 : memref<1x128x16xf32, #tpu.memory_space<hbm>> -> memref<128x16xf32, #tpu.memory_space<hbm>>
      %dma_start3A_100 = arith.constant 0 : i32
      %dma_start3A_101 = tpu.memref_slice %arg4[%add3A_75, %dma_start3A_100] : memref<10240x16xf32, #tpu.memory_space<vmem_shared>> -> memref<128x16xf32, #tpu.memory_space<vmem_shared>>
      tpu.enqueue_dma source(%dma_start3A_101 : memref<128x16xf32, #tpu.memory_space<vmem_shared>>) target(%dma_start3A_99 : memref<128x16xf32, #tpu.memory_space<hbm>>) target_semaphore(%run_scoped3A_96 : memref<!tpu.dma_semaphore, #tpu.memory_space<semaphore_mem>>)
      %dma_wait3A_102 = arith.constant 0 : i32
      %dma_wait3A_103 = tpu.memref_slice %arg3[%arg0, %add3A_79, %dma_wait3A_102] : memref<2x10240x16xf32, #tpu.memory_space<hbm>> -> memref<1x128x16xf32, #tpu.memory_space<hbm>>
      %dma_wait3A_104 = tpu.memref_squeeze %dma_wait3A_103 : memref<1x128x16xf32, #tpu.memory_space<hbm>> -> memref<128x16xf32, #tpu.memory_space<hbm>>
      %dma_wait3A_105 = arith.constant 0 : i32
      %dma_wait3A_106 = tpu.memref_slice %arg4[%add3A_75, %dma_wait3A_105] : memref<10240x16xf32, #tpu.memory_space<vmem_shared>> -> memref<128x16xf32, #tpu.memory_space<vmem_shared>>
      tpu.wait_dma2 semaphore(%run_scoped3A_96 : memref<!tpu.dma_semaphore, #tpu.memory_space<semaphore_mem>>) src(%dma_wait3A_106 : memref<128x16xf32, #tpu.memory_space<vmem_shared>>) dst(%dma_wait3A_104 : memref<128x16xf32, #tpu.memory_space<hbm>>)
      tpu.yield
    }) : () -> ()
    %mul3A_80 = arith.constant 640 : i32
    %mul3A_81 = arith.muli %arg1, %mul3A_80 : i32
    %add3A_82 = arith.constant 384 : i32
    %add3A_83 = arith.addi %mul3A_81, %add3A_82 : i32
    %mul3A_84 = arith.constant 640 : i32
    %mul3A_85 = arith.muli %arg1, %mul3A_84 : i32
    %add3A_86 = arith.constant 384 : i32
    %add3A_87 = arith.addi %mul3A_85, %add3A_86 : i32
    "tpu.region"() ({
      %run_scoped3A_96 = tpu.sem_alloc : memref<!tpu.dma_semaphore, #tpu.memory_space<semaphore_mem>>
      %dma_start3A_97 = arith.constant 0 : i32
      %dma_start3A_98 = tpu.memref_slice %arg3[%arg0, %add3A_87, %dma_start3A_97] : memref<2x10240x16xf32, #tpu.memory_space<hbm>> -> memref<1x128x16xf32, #tpu.memory_space<hbm>>
      %dma_start3A_99 = tpu.memref_squeeze %dma_start3A_98 : memref<1x128x16xf32, #tpu.memory_space<hbm>> -> memref<128x16xf32, #tpu.memory_space<hbm>>
      %dma_start3A_100 = arith.constant 0 : i32
      %dma_start3A_101 = tpu.memref_slice %arg4[%add3A_83, %dma_start3A_100] : memref<10240x16xf32, #tpu.memory_space<vmem_shared>> -> memref<128x16xf32, #tpu.memory_space<vmem_shared>>
      tpu.enqueue_dma source(%dma_start3A_101 : memref<128x16xf32, #tpu.memory_space<vmem_shared>>) target(%dma_start3A_99 : memref<128x16xf32, #tpu.memory_space<hbm>>) target_semaphore(%run_scoped3A_96 : memref<!tpu.dma_semaphore, #tpu.memory_space<semaphore_mem>>)
      %dma_wait3A_102 = arith.constant 0 : i32
      %dma_wait3A_103 = tpu.memref_slice %arg3[%arg0, %add3A_87, %dma_wait3A_102] : memref<2x10240x16xf32, #tpu.memory_space<hbm>> -> memref<1x128x16xf32, #tpu.memory_space<hbm>>
      %dma_wait3A_104 = tpu.memref_squeeze %dma_wait3A_103 : memref<1x128x16xf32, #tpu.memory_space<hbm>> -> memref<128x16xf32, #tpu.memory_space<hbm>>
      %dma_wait3A_105 = arith.constant 0 : i32
      %dma_wait3A_106 = tpu.memref_slice %arg4[%add3A_83, %dma_wait3A_105] : memref<10240x16xf32, #tpu.memory_space<vmem_shared>> -> memref<128x16xf32, #tpu.memory_space<vmem_shared>>
      tpu.wait_dma2 semaphore(%run_scoped3A_96 : memref<!tpu.dma_semaphore, #tpu.memory_space<semaphore_mem>>) src(%dma_wait3A_106 : memref<128x16xf32, #tpu.memory_space<vmem_shared>>) dst(%dma_wait3A_104 : memref<128x16xf32, #tpu.memory_space<hbm>>)
      tpu.yield
    }) : () -> ()
    %mul3A_88 = arith.constant 640 : i32
    %mul3A_89 = arith.muli %arg1, %mul3A_88 : i32
    %add3A_90 = arith.constant 512 : i32
    %add3A_91 = arith.addi %mul3A_89, %add3A_90 : i32
    %mul3A_92 = arith.constant 640 : i32
    %mul3A_93 = arith.muli %arg1, %mul3A_92 : i32
    %add3A_94 = arith.constant 512 : i32
    %add3A_95 = arith.addi %mul3A_93, %add3A_94 : i32
    "tpu.region"() ({
      %run_scoped3A_96 = tpu.sem_alloc : memref<!tpu.dma_semaphore, #tpu.memory_space<semaphore_mem>>
      %dma_start3A_97 = arith.constant 0 : i32
      %dma_start3A_98 = tpu.memref_slice %arg3[%arg0, %add3A_95, %dma_start3A_97] : memref<2x10240x16xf32, #tpu.memory_space<hbm>> -> memref<1x128x16xf32, #tpu.memory_space<hbm>>
      %dma_start3A_99 = tpu.memref_squeeze %dma_start3A_98 : memref<1x128x16xf32, #tpu.memory_space<hbm>> -> memref<128x16xf32, #tpu.memory_space<hbm>>
      %dma_start3A_100 = arith.constant 0 : i32
      %dma_start3A_101 = tpu.memref_slice %arg4[%add3A_91, %dma_start3A_100] : memref<10240x16xf32, #tpu.memory_space<vmem_shared>> -> memref<128x16xf32, #tpu.memory_space<vmem_shared>>
      tpu.enqueue_dma source(%dma_start3A_101 : memref<128x16xf32, #tpu.memory_space<vmem_shared>>) target(%dma_start3A_99 : memref<128x16xf32, #tpu.memory_space<hbm>>) target_semaphore(%run_scoped3A_96 : memref<!tpu.dma_semaphore, #tpu.memory_space<semaphore_mem>>)
      %dma_wait3A_102 = arith.constant 0 : i32
      %dma_wait3A_103 = tpu.memref_slice %arg3[%arg0, %add3A_95, %dma_wait3A_102] : memref<2x10240x16xf32, #tpu.memory_space<hbm>> -> memref<1x128x16xf32, #tpu.memory_space<hbm>>
      %dma_wait3A_104 = tpu.memref_squeeze %dma_wait3A_103 : memref<1x128x16xf32, #tpu.memory_space<hbm>> -> memref<128x16xf32, #tpu.memory_space<hbm>>
      %dma_wait3A_105 = arith.constant 0 : i32
      %dma_wait3A_106 = tpu.memref_slice %arg4[%add3A_91, %dma_wait3A_105] : memref<10240x16xf32, #tpu.memory_space<vmem_shared>> -> memref<128x16xf32, #tpu.memory_space<vmem_shared>>
      tpu.wait_dma2 semaphore(%run_scoped3A_96 : memref<!tpu.dma_semaphore, #tpu.memory_space<semaphore_mem>>) src(%dma_wait3A_106 : memref<128x16xf32, #tpu.memory_space<vmem_shared>>) dst(%dma_wait3A_104 : memref<128x16xf32, #tpu.memory_space<hbm>>)
      tpu.yield
    }) : () -> ()
    return
  }
}

#map = affine_map<(d0, d1) -> (0, 0)>
#map1 = affine_map<(d0, d1) -> (0, 0, 0)>
module attributes {stable_mosaic.version = 14 : i64} {
  func.func @_agg_body(%arg0: i32, %arg1: i32, %arg2: memref<10000x128xf32, #tpu.memory_space<hbm>>, %arg3: memref<32x79x128xi32, #tpu.memory_space<hbm>>, %arg4: memref<32x79x128xi32, #tpu.memory_space<hbm>>, %arg5: memref<2x10240x128xf32, #tpu.memory_space<hbm>>, %arg6: memref<10240x128xf32, #tpu.memory_space<vmem_shared>>, %arg7: memref<79x128xi32, #tpu.memory_space<vmem>>, %arg8: memref<1x128xi32, #tpu.memory_space<vmem>>, %arg9: memref<1x128xi32, #tpu.memory_space<vmem>>, %arg10: memref<128x128xf32, #tpu.memory_space<vmem>>, %arg11: memref<128x128xf32, #tpu.memory_space<vmem>>, %arg12: memref<32x128xf32, #tpu.memory_space<vmem>>, %arg13: memref<!tpu.dma_semaphore, #tpu.memory_space<semaphore_mem>>, %arg14: memref<!tpu.dma_semaphore, #tpu.memory_space<semaphore_mem>>, %arg15: memref<!tpu.dma_semaphore, #tpu.memory_space<semaphore_mem>>, %arg16: memref<!tpu.dma_semaphore, #tpu.memory_space<semaphore_mem>>) attributes {dimension_semantics = [#tpu.dimension_semantics<core_parallel>, #tpu.dimension_semantics<subcore_parallel>], iteration_bounds = array<i64: 2, 16>, scalar_prefetch = 0 : i64, scratch_operands = 11 : i64, tpu.core_type = #tpu.core_type<sc_vector_subcore>, window_params = [{transform_indices = #map}, {transform_indices = #map1}, {transform_indices = #map1}, {transform_indices = #map1}]} {
    %mul3A = arith.constant 2 : i32
    %mul3A_0 = arith.muli %arg1, %mul3A : i32
    %add3A = arith.addi %mul3A_0, %arg0 : i32
    "tpu.region"() ({
      %run_scoped3A_178 = tpu.sem_alloc : memref<!tpu.dma_semaphore, #tpu.memory_space<semaphore_mem>>
      %dma_start3A_179 = arith.constant 0 : i32
      %dma_start3A_180 = arith.constant 0 : i32
      %dma_start3A_181 = tpu.memref_slice %arg3[%add3A, %dma_start3A_179, %dma_start3A_180] : memref<32x79x128xi32, #tpu.memory_space<hbm>> -> memref<1x79x128xi32, #tpu.memory_space<hbm>>
      %dma_start3A_182 = tpu.memref_squeeze %dma_start3A_181 : memref<1x79x128xi32, #tpu.memory_space<hbm>> -> memref<79x128xi32, #tpu.memory_space<hbm>>
      %dma_start3A_183 = arith.constant 0 : i32
      %dma_start3A_184 = arith.constant 0 : i32
      %dma_start3A_185 = tpu.memref_slice %arg3[%add3A, %dma_start3A_183, %dma_start3A_184] : memref<32x79x128xi32, #tpu.memory_space<hbm>> -> memref<1x79x128xi32, #tpu.memory_space<hbm>>
      %dma_start3A_186 = tpu.memref_squeeze %dma_start3A_185 : memref<1x79x128xi32, #tpu.memory_space<hbm>> -> memref<79x128xi32, #tpu.memory_space<hbm>>
      tpu.enqueue_dma source(%dma_start3A_186 : memref<79x128xi32, #tpu.memory_space<hbm>>) target(%arg7 : memref<79x128xi32, #tpu.memory_space<vmem>>) target_semaphore(%run_scoped3A_178 : memref<!tpu.dma_semaphore, #tpu.memory_space<semaphore_mem>>)
      %dma_wait3A_187 = arith.constant 0 : i32
      %dma_wait3A_188 = arith.constant 0 : i32
      %dma_wait3A_189 = tpu.memref_slice %arg3[%add3A, %dma_wait3A_187, %dma_wait3A_188] : memref<32x79x128xi32, #tpu.memory_space<hbm>> -> memref<1x79x128xi32, #tpu.memory_space<hbm>>
      %dma_wait3A_190 = tpu.memref_squeeze %dma_wait3A_189 : memref<1x79x128xi32, #tpu.memory_space<hbm>> -> memref<79x128xi32, #tpu.memory_space<hbm>>
      %dma_wait3A_191 = arith.constant 0 : i32
      %dma_wait3A_192 = arith.constant 0 : i32
      %dma_wait3A_193 = tpu.memref_slice %arg3[%add3A, %dma_wait3A_191, %dma_wait3A_192] : memref<32x79x128xi32, #tpu.memory_space<hbm>> -> memref<1x79x128xi32, #tpu.memory_space<hbm>>
      %dma_wait3A_194 = tpu.memref_squeeze %dma_wait3A_193 : memref<1x79x128xi32, #tpu.memory_space<hbm>> -> memref<79x128xi32, #tpu.memory_space<hbm>>
      tpu.wait_dma2 semaphore(%run_scoped3A_178 : memref<!tpu.dma_semaphore, #tpu.memory_space<semaphore_mem>>) src(%dma_wait3A_194 : memref<79x128xi32, #tpu.memory_space<hbm>>) dst(%arg7 : memref<79x128xi32, #tpu.memory_space<vmem>>)
      tpu.yield
    }) : () -> ()
    %dma_start3A = arith.constant 0 : i32
    %dma_start3A_1 = arith.constant 0 : i32
    %dma_start3A_2 = tpu.memref_slice %arg7[%dma_start3A, %dma_start3A_1] : memref<79x128xi32, #tpu.memory_space<vmem>> -> memref<1x128xi32, #tpu.memory_space<vmem>>
    %dma_start3A_3 = tpu.memref_squeeze %dma_start3A_2 : memref<1x128xi32, #tpu.memory_space<vmem>> -> memref<128xi32, #tpu.memory_space<vmem>>
    %dma_start3A_4 = arith.constant 0 : i32
    %dma_start3A_5 = arith.constant 0 : i32
    %dma_start3A_6 = tpu.memref_slice %arg2[%dma_start3A_4, %dma_start3A_5] : memref<10000x128xf32, #tpu.memory_space<hbm>> -> memref<10000x128xf32, #tpu.memory_space<hbm>>
    tpu.enqueue_indirect_dma source(%dma_start3A_6 : memref<10000x128xf32, #tpu.memory_space<hbm>>) target(%arg10 : memref<128x128xf32, #tpu.memory_space<vmem>>) offsets(%dma_start3A_3 : memref<128xi32, #tpu.memory_space<vmem>>) semaphore(%arg13 : memref<!tpu.dma_semaphore, #tpu.memory_space<semaphore_mem>>)
    %dma_start3A_7 = arith.constant 0 : i32
    %dma_start3A_8 = arith.constant 0 : i32
    %dma_start3A_9 = tpu.memref_slice %arg4[%add3A, %dma_start3A_7, %dma_start3A_8] : memref<32x79x128xi32, #tpu.memory_space<hbm>> -> memref<1x1x128xi32, #tpu.memory_space<hbm>>
    %dma_start3A_10 = tpu.memref_squeeze %dma_start3A_9 : memref<1x1x128xi32, #tpu.memory_space<hbm>> -> memref<1x128xi32, #tpu.memory_space<hbm>>
    %dma_start3A_11 = arith.constant 0 : i32
    %dma_start3A_12 = arith.constant 0 : i32
    %dma_start3A_13 = tpu.memref_slice %arg4[%add3A, %dma_start3A_11, %dma_start3A_12] : memref<32x79x128xi32, #tpu.memory_space<hbm>> -> memref<1x1x128xi32, #tpu.memory_space<hbm>>
    %dma_start3A_14 = tpu.memref_squeeze %dma_start3A_13 : memref<1x1x128xi32, #tpu.memory_space<hbm>> -> memref<1x128xi32, #tpu.memory_space<hbm>>
    tpu.enqueue_dma source(%dma_start3A_14 : memref<1x128xi32, #tpu.memory_space<hbm>>) target(%arg8 : memref<1x128xi32, #tpu.memory_space<vmem>>) target_semaphore(%arg15 : memref<!tpu.dma_semaphore, #tpu.memory_space<semaphore_mem>>)
    %dma_start3A_15 = arith.constant 1 : i32
    %dma_start3A_16 = arith.constant 0 : i32
    %dma_start3A_17 = tpu.memref_slice %arg7[%dma_start3A_15, %dma_start3A_16] : memref<79x128xi32, #tpu.memory_space<vmem>> -> memref<1x128xi32, #tpu.memory_space<vmem>>
    %dma_start3A_18 = tpu.memref_squeeze %dma_start3A_17 : memref<1x128xi32, #tpu.memory_space<vmem>> -> memref<128xi32, #tpu.memory_space<vmem>>
    %dma_start3A_19 = arith.constant 0 : i32
    %dma_start3A_20 = arith.constant 0 : i32
    %dma_start3A_21 = tpu.memref_slice %arg2[%dma_start3A_19, %dma_start3A_20] : memref<10000x128xf32, #tpu.memory_space<hbm>> -> memref<10000x128xf32, #tpu.memory_space<hbm>>
    tpu.enqueue_indirect_dma source(%dma_start3A_21 : memref<10000x128xf32, #tpu.memory_space<hbm>>) target(%arg11 : memref<128x128xf32, #tpu.memory_space<vmem>>) offsets(%dma_start3A_18 : memref<128xi32, #tpu.memory_space<vmem>>) semaphore(%arg14 : memref<!tpu.dma_semaphore, #tpu.memory_space<semaphore_mem>>)
    %dma_start3A_22 = arith.constant 1 : i32
    %dma_start3A_23 = arith.constant 0 : i32
    %dma_start3A_24 = tpu.memref_slice %arg4[%add3A, %dma_start3A_22, %dma_start3A_23] : memref<32x79x128xi32, #tpu.memory_space<hbm>> -> memref<1x1x128xi32, #tpu.memory_space<hbm>>
    %dma_start3A_25 = tpu.memref_squeeze %dma_start3A_24 : memref<1x1x128xi32, #tpu.memory_space<hbm>> -> memref<1x128xi32, #tpu.memory_space<hbm>>
    %dma_start3A_26 = arith.constant 1 : i32
    %dma_start3A_27 = arith.constant 0 : i32
    %dma_start3A_28 = tpu.memref_slice %arg4[%add3A, %dma_start3A_26, %dma_start3A_27] : memref<32x79x128xi32, #tpu.memory_space<hbm>> -> memref<1x1x128xi32, #tpu.memory_space<hbm>>
    %dma_start3A_29 = tpu.memref_squeeze %dma_start3A_28 : memref<1x1x128xi32, #tpu.memory_space<hbm>> -> memref<1x128xi32, #tpu.memory_space<hbm>>
    tpu.enqueue_dma source(%dma_start3A_29 : memref<1x128xi32, #tpu.memory_space<hbm>>) target(%arg9 : memref<1x128xi32, #tpu.memory_space<vmem>>) target_semaphore(%arg16 : memref<!tpu.dma_semaphore, #tpu.memory_space<semaphore_mem>>)
    %scan3A = arith.constant 0 : i32
    %scan3A_30 = arith.constant 0 : i32
    %scan3A_31 = arith.constant 32 : i32
    %scan3A_32 = arith.addi %scan3A_30, %scan3A_31 : i32
    %scan3A_33 = arith.constant 1 : i32
    %scan3A_34 = scf.for %scan3A_178 = %scan3A_30 to %scan3A_32 step %scan3A_33 iter_args(%scan3A_179 = %scan3A) -> (i32)  : i32 {
      %broadcast_in_dim3A = arith.constant 0.000000e+00 : f32
      %broadcast_in_dim3A_180 = vector.broadcast %broadcast_in_dim3A : f32 to vector<16xf32>
      %swap3A = arith.index_cast %scan3A_178 : i32 to index
      %swap3A_181 = arith.constant 0 : index
      %swap3A_182 = tpu.vector_load %arg12[%swap3A, %swap3A_181] {strides = array<i32>} : memref<32x128xf32, #tpu.memory_space<vmem>>, vector<1x16xf32>,
      %swap3A_183 = vector.shape_cast %swap3A_182 : vector<1x16xf32> to vector<16xf32>
      %swap3A_184 = vector.shape_cast %broadcast_in_dim3A_180 : vector<16xf32> to vector<1x16xf32>
      tpu.vector_store %arg12[%swap3A, %swap3A_181], %swap3A_184 {strides = array<i32>} : memref<32x128xf32, #tpu.memory_space<vmem>>, vector<1x16xf32>,
      %broadcast_in_dim3A_185 = arith.constant 0.000000e+00 : f32
      %broadcast_in_dim3A_186 = vector.broadcast %broadcast_in_dim3A_185 : f32 to vector<16xf32>
      %swap3A_187 = arith.index_cast %scan3A_178 : i32 to index
      %swap3A_188 = arith.constant 16 : index
      %swap3A_189 = tpu.vector_load %arg12[%swap3A_187, %swap3A_188] {strides = array<i32>} : memref<32x128xf32, #tpu.memory_space<vmem>>, vector<1x16xf32>,
      %swap3A_190 = vector.shape_cast %swap3A_189 : vector<1x16xf32> to vector<16xf32>
      %swap3A_191 = vector.shape_cast %broadcast_in_dim3A_186 : vector<16xf32> to vector<1x16xf32>
      tpu.vector_store %arg12[%swap3A_187, %swap3A_188], %swap3A_191 {strides = array<i32>} : memref<32x128xf32, #tpu.memory_space<vmem>>, vector<1x16xf32>,
      %broadcast_in_dim3A_192 = arith.constant 0.000000e+00 : f32
      %broadcast_in_dim3A_193 = vector.broadcast %broadcast_in_dim3A_192 : f32 to vector<16xf32>
      %swap3A_194 = arith.index_cast %scan3A_178 : i32 to index
      %swap3A_195 = arith.constant 32 : index
      %swap3A_196 = tpu.vector_load %arg12[%swap3A_194, %swap3A_195] {strides = array<i32>} : memref<32x128xf32, #tpu.memory_space<vmem>>, vector<1x16xf32>,
      %swap3A_197 = vector.shape_cast %swap3A_196 : vector<1x16xf32> to vector<16xf32>
      %swap3A_198 = vector.shape_cast %broadcast_in_dim3A_193 : vector<16xf32> to vector<1x16xf32>
      tpu.vector_store %arg12[%swap3A_194, %swap3A_195], %swap3A_198 {strides = array<i32>} : memref<32x128xf32, #tpu.memory_space<vmem>>, vector<1x16xf32>,
      %broadcast_in_dim3A_199 = arith.constant 0.000000e+00 : f32
      %broadcast_in_dim3A_200 = vector.broadcast %broadcast_in_dim3A_199 : f32 to vector<16xf32>
      %swap3A_201 = arith.index_cast %scan3A_178 : i32 to index
      %swap3A_202 = arith.constant 48 : index
      %swap3A_203 = tpu.vector_load %arg12[%swap3A_201, %swap3A_202] {strides = array<i32>} : memref<32x128xf32, #tpu.memory_space<vmem>>, vector<1x16xf32>,
      %swap3A_204 = vector.shape_cast %swap3A_203 : vector<1x16xf32> to vector<16xf32>
      %swap3A_205 = vector.shape_cast %broadcast_in_dim3A_200 : vector<16xf32> to vector<1x16xf32>
      tpu.vector_store %arg12[%swap3A_201, %swap3A_202], %swap3A_205 {strides = array<i32>} : memref<32x128xf32, #tpu.memory_space<vmem>>, vector<1x16xf32>,
      %broadcast_in_dim3A_206 = arith.constant 0.000000e+00 : f32
      %broadcast_in_dim3A_207 = vector.broadcast %broadcast_in_dim3A_206 : f32 to vector<16xf32>
      %swap3A_208 = arith.index_cast %scan3A_178 : i32 to index
      %swap3A_209 = arith.constant 64 : index
      %swap3A_210 = tpu.vector_load %arg12[%swap3A_208, %swap3A_209] {strides = array<i32>} : memref<32x128xf32, #tpu.memory_space<vmem>>, vector<1x16xf32>,
      %swap3A_211 = vector.shape_cast %swap3A_210 : vector<1x16xf32> to vector<16xf32>
      %swap3A_212 = vector.shape_cast %broadcast_in_dim3A_207 : vector<16xf32> to vector<1x16xf32>
      tpu.vector_store %arg12[%swap3A_208, %swap3A_209], %swap3A_212 {strides = array<i32>} : memref<32x128xf32, #tpu.memory_space<vmem>>, vector<1x16xf32>,
      %broadcast_in_dim3A_213 = arith.constant 0.000000e+00 : f32
      %broadcast_in_dim3A_214 = vector.broadcast %broadcast_in_dim3A_213 : f32 to vector<16xf32>
      %swap3A_215 = arith.index_cast %scan3A_178 : i32 to index
      %swap3A_216 = arith.constant 80 : index
      %swap3A_217 = tpu.vector_load %arg12[%swap3A_215, %swap3A_216] {strides = array<i32>} : memref<32x128xf32, #tpu.memory_space<vmem>>, vector<1x16xf32>,
      %swap3A_218 = vector.shape_cast %swap3A_217 : vector<1x16xf32> to vector<16xf32>
      %swap3A_219 = vector.shape_cast %broadcast_in_dim3A_214 : vector<16xf32> to vector<1x16xf32>
      tpu.vector_store %arg12[%swap3A_215, %swap3A_216], %swap3A_219 {strides = array<i32>} : memref<32x128xf32, #tpu.memory_space<vmem>>, vector<1x16xf32>,
      %broadcast_in_dim3A_220 = arith.constant 0.000000e+00 : f32
      %broadcast_in_dim3A_221 = vector.broadcast %broadcast_in_dim3A_220 : f32 to vector<16xf32>
      %swap3A_222 = arith.index_cast %scan3A_178 : i32 to index
      %swap3A_223 = arith.constant 96 : index
      %swap3A_224 = tpu.vector_load %arg12[%swap3A_222, %swap3A_223] {strides = array<i32>} : memref<32x128xf32, #tpu.memory_space<vmem>>, vector<1x16xf32>,
      %swap3A_225 = vector.shape_cast %swap3A_224 : vector<1x16xf32> to vector<16xf32>
      %swap3A_226 = vector.shape_cast %broadcast_in_dim3A_221 : vector<16xf32> to vector<1x16xf32>
      tpu.vector_store %arg12[%swap3A_222, %swap3A_223], %swap3A_226 {strides = array<i32>} : memref<32x128xf32, #tpu.memory_space<vmem>>, vector<1x16xf32>,
      %broadcast_in_dim3A_227 = arith.constant 0.000000e+00 : f32
      %broadcast_in_dim3A_228 = vector.broadcast %broadcast_in_dim3A_227 : f32 to vector<16xf32>
      %swap3A_229 = arith.index_cast %scan3A_178 : i32 to index
      %swap3A_230 = arith.constant 112 : index
      %swap3A_231 = tpu.vector_load %arg12[%swap3A_229, %swap3A_230] {strides = array<i32>} : memref<32x128xf32, #tpu.memory_space<vmem>>, vector<1x16xf32>,
      %swap3A_232 = vector.shape_cast %swap3A_231 : vector<1x16xf32> to vector<16xf32>
      %swap3A_233 = vector.shape_cast %broadcast_in_dim3A_228 : vector<16xf32> to vector<1x16xf32>
      tpu.vector_store %arg12[%swap3A_229, %swap3A_230], %swap3A_233 {strides = array<i32>} : memref<32x128xf32, #tpu.memory_space<vmem>>, vector<1x16xf32>,
      %scan3A_234 = arith.constant 0 : i32
      scf.yield %scan3A_234 : i32
    }
    %scan3A_35 = arith.constant 32 : i32
    %mul3A_36 = arith.constant 640 : i32
    %mul3A_37 = arith.muli %arg1, %mul3A_36 : i32
    %add3A_38 = arith.constant 0 : i32
    %add3A_39 = arith.addi %mul3A_37, %add3A_38 : i32
    "tpu.region"() ({
      %run_scoped3A_178 = tpu.sem_alloc : memref<!tpu.dma_semaphore, #tpu.memory_space<semaphore_mem>>
      %dma_start3A_179 = arith.constant 0 : i32
      %dma_start3A_180 = tpu.memref_slice %arg6[%add3A_39, %dma_start3A_179] : memref<10240x128xf32, #tpu.memory_space<vmem_shared>> -> memref<32x128xf32, #tpu.memory_space<vmem_shared>>
      %dma_start3A_181 = arith.constant 0 : i32
      %dma_start3A_182 = tpu.memref_slice %arg6[%add3A_39, %dma_start3A_181] : memref<10240x128xf32, #tpu.memory_space<vmem_shared>> -> memref<32x128xf32, #tpu.memory_space<vmem_shared>>
      tpu.enqueue_dma source(%arg12 : memref<32x128xf32, #tpu.memory_space<vmem>>) target(%dma_start3A_182 : memref<32x128xf32, #tpu.memory_space<vmem_shared>>) target_semaphore(%run_scoped3A_178 : memref<!tpu.dma_semaphore, #tpu.memory_space<semaphore_mem>>)
      %dma_wait3A_183 = arith.constant 0 : i32
      %dma_wait3A_184 = tpu.memref_slice %arg6[%add3A_39, %dma_wait3A_183] : memref<10240x128xf32, #tpu.memory_space<vmem_shared>> -> memref<32x128xf32, #tpu.memory_space<vmem_shared>>
      %dma_wait3A_185 = arith.constant 0 : i32
      %dma_wait3A_186 = tpu.memref_slice %arg6[%add3A_39, %dma_wait3A_185] : memref<10240x128xf32, #tpu.memory_space<vmem_shared>> -> memref<32x128xf32, #tpu.memory_space<vmem_shared>>
      tpu.wait_dma2 semaphore(%run_scoped3A_178 : memref<!tpu.dma_semaphore, #tpu.memory_space<semaphore_mem>>) src(%arg12 : memref<32x128xf32, #tpu.memory_space<vmem>>) dst(%dma_wait3A_186 : memref<32x128xf32, #tpu.memory_space<vmem_shared>>)
      tpu.yield
    }) : () -> ()
    %mul3A_40 = arith.constant 640 : i32
    %mul3A_41 = arith.muli %arg1, %mul3A_40 : i32
    %add3A_42 = arith.constant 32 : i32
    %add3A_43 = arith.addi %mul3A_41, %add3A_42 : i32
    "tpu.region"() ({
      %run_scoped3A_178 = tpu.sem_alloc : memref<!tpu.dma_semaphore, #tpu.memory_space<semaphore_mem>>
      %dma_start3A_179 = arith.constant 0 : i32
      %dma_start3A_180 = tpu.memref_slice %arg6[%add3A_43, %dma_start3A_179] : memref<10240x128xf32, #tpu.memory_space<vmem_shared>> -> memref<32x128xf32, #tpu.memory_space<vmem_shared>>
      %dma_start3A_181 = arith.constant 0 : i32
      %dma_start3A_182 = tpu.memref_slice %arg6[%add3A_43, %dma_start3A_181] : memref<10240x128xf32, #tpu.memory_space<vmem_shared>> -> memref<32x128xf32, #tpu.memory_space<vmem_shared>>
      tpu.enqueue_dma source(%arg12 : memref<32x128xf32, #tpu.memory_space<vmem>>) target(%dma_start3A_182 : memref<32x128xf32, #tpu.memory_space<vmem_shared>>) target_semaphore(%run_scoped3A_178 : memref<!tpu.dma_semaphore, #tpu.memory_space<semaphore_mem>>)
      %dma_wait3A_183 = arith.constant 0 : i32
      %dma_wait3A_184 = tpu.memref_slice %arg6[%add3A_43, %dma_wait3A_183] : memref<10240x128xf32, #tpu.memory_space<vmem_shared>> -> memref<32x128xf32, #tpu.memory_space<vmem_shared>>
      %dma_wait3A_185 = arith.constant 0 : i32
      %dma_wait3A_186 = tpu.memref_slice %arg6[%add3A_43, %dma_wait3A_185] : memref<10240x128xf32, #tpu.memory_space<vmem_shared>> -> memref<32x128xf32, #tpu.memory_space<vmem_shared>>
      tpu.wait_dma2 semaphore(%run_scoped3A_178 : memref<!tpu.dma_semaphore, #tpu.memory_space<semaphore_mem>>) src(%arg12 : memref<32x128xf32, #tpu.memory_space<vmem>>) dst(%dma_wait3A_186 : memref<32x128xf32, #tpu.memory_space<vmem_shared>>)
      tpu.yield
    }) : () -> ()
    %mul3A_44 = arith.constant 640 : i32
    %mul3A_45 = arith.muli %arg1, %mul3A_44 : i32
    %add3A_46 = arith.constant 64 : i32
    %add3A_47 = arith.addi %mul3A_45, %add3A_46 : i32
    "tpu.region"() ({
      %run_scoped3A_178 = tpu.sem_alloc : memref<!tpu.dma_semaphore, #tpu.memory_space<semaphore_mem>>
      %dma_start3A_179 = arith.constant 0 : i32
      %dma_start3A_180 = tpu.memref_slice %arg6[%add3A_47, %dma_start3A_179] : memref<10240x128xf32, #tpu.memory_space<vmem_shared>> -> memref<32x128xf32, #tpu.memory_space<vmem_shared>>
      %dma_start3A_181 = arith.constant 0 : i32
      %dma_start3A_182 = tpu.memref_slice %arg6[%add3A_47, %dma_start3A_181] : memref<10240x128xf32, #tpu.memory_space<vmem_shared>> -> memref<32x128xf32, #tpu.memory_space<vmem_shared>>
      tpu.enqueue_dma source(%arg12 : memref<32x128xf32, #tpu.memory_space<vmem>>) target(%dma_start3A_182 : memref<32x128xf32, #tpu.memory_space<vmem_shared>>) target_semaphore(%run_scoped3A_178 : memref<!tpu.dma_semaphore, #tpu.memory_space<semaphore_mem>>)
      %dma_wait3A_183 = arith.constant 0 : i32
      %dma_wait3A_184 = tpu.memref_slice %arg6[%add3A_47, %dma_wait3A_183] : memref<10240x128xf32, #tpu.memory_space<vmem_shared>> -> memref<32x128xf32, #tpu.memory_space<vmem_shared>>
      %dma_wait3A_185 = arith.constant 0 : i32
      %dma_wait3A_186 = tpu.memref_slice %arg6[%add3A_47, %dma_wait3A_185] : memref<10240x128xf32, #tpu.memory_space<vmem_shared>> -> memref<32x128xf32, #tpu.memory_space<vmem_shared>>
      tpu.wait_dma2 semaphore(%run_scoped3A_178 : memref<!tpu.dma_semaphore, #tpu.memory_space<semaphore_mem>>) src(%arg12 : memref<32x128xf32, #tpu.memory_space<vmem>>) dst(%dma_wait3A_186 : memref<32x128xf32, #tpu.memory_space<vmem_shared>>)
      tpu.yield
    }) : () -> ()
    %mul3A_48 = arith.constant 640 : i32
    %mul3A_49 = arith.muli %arg1, %mul3A_48 : i32
    %add3A_50 = arith.constant 96 : i32
    %add3A_51 = arith.addi %mul3A_49, %add3A_50 : i32
    "tpu.region"() ({
      %run_scoped3A_178 = tpu.sem_alloc : memref<!tpu.dma_semaphore, #tpu.memory_space<semaphore_mem>>
      %dma_start3A_179 = arith.constant 0 : i32
      %dma_start3A_180 = tpu.memref_slice %arg6[%add3A_51, %dma_start3A_179] : memref<10240x128xf32, #tpu.memory_space<vmem_shared>> -> memref<32x128xf32, #tpu.memory_space<vmem_shared>>
      %dma_start3A_181 = arith.constant 0 : i32
      %dma_start3A_182 = tpu.memref_slice %arg6[%add3A_51, %dma_start3A_181] : memref<10240x128xf32, #tpu.memory_space<vmem_shared>> -> memref<32x128xf32, #tpu.memory_space<vmem_shared>>
      tpu.enqueue_dma source(%arg12 : memref<32x128xf32, #tpu.memory_space<vmem>>) target(%dma_start3A_182 : memref<32x128xf32, #tpu.memory_space<vmem_shared>>) target_semaphore(%run_scoped3A_178 : memref<!tpu.dma_semaphore, #tpu.memory_space<semaphore_mem>>)
      %dma_wait3A_183 = arith.constant 0 : i32
      %dma_wait3A_184 = tpu.memref_slice %arg6[%add3A_51, %dma_wait3A_183] : memref<10240x128xf32, #tpu.memory_space<vmem_shared>> -> memref<32x128xf32, #tpu.memory_space<vmem_shared>>
      %dma_wait3A_185 = arith.constant 0 : i32
      %dma_wait3A_186 = tpu.memref_slice %arg6[%add3A_51, %dma_wait3A_185] : memref<10240x128xf32, #tpu.memory_space<vmem_shared>> -> memref<32x128xf32, #tpu.memory_space<vmem_shared>>
      tpu.wait_dma2 semaphore(%run_scoped3A_178 : memref<!tpu.dma_semaphore, #tpu.memory_space<semaphore_mem>>) src(%arg12 : memref<32x128xf32, #tpu.memory_space<vmem>>) dst(%dma_wait3A_186 : memref<32x128xf32, #tpu.memory_space<vmem_shared>>)
      tpu.yield
    }) : () -> ()
    %mul3A_52 = arith.constant 640 : i32
    %mul3A_53 = arith.muli %arg1, %mul3A_52 : i32
    %add3A_54 = arith.constant 128 : i32
    %add3A_55 = arith.addi %mul3A_53, %add3A_54 : i32
    "tpu.region"() ({
      %run_scoped3A_178 = tpu.sem_alloc : memref<!tpu.dma_semaphore, #tpu.memory_space<semaphore_mem>>
      %dma_start3A_179 = arith.constant 0 : i32
      %dma_start3A_180 = tpu.memref_slice %arg6[%add3A_55, %dma_start3A_179] : memref<10240x128xf32, #tpu.memory_space<vmem_shared>> -> memref<32x128xf32, #tpu.memory_space<vmem_shared>>
      %dma_start3A_181 = arith.constant 0 : i32
      %dma_start3A_182 = tpu.memref_slice %arg6[%add3A_55, %dma_start3A_181] : memref<10240x128xf32, #tpu.memory_space<vmem_shared>> -> memref<32x128xf32, #tpu.memory_space<vmem_shared>>
      tpu.enqueue_dma source(%arg12 : memref<32x128xf32, #tpu.memory_space<vmem>>) target(%dma_start3A_182 : memref<32x128xf32, #tpu.memory_space<vmem_shared>>) target_semaphore(%run_scoped3A_178 : memref<!tpu.dma_semaphore, #tpu.memory_space<semaphore_mem>>)
      %dma_wait3A_183 = arith.constant 0 : i32
      %dma_wait3A_184 = tpu.memref_slice %arg6[%add3A_55, %dma_wait3A_183] : memref<10240x128xf32, #tpu.memory_space<vmem_shared>> -> memref<32x128xf32, #tpu.memory_space<vmem_shared>>
      %dma_wait3A_185 = arith.constant 0 : i32
      %dma_wait3A_186 = tpu.memref_slice %arg6[%add3A_55, %dma_wait3A_185] : memref<10240x128xf32, #tpu.memory_space<vmem_shared>> -> memref<32x128xf32, #tpu.memory_space<vmem_shared>>
      tpu.wait_dma2 semaphore(%run_scoped3A_178 : memref<!tpu.dma_semaphore, #tpu.memory_space<semaphore_mem>>) src(%arg12 : memref<32x128xf32, #tpu.memory_space<vmem>>) dst(%dma_wait3A_186 : memref<32x128xf32, #tpu.memory_space<vmem_shared>>)
      tpu.yield
    }) : () -> ()
    %mul3A_56 = arith.constant 640 : i32
    %mul3A_57 = arith.muli %arg1, %mul3A_56 : i32
    %add3A_58 = arith.constant 160 : i32
    %add3A_59 = arith.addi %mul3A_57, %add3A_58 : i32
    "tpu.region"() ({
      %run_scoped3A_178 = tpu.sem_alloc : memref<!tpu.dma_semaphore, #tpu.memory_space<semaphore_mem>>
      %dma_start3A_179 = arith.constant 0 : i32
      %dma_start3A_180 = tpu.memref_slice %arg6[%add3A_59, %dma_start3A_179] : memref<10240x128xf32, #tpu.memory_space<vmem_shared>> -> memref<32x128xf32, #tpu.memory_space<vmem_shared>>
      %dma_start3A_181 = arith.constant 0 : i32
      %dma_start3A_182 = tpu.memref_slice %arg6[%add3A_59, %dma_start3A_181] : memref<10240x128xf32, #tpu.memory_space<vmem_shared>> -> memref<32x128xf32, #tpu.memory_space<vmem_shared>>
      tpu.enqueue_dma source(%arg12 : memref<32x128xf32, #tpu.memory_space<vmem>>) target(%dma_start3A_182 : memref<32x128xf32, #tpu.memory_space<vmem_shared>>) target_semaphore(%run_scoped3A_178 : memref<!tpu.dma_semaphore, #tpu.memory_space<semaphore_mem>>)
      %dma_wait3A_183 = arith.constant 0 : i32
      %dma_wait3A_184 = tpu.memref_slice %arg6[%add3A_59, %dma_wait3A_183] : memref<10240x128xf32, #tpu.memory_space<vmem_shared>> -> memref<32x128xf32, #tpu.memory_space<vmem_shared>>
      %dma_wait3A_185 = arith.constant 0 : i32
      %dma_wait3A_186 = tpu.memref_slice %arg6[%add3A_59, %dma_wait3A_185] : memref<10240x128xf32, #tpu.memory_space<vmem_shared>> -> memref<32x128xf32, #tpu.memory_space<vmem_shared>>
      tpu.wait_dma2 semaphore(%run_scoped3A_178 : memref<!tpu.dma_semaphore, #tpu.memory_space<semaphore_mem>>) src(%arg12 : memref<32x128xf32, #tpu.memory_space<vmem>>) dst(%dma_wait3A_186 : memref<32x128xf32, #tpu.memory_space<vmem_shared>>)
      tpu.yield
    }) : () -> ()
    %mul3A_60 = arith.constant 640 : i32
    %mul3A_61 = arith.muli %arg1, %mul3A_60 : i32
    %add3A_62 = arith.constant 192 : i32
    %add3A_63 = arith.addi %mul3A_61, %add3A_62 : i32
    "tpu.region"() ({
      %run_scoped3A_178 = tpu.sem_alloc : memref<!tpu.dma_semaphore, #tpu.memory_space<semaphore_mem>>
      %dma_start3A_179 = arith.constant 0 : i32
      %dma_start3A_180 = tpu.memref_slice %arg6[%add3A_63, %dma_start3A_179] : memref<10240x128xf32, #tpu.memory_space<vmem_shared>> -> memref<32x128xf32, #tpu.memory_space<vmem_shared>>
      %dma_start3A_181 = arith.constant 0 : i32
      %dma_start3A_182 = tpu.memref_slice %arg6[%add3A_63, %dma_start3A_181] : memref<10240x128xf32, #tpu.memory_space<vmem_shared>> -> memref<32x128xf32, #tpu.memory_space<vmem_shared>>
      tpu.enqueue_dma source(%arg12 : memref<32x128xf32, #tpu.memory_space<vmem>>) target(%dma_start3A_182 : memref<32x128xf32, #tpu.memory_space<vmem_shared>>) target_semaphore(%run_scoped3A_178 : memref<!tpu.dma_semaphore, #tpu.memory_space<semaphore_mem>>)
      %dma_wait3A_183 = arith.constant 0 : i32
      %dma_wait3A_184 = tpu.memref_slice %arg6[%add3A_63, %dma_wait3A_183] : memref<10240x128xf32, #tpu.memory_space<vmem_shared>> -> memref<32x128xf32, #tpu.memory_space<vmem_shared>>
      %dma_wait3A_185 = arith.constant 0 : i32
      %dma_wait3A_186 = tpu.memref_slice %arg6[%add3A_63, %dma_wait3A_185] : memref<10240x128xf32, #tpu.memory_space<vmem_shared>> -> memref<32x128xf32, #tpu.memory_space<vmem_shared>>
      tpu.wait_dma2 semaphore(%run_scoped3A_178 : memref<!tpu.dma_semaphore, #tpu.memory_space<semaphore_mem>>) src(%arg12 : memref<32x128xf32, #tpu.memory_space<vmem>>) dst(%dma_wait3A_186 : memref<32x128xf32, #tpu.memory_space<vmem_shared>>)
      tpu.yield
    }) : () -> ()
    %mul3A_64 = arith.constant 640 : i32
    %mul3A_65 = arith.muli %arg1, %mul3A_64 : i32
    %add3A_66 = arith.constant 224 : i32
    %add3A_67 = arith.addi %mul3A_65, %add3A_66 : i32
    "tpu.region"() ({
      %run_scoped3A_178 = tpu.sem_alloc : memref<!tpu.dma_semaphore, #tpu.memory_space<semaphore_mem>>
      %dma_start3A_179 = arith.constant 0 : i32
      %dma_start3A_180 = tpu.memref_slice %arg6[%add3A_67, %dma_start3A_179] : memref<10240x128xf32, #tpu.memory_space<vmem_shared>> -> memref<32x128xf32, #tpu.memory_space<vmem_shared>>
      %dma_start3A_181 = arith.constant 0 : i32
      %dma_start3A_182 = tpu.memref_slice %arg6[%add3A_67, %dma_start3A_181] : memref<10240x128xf32, #tpu.memory_space<vmem_shared>> -> memref<32x128xf32, #tpu.memory_space<vmem_shared>>
      tpu.enqueue_dma source(%arg12 : memref<32x128xf32, #tpu.memory_space<vmem>>) target(%dma_start3A_182 : memref<32x128xf32, #tpu.memory_space<vmem_shared>>) target_semaphore(%run_scoped3A_178 : memref<!tpu.dma_semaphore, #tpu.memory_space<semaphore_mem>>)
      %dma_wait3A_183 = arith.constant 0 : i32
      %dma_wait3A_184 = tpu.memref_slice %arg6[%add3A_67, %dma_wait3A_183] : memref<10240x128xf32, #tpu.memory_space<vmem_shared>> -> memref<32x128xf32, #tpu.memory_space<vmem_shared>>
      %dma_wait3A_185 = arith.constant 0 : i32
      %dma_wait3A_186 = tpu.memref_slice %arg6[%add3A_67, %dma_wait3A_185] : memref<10240x128xf32, #tpu.memory_space<vmem_shared>> -> memref<32x128xf32, #tpu.memory_space<vmem_shared>>
      tpu.wait_dma2 semaphore(%run_scoped3A_178 : memref<!tpu.dma_semaphore, #tpu.memory_space<semaphore_mem>>) src(%arg12 : memref<32x128xf32, #tpu.memory_space<vmem>>) dst(%dma_wait3A_186 : memref<32x128xf32, #tpu.memory_space<vmem_shared>>)
      tpu.yield
    }) : () -> ()
    %mul3A_68 = arith.constant 640 : i32
    %mul3A_69 = arith.muli %arg1, %mul3A_68 : i32
    %add3A_70 = arith.constant 256 : i32
    %add3A_71 = arith.addi %mul3A_69, %add3A_70 : i32
    "tpu.region"() ({
      %run_scoped3A_178 = tpu.sem_alloc : memref<!tpu.dma_semaphore, #tpu.memory_space<semaphore_mem>>
      %dma_start3A_179 = arith.constant 0 : i32
      %dma_start3A_180 = tpu.memref_slice %arg6[%add3A_71, %dma_start3A_179] : memref<10240x128xf32, #tpu.memory_space<vmem_shared>> -> memref<32x128xf32, #tpu.memory_space<vmem_shared>>
      %dma_start3A_181 = arith.constant 0 : i32
      %dma_start3A_182 = tpu.memref_slice %arg6[%add3A_71, %dma_start3A_181] : memref<10240x128xf32, #tpu.memory_space<vmem_shared>> -> memref<32x128xf32, #tpu.memory_space<vmem_shared>>
      tpu.enqueue_dma source(%arg12 : memref<32x128xf32, #tpu.memory_space<vmem>>) target(%dma_start3A_182 : memref<32x128xf32, #tpu.memory_space<vmem_shared>>) target_semaphore(%run_scoped3A_178 : memref<!tpu.dma_semaphore, #tpu.memory_space<semaphore_mem>>)
      %dma_wait3A_183 = arith.constant 0 : i32
      %dma_wait3A_184 = tpu.memref_slice %arg6[%add3A_71, %dma_wait3A_183] : memref<10240x128xf32, #tpu.memory_space<vmem_shared>> -> memref<32x128xf32, #tpu.memory_space<vmem_shared>>
      %dma_wait3A_185 = arith.constant 0 : i32
      %dma_wait3A_186 = tpu.memref_slice %arg6[%add3A_71, %dma_wait3A_185] : memref<10240x128xf32, #tpu.memory_space<vmem_shared>> -> memref<32x128xf32, #tpu.memory_space<vmem_shared>>
      tpu.wait_dma2 semaphore(%run_scoped3A_178 : memref<!tpu.dma_semaphore, #tpu.memory_space<semaphore_mem>>) src(%arg12 : memref<32x128xf32, #tpu.memory_space<vmem>>) dst(%dma_wait3A_186 : memref<32x128xf32, #tpu.memory_space<vmem_shared>>)
      tpu.yield
    }) : () -> ()
    %mul3A_72 = arith.constant 640 : i32
    %mul3A_73 = arith.muli %arg1, %mul3A_72 : i32
    %add3A_74 = arith.constant 288 : i32
    %add3A_75 = arith.addi %mul3A_73, %add3A_74 : i32
    "tpu.region"() ({
      %run_scoped3A_178 = tpu.sem_alloc : memref<!tpu.dma_semaphore, #tpu.memory_space<semaphore_mem>>
      %dma_start3A_179 = arith.constant 0 : i32
      %dma_start3A_180 = tpu.memref_slice %arg6[%add3A_75, %dma_start3A_179] : memref<10240x128xf32, #tpu.memory_space<vmem_shared>> -> memref<32x128xf32, #tpu.memory_space<vmem_shared>>
      %dma_start3A_181 = arith.constant 0 : i32
      %dma_start3A_182 = tpu.memref_slice %arg6[%add3A_75, %dma_start3A_181] : memref<10240x128xf32, #tpu.memory_space<vmem_shared>> -> memref<32x128xf32, #tpu.memory_space<vmem_shared>>
      tpu.enqueue_dma source(%arg12 : memref<32x128xf32, #tpu.memory_space<vmem>>) target(%dma_start3A_182 : memref<32x128xf32, #tpu.memory_space<vmem_shared>>) target_semaphore(%run_scoped3A_178 : memref<!tpu.dma_semaphore, #tpu.memory_space<semaphore_mem>>)
      %dma_wait3A_183 = arith.constant 0 : i32
      %dma_wait3A_184 = tpu.memref_slice %arg6[%add3A_75, %dma_wait3A_183] : memref<10240x128xf32, #tpu.memory_space<vmem_shared>> -> memref<32x128xf32, #tpu.memory_space<vmem_shared>>
      %dma_wait3A_185 = arith.constant 0 : i32
      %dma_wait3A_186 = tpu.memref_slice %arg6[%add3A_75, %dma_wait3A_185] : memref<10240x128xf32, #tpu.memory_space<vmem_shared>> -> memref<32x128xf32, #tpu.memory_space<vmem_shared>>
      tpu.wait_dma2 semaphore(%run_scoped3A_178 : memref<!tpu.dma_semaphore, #tpu.memory_space<semaphore_mem>>) src(%arg12 : memref<32x128xf32, #tpu.memory_space<vmem>>) dst(%dma_wait3A_186 : memref<32x128xf32, #tpu.memory_space<vmem_shared>>)
      tpu.yield
    }) : () -> ()
    %mul3A_76 = arith.constant 640 : i32
    %mul3A_77 = arith.muli %arg1, %mul3A_76 : i32
    %add3A_78 = arith.constant 320 : i32
    %add3A_79 = arith.addi %mul3A_77, %add3A_78 : i32
    "tpu.region"() ({
      %run_scoped3A_178 = tpu.sem_alloc : memref<!tpu.dma_semaphore, #tpu.memory_space<semaphore_mem>>
      %dma_start3A_179 = arith.constant 0 : i32
      %dma_start3A_180 = tpu.memref_slice %arg6[%add3A_79, %dma_start3A_179] : memref<10240x128xf32, #tpu.memory_space<vmem_shared>> -> memref<32x128xf32, #tpu.memory_space<vmem_shared>>
      %dma_start3A_181 = arith.constant 0 : i32
      %dma_start3A_182 = tpu.memref_slice %arg6[%add3A_79, %dma_start3A_181] : memref<10240x128xf32, #tpu.memory_space<vmem_shared>> -> memref<32x128xf32, #tpu.memory_space<vmem_shared>>
      tpu.enqueue_dma source(%arg12 : memref<32x128xf32, #tpu.memory_space<vmem>>) target(%dma_start3A_182 : memref<32x128xf32, #tpu.memory_space<vmem_shared>>) target_semaphore(%run_scoped3A_178 : memref<!tpu.dma_semaphore, #tpu.memory_space<semaphore_mem>>)
      %dma_wait3A_183 = arith.constant 0 : i32
      %dma_wait3A_184 = tpu.memref_slice %arg6[%add3A_79, %dma_wait3A_183] : memref<10240x128xf32, #tpu.memory_space<vmem_shared>> -> memref<32x128xf32, #tpu.memory_space<vmem_shared>>
      %dma_wait3A_185 = arith.constant 0 : i32
      %dma_wait3A_186 = tpu.memref_slice %arg6[%add3A_79, %dma_wait3A_185] : memref<10240x128xf32, #tpu.memory_space<vmem_shared>> -> memref<32x128xf32, #tpu.memory_space<vmem_shared>>
      tpu.wait_dma2 semaphore(%run_scoped3A_178 : memref<!tpu.dma_semaphore, #tpu.memory_space<semaphore_mem>>) src(%arg12 : memref<32x128xf32, #tpu.memory_space<vmem>>) dst(%dma_wait3A_186 : memref<32x128xf32, #tpu.memory_space<vmem_shared>>)
      tpu.yield
    }) : () -> ()
    %mul3A_80 = arith.constant 640 : i32
    %mul3A_81 = arith.muli %arg1, %mul3A_80 : i32
    %add3A_82 = arith.constant 352 : i32
    %add3A_83 = arith.addi %mul3A_81, %add3A_82 : i32
    "tpu.region"() ({
      %run_scoped3A_178 = tpu.sem_alloc : memref<!tpu.dma_semaphore, #tpu.memory_space<semaphore_mem>>
      %dma_start3A_179 = arith.constant 0 : i32
      %dma_start3A_180 = tpu.memref_slice %arg6[%add3A_83, %dma_start3A_179] : memref<10240x128xf32, #tpu.memory_space<vmem_shared>> -> memref<32x128xf32, #tpu.memory_space<vmem_shared>>
      %dma_start3A_181 = arith.constant 0 : i32
      %dma_start3A_182 = tpu.memref_slice %arg6[%add3A_83, %dma_start3A_181] : memref<10240x128xf32, #tpu.memory_space<vmem_shared>> -> memref<32x128xf32, #tpu.memory_space<vmem_shared>>
      tpu.enqueue_dma source(%arg12 : memref<32x128xf32, #tpu.memory_space<vmem>>) target(%dma_start3A_182 : memref<32x128xf32, #tpu.memory_space<vmem_shared>>) target_semaphore(%run_scoped3A_178 : memref<!tpu.dma_semaphore, #tpu.memory_space<semaphore_mem>>)
      %dma_wait3A_183 = arith.constant 0 : i32
      %dma_wait3A_184 = tpu.memref_slice %arg6[%add3A_83, %dma_wait3A_183] : memref<10240x128xf32, #tpu.memory_space<vmem_shared>> -> memref<32x128xf32, #tpu.memory_space<vmem_shared>>
      %dma_wait3A_185 = arith.constant 0 : i32
      %dma_wait3A_186 = tpu.memref_slice %arg6[%add3A_83, %dma_wait3A_185] : memref<10240x128xf32, #tpu.memory_space<vmem_shared>> -> memref<32x128xf32, #tpu.memory_space<vmem_shared>>
      tpu.wait_dma2 semaphore(%run_scoped3A_178 : memref<!tpu.dma_semaphore, #tpu.memory_space<semaphore_mem>>) src(%arg12 : memref<32x128xf32, #tpu.memory_space<vmem>>) dst(%dma_wait3A_186 : memref<32x128xf32, #tpu.memory_space<vmem_shared>>)
      tpu.yield
    }) : () -> ()
    %mul3A_84 = arith.constant 640 : i32
    %mul3A_85 = arith.muli %arg1, %mul3A_84 : i32
    %add3A_86 = arith.constant 384 : i32
    %add3A_87 = arith.addi %mul3A_85, %add3A_86 : i32
    "tpu.region"() ({
      %run_scoped3A_178 = tpu.sem_alloc : memref<!tpu.dma_semaphore, #tpu.memory_space<semaphore_mem>>
      %dma_start3A_179 = arith.constant 0 : i32
      %dma_start3A_180 = tpu.memref_slice %arg6[%add3A_87, %dma_start3A_179] : memref<10240x128xf32, #tpu.memory_space<vmem_shared>> -> memref<32x128xf32, #tpu.memory_space<vmem_shared>>
      %dma_start3A_181 = arith.constant 0 : i32
      %dma_start3A_182 = tpu.memref_slice %arg6[%add3A_87, %dma_start3A_181] : memref<10240x128xf32, #tpu.memory_space<vmem_shared>> -> memref<32x128xf32, #tpu.memory_space<vmem_shared>>
      tpu.enqueue_dma source(%arg12 : memref<32x128xf32, #tpu.memory_space<vmem>>) target(%dma_start3A_182 : memref<32x128xf32, #tpu.memory_space<vmem_shared>>) target_semaphore(%run_scoped3A_178 : memref<!tpu.dma_semaphore, #tpu.memory_space<semaphore_mem>>)
      %dma_wait3A_183 = arith.constant 0 : i32
      %dma_wait3A_184 = tpu.memref_slice %arg6[%add3A_87, %dma_wait3A_183] : memref<10240x128xf32, #tpu.memory_space<vmem_shared>> -> memref<32x128xf32, #tpu.memory_space<vmem_shared>>
      %dma_wait3A_185 = arith.constant 0 : i32
      %dma_wait3A_186 = tpu.memref_slice %arg6[%add3A_87, %dma_wait3A_185] : memref<10240x128xf32, #tpu.memory_space<vmem_shared>> -> memref<32x128xf32, #tpu.memory_space<vmem_shared>>
      tpu.wait_dma2 semaphore(%run_scoped3A_178 : memref<!tpu.dma_semaphore, #tpu.memory_space<semaphore_mem>>) src(%arg12 : memref<32x128xf32, #tpu.memory_space<vmem>>) dst(%dma_wait3A_186 : memref<32x128xf32, #tpu.memory_space<vmem_shared>>)
      tpu.yield
    }) : () -> ()
    %mul3A_88 = arith.constant 640 : i32
    %mul3A_89 = arith.muli %arg1, %mul3A_88 : i32
    %add3A_90 = arith.constant 416 : i32
    %add3A_91 = arith.addi %mul3A_89, %add3A_90 : i32
    "tpu.region"() ({
      %run_scoped3A_178 = tpu.sem_alloc : memref<!tpu.dma_semaphore, #tpu.memory_space<semaphore_mem>>
      %dma_start3A_179 = arith.constant 0 : i32
      %dma_start3A_180 = tpu.memref_slice %arg6[%add3A_91, %dma_start3A_179] : memref<10240x128xf32, #tpu.memory_space<vmem_shared>> -> memref<32x128xf32, #tpu.memory_space<vmem_shared>>
      %dma_start3A_181 = arith.constant 0 : i32
      %dma_start3A_182 = tpu.memref_slice %arg6[%add3A_91, %dma_start3A_181] : memref<10240x128xf32, #tpu.memory_space<vmem_shared>> -> memref<32x128xf32, #tpu.memory_space<vmem_shared>>
      tpu.enqueue_dma source(%arg12 : memref<32x128xf32, #tpu.memory_space<vmem>>) target(%dma_start3A_182 : memref<32x128xf32, #tpu.memory_space<vmem_shared>>) target_semaphore(%run_scoped3A_178 : memref<!tpu.dma_semaphore, #tpu.memory_space<semaphore_mem>>)
      %dma_wait3A_183 = arith.constant 0 : i32
      %dma_wait3A_184 = tpu.memref_slice %arg6[%add3A_91, %dma_wait3A_183] : memref<10240x128xf32, #tpu.memory_space<vmem_shared>> -> memref<32x128xf32, #tpu.memory_space<vmem_shared>>
      %dma_wait3A_185 = arith.constant 0 : i32
      %dma_wait3A_186 = tpu.memref_slice %arg6[%add3A_91, %dma_wait3A_185] : memref<10240x128xf32, #tpu.memory_space<vmem_shared>> -> memref<32x128xf32, #tpu.memory_space<vmem_shared>>
      tpu.wait_dma2 semaphore(%run_scoped3A_178 : memref<!tpu.dma_semaphore, #tpu.memory_space<semaphore_mem>>) src(%arg12 : memref<32x128xf32, #tpu.memory_space<vmem>>) dst(%dma_wait3A_186 : memref<32x128xf32, #tpu.memory_space<vmem_shared>>)
      tpu.yield
    }) : () -> ()
    %mul3A_92 = arith.constant 640 : i32
    %mul3A_93 = arith.muli %arg1, %mul3A_92 : i32
    %add3A_94 = arith.constant 448 : i32
    %add3A_95 = arith.addi %mul3A_93, %add3A_94 : i32
    "tpu.region"() ({
      %run_scoped3A_178 = tpu.sem_alloc : memref<!tpu.dma_semaphore, #tpu.memory_space<semaphore_mem>>
      %dma_start3A_179 = arith.constant 0 : i32
      %dma_start3A_180 = tpu.memref_slice %arg6[%add3A_95, %dma_start3A_179] : memref<10240x128xf32, #tpu.memory_space<vmem_shared>> -> memref<32x128xf32, #tpu.memory_space<vmem_shared>>
      %dma_start3A_181 = arith.constant 0 : i32
      %dma_start3A_182 = tpu.memref_slice %arg6[%add3A_95, %dma_start3A_181] : memref<10240x128xf32, #tpu.memory_space<vmem_shared>> -> memref<32x128xf32, #tpu.memory_space<vmem_shared>>
      tpu.enqueue_dma source(%arg12 : memref<32x128xf32, #tpu.memory_space<vmem>>) target(%dma_start3A_182 : memref<32x128xf32, #tpu.memory_space<vmem_shared>>) target_semaphore(%run_scoped3A_178 : memref<!tpu.dma_semaphore, #tpu.memory_space<semaphore_mem>>)
      %dma_wait3A_183 = arith.constant 0 : i32
      %dma_wait3A_184 = tpu.memref_slice %arg6[%add3A_95, %dma_wait3A_183] : memref<10240x128xf32, #tpu.memory_space<vmem_shared>> -> memref<32x128xf32, #tpu.memory_space<vmem_shared>>
      %dma_wait3A_185 = arith.constant 0 : i32
      %dma_wait3A_186 = tpu.memref_slice %arg6[%add3A_95, %dma_wait3A_185] : memref<10240x128xf32, #tpu.memory_space<vmem_shared>> -> memref<32x128xf32, #tpu.memory_space<vmem_shared>>
      tpu.wait_dma2 semaphore(%run_scoped3A_178 : memref<!tpu.dma_semaphore, #tpu.memory_space<semaphore_mem>>) src(%arg12 : memref<32x128xf32, #tpu.memory_space<vmem>>) dst(%dma_wait3A_186 : memref<32x128xf32, #tpu.memory_space<vmem_shared>>)
      tpu.yield
    }) : () -> ()
    %mul3A_96 = arith.constant 640 : i32
    %mul3A_97 = arith.muli %arg1, %mul3A_96 : i32
    %add3A_98 = arith.constant 480 : i32
    %add3A_99 = arith.addi %mul3A_97, %add3A_98 : i32
    "tpu.region"() ({
      %run_scoped3A_178 = tpu.sem_alloc : memref<!tpu.dma_semaphore, #tpu.memory_space<semaphore_mem>>
      %dma_start3A_179 = arith.constant 0 : i32
      %dma_start3A_180 = tpu.memref_slice %arg6[%add3A_99, %dma_start3A_179] : memref<10240x128xf32, #tpu.memory_space<vmem_shared>> -> memref<32x128xf32, #tpu.memory_space<vmem_shared>>
      %dma_start3A_181 = arith.constant 0 : i32
      %dma_start3A_182 = tpu.memref_slice %arg6[%add3A_99, %dma_start3A_181] : memref<10240x128xf32, #tpu.memory_space<vmem_shared>> -> memref<32x128xf32, #tpu.memory_space<vmem_shared>>
      tpu.enqueue_dma source(%arg12 : memref<32x128xf32, #tpu.memory_space<vmem>>) target(%dma_start3A_182 : memref<32x128xf32, #tpu.memory_space<vmem_shared>>) target_semaphore(%run_scoped3A_178 : memref<!tpu.dma_semaphore, #tpu.memory_space<semaphore_mem>>)
      %dma_wait3A_183 = arith.constant 0 : i32
      %dma_wait3A_184 = tpu.memref_slice %arg6[%add3A_99, %dma_wait3A_183] : memref<10240x128xf32, #tpu.memory_space<vmem_shared>> -> memref<32x128xf32, #tpu.memory_space<vmem_shared>>
      %dma_wait3A_185 = arith.constant 0 : i32
      %dma_wait3A_186 = tpu.memref_slice %arg6[%add3A_99, %dma_wait3A_185] : memref<10240x128xf32, #tpu.memory_space<vmem_shared>> -> memref<32x128xf32, #tpu.memory_space<vmem_shared>>
      tpu.wait_dma2 semaphore(%run_scoped3A_178 : memref<!tpu.dma_semaphore, #tpu.memory_space<semaphore_mem>>) src(%arg12 : memref<32x128xf32, #tpu.memory_space<vmem>>) dst(%dma_wait3A_186 : memref<32x128xf32, #tpu.memory_space<vmem_shared>>)
      tpu.yield
    }) : () -> ()
    %mul3A_100 = arith.constant 640 : i32
    %mul3A_101 = arith.muli %arg1, %mul3A_100 : i32
    %add3A_102 = arith.constant 512 : i32
    %add3A_103 = arith.addi %mul3A_101, %add3A_102 : i32
    "tpu.region"() ({
      %run_scoped3A_178 = tpu.sem_alloc : memref<!tpu.dma_semaphore, #tpu.memory_space<semaphore_mem>>
      %dma_start3A_179 = arith.constant 0 : i32
      %dma_start3A_180 = tpu.memref_slice %arg6[%add3A_103, %dma_start3A_179] : memref<10240x128xf32, #tpu.memory_space<vmem_shared>> -> memref<32x128xf32, #tpu.memory_space<vmem_shared>>
      %dma_start3A_181 = arith.constant 0 : i32
      %dma_start3A_182 = tpu.memref_slice %arg6[%add3A_103, %dma_start3A_181] : memref<10240x128xf32, #tpu.memory_space<vmem_shared>> -> memref<32x128xf32, #tpu.memory_space<vmem_shared>>
      tpu.enqueue_dma source(%arg12 : memref<32x128xf32, #tpu.memory_space<vmem>>) target(%dma_start3A_182 : memref<32x128xf32, #tpu.memory_space<vmem_shared>>) target_semaphore(%run_scoped3A_178 : memref<!tpu.dma_semaphore, #tpu.memory_space<semaphore_mem>>)
      %dma_wait3A_183 = arith.constant 0 : i32
      %dma_wait3A_184 = tpu.memref_slice %arg6[%add3A_103, %dma_wait3A_183] : memref<10240x128xf32, #tpu.memory_space<vmem_shared>> -> memref<32x128xf32, #tpu.memory_space<vmem_shared>>
      %dma_wait3A_185 = arith.constant 0 : i32
      %dma_wait3A_186 = tpu.memref_slice %arg6[%add3A_103, %dma_wait3A_185] : memref<10240x128xf32, #tpu.memory_space<vmem_shared>> -> memref<32x128xf32, #tpu.memory_space<vmem_shared>>
      tpu.wait_dma2 semaphore(%run_scoped3A_178 : memref<!tpu.dma_semaphore, #tpu.memory_space<semaphore_mem>>) src(%arg12 : memref<32x128xf32, #tpu.memory_space<vmem>>) dst(%dma_wait3A_186 : memref<32x128xf32, #tpu.memory_space<vmem_shared>>)
      tpu.yield
    }) : () -> ()
    %mul3A_104 = arith.constant 640 : i32
    %mul3A_105 = arith.muli %arg1, %mul3A_104 : i32
    %add3A_106 = arith.constant 544 : i32
    %add3A_107 = arith.addi %mul3A_105, %add3A_106 : i32
    "tpu.region"() ({
      %run_scoped3A_178 = tpu.sem_alloc : memref<!tpu.dma_semaphore, #tpu.memory_space<semaphore_mem>>
      %dma_start3A_179 = arith.constant 0 : i32
      %dma_start3A_180 = tpu.memref_slice %arg6[%add3A_107, %dma_start3A_179] : memref<10240x128xf32, #tpu.memory_space<vmem_shared>> -> memref<32x128xf32, #tpu.memory_space<vmem_shared>>
      %dma_start3A_181 = arith.constant 0 : i32
      %dma_start3A_182 = tpu.memref_slice %arg6[%add3A_107, %dma_start3A_181] : memref<10240x128xf32, #tpu.memory_space<vmem_shared>> -> memref<32x128xf32, #tpu.memory_space<vmem_shared>>
      tpu.enqueue_dma source(%arg12 : memref<32x128xf32, #tpu.memory_space<vmem>>) target(%dma_start3A_182 : memref<32x128xf32, #tpu.memory_space<vmem_shared>>) target_semaphore(%run_scoped3A_178 : memref<!tpu.dma_semaphore, #tpu.memory_space<semaphore_mem>>)
      %dma_wait3A_183 = arith.constant 0 : i32
      %dma_wait3A_184 = tpu.memref_slice %arg6[%add3A_107, %dma_wait3A_183] : memref<10240x128xf32, #tpu.memory_space<vmem_shared>> -> memref<32x128xf32, #tpu.memory_space<vmem_shared>>
      %dma_wait3A_185 = arith.constant 0 : i32
      %dma_wait3A_186 = tpu.memref_slice %arg6[%add3A_107, %dma_wait3A_185] : memref<10240x128xf32, #tpu.memory_space<vmem_shared>> -> memref<32x128xf32, #tpu.memory_space<vmem_shared>>
      tpu.wait_dma2 semaphore(%run_scoped3A_178 : memref<!tpu.dma_semaphore, #tpu.memory_space<semaphore_mem>>) src(%arg12 : memref<32x128xf32, #tpu.memory_space<vmem>>) dst(%dma_wait3A_186 : memref<32x128xf32, #tpu.memory_space<vmem_shared>>)
      tpu.yield
    }) : () -> ()
    %mul3A_108 = arith.constant 640 : i32
    %mul3A_109 = arith.muli %arg1, %mul3A_108 : i32
    %add3A_110 = arith.constant 576 : i32
    %add3A_111 = arith.addi %mul3A_109, %add3A_110 : i32
    "tpu.region"() ({
      %run_scoped3A_178 = tpu.sem_alloc : memref<!tpu.dma_semaphore, #tpu.memory_space<semaphore_mem>>
      %dma_start3A_179 = arith.constant 0 : i32
      %dma_start3A_180 = tpu.memref_slice %arg6[%add3A_111, %dma_start3A_179] : memref<10240x128xf32, #tpu.memory_space<vmem_shared>> -> memref<32x128xf32, #tpu.memory_space<vmem_shared>>
      %dma_start3A_181 = arith.constant 0 : i32
      %dma_start3A_182 = tpu.memref_slice %arg6[%add3A_111, %dma_start3A_181] : memref<10240x128xf32, #tpu.memory_space<vmem_shared>> -> memref<32x128xf32, #tpu.memory_space<vmem_shared>>
      tpu.enqueue_dma source(%arg12 : memref<32x128xf32, #tpu.memory_space<vmem>>) target(%dma_start3A_182 : memref<32x128xf32, #tpu.memory_space<vmem_shared>>) target_semaphore(%run_scoped3A_178 : memref<!tpu.dma_semaphore, #tpu.memory_space<semaphore_mem>>)
      %dma_wait3A_183 = arith.constant 0 : i32
      %dma_wait3A_184 = tpu.memref_slice %arg6[%add3A_111, %dma_wait3A_183] : memref<10240x128xf32, #tpu.memory_space<vmem_shared>> -> memref<32x128xf32, #tpu.memory_space<vmem_shared>>
      %dma_wait3A_185 = arith.constant 0 : i32
      %dma_wait3A_186 = tpu.memref_slice %arg6[%add3A_111, %dma_wait3A_185] : memref<10240x128xf32, #tpu.memory_space<vmem_shared>> -> memref<32x128xf32, #tpu.memory_space<vmem_shared>>
      tpu.wait_dma2 semaphore(%run_scoped3A_178 : memref<!tpu.dma_semaphore, #tpu.memory_space<semaphore_mem>>) src(%arg12 : memref<32x128xf32, #tpu.memory_space<vmem>>) dst(%dma_wait3A_186 : memref<32x128xf32, #tpu.memory_space<vmem_shared>>)
      tpu.yield
    }) : () -> ()
    %mul3A_112 = arith.constant 640 : i32
    %mul3A_113 = arith.muli %arg1, %mul3A_112 : i32
    %add3A_114 = arith.constant 608 : i32
    %add3A_115 = arith.addi %mul3A_113, %add3A_114 : i32
    "tpu.region"() ({
      %run_scoped3A_178 = tpu.sem_alloc : memref<!tpu.dma_semaphore, #tpu.memory_space<semaphore_mem>>
      %dma_start3A_179 = arith.constant 0 : i32
      %dma_start3A_180 = tpu.memref_slice %arg6[%add3A_115, %dma_start3A_179] : memref<10240x128xf32, #tpu.memory_space<vmem_shared>> -> memref<32x128xf32, #tpu.memory_space<vmem_shared>>
      %dma_start3A_181 = arith.constant 0 : i32
      %dma_start3A_182 = tpu.memref_slice %arg6[%add3A_115, %dma_start3A_181] : memref<10240x128xf32, #tpu.memory_space<vmem_shared>> -> memref<32x128xf32, #tpu.memory_space<vmem_shared>>
      tpu.enqueue_dma source(%arg12 : memref<32x128xf32, #tpu.memory_space<vmem>>) target(%dma_start3A_182 : memref<32x128xf32, #tpu.memory_space<vmem_shared>>) target_semaphore(%run_scoped3A_178 : memref<!tpu.dma_semaphore, #tpu.memory_space<semaphore_mem>>)
      %dma_wait3A_183 = arith.constant 0 : i32
      %dma_wait3A_184 = tpu.memref_slice %arg6[%add3A_115, %dma_wait3A_183] : memref<10240x128xf32, #tpu.memory_space<vmem_shared>> -> memref<32x128xf32, #tpu.memory_space<vmem_shared>>
      %dma_wait3A_185 = arith.constant 0 : i32
      %dma_wait3A_186 = tpu.memref_slice %arg6[%add3A_115, %dma_wait3A_185] : memref<10240x128xf32, #tpu.memory_space<vmem_shared>> -> memref<32x128xf32, #tpu.memory_space<vmem_shared>>
      tpu.wait_dma2 semaphore(%run_scoped3A_178 : memref<!tpu.dma_semaphore, #tpu.memory_space<semaphore_mem>>) src(%arg12 : memref<32x128xf32, #tpu.memory_space<vmem>>) dst(%dma_wait3A_186 : memref<32x128xf32, #tpu.memory_space<vmem_shared>>)
      tpu.yield
    }) : () -> ()
    %barrier3A = arith.constant 0 : index
    tpu.barrier barrier_id(%barrier3A)
    %scan3A_116 = arith.constant 0 : i32
    %scan3A_117 = arith.constant 0 : i32
    %scan3A_118 = arith.constant 39 : i32
    %scan3A_119 = arith.addi %scan3A_117, %scan3A_118 : i32
    %scan3A_120 = arith.constant 1 : i32
    %scan3A_121 = scf.for %scan3A_178 = %scan3A_117 to %scan3A_119 step %scan3A_120 iter_args(%scan3A_179 = %scan3A_116) -> (i32)  : i32 {
      %mul3A_180 = arith.constant 2 : i32
      %mul3A_181 = arith.muli %mul3A_180, %scan3A_178 : i32
      %add3A_182 = arith.constant 1 : i32
      %add3A_183 = arith.addi %mul3A_181, %add3A_182 : i32
      %dma_wait3A_184 = arith.constant 0 : i32
      %dma_wait3A_185 = tpu.memref_slice %arg7[%mul3A_181, %dma_wait3A_184] : memref<79x128xi32, #tpu.memory_space<vmem>> -> memref<1x128xi32, #tpu.memory_space<vmem>>
      %dma_wait3A_186 = tpu.memref_squeeze %dma_wait3A_185 : memref<1x128xi32, #tpu.memory_space<vmem>> -> memref<128xi32, #tpu.memory_space<vmem>>
      %dma_wait3A_187 = arith.constant 0 : i32
      %dma_wait3A_188 = arith.constant 0 : i32
      %dma_wait3A_189 = tpu.memref_slice %arg2[%dma_wait3A_187, %dma_wait3A_188] : memref<10000x128xf32, #tpu.memory_space<hbm>> -> memref<10000x128xf32, #tpu.memory_space<hbm>>
      tpu.wait_indirect_dma semaphore(%arg13 : memref<!tpu.dma_semaphore, #tpu.memory_space<semaphore_mem>>) src(%dma_wait3A_189 : memref<10000x128xf32, #tpu.memory_space<hbm>>) dst(%arg10 : memref<128x128xf32, #tpu.memory_space<vmem>>)
      %dma_wait3A_190 = arith.constant 0 : i32
      %dma_wait3A_191 = tpu.memref_slice %arg4[%add3A, %mul3A_181, %dma_wait3A_190] : memref<32x79x128xi32, #tpu.memory_space<hbm>> -> memref<1x1x128xi32, #tpu.memory_space<hbm>>
      %dma_wait3A_192 = tpu.memref_squeeze %dma_wait3A_191 : memref<1x1x128xi32, #tpu.memory_space<hbm>> -> memref<1x128xi32, #tpu.memory_space<hbm>>
      %dma_wait3A_193 = arith.constant 0 : i32
      %dma_wait3A_194 = tpu.memref_slice %arg4[%add3A, %mul3A_181, %dma_wait3A_193] : memref<32x79x128xi32, #tpu.memory_space<hbm>> -> memref<1x1x128xi32, #tpu.memory_space<hbm>>
      %dma_wait3A_195 = tpu.memref_squeeze %dma_wait3A_194 : memref<1x1x128xi32, #tpu.memory_space<hbm>> -> memref<1x128xi32, #tpu.memory_space<hbm>>
      tpu.wait_dma2 semaphore(%arg15 : memref<!tpu.dma_semaphore, #tpu.memory_space<semaphore_mem>>) src(%dma_wait3A_195 : memref<1x128xi32, #tpu.memory_space<hbm>>) dst(%arg8 : memref<1x128xi32, #tpu.memory_space<vmem>>)
      %run_scoped3A_196 = arith.constant 0 : i32
      "tpu.region"() ({
        %run_scoped3A_229 = tpu.sem_alloc : memref<!tpu.dma_semaphore, #tpu.memory_space<semaphore_mem>>
        %dma_start3A_230 = arith.constant 0 : i32
        %dma_start3A_231 = tpu.memref_slice %arg8[%run_scoped3A_196, %dma_start3A_230] : memref<1x128xi32, #tpu.memory_space<vmem>> -> memref<1x128xi32, #tpu.memory_space<vmem>>
        %dma_start3A_232 = tpu.memref_squeeze %dma_start3A_231 : memref<1x128xi32, #tpu.memory_space<vmem>> -> memref<128xi32, #tpu.memory_space<vmem>>
        %dma_start3A_233 = arith.constant 0 : i32
        %dma_start3A_234 = arith.constant 0 : i32
        %dma_start3A_235 = tpu.memref_slice %arg6[%dma_start3A_233, %dma_start3A_234] : memref<10240x128xf32, #tpu.memory_space<vmem_shared>> -> memref<10240x128xf32, #tpu.memory_space<vmem_shared>>
        tpu.enqueue_indirect_dma source(%arg10 : memref<128x128xf32, #tpu.memory_space<vmem>>) target(%dma_start3A_235 : memref<10240x128xf32, #tpu.memory_space<vmem_shared>>) offsets(%dma_start3A_232 : memref<128xi32, #tpu.memory_space<vmem>>) semaphore(%run_scoped3A_229 : memref<!tpu.dma_semaphore, #tpu.memory_space<semaphore_mem>>) {add = true}
        %dma_wait3A_236 = arith.constant 0 : i32
        %dma_wait3A_237 = tpu.memref_slice %arg8[%run_scoped3A_196, %dma_wait3A_236] : memref<1x128xi32, #tpu.memory_space<vmem>> -> memref<1x128xi32, #tpu.memory_space<vmem>>
        %dma_wait3A_238 = tpu.memref_squeeze %dma_wait3A_237 : memref<1x128xi32, #tpu.memory_space<vmem>> -> memref<128xi32, #tpu.memory_space<vmem>>
        %dma_wait3A_239 = arith.constant 0 : i32
        %dma_wait3A_240 = arith.constant 0 : i32
        %dma_wait3A_241 = tpu.memref_slice %arg6[%dma_wait3A_239, %dma_wait3A_240] : memref<10240x128xf32, #tpu.memory_space<vmem_shared>> -> memref<10240x128xf32, #tpu.memory_space<vmem_shared>>
        tpu.wait_indirect_dma semaphore(%run_scoped3A_229 : memref<!tpu.dma_semaphore, #tpu.memory_space<semaphore_mem>>) src(%arg10 : memref<128x128xf32, #tpu.memory_space<vmem>>) dst(%dma_wait3A_241 : memref<10240x128xf32, #tpu.memory_space<vmem_shared>>)
        tpu.yield
      }) : () -> ()
      %add3A_197 = arith.constant 2 : i32
      %add3A_198 = arith.addi %mul3A_181, %add3A_197 : i32
      %dma_start3A_199 = arith.constant 0 : i32
      %dma_start3A_200 = tpu.memref_slice %arg4[%add3A, %add3A_198, %dma_start3A_199] : memref<32x79x128xi32, #tpu.memory_space<hbm>> -> memref<1x1x128xi32, #tpu.memory_space<hbm>>
      %dma_start3A_201 = tpu.memref_squeeze %dma_start3A_200 : memref<1x1x128xi32, #tpu.memory_space<hbm>> -> memref<1x128xi32, #tpu.memory_space<hbm>>
      %dma_start3A_202 = arith.constant 0 : i32
      %dma_start3A_203 = tpu.memref_slice %arg4[%add3A, %add3A_198, %dma_start3A_202] : memref<32x79x128xi32, #tpu.memory_space<hbm>> -> memref<1x1x128xi32, #tpu.memory_space<hbm>>
      %dma_start3A_204 = tpu.memref_squeeze %dma_start3A_203 : memref<1x1x128xi32, #tpu.memory_space<hbm>> -> memref<1x128xi32, #tpu.memory_space<hbm>>
      tpu.enqueue_dma source(%dma_start3A_204 : memref<1x128xi32, #tpu.memory_space<hbm>>) target(%arg8 : memref<1x128xi32, #tpu.memory_space<vmem>>) target_semaphore(%arg15 : memref<!tpu.dma_semaphore, #tpu.memory_space<semaphore_mem>>)
      %add3A_205 = arith.constant 2 : i32
      %add3A_206 = arith.addi %mul3A_181, %add3A_205 : i32
      %dma_start3A_207 = arith.constant 0 : i32
      %dma_start3A_208 = tpu.memref_slice %arg7[%add3A_206, %dma_start3A_207] : memref<79x128xi32, #tpu.memory_space<vmem>> -> memref<1x128xi32, #tpu.memory_space<vmem>>
      %dma_start3A_209 = tpu.memref_squeeze %dma_start3A_208 : memref<1x128xi32, #tpu.memory_space<vmem>> -> memref<128xi32, #tpu.memory_space<vmem>>
      %dma_start3A_210 = arith.constant 0 : i32
      %dma_start3A_211 = arith.constant 0 : i32
      %dma_start3A_212 = tpu.memref_slice %arg2[%dma_start3A_210, %dma_start3A_211] : memref<10000x128xf32, #tpu.memory_space<hbm>> -> memref<10000x128xf32, #tpu.memory_space<hbm>>
      tpu.enqueue_indirect_dma source(%dma_start3A_212 : memref<10000x128xf32, #tpu.memory_space<hbm>>) target(%arg10 : memref<128x128xf32, #tpu.memory_space<vmem>>) offsets(%dma_start3A_209 : memref<128xi32, #tpu.memory_space<vmem>>) semaphore(%arg13 : memref<!tpu.dma_semaphore, #tpu.memory_space<semaphore_mem>>)
      %dma_wait3A_213 = arith.constant 0 : i32
      %dma_wait3A_214 = tpu.memref_slice %arg7[%add3A_183, %dma_wait3A_213] : memref<79x128xi32, #tpu.memory_space<vmem>> -> memref<1x128xi32, #tpu.memory_space<vmem>>
      %dma_wait3A_215 = tpu.memref_squeeze %dma_wait3A_214 : memref<1x128xi32, #tpu.memory_space<vmem>> -> memref<128xi32, #tpu.memory_space<vmem>>
      %dma_wait3A_216 = arith.constant 0 : i32
      %dma_wait3A_217 = arith.constant 0 : i32
      %dma_wait3A_218 = tpu.memref_slice %arg2[%dma_wait3A_216, %dma_wait3A_217] : memref<10000x128xf32, #tpu.memory_space<hbm>> -> memref<10000x128xf32, #tpu.memory_space<hbm>>
      tpu.wait_indirect_dma semaphore(%arg14 : memref<!tpu.dma_semaphore, #tpu.memory_space<semaphore_mem>>) src(%dma_wait3A_218 : memref<10000x128xf32, #tpu.memory_space<hbm>>) dst(%arg11 : memref<128x128xf32, #tpu.memory_space<vmem>>)
      %dma_wait3A_219 = arith.constant 0 : i32
      %dma_wait3A_220 = tpu.memref_slice %arg4[%add3A, %add3A_183, %dma_wait3A_219] : memref<32x79x128xi32, #tpu.memory_space<hbm>> -> memref<1x1x128xi32, #tpu.memory_space<hbm>>
      %dma_wait3A_221 = tpu.memref_squeeze %dma_wait3A_220 : memref<1x1x128xi32, #tpu.memory_space<hbm>> -> memref<1x128xi32, #tpu.memory_space<hbm>>
      %dma_wait3A_222 = arith.constant 0 : i32
      %dma_wait3A_223 = tpu.memref_slice %arg4[%add3A, %add3A_183, %dma_wait3A_222] : memref<32x79x128xi32, #tpu.memory_space<hbm>> -> memref<1x1x128xi32, #tpu.memory_space<hbm>>
      %dma_wait3A_224 = tpu.memref_squeeze %dma_wait3A_223 : memref<1x1x128xi32, #tpu.memory_space<hbm>> -> memref<1x128xi32, #tpu.memory_space<hbm>>
      tpu.wait_dma2 semaphore(%arg16 : memref<!tpu.dma_semaphore, #tpu.memory_space<semaphore_mem>>) src(%dma_wait3A_224 : memref<1x128xi32, #tpu.memory_space<hbm>>) dst(%arg9 : memref<1x128xi32, #tpu.memory_space<vmem>>)
      %run_scoped3A_225 = arith.constant 0 : i32
      "tpu.region"() ({
        %run_scoped3A_229 = tpu.sem_alloc : memref<!tpu.dma_semaphore, #tpu.memory_space<semaphore_mem>>
        %dma_start3A_230 = arith.constant 0 : i32
        %dma_start3A_231 = tpu.memref_slice %arg9[%run_scoped3A_225, %dma_start3A_230] : memref<1x128xi32, #tpu.memory_space<vmem>> -> memref<1x128xi32, #tpu.memory_space<vmem>>
        %dma_start3A_232 = tpu.memref_squeeze %dma_start3A_231 : memref<1x128xi32, #tpu.memory_space<vmem>> -> memref<128xi32, #tpu.memory_space<vmem>>
        %dma_start3A_233 = arith.constant 0 : i32
        %dma_start3A_234 = arith.constant 0 : i32
        %dma_start3A_235 = tpu.memref_slice %arg6[%dma_start3A_233, %dma_start3A_234] : memref<10240x128xf32, #tpu.memory_space<vmem_shared>> -> memref<10240x128xf32, #tpu.memory_space<vmem_shared>>
        tpu.enqueue_indirect_dma source(%arg11 : memref<128x128xf32, #tpu.memory_space<vmem>>) target(%dma_start3A_235 : memref<10240x128xf32, #tpu.memory_space<vmem_shared>>) offsets(%dma_start3A_232 : memref<128xi32, #tpu.memory_space<vmem>>) semaphore(%run_scoped3A_229 : memref<!tpu.dma_semaphore, #tpu.memory_space<semaphore_mem>>) {add = true}
        %dma_wait3A_236 = arith.constant 0 : i32
        %dma_wait3A_237 = tpu.memref_slice %arg9[%run_scoped3A_225, %dma_wait3A_236] : memref<1x128xi32, #tpu.memory_space<vmem>> -> memref<1x128xi32, #tpu.memory_space<vmem>>
        %dma_wait3A_238 = tpu.memref_squeeze %dma_wait3A_237 : memref<1x128xi32, #tpu.memory_space<vmem>> -> memref<128xi32, #tpu.memory_space<vmem>>
        %dma_wait3A_239 = arith.constant 0 : i32
        %dma_wait3A_240 = arith.constant 0 : i32
        %dma_wait3A_241 = tpu.memref_slice %arg6[%dma_wait3A_239, %dma_wait3A_240] : memref<10240x128xf32, #tpu.memory_space<vmem_shared>> -> memref<10240x128xf32, #tpu.memory_space<vmem_shared>>
        tpu.wait_indirect_dma semaphore(%run_scoped3A_229 : memref<!tpu.dma_semaphore, #tpu.memory_space<semaphore_mem>>) src(%arg11 : memref<128x128xf32, #tpu.memory_space<vmem>>) dst(%dma_wait3A_241 : memref<10240x128xf32, #tpu.memory_space<vmem_shared>>)
        tpu.yield
      }) : () -> ()
      %lt3A = arith.constant 38 : i32
      %lt3A_226 = arith.cmpi slt, %scan3A_178, %lt3A : i32
      %convert_element_type3A = arith.extui %lt3A_226 : i1 to i32
      %cond3A = arith.constant 0 : i32
      %cond3A_227 = arith.cmpi ne, %convert_element_type3A, %cond3A : i32
      scf.if %cond3A_227 {
        %add3A_229 = arith.constant 2 : i32
        %add3A_230 = arith.addi %add3A_183, %add3A_229 : i32
        %dma_start3A_231 = arith.constant 0 : i32
        %dma_start3A_232 = tpu.memref_slice %arg4[%add3A, %add3A_230, %dma_start3A_231] : memref<32x79x128xi32, #tpu.memory_space<hbm>> -> memref<1x1x128xi32, #tpu.memory_space<hbm>>
        %dma_start3A_233 = tpu.memref_squeeze %dma_start3A_232 : memref<1x1x128xi32, #tpu.memory_space<hbm>> -> memref<1x128xi32, #tpu.memory_space<hbm>>
        %dma_start3A_234 = arith.constant 0 : i32
        %dma_start3A_235 = tpu.memref_slice %arg4[%add3A, %add3A_230, %dma_start3A_234] : memref<32x79x128xi32, #tpu.memory_space<hbm>> -> memref<1x1x128xi32, #tpu.memory_space<hbm>>
        %dma_start3A_236 = tpu.memref_squeeze %dma_start3A_235 : memref<1x1x128xi32, #tpu.memory_space<hbm>> -> memref<1x128xi32, #tpu.memory_space<hbm>>
        tpu.enqueue_dma source(%dma_start3A_236 : memref<1x128xi32, #tpu.memory_space<hbm>>) target(%arg9 : memref<1x128xi32, #tpu.memory_space<vmem>>) target_semaphore(%arg16 : memref<!tpu.dma_semaphore, #tpu.memory_space<semaphore_mem>>)
        %add3A_237 = arith.constant 2 : i32
        %add3A_238 = arith.addi %add3A_183, %add3A_237 : i32
        %dma_start3A_239 = arith.constant 0 : i32
        %dma_start3A_240 = tpu.memref_slice %arg7[%add3A_238, %dma_start3A_239] : memref<79x128xi32, #tpu.memory_space<vmem>> -> memref<1x128xi32, #tpu.memory_space<vmem>>
        %dma_start3A_241 = tpu.memref_squeeze %dma_start3A_240 : memref<1x128xi32, #tpu.memory_space<vmem>> -> memref<128xi32, #tpu.memory_space<vmem>>
        %dma_start3A_242 = arith.constant 0 : i32
        %dma_start3A_243 = arith.constant 0 : i32
        %dma_start3A_244 = tpu.memref_slice %arg2[%dma_start3A_242, %dma_start3A_243] : memref<10000x128xf32, #tpu.memory_space<hbm>> -> memref<10000x128xf32, #tpu.memory_space<hbm>>
        tpu.enqueue_indirect_dma source(%dma_start3A_244 : memref<10000x128xf32, #tpu.memory_space<hbm>>) target(%arg11 : memref<128x128xf32, #tpu.memory_space<vmem>>) offsets(%dma_start3A_241 : memref<128xi32, #tpu.memory_space<vmem>>) semaphore(%arg14 : memref<!tpu.dma_semaphore, #tpu.memory_space<semaphore_mem>>)
      } else {
      }
      %scan3A_228 = arith.constant 0 : i32
      scf.yield %scan3A_228 : i32
    }
    %scan3A_122 = arith.constant 39 : i32
    %dma_wait3A = arith.constant 78 : i32
    %dma_wait3A_123 = arith.constant 0 : i32
    %dma_wait3A_124 = tpu.memref_slice %arg7[%dma_wait3A, %dma_wait3A_123] : memref<79x128xi32, #tpu.memory_space<vmem>> -> memref<1x128xi32, #tpu.memory_space<vmem>>
    %dma_wait3A_125 = tpu.memref_squeeze %dma_wait3A_124 : memref<1x128xi32, #tpu.memory_space<vmem>> -> memref<128xi32, #tpu.memory_space<vmem>>
    %dma_wait3A_126 = arith.constant 0 : i32
    %dma_wait3A_127 = arith.constant 0 : i32
    %dma_wait3A_128 = tpu.memref_slice %arg2[%dma_wait3A_126, %dma_wait3A_127] : memref<10000x128xf32, #tpu.memory_space<hbm>> -> memref<10000x128xf32, #tpu.memory_space<hbm>>
    tpu.wait_indirect_dma semaphore(%arg13 : memref<!tpu.dma_semaphore, #tpu.memory_space<semaphore_mem>>) src(%dma_wait3A_128 : memref<10000x128xf32, #tpu.memory_space<hbm>>) dst(%arg10 : memref<128x128xf32, #tpu.memory_space<vmem>>)
    %dma_wait3A_129 = arith.constant 78 : i32
    %dma_wait3A_130 = arith.constant 0 : i32
    %dma_wait3A_131 = tpu.memref_slice %arg4[%add3A, %dma_wait3A_129, %dma_wait3A_130] : memref<32x79x128xi32, #tpu.memory_space<hbm>> -> memref<1x1x128xi32, #tpu.memory_space<hbm>>
    %dma_wait3A_132 = tpu.memref_squeeze %dma_wait3A_131 : memref<1x1x128xi32, #tpu.memory_space<hbm>> -> memref<1x128xi32, #tpu.memory_space<hbm>>
    %dma_wait3A_133 = arith.constant 78 : i32
    %dma_wait3A_134 = arith.constant 0 : i32
    %dma_wait3A_135 = tpu.memref_slice %arg4[%add3A, %dma_wait3A_133, %dma_wait3A_134] : memref<32x79x128xi32, #tpu.memory_space<hbm>> -> memref<1x1x128xi32, #tpu.memory_space<hbm>>
    %dma_wait3A_136 = tpu.memref_squeeze %dma_wait3A_135 : memref<1x1x128xi32, #tpu.memory_space<hbm>> -> memref<1x128xi32, #tpu.memory_space<hbm>>
    tpu.wait_dma2 semaphore(%arg15 : memref<!tpu.dma_semaphore, #tpu.memory_space<semaphore_mem>>) src(%dma_wait3A_136 : memref<1x128xi32, #tpu.memory_space<hbm>>) dst(%arg8 : memref<1x128xi32, #tpu.memory_space<vmem>>)
    %run_scoped3A = arith.constant 0 : i32
    "tpu.region"() ({
      %run_scoped3A_178 = tpu.sem_alloc : memref<!tpu.dma_semaphore, #tpu.memory_space<semaphore_mem>>
      %dma_start3A_179 = arith.constant 0 : i32
      %dma_start3A_180 = tpu.memref_slice %arg8[%run_scoped3A, %dma_start3A_179] : memref<1x128xi32, #tpu.memory_space<vmem>> -> memref<1x128xi32, #tpu.memory_space<vmem>>
      %dma_start3A_181 = tpu.memref_squeeze %dma_start3A_180 : memref<1x128xi32, #tpu.memory_space<vmem>> -> memref<128xi32, #tpu.memory_space<vmem>>
      %dma_start3A_182 = arith.constant 0 : i32
      %dma_start3A_183 = arith.constant 0 : i32
      %dma_start3A_184 = tpu.memref_slice %arg6[%dma_start3A_182, %dma_start3A_183] : memref<10240x128xf32, #tpu.memory_space<vmem_shared>> -> memref<10240x128xf32, #tpu.memory_space<vmem_shared>>
      tpu.enqueue_indirect_dma source(%arg10 : memref<128x128xf32, #tpu.memory_space<vmem>>) target(%dma_start3A_184 : memref<10240x128xf32, #tpu.memory_space<vmem_shared>>) offsets(%dma_start3A_181 : memref<128xi32, #tpu.memory_space<vmem>>) semaphore(%run_scoped3A_178 : memref<!tpu.dma_semaphore, #tpu.memory_space<semaphore_mem>>) {add = true}
      %dma_wait3A_185 = arith.constant 0 : i32
      %dma_wait3A_186 = tpu.memref_slice %arg8[%run_scoped3A, %dma_wait3A_185] : memref<1x128xi32, #tpu.memory_space<vmem>> -> memref<1x128xi32, #tpu.memory_space<vmem>>
      %dma_wait3A_187 = tpu.memref_squeeze %dma_wait3A_186 : memref<1x128xi32, #tpu.memory_space<vmem>> -> memref<128xi32, #tpu.memory_space<vmem>>
      %dma_wait3A_188 = arith.constant 0 : i32
      %dma_wait3A_189 = arith.constant 0 : i32
      %dma_wait3A_190 = tpu.memref_slice %arg6[%dma_wait3A_188, %dma_wait3A_189] : memref<10240x128xf32, #tpu.memory_space<vmem_shared>> -> memref<10240x128xf32, #tpu.memory_space<vmem_shared>>
      tpu.wait_indirect_dma semaphore(%run_scoped3A_178 : memref<!tpu.dma_semaphore, #tpu.memory_space<semaphore_mem>>) src(%arg10 : memref<128x128xf32, #tpu.memory_space<vmem>>) dst(%dma_wait3A_190 : memref<10240x128xf32, #tpu.memory_space<vmem_shared>>)
      tpu.yield
    }) : () -> ()
    %barrier3A_137 = arith.constant 0 : index
    tpu.barrier barrier_id(%barrier3A_137)
    %mul3A_138 = arith.constant 640 : i32
    %mul3A_139 = arith.muli %arg1, %mul3A_138 : i32
    %add3A_140 = arith.constant 0 : i32
    %add3A_141 = arith.addi %mul3A_139, %add3A_140 : i32
    %mul3A_142 = arith.constant 640 : i32
    %mul3A_143 = arith.muli %arg1, %mul3A_142 : i32
    %add3A_144 = arith.constant 0 : i32
    %add3A_145 = arith.addi %mul3A_143, %add3A_144 : i32
    "tpu.region"() ({
      %run_scoped3A_178 = tpu.sem_alloc : memref<!tpu.dma_semaphore, #tpu.memory_space<semaphore_mem>>
      %dma_start3A_179 = arith.constant 0 : i32
      %dma_start3A_180 = tpu.memref_slice %arg5[%arg0, %add3A_145, %dma_start3A_179] : memref<2x10240x128xf32, #tpu.memory_space<hbm>> -> memref<1x128x128xf32, #tpu.memory_space<hbm>>
      %dma_start3A_181 = tpu.memref_squeeze %dma_start3A_180 : memref<1x128x128xf32, #tpu.memory_space<hbm>> -> memref<128x128xf32, #tpu.memory_space<hbm>>
      %dma_start3A_182 = arith.constant 0 : i32
      %dma_start3A_183 = tpu.memref_slice %arg6[%add3A_141, %dma_start3A_182] : memref<10240x128xf32, #tpu.memory_space<vmem_shared>> -> memref<128x128xf32, #tpu.memory_space<vmem_shared>>
      tpu.enqueue_dma source(%dma_start3A_183 : memref<128x128xf32, #tpu.memory_space<vmem_shared>>) target(%dma_start3A_181 : memref<128x128xf32, #tpu.memory_space<hbm>>) target_semaphore(%run_scoped3A_178 : memref<!tpu.dma_semaphore, #tpu.memory_space<semaphore_mem>>)
      %dma_wait3A_184 = arith.constant 0 : i32
      %dma_wait3A_185 = tpu.memref_slice %arg5[%arg0, %add3A_145, %dma_wait3A_184] : memref<2x10240x128xf32, #tpu.memory_space<hbm>> -> memref<1x128x128xf32, #tpu.memory_space<hbm>>
      %dma_wait3A_186 = tpu.memref_squeeze %dma_wait3A_185 : memref<1x128x128xf32, #tpu.memory_space<hbm>> -> memref<128x128xf32, #tpu.memory_space<hbm>>
      %dma_wait3A_187 = arith.constant 0 : i32
      %dma_wait3A_188 = tpu.memref_slice %arg6[%add3A_141, %dma_wait3A_187] : memref<10240x128xf32, #tpu.memory_space<vmem_shared>> -> memref<128x128xf32, #tpu.memory_space<vmem_shared>>
      tpu.wait_dma2 semaphore(%run_scoped3A_178 : memref<!tpu.dma_semaphore, #tpu.memory_space<semaphore_mem>>) src(%dma_wait3A_188 : memref<128x128xf32, #tpu.memory_space<vmem_shared>>) dst(%dma_wait3A_186 : memref<128x128xf32, #tpu.memory_space<hbm>>)
      tpu.yield
    }) : () -> ()
    %mul3A_146 = arith.constant 640 : i32
    %mul3A_147 = arith.muli %arg1, %mul3A_146 : i32
    %add3A_148 = arith.constant 128 : i32
    %add3A_149 = arith.addi %mul3A_147, %add3A_148 : i32
    %mul3A_150 = arith.constant 640 : i32
    %mul3A_151 = arith.muli %arg1, %mul3A_150 : i32
    %add3A_152 = arith.constant 128 : i32
    %add3A_153 = arith.addi %mul3A_151, %add3A_152 : i32
    "tpu.region"() ({
      %run_scoped3A_178 = tpu.sem_alloc : memref<!tpu.dma_semaphore, #tpu.memory_space<semaphore_mem>>
      %dma_start3A_179 = arith.constant 0 : i32
      %dma_start3A_180 = tpu.memref_slice %arg5[%arg0, %add3A_153, %dma_start3A_179] : memref<2x10240x128xf32, #tpu.memory_space<hbm>> -> memref<1x128x128xf32, #tpu.memory_space<hbm>>
      %dma_start3A_181 = tpu.memref_squeeze %dma_start3A_180 : memref<1x128x128xf32, #tpu.memory_space<hbm>> -> memref<128x128xf32, #tpu.memory_space<hbm>>
      %dma_start3A_182 = arith.constant 0 : i32
      %dma_start3A_183 = tpu.memref_slice %arg6[%add3A_149, %dma_start3A_182] : memref<10240x128xf32, #tpu.memory_space<vmem_shared>> -> memref<128x128xf32, #tpu.memory_space<vmem_shared>>
      tpu.enqueue_dma source(%dma_start3A_183 : memref<128x128xf32, #tpu.memory_space<vmem_shared>>) target(%dma_start3A_181 : memref<128x128xf32, #tpu.memory_space<hbm>>) target_semaphore(%run_scoped3A_178 : memref<!tpu.dma_semaphore, #tpu.memory_space<semaphore_mem>>)
      %dma_wait3A_184 = arith.constant 0 : i32
      %dma_wait3A_185 = tpu.memref_slice %arg5[%arg0, %add3A_153, %dma_wait3A_184] : memref<2x10240x128xf32, #tpu.memory_space<hbm>> -> memref<1x128x128xf32, #tpu.memory_space<hbm>>
      %dma_wait3A_186 = tpu.memref_squeeze %dma_wait3A_185 : memref<1x128x128xf32, #tpu.memory_space<hbm>> -> memref<128x128xf32, #tpu.memory_space<hbm>>
      %dma_wait3A_187 = arith.constant 0 : i32
      %dma_wait3A_188 = tpu.memref_slice %arg6[%add3A_149, %dma_wait3A_187] : memref<10240x128xf32, #tpu.memory_space<vmem_shared>> -> memref<128x128xf32, #tpu.memory_space<vmem_shared>>
      tpu.wait_dma2 semaphore(%run_scoped3A_178 : memref<!tpu.dma_semaphore, #tpu.memory_space<semaphore_mem>>) src(%dma_wait3A_188 : memref<128x128xf32, #tpu.memory_space<vmem_shared>>) dst(%dma_wait3A_186 : memref<128x128xf32, #tpu.memory_space<hbm>>)
      tpu.yield
    }) : () -> ()
    %mul3A_154 = arith.constant 640 : i32
    %mul3A_155 = arith.muli %arg1, %mul3A_154 : i32
    %add3A_156 = arith.constant 256 : i32
    %add3A_157 = arith.addi %mul3A_155, %add3A_156 : i32
    %mul3A_158 = arith.constant 640 : i32
    %mul3A_159 = arith.muli %arg1, %mul3A_158 : i32
    %add3A_160 = arith.constant 256 : i32
    %add3A_161 = arith.addi %mul3A_159, %add3A_160 : i32
    "tpu.region"() ({
      %run_scoped3A_178 = tpu.sem_alloc : memref<!tpu.dma_semaphore, #tpu.memory_space<semaphore_mem>>
      %dma_start3A_179 = arith.constant 0 : i32
      %dma_start3A_180 = tpu.memref_slice %arg5[%arg0, %add3A_161, %dma_start3A_179] : memref<2x10240x128xf32, #tpu.memory_space<hbm>> -> memref<1x128x128xf32, #tpu.memory_space<hbm>>
      %dma_start3A_181 = tpu.memref_squeeze %dma_start3A_180 : memref<1x128x128xf32, #tpu.memory_space<hbm>> -> memref<128x128xf32, #tpu.memory_space<hbm>>
      %dma_start3A_182 = arith.constant 0 : i32
      %dma_start3A_183 = tpu.memref_slice %arg6[%add3A_157, %dma_start3A_182] : memref<10240x128xf32, #tpu.memory_space<vmem_shared>> -> memref<128x128xf32, #tpu.memory_space<vmem_shared>>
      tpu.enqueue_dma source(%dma_start3A_183 : memref<128x128xf32, #tpu.memory_space<vmem_shared>>) target(%dma_start3A_181 : memref<128x128xf32, #tpu.memory_space<hbm>>) target_semaphore(%run_scoped3A_178 : memref<!tpu.dma_semaphore, #tpu.memory_space<semaphore_mem>>)
      %dma_wait3A_184 = arith.constant 0 : i32
      %dma_wait3A_185 = tpu.memref_slice %arg5[%arg0, %add3A_161, %dma_wait3A_184] : memref<2x10240x128xf32, #tpu.memory_space<hbm>> -> memref<1x128x128xf32, #tpu.memory_space<hbm>>
      %dma_wait3A_186 = tpu.memref_squeeze %dma_wait3A_185 : memref<1x128x128xf32, #tpu.memory_space<hbm>> -> memref<128x128xf32, #tpu.memory_space<hbm>>
      %dma_wait3A_187 = arith.constant 0 : i32
      %dma_wait3A_188 = tpu.memref_slice %arg6[%add3A_157, %dma_wait3A_187] : memref<10240x128xf32, #tpu.memory_space<vmem_shared>> -> memref<128x128xf32, #tpu.memory_space<vmem_shared>>
      tpu.wait_dma2 semaphore(%run_scoped3A_178 : memref<!tpu.dma_semaphore, #tpu.memory_space<semaphore_mem>>) src(%dma_wait3A_188 : memref<128x128xf32, #tpu.memory_space<vmem_shared>>) dst(%dma_wait3A_186 : memref<128x128xf32, #tpu.memory_space<hbm>>)
      tpu.yield
    }) : () -> ()
    %mul3A_162 = arith.constant 640 : i32
    %mul3A_163 = arith.muli %arg1, %mul3A_162 : i32
    %add3A_164 = arith.constant 384 : i32
    %add3A_165 = arith.addi %mul3A_163, %add3A_164 : i32
    %mul3A_166 = arith.constant 640 : i32
    %mul3A_167 = arith.muli %arg1, %mul3A_166 : i32
    %add3A_168 = arith.constant 384 : i32
    %add3A_169 = arith.addi %mul3A_167, %add3A_168 : i32
    "tpu.region"() ({
      %run_scoped3A_178 = tpu.sem_alloc : memref<!tpu.dma_semaphore, #tpu.memory_space<semaphore_mem>>
      %dma_start3A_179 = arith.constant 0 : i32
      %dma_start3A_180 = tpu.memref_slice %arg5[%arg0, %add3A_169, %dma_start3A_179] : memref<2x10240x128xf32, #tpu.memory_space<hbm>> -> memref<1x128x128xf32, #tpu.memory_space<hbm>>
      %dma_start3A_181 = tpu.memref_squeeze %dma_start3A_180 : memref<1x128x128xf32, #tpu.memory_space<hbm>> -> memref<128x128xf32, #tpu.memory_space<hbm>>
      %dma_start3A_182 = arith.constant 0 : i32
      %dma_start3A_183 = tpu.memref_slice %arg6[%add3A_165, %dma_start3A_182] : memref<10240x128xf32, #tpu.memory_space<vmem_shared>> -> memref<128x128xf32, #tpu.memory_space<vmem_shared>>
      tpu.enqueue_dma source(%dma_start3A_183 : memref<128x128xf32, #tpu.memory_space<vmem_shared>>) target(%dma_start3A_181 : memref<128x128xf32, #tpu.memory_space<hbm>>) target_semaphore(%run_scoped3A_178 : memref<!tpu.dma_semaphore, #tpu.memory_space<semaphore_mem>>)
      %dma_wait3A_184 = arith.constant 0 : i32
      %dma_wait3A_185 = tpu.memref_slice %arg5[%arg0, %add3A_169, %dma_wait3A_184] : memref<2x10240x128xf32, #tpu.memory_space<hbm>> -> memref<1x128x128xf32, #tpu.memory_space<hbm>>
      %dma_wait3A_186 = tpu.memref_squeeze %dma_wait3A_185 : memref<1x128x128xf32, #tpu.memory_space<hbm>> -> memref<128x128xf32, #tpu.memory_space<hbm>>
      %dma_wait3A_187 = arith.constant 0 : i32
      %dma_wait3A_188 = tpu.memref_slice %arg6[%add3A_165, %dma_wait3A_187] : memref<10240x128xf32, #tpu.memory_space<vmem_shared>> -> memref<128x128xf32, #tpu.memory_space<vmem_shared>>
      tpu.wait_dma2 semaphore(%run_scoped3A_178 : memref<!tpu.dma_semaphore, #tpu.memory_space<semaphore_mem>>) src(%dma_wait3A_188 : memref<128x128xf32, #tpu.memory_space<vmem_shared>>) dst(%dma_wait3A_186 : memref<128x128xf32, #tpu.memory_space<hbm>>)
      tpu.yield
    }) : () -> ()
    %mul3A_170 = arith.constant 640 : i32
    %mul3A_171 = arith.muli %arg1, %mul3A_170 : i32
    %add3A_172 = arith.constant 512 : i32
    %add3A_173 = arith.addi %mul3A_171, %add3A_172 : i32
    %mul3A_174 = arith.constant 640 : i32
    %mul3A_175 = arith.muli %arg1, %mul3A_174 : i32
    %add3A_176 = arith.constant 512 : i32
    %add3A_177 = arith.addi %mul3A_175, %add3A_176 : i32
    "tpu.region"() ({
      %run_scoped3A_178 = tpu.sem_alloc : memref<!tpu.dma_semaphore, #tpu.memory_space<semaphore_mem>>
      %dma_start3A_179 = arith.constant 0 : i32
      %dma_start3A_180 = tpu.memref_slice %arg5[%arg0, %add3A_177, %dma_start3A_179] : memref<2x10240x128xf32, #tpu.memory_space<hbm>> -> memref<1x128x128xf32, #tpu.memory_space<hbm>>
      %dma_start3A_181 = tpu.memref_squeeze %dma_start3A_180 : memref<1x128x128xf32, #tpu.memory_space<hbm>> -> memref<128x128xf32, #tpu.memory_space<hbm>>
      %dma_start3A_182 = arith.constant 0 : i32
      %dma_start3A_183 = tpu.memref_slice %arg6[%add3A_173, %dma_start3A_182] : memref<10240x128xf32, #tpu.memory_space<vmem_shared>> -> memref<128x128xf32, #tpu.memory_space<vmem_shared>>
      tpu.enqueue_dma source(%dma_start3A_183 : memref<128x128xf32, #tpu.memory_space<vmem_shared>>) target(%dma_start3A_181 : memref<128x128xf32, #tpu.memory_space<hbm>>) target_semaphore(%run_scoped3A_178 : memref<!tpu.dma_semaphore, #tpu.memory_space<semaphore_mem>>)
      %dma_wait3A_184 = arith.constant 0 : i32
      %dma_wait3A_185 = tpu.memref_slice %arg5[%arg0, %add3A_177, %dma_wait3A_184] : memref<2x10240x128xf32, #tpu.memory_space<hbm>> -> memref<1x128x128xf32, #tpu.memory_space<hbm>>
      %dma_wait3A_186 = tpu.memref_squeeze %dma_wait3A_185 : memref<1x128x128xf32, #tpu.memory_space<hbm>> -> memref<128x128xf32, #tpu.memory_space<hbm>>
      %dma_wait3A_187 = arith.constant 0 : i32
      %dma_wait3A_188 = tpu.memref_slice %arg6[%add3A_173, %dma_wait3A_187] : memref<10240x128xf32, #tpu.memory_space<vmem_shared>> -> memref<128x128xf32, #tpu.memory_space<vmem_shared>>
      tpu.wait_dma2 semaphore(%run_scoped3A_178 : memref<!tpu.dma_semaphore, #tpu.memory_space<semaphore_mem>>) src(%dma_wait3A_188 : memref<128x128xf32, #tpu.memory_space<vmem_shared>>) dst(%dma_wait3A_186 : memref<128x128xf32, #tpu.memory_space<hbm>>)
      tpu.yield
    }) : () -> ()
    return
  }
}

#map = affine_map<(d0, d1) -> (0, 0)>
#map1 = affine_map<(d0, d1) -> (0, 0, 0)>
module attributes {stable_mosaic.version = 14 : i64} {
  func.func @_agg_body(%arg0: i32, %arg1: i32, %arg2: memref<10000x128xf32, #tpu.memory_space<hbm>>, %arg3: memref<32x79x128xi32, #tpu.memory_space<hbm>>, %arg4: memref<32x79x128xi32, #tpu.memory_space<hbm>>, %arg5: memref<2x10240x128xf32, #tpu.memory_space<hbm>>, %arg6: memref<10240x128xf32, #tpu.memory_space<vmem_shared>>, %arg7: memref<79x128xi32, #tpu.memory_space<vmem>>, %arg8: memref<1x128xi32, #tpu.memory_space<vmem>>, %arg9: memref<1x128xi32, #tpu.memory_space<vmem>>, %arg10: memref<128x128xf32, #tpu.memory_space<vmem>>, %arg11: memref<128x128xf32, #tpu.memory_space<vmem>>, %arg12: memref<32x128xf32, #tpu.memory_space<vmem>>, %arg13: memref<!tpu.dma_semaphore, #tpu.memory_space<semaphore_mem>>, %arg14: memref<!tpu.dma_semaphore, #tpu.memory_space<semaphore_mem>>, %arg15: memref<!tpu.dma_semaphore, #tpu.memory_space<semaphore_mem>>, %arg16: memref<!tpu.dma_semaphore, #tpu.memory_space<semaphore_mem>>) attributes {dimension_semantics = [#tpu.dimension_semantics<core_parallel>, #tpu.dimension_semantics<subcore_parallel>], iteration_bounds = array<i64: 2, 16>, scalar_prefetch = 0 : i64, scratch_operands = 11 : i64, tpu.core_type = #tpu.core_type<sc_vector_subcore>, window_params = [{transform_indices = #map}, {transform_indices = #map1}, {transform_indices = #map1}, {transform_indices = #map1}]} {
    %mul3A = arith.constant 2 : i32
    %mul3A_0 = arith.muli %arg1, %mul3A : i32
    %add3A = arith.addi %mul3A_0, %arg0 : i32
    "tpu.region"() ({
      %run_scoped3A_178 = tpu.sem_alloc : memref<!tpu.dma_semaphore, #tpu.memory_space<semaphore_mem>>
      %dma_start3A_179 = arith.constant 0 : i32
      %dma_start3A_180 = arith.constant 0 : i32
      %dma_start3A_181 = tpu.memref_slice %arg3[%add3A, %dma_start3A_179, %dma_start3A_180] : memref<32x79x128xi32, #tpu.memory_space<hbm>> -> memref<1x79x128xi32, #tpu.memory_space<hbm>>
      %dma_start3A_182 = tpu.memref_squeeze %dma_start3A_181 : memref<1x79x128xi32, #tpu.memory_space<hbm>> -> memref<79x128xi32, #tpu.memory_space<hbm>>
      %dma_start3A_183 = arith.constant 0 : i32
      %dma_start3A_184 = arith.constant 0 : i32
      %dma_start3A_185 = tpu.memref_slice %arg3[%add3A, %dma_start3A_183, %dma_start3A_184] : memref<32x79x128xi32, #tpu.memory_space<hbm>> -> memref<1x79x128xi32, #tpu.memory_space<hbm>>
      %dma_start3A_186 = tpu.memref_squeeze %dma_start3A_185 : memref<1x79x128xi32, #tpu.memory_space<hbm>> -> memref<79x128xi32, #tpu.memory_space<hbm>>
      tpu.enqueue_dma source(%dma_start3A_186 : memref<79x128xi32, #tpu.memory_space<hbm>>) target(%arg7 : memref<79x128xi32, #tpu.memory_space<vmem>>) target_semaphore(%run_scoped3A_178 : memref<!tpu.dma_semaphore, #tpu.memory_space<semaphore_mem>>)
      %dma_wait3A_187 = arith.constant 0 : i32
      %dma_wait3A_188 = arith.constant 0 : i32
      %dma_wait3A_189 = tpu.memref_slice %arg3[%add3A, %dma_wait3A_187, %dma_wait3A_188] : memref<32x79x128xi32, #tpu.memory_space<hbm>> -> memref<1x79x128xi32, #tpu.memory_space<hbm>>
      %dma_wait3A_190 = tpu.memref_squeeze %dma_wait3A_189 : memref<1x79x128xi32, #tpu.memory_space<hbm>> -> memref<79x128xi32, #tpu.memory_space<hbm>>
      %dma_wait3A_191 = arith.constant 0 : i32
      %dma_wait3A_192 = arith.constant 0 : i32
      %dma_wait3A_193 = tpu.memref_slice %arg3[%add3A, %dma_wait3A_191, %dma_wait3A_192] : memref<32x79x128xi32, #tpu.memory_space<hbm>> -> memref<1x79x128xi32, #tpu.memory_space<hbm>>
      %dma_wait3A_194 = tpu.memref_squeeze %dma_wait3A_193 : memref<1x79x128xi32, #tpu.memory_space<hbm>> -> memref<79x128xi32, #tpu.memory_space<hbm>>
      tpu.wait_dma2 semaphore(%run_scoped3A_178 : memref<!tpu.dma_semaphore, #tpu.memory_space<semaphore_mem>>) src(%dma_wait3A_194 : memref<79x128xi32, #tpu.memory_space<hbm>>) dst(%arg7 : memref<79x128xi32, #tpu.memory_space<vmem>>)
      tpu.yield
    }) : () -> ()
    %dma_start3A = arith.constant 0 : i32
    %dma_start3A_1 = arith.constant 0 : i32
    %dma_start3A_2 = tpu.memref_slice %arg7[%dma_start3A, %dma_start3A_1] : memref<79x128xi32, #tpu.memory_space<vmem>> -> memref<1x128xi32, #tpu.memory_space<vmem>>
    %dma_start3A_3 = tpu.memref_squeeze %dma_start3A_2 : memref<1x128xi32, #tpu.memory_space<vmem>> -> memref<128xi32, #tpu.memory_space<vmem>>
    %dma_start3A_4 = arith.constant 0 : i32
    %dma_start3A_5 = arith.constant 0 : i32
    %dma_start3A_6 = tpu.memref_slice %arg2[%dma_start3A_4, %dma_start3A_5] : memref<10000x128xf32, #tpu.memory_space<hbm>> -> memref<10000x128xf32, #tpu.memory_space<hbm>>
    tpu.enqueue_indirect_dma source(%dma_start3A_6 : memref<10000x128xf32, #tpu.memory_space<hbm>>) target(%arg10 : memref<128x128xf32, #tpu.memory_space<vmem>>) offsets(%dma_start3A_3 : memref<128xi32, #tpu.memory_space<vmem>>) semaphore(%arg13 : memref<!tpu.dma_semaphore, #tpu.memory_space<semaphore_mem>>)
    %dma_start3A_7 = arith.constant 0 : i32
    %dma_start3A_8 = arith.constant 0 : i32
    %dma_start3A_9 = tpu.memref_slice %arg4[%add3A, %dma_start3A_7, %dma_start3A_8] : memref<32x79x128xi32, #tpu.memory_space<hbm>> -> memref<1x1x128xi32, #tpu.memory_space<hbm>>
    %dma_start3A_10 = tpu.memref_squeeze %dma_start3A_9 : memref<1x1x128xi32, #tpu.memory_space<hbm>> -> memref<1x128xi32, #tpu.memory_space<hbm>>
    %dma_start3A_11 = arith.constant 0 : i32
    %dma_start3A_12 = arith.constant 0 : i32
    %dma_start3A_13 = tpu.memref_slice %arg4[%add3A, %dma_start3A_11, %dma_start3A_12] : memref<32x79x128xi32, #tpu.memory_space<hbm>> -> memref<1x1x128xi32, #tpu.memory_space<hbm>>
    %dma_start3A_14 = tpu.memref_squeeze %dma_start3A_13 : memref<1x1x128xi32, #tpu.memory_space<hbm>> -> memref<1x128xi32, #tpu.memory_space<hbm>>
    tpu.enqueue_dma source(%dma_start3A_14 : memref<1x128xi32, #tpu.memory_space<hbm>>) target(%arg8 : memref<1x128xi32, #tpu.memory_space<vmem>>) target_semaphore(%arg15 : memref<!tpu.dma_semaphore, #tpu.memory_space<semaphore_mem>>)
    %dma_start3A_15 = arith.constant 1 : i32
    %dma_start3A_16 = arith.constant 0 : i32
    %dma_start3A_17 = tpu.memref_slice %arg7[%dma_start3A_15, %dma_start3A_16] : memref<79x128xi32, #tpu.memory_space<vmem>> -> memref<1x128xi32, #tpu.memory_space<vmem>>
    %dma_start3A_18 = tpu.memref_squeeze %dma_start3A_17 : memref<1x128xi32, #tpu.memory_space<vmem>> -> memref<128xi32, #tpu.memory_space<vmem>>
    %dma_start3A_19 = arith.constant 0 : i32
    %dma_start3A_20 = arith.constant 0 : i32
    %dma_start3A_21 = tpu.memref_slice %arg2[%dma_start3A_19, %dma_start3A_20] : memref<10000x128xf32, #tpu.memory_space<hbm>> -> memref<10000x128xf32, #tpu.memory_space<hbm>>
    tpu.enqueue_indirect_dma source(%dma_start3A_21 : memref<10000x128xf32, #tpu.memory_space<hbm>>) target(%arg11 : memref<128x128xf32, #tpu.memory_space<vmem>>) offsets(%dma_start3A_18 : memref<128xi32, #tpu.memory_space<vmem>>) semaphore(%arg14 : memref<!tpu.dma_semaphore, #tpu.memory_space<semaphore_mem>>)
    %dma_start3A_22 = arith.constant 1 : i32
    %dma_start3A_23 = arith.constant 0 : i32
    %dma_start3A_24 = tpu.memref_slice %arg4[%add3A, %dma_start3A_22, %dma_start3A_23] : memref<32x79x128xi32, #tpu.memory_space<hbm>> -> memref<1x1x128xi32, #tpu.memory_space<hbm>>
    %dma_start3A_25 = tpu.memref_squeeze %dma_start3A_24 : memref<1x1x128xi32, #tpu.memory_space<hbm>> -> memref<1x128xi32, #tpu.memory_space<hbm>>
    %dma_start3A_26 = arith.constant 1 : i32
    %dma_start3A_27 = arith.constant 0 : i32
    %dma_start3A_28 = tpu.memref_slice %arg4[%add3A, %dma_start3A_26, %dma_start3A_27] : memref<32x79x128xi32, #tpu.memory_space<hbm>> -> memref<1x1x128xi32, #tpu.memory_space<hbm>>
    %dma_start3A_29 = tpu.memref_squeeze %dma_start3A_28 : memref<1x1x128xi32, #tpu.memory_space<hbm>> -> memref<1x128xi32, #tpu.memory_space<hbm>>
    tpu.enqueue_dma source(%dma_start3A_29 : memref<1x128xi32, #tpu.memory_space<hbm>>) target(%arg9 : memref<1x128xi32, #tpu.memory_space<vmem>>) target_semaphore(%arg16 : memref<!tpu.dma_semaphore, #tpu.memory_space<semaphore_mem>>)
    %scan3A = arith.constant 0 : i32
    %scan3A_30 = arith.constant 0 : i32
    %scan3A_31 = arith.constant 32 : i32
    %scan3A_32 = arith.addi %scan3A_30, %scan3A_31 : i32
    %scan3A_33 = arith.constant 1 : i32
    %scan3A_34 = scf.for %scan3A_178 = %scan3A_30 to %scan3A_32 step %scan3A_33 iter_args(%scan3A_179 = %scan3A) -> (i32)  : i32 {
      %broadcast_in_dim3A = arith.constant 0.000000e+00 : f32
      %broadcast_in_dim3A_180 = vector.broadcast %broadcast_in_dim3A : f32 to vector<16xf32>
      %swap3A = arith.index_cast %scan3A_178 : i32 to index
      %swap3A_181 = arith.constant 0 : index
      %swap3A_182 = tpu.vector_load %arg12[%swap3A, %swap3A_181] {strides = array<i32>} : memref<32x128xf32, #tpu.memory_space<vmem>>, vector<1x16xf32>,
      %swap3A_183 = vector.shape_cast %swap3A_182 : vector<1x16xf32> to vector<16xf32>
      %swap3A_184 = vector.shape_cast %broadcast_in_dim3A_180 : vector<16xf32> to vector<1x16xf32>
      tpu.vector_store %arg12[%swap3A, %swap3A_181], %swap3A_184 {strides = array<i32>} : memref<32x128xf32, #tpu.memory_space<vmem>>, vector<1x16xf32>,
      %broadcast_in_dim3A_185 = arith.constant 0.000000e+00 : f32
      %broadcast_in_dim3A_186 = vector.broadcast %broadcast_in_dim3A_185 : f32 to vector<16xf32>
      %swap3A_187 = arith.index_cast %scan3A_178 : i32 to index
      %swap3A_188 = arith.constant 16 : index
      %swap3A_189 = tpu.vector_load %arg12[%swap3A_187, %swap3A_188] {strides = array<i32>} : memref<32x128xf32, #tpu.memory_space<vmem>>, vector<1x16xf32>,
      %swap3A_190 = vector.shape_cast %swap3A_189 : vector<1x16xf32> to vector<16xf32>
      %swap3A_191 = vector.shape_cast %broadcast_in_dim3A_186 : vector<16xf32> to vector<1x16xf32>
      tpu.vector_store %arg12[%swap3A_187, %swap3A_188], %swap3A_191 {strides = array<i32>} : memref<32x128xf32, #tpu.memory_space<vmem>>, vector<1x16xf32>,
      %broadcast_in_dim3A_192 = arith.constant 0.000000e+00 : f32
      %broadcast_in_dim3A_193 = vector.broadcast %broadcast_in_dim3A_192 : f32 to vector<16xf32>
      %swap3A_194 = arith.index_cast %scan3A_178 : i32 to index
      %swap3A_195 = arith.constant 32 : index
      %swap3A_196 = tpu.vector_load %arg12[%swap3A_194, %swap3A_195] {strides = array<i32>} : memref<32x128xf32, #tpu.memory_space<vmem>>, vector<1x16xf32>,
      %swap3A_197 = vector.shape_cast %swap3A_196 : vector<1x16xf32> to vector<16xf32>
      %swap3A_198 = vector.shape_cast %broadcast_in_dim3A_193 : vector<16xf32> to vector<1x16xf32>
      tpu.vector_store %arg12[%swap3A_194, %swap3A_195], %swap3A_198 {strides = array<i32>} : memref<32x128xf32, #tpu.memory_space<vmem>>, vector<1x16xf32>,
      %broadcast_in_dim3A_199 = arith.constant 0.000000e+00 : f32
      %broadcast_in_dim3A_200 = vector.broadcast %broadcast_in_dim3A_199 : f32 to vector<16xf32>
      %swap3A_201 = arith.index_cast %scan3A_178 : i32 to index
      %swap3A_202 = arith.constant 48 : index
      %swap3A_203 = tpu.vector_load %arg12[%swap3A_201, %swap3A_202] {strides = array<i32>} : memref<32x128xf32, #tpu.memory_space<vmem>>, vector<1x16xf32>,
      %swap3A_204 = vector.shape_cast %swap3A_203 : vector<1x16xf32> to vector<16xf32>
      %swap3A_205 = vector.shape_cast %broadcast_in_dim3A_200 : vector<16xf32> to vector<1x16xf32>
      tpu.vector_store %arg12[%swap3A_201, %swap3A_202], %swap3A_205 {strides = array<i32>} : memref<32x128xf32, #tpu.memory_space<vmem>>, vector<1x16xf32>,
      %broadcast_in_dim3A_206 = arith.constant 0.000000e+00 : f32
      %broadcast_in_dim3A_207 = vector.broadcast %broadcast_in_dim3A_206 : f32 to vector<16xf32>
      %swap3A_208 = arith.index_cast %scan3A_178 : i32 to index
      %swap3A_209 = arith.constant 64 : index
      %swap3A_210 = tpu.vector_load %arg12[%swap3A_208, %swap3A_209] {strides = array<i32>} : memref<32x128xf32, #tpu.memory_space<vmem>>, vector<1x16xf32>,
      %swap3A_211 = vector.shape_cast %swap3A_210 : vector<1x16xf32> to vector<16xf32>
      %swap3A_212 = vector.shape_cast %broadcast_in_dim3A_207 : vector<16xf32> to vector<1x16xf32>
      tpu.vector_store %arg12[%swap3A_208, %swap3A_209], %swap3A_212 {strides = array<i32>} : memref<32x128xf32, #tpu.memory_space<vmem>>, vector<1x16xf32>,
      %broadcast_in_dim3A_213 = arith.constant 0.000000e+00 : f32
      %broadcast_in_dim3A_214 = vector.broadcast %broadcast_in_dim3A_213 : f32 to vector<16xf32>
      %swap3A_215 = arith.index_cast %scan3A_178 : i32 to index
      %swap3A_216 = arith.constant 80 : index
      %swap3A_217 = tpu.vector_load %arg12[%swap3A_215, %swap3A_216] {strides = array<i32>} : memref<32x128xf32, #tpu.memory_space<vmem>>, vector<1x16xf32>,
      %swap3A_218 = vector.shape_cast %swap3A_217 : vector<1x16xf32> to vector<16xf32>
      %swap3A_219 = vector.shape_cast %broadcast_in_dim3A_214 : vector<16xf32> to vector<1x16xf32>
      tpu.vector_store %arg12[%swap3A_215, %swap3A_216], %swap3A_219 {strides = array<i32>} : memref<32x128xf32, #tpu.memory_space<vmem>>, vector<1x16xf32>,
      %broadcast_in_dim3A_220 = arith.constant 0.000000e+00 : f32
      %broadcast_in_dim3A_221 = vector.broadcast %broadcast_in_dim3A_220 : f32 to vector<16xf32>
      %swap3A_222 = arith.index_cast %scan3A_178 : i32 to index
      %swap3A_223 = arith.constant 96 : index
      %swap3A_224 = tpu.vector_load %arg12[%swap3A_222, %swap3A_223] {strides = array<i32>} : memref<32x128xf32, #tpu.memory_space<vmem>>, vector<1x16xf32>,
      %swap3A_225 = vector.shape_cast %swap3A_224 : vector<1x16xf32> to vector<16xf32>
      %swap3A_226 = vector.shape_cast %broadcast_in_dim3A_221 : vector<16xf32> to vector<1x16xf32>
      tpu.vector_store %arg12[%swap3A_222, %swap3A_223], %swap3A_226 {strides = array<i32>} : memref<32x128xf32, #tpu.memory_space<vmem>>, vector<1x16xf32>,
      %broadcast_in_dim3A_227 = arith.constant 0.000000e+00 : f32
      %broadcast_in_dim3A_228 = vector.broadcast %broadcast_in_dim3A_227 : f32 to vector<16xf32>
      %swap3A_229 = arith.index_cast %scan3A_178 : i32 to index
      %swap3A_230 = arith.constant 112 : index
      %swap3A_231 = tpu.vector_load %arg12[%swap3A_229, %swap3A_230] {strides = array<i32>} : memref<32x128xf32, #tpu.memory_space<vmem>>, vector<1x16xf32>,
      %swap3A_232 = vector.shape_cast %swap3A_231 : vector<1x16xf32> to vector<16xf32>
      %swap3A_233 = vector.shape_cast %broadcast_in_dim3A_228 : vector<16xf32> to vector<1x16xf32>
      tpu.vector_store %arg12[%swap3A_229, %swap3A_230], %swap3A_233 {strides = array<i32>} : memref<32x128xf32, #tpu.memory_space<vmem>>, vector<1x16xf32>,
      %scan3A_234 = arith.constant 0 : i32
      scf.yield %scan3A_234 : i32
    }
    %scan3A_35 = arith.constant 32 : i32
    %mul3A_36 = arith.constant 640 : i32
    %mul3A_37 = arith.muli %arg1, %mul3A_36 : i32
    %add3A_38 = arith.constant 0 : i32
    %add3A_39 = arith.addi %mul3A_37, %add3A_38 : i32
    "tpu.region"() ({
      %run_scoped3A_178 = tpu.sem_alloc : memref<!tpu.dma_semaphore, #tpu.memory_space<semaphore_mem>>
      %dma_start3A_179 = arith.constant 0 : i32
      %dma_start3A_180 = tpu.memref_slice %arg6[%add3A_39, %dma_start3A_179] : memref<10240x128xf32, #tpu.memory_space<vmem_shared>> -> memref<32x128xf32, #tpu.memory_space<vmem_shared>>
      %dma_start3A_181 = arith.constant 0 : i32
      %dma_start3A_182 = tpu.memref_slice %arg6[%add3A_39, %dma_start3A_181] : memref<10240x128xf32, #tpu.memory_space<vmem_shared>> -> memref<32x128xf32, #tpu.memory_space<vmem_shared>>
      tpu.enqueue_dma source(%arg12 : memref<32x128xf32, #tpu.memory_space<vmem>>) target(%dma_start3A_182 : memref<32x128xf32, #tpu.memory_space<vmem_shared>>) target_semaphore(%run_scoped3A_178 : memref<!tpu.dma_semaphore, #tpu.memory_space<semaphore_mem>>)
      %dma_wait3A_183 = arith.constant 0 : i32
      %dma_wait3A_184 = tpu.memref_slice %arg6[%add3A_39, %dma_wait3A_183] : memref<10240x128xf32, #tpu.memory_space<vmem_shared>> -> memref<32x128xf32, #tpu.memory_space<vmem_shared>>
      %dma_wait3A_185 = arith.constant 0 : i32
      %dma_wait3A_186 = tpu.memref_slice %arg6[%add3A_39, %dma_wait3A_185] : memref<10240x128xf32, #tpu.memory_space<vmem_shared>> -> memref<32x128xf32, #tpu.memory_space<vmem_shared>>
      tpu.wait_dma2 semaphore(%run_scoped3A_178 : memref<!tpu.dma_semaphore, #tpu.memory_space<semaphore_mem>>) src(%arg12 : memref<32x128xf32, #tpu.memory_space<vmem>>) dst(%dma_wait3A_186 : memref<32x128xf32, #tpu.memory_space<vmem_shared>>)
      tpu.yield
    }) : () -> ()
    %mul3A_40 = arith.constant 640 : i32
    %mul3A_41 = arith.muli %arg1, %mul3A_40 : i32
    %add3A_42 = arith.constant 32 : i32
    %add3A_43 = arith.addi %mul3A_41, %add3A_42 : i32
    "tpu.region"() ({
      %run_scoped3A_178 = tpu.sem_alloc : memref<!tpu.dma_semaphore, #tpu.memory_space<semaphore_mem>>
      %dma_start3A_179 = arith.constant 0 : i32
      %dma_start3A_180 = tpu.memref_slice %arg6[%add3A_43, %dma_start3A_179] : memref<10240x128xf32, #tpu.memory_space<vmem_shared>> -> memref<32x128xf32, #tpu.memory_space<vmem_shared>>
      %dma_start3A_181 = arith.constant 0 : i32
      %dma_start3A_182 = tpu.memref_slice %arg6[%add3A_43, %dma_start3A_181] : memref<10240x128xf32, #tpu.memory_space<vmem_shared>> -> memref<32x128xf32, #tpu.memory_space<vmem_shared>>
      tpu.enqueue_dma source(%arg12 : memref<32x128xf32, #tpu.memory_space<vmem>>) target(%dma_start3A_182 : memref<32x128xf32, #tpu.memory_space<vmem_shared>>) target_semaphore(%run_scoped3A_178 : memref<!tpu.dma_semaphore, #tpu.memory_space<semaphore_mem>>)
      %dma_wait3A_183 = arith.constant 0 : i32
      %dma_wait3A_184 = tpu.memref_slice %arg6[%add3A_43, %dma_wait3A_183] : memref<10240x128xf32, #tpu.memory_space<vmem_shared>> -> memref<32x128xf32, #tpu.memory_space<vmem_shared>>
      %dma_wait3A_185 = arith.constant 0 : i32
      %dma_wait3A_186 = tpu.memref_slice %arg6[%add3A_43, %dma_wait3A_185] : memref<10240x128xf32, #tpu.memory_space<vmem_shared>> -> memref<32x128xf32, #tpu.memory_space<vmem_shared>>
      tpu.wait_dma2 semaphore(%run_scoped3A_178 : memref<!tpu.dma_semaphore, #tpu.memory_space<semaphore_mem>>) src(%arg12 : memref<32x128xf32, #tpu.memory_space<vmem>>) dst(%dma_wait3A_186 : memref<32x128xf32, #tpu.memory_space<vmem_shared>>)
      tpu.yield
    }) : () -> ()
    %mul3A_44 = arith.constant 640 : i32
    %mul3A_45 = arith.muli %arg1, %mul3A_44 : i32
    %add3A_46 = arith.constant 64 : i32
    %add3A_47 = arith.addi %mul3A_45, %add3A_46 : i32
    "tpu.region"() ({
      %run_scoped3A_178 = tpu.sem_alloc : memref<!tpu.dma_semaphore, #tpu.memory_space<semaphore_mem>>
      %dma_start3A_179 = arith.constant 0 : i32
      %dma_start3A_180 = tpu.memref_slice %arg6[%add3A_47, %dma_start3A_179] : memref<10240x128xf32, #tpu.memory_space<vmem_shared>> -> memref<32x128xf32, #tpu.memory_space<vmem_shared>>
      %dma_start3A_181 = arith.constant 0 : i32
      %dma_start3A_182 = tpu.memref_slice %arg6[%add3A_47, %dma_start3A_181] : memref<10240x128xf32, #tpu.memory_space<vmem_shared>> -> memref<32x128xf32, #tpu.memory_space<vmem_shared>>
      tpu.enqueue_dma source(%arg12 : memref<32x128xf32, #tpu.memory_space<vmem>>) target(%dma_start3A_182 : memref<32x128xf32, #tpu.memory_space<vmem_shared>>) target_semaphore(%run_scoped3A_178 : memref<!tpu.dma_semaphore, #tpu.memory_space<semaphore_mem>>)
      %dma_wait3A_183 = arith.constant 0 : i32
      %dma_wait3A_184 = tpu.memref_slice %arg6[%add3A_47, %dma_wait3A_183] : memref<10240x128xf32, #tpu.memory_space<vmem_shared>> -> memref<32x128xf32, #tpu.memory_space<vmem_shared>>
      %dma_wait3A_185 = arith.constant 0 : i32
      %dma_wait3A_186 = tpu.memref_slice %arg6[%add3A_47, %dma_wait3A_185] : memref<10240x128xf32, #tpu.memory_space<vmem_shared>> -> memref<32x128xf32, #tpu.memory_space<vmem_shared>>
      tpu.wait_dma2 semaphore(%run_scoped3A_178 : memref<!tpu.dma_semaphore, #tpu.memory_space<semaphore_mem>>) src(%arg12 : memref<32x128xf32, #tpu.memory_space<vmem>>) dst(%dma_wait3A_186 : memref<32x128xf32, #tpu.memory_space<vmem_shared>>)
      tpu.yield
    }) : () -> ()
    %mul3A_48 = arith.constant 640 : i32
    %mul3A_49 = arith.muli %arg1, %mul3A_48 : i32
    %add3A_50 = arith.constant 96 : i32
    %add3A_51 = arith.addi %mul3A_49, %add3A_50 : i32
    "tpu.region"() ({
      %run_scoped3A_178 = tpu.sem_alloc : memref<!tpu.dma_semaphore, #tpu.memory_space<semaphore_mem>>
      %dma_start3A_179 = arith.constant 0 : i32
      %dma_start3A_180 = tpu.memref_slice %arg6[%add3A_51, %dma_start3A_179] : memref<10240x128xf32, #tpu.memory_space<vmem_shared>> -> memref<32x128xf32, #tpu.memory_space<vmem_shared>>
      %dma_start3A_181 = arith.constant 0 : i32
      %dma_start3A_182 = tpu.memref_slice %arg6[%add3A_51, %dma_start3A_181] : memref<10240x128xf32, #tpu.memory_space<vmem_shared>> -> memref<32x128xf32, #tpu.memory_space<vmem_shared>>
      tpu.enqueue_dma source(%arg12 : memref<32x128xf32, #tpu.memory_space<vmem>>) target(%dma_start3A_182 : memref<32x128xf32, #tpu.memory_space<vmem_shared>>) target_semaphore(%run_scoped3A_178 : memref<!tpu.dma_semaphore, #tpu.memory_space<semaphore_mem>>)
      %dma_wait3A_183 = arith.constant 0 : i32
      %dma_wait3A_184 = tpu.memref_slice %arg6[%add3A_51, %dma_wait3A_183] : memref<10240x128xf32, #tpu.memory_space<vmem_shared>> -> memref<32x128xf32, #tpu.memory_space<vmem_shared>>
      %dma_wait3A_185 = arith.constant 0 : i32
      %dma_wait3A_186 = tpu.memref_slice %arg6[%add3A_51, %dma_wait3A_185] : memref<10240x128xf32, #tpu.memory_space<vmem_shared>> -> memref<32x128xf32, #tpu.memory_space<vmem_shared>>
      tpu.wait_dma2 semaphore(%run_scoped3A_178 : memref<!tpu.dma_semaphore, #tpu.memory_space<semaphore_mem>>) src(%arg12 : memref<32x128xf32, #tpu.memory_space<vmem>>) dst(%dma_wait3A_186 : memref<32x128xf32, #tpu.memory_space<vmem_shared>>)
      tpu.yield
    }) : () -> ()
    %mul3A_52 = arith.constant 640 : i32
    %mul3A_53 = arith.muli %arg1, %mul3A_52 : i32
    %add3A_54 = arith.constant 128 : i32
    %add3A_55 = arith.addi %mul3A_53, %add3A_54 : i32
    "tpu.region"() ({
      %run_scoped3A_178 = tpu.sem_alloc : memref<!tpu.dma_semaphore, #tpu.memory_space<semaphore_mem>>
      %dma_start3A_179 = arith.constant 0 : i32
      %dma_start3A_180 = tpu.memref_slice %arg6[%add3A_55, %dma_start3A_179] : memref<10240x128xf32, #tpu.memory_space<vmem_shared>> -> memref<32x128xf32, #tpu.memory_space<vmem_shared>>
      %dma_start3A_181 = arith.constant 0 : i32
      %dma_start3A_182 = tpu.memref_slice %arg6[%add3A_55, %dma_start3A_181] : memref<10240x128xf32, #tpu.memory_space<vmem_shared>> -> memref<32x128xf32, #tpu.memory_space<vmem_shared>>
      tpu.enqueue_dma source(%arg12 : memref<32x128xf32, #tpu.memory_space<vmem>>) target(%dma_start3A_182 : memref<32x128xf32, #tpu.memory_space<vmem_shared>>) target_semaphore(%run_scoped3A_178 : memref<!tpu.dma_semaphore, #tpu.memory_space<semaphore_mem>>)
      %dma_wait3A_183 = arith.constant 0 : i32
      %dma_wait3A_184 = tpu.memref_slice %arg6[%add3A_55, %dma_wait3A_183] : memref<10240x128xf32, #tpu.memory_space<vmem_shared>> -> memref<32x128xf32, #tpu.memory_space<vmem_shared>>
      %dma_wait3A_185 = arith.constant 0 : i32
      %dma_wait3A_186 = tpu.memref_slice %arg6[%add3A_55, %dma_wait3A_185] : memref<10240x128xf32, #tpu.memory_space<vmem_shared>> -> memref<32x128xf32, #tpu.memory_space<vmem_shared>>
      tpu.wait_dma2 semaphore(%run_scoped3A_178 : memref<!tpu.dma_semaphore, #tpu.memory_space<semaphore_mem>>) src(%arg12 : memref<32x128xf32, #tpu.memory_space<vmem>>) dst(%dma_wait3A_186 : memref<32x128xf32, #tpu.memory_space<vmem_shared>>)
      tpu.yield
    }) : () -> ()
    %mul3A_56 = arith.constant 640 : i32
    %mul3A_57 = arith.muli %arg1, %mul3A_56 : i32
    %add3A_58 = arith.constant 160 : i32
    %add3A_59 = arith.addi %mul3A_57, %add3A_58 : i32
    "tpu.region"() ({
      %run_scoped3A_178 = tpu.sem_alloc : memref<!tpu.dma_semaphore, #tpu.memory_space<semaphore_mem>>
      %dma_start3A_179 = arith.constant 0 : i32
      %dma_start3A_180 = tpu.memref_slice %arg6[%add3A_59, %dma_start3A_179] : memref<10240x128xf32, #tpu.memory_space<vmem_shared>> -> memref<32x128xf32, #tpu.memory_space<vmem_shared>>
      %dma_start3A_181 = arith.constant 0 : i32
      %dma_start3A_182 = tpu.memref_slice %arg6[%add3A_59, %dma_start3A_181] : memref<10240x128xf32, #tpu.memory_space<vmem_shared>> -> memref<32x128xf32, #tpu.memory_space<vmem_shared>>
      tpu.enqueue_dma source(%arg12 : memref<32x128xf32, #tpu.memory_space<vmem>>) target(%dma_start3A_182 : memref<32x128xf32, #tpu.memory_space<vmem_shared>>) target_semaphore(%run_scoped3A_178 : memref<!tpu.dma_semaphore, #tpu.memory_space<semaphore_mem>>)
      %dma_wait3A_183 = arith.constant 0 : i32
      %dma_wait3A_184 = tpu.memref_slice %arg6[%add3A_59, %dma_wait3A_183] : memref<10240x128xf32, #tpu.memory_space<vmem_shared>> -> memref<32x128xf32, #tpu.memory_space<vmem_shared>>
      %dma_wait3A_185 = arith.constant 0 : i32
      %dma_wait3A_186 = tpu.memref_slice %arg6[%add3A_59, %dma_wait3A_185] : memref<10240x128xf32, #tpu.memory_space<vmem_shared>> -> memref<32x128xf32, #tpu.memory_space<vmem_shared>>
      tpu.wait_dma2 semaphore(%run_scoped3A_178 : memref<!tpu.dma_semaphore, #tpu.memory_space<semaphore_mem>>) src(%arg12 : memref<32x128xf32, #tpu.memory_space<vmem>>) dst(%dma_wait3A_186 : memref<32x128xf32, #tpu.memory_space<vmem_shared>>)
      tpu.yield
    }) : () -> ()
    %mul3A_60 = arith.constant 640 : i32
    %mul3A_61 = arith.muli %arg1, %mul3A_60 : i32
    %add3A_62 = arith.constant 192 : i32
    %add3A_63 = arith.addi %mul3A_61, %add3A_62 : i32
    "tpu.region"() ({
      %run_scoped3A_178 = tpu.sem_alloc : memref<!tpu.dma_semaphore, #tpu.memory_space<semaphore_mem>>
      %dma_start3A_179 = arith.constant 0 : i32
      %dma_start3A_180 = tpu.memref_slice %arg6[%add3A_63, %dma_start3A_179] : memref<10240x128xf32, #tpu.memory_space<vmem_shared>> -> memref<32x128xf32, #tpu.memory_space<vmem_shared>>
      %dma_start3A_181 = arith.constant 0 : i32
      %dma_start3A_182 = tpu.memref_slice %arg6[%add3A_63, %dma_start3A_181] : memref<10240x128xf32, #tpu.memory_space<vmem_shared>> -> memref<32x128xf32, #tpu.memory_space<vmem_shared>>
      tpu.enqueue_dma source(%arg12 : memref<32x128xf32, #tpu.memory_space<vmem>>) target(%dma_start3A_182 : memref<32x128xf32, #tpu.memory_space<vmem_shared>>) target_semaphore(%run_scoped3A_178 : memref<!tpu.dma_semaphore, #tpu.memory_space<semaphore_mem>>)
      %dma_wait3A_183 = arith.constant 0 : i32
      %dma_wait3A_184 = tpu.memref_slice %arg6[%add3A_63, %dma_wait3A_183] : memref<10240x128xf32, #tpu.memory_space<vmem_shared>> -> memref<32x128xf32, #tpu.memory_space<vmem_shared>>
      %dma_wait3A_185 = arith.constant 0 : i32
      %dma_wait3A_186 = tpu.memref_slice %arg6[%add3A_63, %dma_wait3A_185] : memref<10240x128xf32, #tpu.memory_space<vmem_shared>> -> memref<32x128xf32, #tpu.memory_space<vmem_shared>>
      tpu.wait_dma2 semaphore(%run_scoped3A_178 : memref<!tpu.dma_semaphore, #tpu.memory_space<semaphore_mem>>) src(%arg12 : memref<32x128xf32, #tpu.memory_space<vmem>>) dst(%dma_wait3A_186 : memref<32x128xf32, #tpu.memory_space<vmem_shared>>)
      tpu.yield
    }) : () -> ()
    %mul3A_64 = arith.constant 640 : i32
    %mul3A_65 = arith.muli %arg1, %mul3A_64 : i32
    %add3A_66 = arith.constant 224 : i32
    %add3A_67 = arith.addi %mul3A_65, %add3A_66 : i32
    "tpu.region"() ({
      %run_scoped3A_178 = tpu.sem_alloc : memref<!tpu.dma_semaphore, #tpu.memory_space<semaphore_mem>>
      %dma_start3A_179 = arith.constant 0 : i32
      %dma_start3A_180 = tpu.memref_slice %arg6[%add3A_67, %dma_start3A_179] : memref<10240x128xf32, #tpu.memory_space<vmem_shared>> -> memref<32x128xf32, #tpu.memory_space<vmem_shared>>
      %dma_start3A_181 = arith.constant 0 : i32
      %dma_start3A_182 = tpu.memref_slice %arg6[%add3A_67, %dma_start3A_181] : memref<10240x128xf32, #tpu.memory_space<vmem_shared>> -> memref<32x128xf32, #tpu.memory_space<vmem_shared>>
      tpu.enqueue_dma source(%arg12 : memref<32x128xf32, #tpu.memory_space<vmem>>) target(%dma_start3A_182 : memref<32x128xf32, #tpu.memory_space<vmem_shared>>) target_semaphore(%run_scoped3A_178 : memref<!tpu.dma_semaphore, #tpu.memory_space<semaphore_mem>>)
      %dma_wait3A_183 = arith.constant 0 : i32
      %dma_wait3A_184 = tpu.memref_slice %arg6[%add3A_67, %dma_wait3A_183] : memref<10240x128xf32, #tpu.memory_space<vmem_shared>> -> memref<32x128xf32, #tpu.memory_space<vmem_shared>>
      %dma_wait3A_185 = arith.constant 0 : i32
      %dma_wait3A_186 = tpu.memref_slice %arg6[%add3A_67, %dma_wait3A_185] : memref<10240x128xf32, #tpu.memory_space<vmem_shared>> -> memref<32x128xf32, #tpu.memory_space<vmem_shared>>
      tpu.wait_dma2 semaphore(%run_scoped3A_178 : memref<!tpu.dma_semaphore, #tpu.memory_space<semaphore_mem>>) src(%arg12 : memref<32x128xf32, #tpu.memory_space<vmem>>) dst(%dma_wait3A_186 : memref<32x128xf32, #tpu.memory_space<vmem_shared>>)
      tpu.yield
    }) : () -> ()
    %mul3A_68 = arith.constant 640 : i32
    %mul3A_69 = arith.muli %arg1, %mul3A_68 : i32
    %add3A_70 = arith.constant 256 : i32
    %add3A_71 = arith.addi %mul3A_69, %add3A_70 : i32
    "tpu.region"() ({
      %run_scoped3A_178 = tpu.sem_alloc : memref<!tpu.dma_semaphore, #tpu.memory_space<semaphore_mem>>
      %dma_start3A_179 = arith.constant 0 : i32
      %dma_start3A_180 = tpu.memref_slice %arg6[%add3A_71, %dma_start3A_179] : memref<10240x128xf32, #tpu.memory_space<vmem_shared>> -> memref<32x128xf32, #tpu.memory_space<vmem_shared>>
      %dma_start3A_181 = arith.constant 0 : i32
      %dma_start3A_182 = tpu.memref_slice %arg6[%add3A_71, %dma_start3A_181] : memref<10240x128xf32, #tpu.memory_space<vmem_shared>> -> memref<32x128xf32, #tpu.memory_space<vmem_shared>>
      tpu.enqueue_dma source(%arg12 : memref<32x128xf32, #tpu.memory_space<vmem>>) target(%dma_start3A_182 : memref<32x128xf32, #tpu.memory_space<vmem_shared>>) target_semaphore(%run_scoped3A_178 : memref<!tpu.dma_semaphore, #tpu.memory_space<semaphore_mem>>)
      %dma_wait3A_183 = arith.constant 0 : i32
      %dma_wait3A_184 = tpu.memref_slice %arg6[%add3A_71, %dma_wait3A_183] : memref<10240x128xf32, #tpu.memory_space<vmem_shared>> -> memref<32x128xf32, #tpu.memory_space<vmem_shared>>
      %dma_wait3A_185 = arith.constant 0 : i32
      %dma_wait3A_186 = tpu.memref_slice %arg6[%add3A_71, %dma_wait3A_185] : memref<10240x128xf32, #tpu.memory_space<vmem_shared>> -> memref<32x128xf32, #tpu.memory_space<vmem_shared>>
      tpu.wait_dma2 semaphore(%run_scoped3A_178 : memref<!tpu.dma_semaphore, #tpu.memory_space<semaphore_mem>>) src(%arg12 : memref<32x128xf32, #tpu.memory_space<vmem>>) dst(%dma_wait3A_186 : memref<32x128xf32, #tpu.memory_space<vmem_shared>>)
      tpu.yield
    }) : () -> ()
    %mul3A_72 = arith.constant 640 : i32
    %mul3A_73 = arith.muli %arg1, %mul3A_72 : i32
    %add3A_74 = arith.constant 288 : i32
    %add3A_75 = arith.addi %mul3A_73, %add3A_74 : i32
    "tpu.region"() ({
      %run_scoped3A_178 = tpu.sem_alloc : memref<!tpu.dma_semaphore, #tpu.memory_space<semaphore_mem>>
      %dma_start3A_179 = arith.constant 0 : i32
      %dma_start3A_180 = tpu.memref_slice %arg6[%add3A_75, %dma_start3A_179] : memref<10240x128xf32, #tpu.memory_space<vmem_shared>> -> memref<32x128xf32, #tpu.memory_space<vmem_shared>>
      %dma_start3A_181 = arith.constant 0 : i32
      %dma_start3A_182 = tpu.memref_slice %arg6[%add3A_75, %dma_start3A_181] : memref<10240x128xf32, #tpu.memory_space<vmem_shared>> -> memref<32x128xf32, #tpu.memory_space<vmem_shared>>
      tpu.enqueue_dma source(%arg12 : memref<32x128xf32, #tpu.memory_space<vmem>>) target(%dma_start3A_182 : memref<32x128xf32, #tpu.memory_space<vmem_shared>>) target_semaphore(%run_scoped3A_178 : memref<!tpu.dma_semaphore, #tpu.memory_space<semaphore_mem>>)
      %dma_wait3A_183 = arith.constant 0 : i32
      %dma_wait3A_184 = tpu.memref_slice %arg6[%add3A_75, %dma_wait3A_183] : memref<10240x128xf32, #tpu.memory_space<vmem_shared>> -> memref<32x128xf32, #tpu.memory_space<vmem_shared>>
      %dma_wait3A_185 = arith.constant 0 : i32
      %dma_wait3A_186 = tpu.memref_slice %arg6[%add3A_75, %dma_wait3A_185] : memref<10240x128xf32, #tpu.memory_space<vmem_shared>> -> memref<32x128xf32, #tpu.memory_space<vmem_shared>>
      tpu.wait_dma2 semaphore(%run_scoped3A_178 : memref<!tpu.dma_semaphore, #tpu.memory_space<semaphore_mem>>) src(%arg12 : memref<32x128xf32, #tpu.memory_space<vmem>>) dst(%dma_wait3A_186 : memref<32x128xf32, #tpu.memory_space<vmem_shared>>)
      tpu.yield
    }) : () -> ()
    %mul3A_76 = arith.constant 640 : i32
    %mul3A_77 = arith.muli %arg1, %mul3A_76 : i32
    %add3A_78 = arith.constant 320 : i32
    %add3A_79 = arith.addi %mul3A_77, %add3A_78 : i32
    "tpu.region"() ({
      %run_scoped3A_178 = tpu.sem_alloc : memref<!tpu.dma_semaphore, #tpu.memory_space<semaphore_mem>>
      %dma_start3A_179 = arith.constant 0 : i32
      %dma_start3A_180 = tpu.memref_slice %arg6[%add3A_79, %dma_start3A_179] : memref<10240x128xf32, #tpu.memory_space<vmem_shared>> -> memref<32x128xf32, #tpu.memory_space<vmem_shared>>
      %dma_start3A_181 = arith.constant 0 : i32
      %dma_start3A_182 = tpu.memref_slice %arg6[%add3A_79, %dma_start3A_181] : memref<10240x128xf32, #tpu.memory_space<vmem_shared>> -> memref<32x128xf32, #tpu.memory_space<vmem_shared>>
      tpu.enqueue_dma source(%arg12 : memref<32x128xf32, #tpu.memory_space<vmem>>) target(%dma_start3A_182 : memref<32x128xf32, #tpu.memory_space<vmem_shared>>) target_semaphore(%run_scoped3A_178 : memref<!tpu.dma_semaphore, #tpu.memory_space<semaphore_mem>>)
      %dma_wait3A_183 = arith.constant 0 : i32
      %dma_wait3A_184 = tpu.memref_slice %arg6[%add3A_79, %dma_wait3A_183] : memref<10240x128xf32, #tpu.memory_space<vmem_shared>> -> memref<32x128xf32, #tpu.memory_space<vmem_shared>>
      %dma_wait3A_185 = arith.constant 0 : i32
      %dma_wait3A_186 = tpu.memref_slice %arg6[%add3A_79, %dma_wait3A_185] : memref<10240x128xf32, #tpu.memory_space<vmem_shared>> -> memref<32x128xf32, #tpu.memory_space<vmem_shared>>
      tpu.wait_dma2 semaphore(%run_scoped3A_178 : memref<!tpu.dma_semaphore, #tpu.memory_space<semaphore_mem>>) src(%arg12 : memref<32x128xf32, #tpu.memory_space<vmem>>) dst(%dma_wait3A_186 : memref<32x128xf32, #tpu.memory_space<vmem_shared>>)
      tpu.yield
    }) : () -> ()
    %mul3A_80 = arith.constant 640 : i32
    %mul3A_81 = arith.muli %arg1, %mul3A_80 : i32
    %add3A_82 = arith.constant 352 : i32
    %add3A_83 = arith.addi %mul3A_81, %add3A_82 : i32
    "tpu.region"() ({
      %run_scoped3A_178 = tpu.sem_alloc : memref<!tpu.dma_semaphore, #tpu.memory_space<semaphore_mem>>
      %dma_start3A_179 = arith.constant 0 : i32
      %dma_start3A_180 = tpu.memref_slice %arg6[%add3A_83, %dma_start3A_179] : memref<10240x128xf32, #tpu.memory_space<vmem_shared>> -> memref<32x128xf32, #tpu.memory_space<vmem_shared>>
      %dma_start3A_181 = arith.constant 0 : i32
      %dma_start3A_182 = tpu.memref_slice %arg6[%add3A_83, %dma_start3A_181] : memref<10240x128xf32, #tpu.memory_space<vmem_shared>> -> memref<32x128xf32, #tpu.memory_space<vmem_shared>>
      tpu.enqueue_dma source(%arg12 : memref<32x128xf32, #tpu.memory_space<vmem>>) target(%dma_start3A_182 : memref<32x128xf32, #tpu.memory_space<vmem_shared>>) target_semaphore(%run_scoped3A_178 : memref<!tpu.dma_semaphore, #tpu.memory_space<semaphore_mem>>)
      %dma_wait3A_183 = arith.constant 0 : i32
      %dma_wait3A_184 = tpu.memref_slice %arg6[%add3A_83, %dma_wait3A_183] : memref<10240x128xf32, #tpu.memory_space<vmem_shared>> -> memref<32x128xf32, #tpu.memory_space<vmem_shared>>
      %dma_wait3A_185 = arith.constant 0 : i32
      %dma_wait3A_186 = tpu.memref_slice %arg6[%add3A_83, %dma_wait3A_185] : memref<10240x128xf32, #tpu.memory_space<vmem_shared>> -> memref<32x128xf32, #tpu.memory_space<vmem_shared>>
      tpu.wait_dma2 semaphore(%run_scoped3A_178 : memref<!tpu.dma_semaphore, #tpu.memory_space<semaphore_mem>>) src(%arg12 : memref<32x128xf32, #tpu.memory_space<vmem>>) dst(%dma_wait3A_186 : memref<32x128xf32, #tpu.memory_space<vmem_shared>>)
      tpu.yield
    }) : () -> ()
    %mul3A_84 = arith.constant 640 : i32
    %mul3A_85 = arith.muli %arg1, %mul3A_84 : i32
    %add3A_86 = arith.constant 384 : i32
    %add3A_87 = arith.addi %mul3A_85, %add3A_86 : i32
    "tpu.region"() ({
      %run_scoped3A_178 = tpu.sem_alloc : memref<!tpu.dma_semaphore, #tpu.memory_space<semaphore_mem>>
      %dma_start3A_179 = arith.constant 0 : i32
      %dma_start3A_180 = tpu.memref_slice %arg6[%add3A_87, %dma_start3A_179] : memref<10240x128xf32, #tpu.memory_space<vmem_shared>> -> memref<32x128xf32, #tpu.memory_space<vmem_shared>>
      %dma_start3A_181 = arith.constant 0 : i32
      %dma_start3A_182 = tpu.memref_slice %arg6[%add3A_87, %dma_start3A_181] : memref<10240x128xf32, #tpu.memory_space<vmem_shared>> -> memref<32x128xf32, #tpu.memory_space<vmem_shared>>
      tpu.enqueue_dma source(%arg12 : memref<32x128xf32, #tpu.memory_space<vmem>>) target(%dma_start3A_182 : memref<32x128xf32, #tpu.memory_space<vmem_shared>>) target_semaphore(%run_scoped3A_178 : memref<!tpu.dma_semaphore, #tpu.memory_space<semaphore_mem>>)
      %dma_wait3A_183 = arith.constant 0 : i32
      %dma_wait3A_184 = tpu.memref_slice %arg6[%add3A_87, %dma_wait3A_183] : memref<10240x128xf32, #tpu.memory_space<vmem_shared>> -> memref<32x128xf32, #tpu.memory_space<vmem_shared>>
      %dma_wait3A_185 = arith.constant 0 : i32
      %dma_wait3A_186 = tpu.memref_slice %arg6[%add3A_87, %dma_wait3A_185] : memref<10240x128xf32, #tpu.memory_space<vmem_shared>> -> memref<32x128xf32, #tpu.memory_space<vmem_shared>>
      tpu.wait_dma2 semaphore(%run_scoped3A_178 : memref<!tpu.dma_semaphore, #tpu.memory_space<semaphore_mem>>) src(%arg12 : memref<32x128xf32, #tpu.memory_space<vmem>>) dst(%dma_wait3A_186 : memref<32x128xf32, #tpu.memory_space<vmem_shared>>)
      tpu.yield
    }) : () -> ()
    %mul3A_88 = arith.constant 640 : i32
    %mul3A_89 = arith.muli %arg1, %mul3A_88 : i32
    %add3A_90 = arith.constant 416 : i32
    %add3A_91 = arith.addi %mul3A_89, %add3A_90 : i32
    "tpu.region"() ({
      %run_scoped3A_178 = tpu.sem_alloc : memref<!tpu.dma_semaphore, #tpu.memory_space<semaphore_mem>>
      %dma_start3A_179 = arith.constant 0 : i32
      %dma_start3A_180 = tpu.memref_slice %arg6[%add3A_91, %dma_start3A_179] : memref<10240x128xf32, #tpu.memory_space<vmem_shared>> -> memref<32x128xf32, #tpu.memory_space<vmem_shared>>
      %dma_start3A_181 = arith.constant 0 : i32
      %dma_start3A_182 = tpu.memref_slice %arg6[%add3A_91, %dma_start3A_181] : memref<10240x128xf32, #tpu.memory_space<vmem_shared>> -> memref<32x128xf32, #tpu.memory_space<vmem_shared>>
      tpu.enqueue_dma source(%arg12 : memref<32x128xf32, #tpu.memory_space<vmem>>) target(%dma_start3A_182 : memref<32x128xf32, #tpu.memory_space<vmem_shared>>) target_semaphore(%run_scoped3A_178 : memref<!tpu.dma_semaphore, #tpu.memory_space<semaphore_mem>>)
      %dma_wait3A_183 = arith.constant 0 : i32
      %dma_wait3A_184 = tpu.memref_slice %arg6[%add3A_91, %dma_wait3A_183] : memref<10240x128xf32, #tpu.memory_space<vmem_shared>> -> memref<32x128xf32, #tpu.memory_space<vmem_shared>>
      %dma_wait3A_185 = arith.constant 0 : i32
      %dma_wait3A_186 = tpu.memref_slice %arg6[%add3A_91, %dma_wait3A_185] : memref<10240x128xf32, #tpu.memory_space<vmem_shared>> -> memref<32x128xf32, #tpu.memory_space<vmem_shared>>
      tpu.wait_dma2 semaphore(%run_scoped3A_178 : memref<!tpu.dma_semaphore, #tpu.memory_space<semaphore_mem>>) src(%arg12 : memref<32x128xf32, #tpu.memory_space<vmem>>) dst(%dma_wait3A_186 : memref<32x128xf32, #tpu.memory_space<vmem_shared>>)
      tpu.yield
    }) : () -> ()
    %mul3A_92 = arith.constant 640 : i32
    %mul3A_93 = arith.muli %arg1, %mul3A_92 : i32
    %add3A_94 = arith.constant 448 : i32
    %add3A_95 = arith.addi %mul3A_93, %add3A_94 : i32
    "tpu.region"() ({
      %run_scoped3A_178 = tpu.sem_alloc : memref<!tpu.dma_semaphore, #tpu.memory_space<semaphore_mem>>
      %dma_start3A_179 = arith.constant 0 : i32
      %dma_start3A_180 = tpu.memref_slice %arg6[%add3A_95, %dma_start3A_179] : memref<10240x128xf32, #tpu.memory_space<vmem_shared>> -> memref<32x128xf32, #tpu.memory_space<vmem_shared>>
      %dma_start3A_181 = arith.constant 0 : i32
      %dma_start3A_182 = tpu.memref_slice %arg6[%add3A_95, %dma_start3A_181] : memref<10240x128xf32, #tpu.memory_space<vmem_shared>> -> memref<32x128xf32, #tpu.memory_space<vmem_shared>>
      tpu.enqueue_dma source(%arg12 : memref<32x128xf32, #tpu.memory_space<vmem>>) target(%dma_start3A_182 : memref<32x128xf32, #tpu.memory_space<vmem_shared>>) target_semaphore(%run_scoped3A_178 : memref<!tpu.dma_semaphore, #tpu.memory_space<semaphore_mem>>)
      %dma_wait3A_183 = arith.constant 0 : i32
      %dma_wait3A_184 = tpu.memref_slice %arg6[%add3A_95, %dma_wait3A_183] : memref<10240x128xf32, #tpu.memory_space<vmem_shared>> -> memref<32x128xf32, #tpu.memory_space<vmem_shared>>
      %dma_wait3A_185 = arith.constant 0 : i32
      %dma_wait3A_186 = tpu.memref_slice %arg6[%add3A_95, %dma_wait3A_185] : memref<10240x128xf32, #tpu.memory_space<vmem_shared>> -> memref<32x128xf32, #tpu.memory_space<vmem_shared>>
      tpu.wait_dma2 semaphore(%run_scoped3A_178 : memref<!tpu.dma_semaphore, #tpu.memory_space<semaphore_mem>>) src(%arg12 : memref<32x128xf32, #tpu.memory_space<vmem>>) dst(%dma_wait3A_186 : memref<32x128xf32, #tpu.memory_space<vmem_shared>>)
      tpu.yield
    }) : () -> ()
    %mul3A_96 = arith.constant 640 : i32
    %mul3A_97 = arith.muli %arg1, %mul3A_96 : i32
    %add3A_98 = arith.constant 480 : i32
    %add3A_99 = arith.addi %mul3A_97, %add3A_98 : i32
    "tpu.region"() ({
      %run_scoped3A_178 = tpu.sem_alloc : memref<!tpu.dma_semaphore, #tpu.memory_space<semaphore_mem>>
      %dma_start3A_179 = arith.constant 0 : i32
      %dma_start3A_180 = tpu.memref_slice %arg6[%add3A_99, %dma_start3A_179] : memref<10240x128xf32, #tpu.memory_space<vmem_shared>> -> memref<32x128xf32, #tpu.memory_space<vmem_shared>>
      %dma_start3A_181 = arith.constant 0 : i32
      %dma_start3A_182 = tpu.memref_slice %arg6[%add3A_99, %dma_start3A_181] : memref<10240x128xf32, #tpu.memory_space<vmem_shared>> -> memref<32x128xf32, #tpu.memory_space<vmem_shared>>
      tpu.enqueue_dma source(%arg12 : memref<32x128xf32, #tpu.memory_space<vmem>>) target(%dma_start3A_182 : memref<32x128xf32, #tpu.memory_space<vmem_shared>>) target_semaphore(%run_scoped3A_178 : memref<!tpu.dma_semaphore, #tpu.memory_space<semaphore_mem>>)
      %dma_wait3A_183 = arith.constant 0 : i32
      %dma_wait3A_184 = tpu.memref_slice %arg6[%add3A_99, %dma_wait3A_183] : memref<10240x128xf32, #tpu.memory_space<vmem_shared>> -> memref<32x128xf32, #tpu.memory_space<vmem_shared>>
      %dma_wait3A_185 = arith.constant 0 : i32
      %dma_wait3A_186 = tpu.memref_slice %arg6[%add3A_99, %dma_wait3A_185] : memref<10240x128xf32, #tpu.memory_space<vmem_shared>> -> memref<32x128xf32, #tpu.memory_space<vmem_shared>>
      tpu.wait_dma2 semaphore(%run_scoped3A_178 : memref<!tpu.dma_semaphore, #tpu.memory_space<semaphore_mem>>) src(%arg12 : memref<32x128xf32, #tpu.memory_space<vmem>>) dst(%dma_wait3A_186 : memref<32x128xf32, #tpu.memory_space<vmem_shared>>)
      tpu.yield
    }) : () -> ()
    %mul3A_100 = arith.constant 640 : i32
    %mul3A_101 = arith.muli %arg1, %mul3A_100 : i32
    %add3A_102 = arith.constant 512 : i32
    %add3A_103 = arith.addi %mul3A_101, %add3A_102 : i32
    "tpu.region"() ({
      %run_scoped3A_178 = tpu.sem_alloc : memref<!tpu.dma_semaphore, #tpu.memory_space<semaphore_mem>>
      %dma_start3A_179 = arith.constant 0 : i32
      %dma_start3A_180 = tpu.memref_slice %arg6[%add3A_103, %dma_start3A_179] : memref<10240x128xf32, #tpu.memory_space<vmem_shared>> -> memref<32x128xf32, #tpu.memory_space<vmem_shared>>
      %dma_start3A_181 = arith.constant 0 : i32
      %dma_start3A_182 = tpu.memref_slice %arg6[%add3A_103, %dma_start3A_181] : memref<10240x128xf32, #tpu.memory_space<vmem_shared>> -> memref<32x128xf32, #tpu.memory_space<vmem_shared>>
      tpu.enqueue_dma source(%arg12 : memref<32x128xf32, #tpu.memory_space<vmem>>) target(%dma_start3A_182 : memref<32x128xf32, #tpu.memory_space<vmem_shared>>) target_semaphore(%run_scoped3A_178 : memref<!tpu.dma_semaphore, #tpu.memory_space<semaphore_mem>>)
      %dma_wait3A_183 = arith.constant 0 : i32
      %dma_wait3A_184 = tpu.memref_slice %arg6[%add3A_103, %dma_wait3A_183] : memref<10240x128xf32, #tpu.memory_space<vmem_shared>> -> memref<32x128xf32, #tpu.memory_space<vmem_shared>>
      %dma_wait3A_185 = arith.constant 0 : i32
      %dma_wait3A_186 = tpu.memref_slice %arg6[%add3A_103, %dma_wait3A_185] : memref<10240x128xf32, #tpu.memory_space<vmem_shared>> -> memref<32x128xf32, #tpu.memory_space<vmem_shared>>
      tpu.wait_dma2 semaphore(%run_scoped3A_178 : memref<!tpu.dma_semaphore, #tpu.memory_space<semaphore_mem>>) src(%arg12 : memref<32x128xf32, #tpu.memory_space<vmem>>) dst(%dma_wait3A_186 : memref<32x128xf32, #tpu.memory_space<vmem_shared>>)
      tpu.yield
    }) : () -> ()
    %mul3A_104 = arith.constant 640 : i32
    %mul3A_105 = arith.muli %arg1, %mul3A_104 : i32
    %add3A_106 = arith.constant 544 : i32
    %add3A_107 = arith.addi %mul3A_105, %add3A_106 : i32
    "tpu.region"() ({
      %run_scoped3A_178 = tpu.sem_alloc : memref<!tpu.dma_semaphore, #tpu.memory_space<semaphore_mem>>
      %dma_start3A_179 = arith.constant 0 : i32
      %dma_start3A_180 = tpu.memref_slice %arg6[%add3A_107, %dma_start3A_179] : memref<10240x128xf32, #tpu.memory_space<vmem_shared>> -> memref<32x128xf32, #tpu.memory_space<vmem_shared>>
      %dma_start3A_181 = arith.constant 0 : i32
      %dma_start3A_182 = tpu.memref_slice %arg6[%add3A_107, %dma_start3A_181] : memref<10240x128xf32, #tpu.memory_space<vmem_shared>> -> memref<32x128xf32, #tpu.memory_space<vmem_shared>>
      tpu.enqueue_dma source(%arg12 : memref<32x128xf32, #tpu.memory_space<vmem>>) target(%dma_start3A_182 : memref<32x128xf32, #tpu.memory_space<vmem_shared>>) target_semaphore(%run_scoped3A_178 : memref<!tpu.dma_semaphore, #tpu.memory_space<semaphore_mem>>)
      %dma_wait3A_183 = arith.constant 0 : i32
      %dma_wait3A_184 = tpu.memref_slice %arg6[%add3A_107, %dma_wait3A_183] : memref<10240x128xf32, #tpu.memory_space<vmem_shared>> -> memref<32x128xf32, #tpu.memory_space<vmem_shared>>
      %dma_wait3A_185 = arith.constant 0 : i32
      %dma_wait3A_186 = tpu.memref_slice %arg6[%add3A_107, %dma_wait3A_185] : memref<10240x128xf32, #tpu.memory_space<vmem_shared>> -> memref<32x128xf32, #tpu.memory_space<vmem_shared>>
      tpu.wait_dma2 semaphore(%run_scoped3A_178 : memref<!tpu.dma_semaphore, #tpu.memory_space<semaphore_mem>>) src(%arg12 : memref<32x128xf32, #tpu.memory_space<vmem>>) dst(%dma_wait3A_186 : memref<32x128xf32, #tpu.memory_space<vmem_shared>>)
      tpu.yield
    }) : () -> ()
    %mul3A_108 = arith.constant 640 : i32
    %mul3A_109 = arith.muli %arg1, %mul3A_108 : i32
    %add3A_110 = arith.constant 576 : i32
    %add3A_111 = arith.addi %mul3A_109, %add3A_110 : i32
    "tpu.region"() ({
      %run_scoped3A_178 = tpu.sem_alloc : memref<!tpu.dma_semaphore, #tpu.memory_space<semaphore_mem>>
      %dma_start3A_179 = arith.constant 0 : i32
      %dma_start3A_180 = tpu.memref_slice %arg6[%add3A_111, %dma_start3A_179] : memref<10240x128xf32, #tpu.memory_space<vmem_shared>> -> memref<32x128xf32, #tpu.memory_space<vmem_shared>>
      %dma_start3A_181 = arith.constant 0 : i32
      %dma_start3A_182 = tpu.memref_slice %arg6[%add3A_111, %dma_start3A_181] : memref<10240x128xf32, #tpu.memory_space<vmem_shared>> -> memref<32x128xf32, #tpu.memory_space<vmem_shared>>
      tpu.enqueue_dma source(%arg12 : memref<32x128xf32, #tpu.memory_space<vmem>>) target(%dma_start3A_182 : memref<32x128xf32, #tpu.memory_space<vmem_shared>>) target_semaphore(%run_scoped3A_178 : memref<!tpu.dma_semaphore, #tpu.memory_space<semaphore_mem>>)
      %dma_wait3A_183 = arith.constant 0 : i32
      %dma_wait3A_184 = tpu.memref_slice %arg6[%add3A_111, %dma_wait3A_183] : memref<10240x128xf32, #tpu.memory_space<vmem_shared>> -> memref<32x128xf32, #tpu.memory_space<vmem_shared>>
      %dma_wait3A_185 = arith.constant 0 : i32
      %dma_wait3A_186 = tpu.memref_slice %arg6[%add3A_111, %dma_wait3A_185] : memref<10240x128xf32, #tpu.memory_space<vmem_shared>> -> memref<32x128xf32, #tpu.memory_space<vmem_shared>>
      tpu.wait_dma2 semaphore(%run_scoped3A_178 : memref<!tpu.dma_semaphore, #tpu.memory_space<semaphore_mem>>) src(%arg12 : memref<32x128xf32, #tpu.memory_space<vmem>>) dst(%dma_wait3A_186 : memref<32x128xf32, #tpu.memory_space<vmem_shared>>)
      tpu.yield
    }) : () -> ()
    %mul3A_112 = arith.constant 640 : i32
    %mul3A_113 = arith.muli %arg1, %mul3A_112 : i32
    %add3A_114 = arith.constant 608 : i32
    %add3A_115 = arith.addi %mul3A_113, %add3A_114 : i32
    "tpu.region"() ({
      %run_scoped3A_178 = tpu.sem_alloc : memref<!tpu.dma_semaphore, #tpu.memory_space<semaphore_mem>>
      %dma_start3A_179 = arith.constant 0 : i32
      %dma_start3A_180 = tpu.memref_slice %arg6[%add3A_115, %dma_start3A_179] : memref<10240x128xf32, #tpu.memory_space<vmem_shared>> -> memref<32x128xf32, #tpu.memory_space<vmem_shared>>
      %dma_start3A_181 = arith.constant 0 : i32
      %dma_start3A_182 = tpu.memref_slice %arg6[%add3A_115, %dma_start3A_181] : memref<10240x128xf32, #tpu.memory_space<vmem_shared>> -> memref<32x128xf32, #tpu.memory_space<vmem_shared>>
      tpu.enqueue_dma source(%arg12 : memref<32x128xf32, #tpu.memory_space<vmem>>) target(%dma_start3A_182 : memref<32x128xf32, #tpu.memory_space<vmem_shared>>) target_semaphore(%run_scoped3A_178 : memref<!tpu.dma_semaphore, #tpu.memory_space<semaphore_mem>>)
      %dma_wait3A_183 = arith.constant 0 : i32
      %dma_wait3A_184 = tpu.memref_slice %arg6[%add3A_115, %dma_wait3A_183] : memref<10240x128xf32, #tpu.memory_space<vmem_shared>> -> memref<32x128xf32, #tpu.memory_space<vmem_shared>>
      %dma_wait3A_185 = arith.constant 0 : i32
      %dma_wait3A_186 = tpu.memref_slice %arg6[%add3A_115, %dma_wait3A_185] : memref<10240x128xf32, #tpu.memory_space<vmem_shared>> -> memref<32x128xf32, #tpu.memory_space<vmem_shared>>
      tpu.wait_dma2 semaphore(%run_scoped3A_178 : memref<!tpu.dma_semaphore, #tpu.memory_space<semaphore_mem>>) src(%arg12 : memref<32x128xf32, #tpu.memory_space<vmem>>) dst(%dma_wait3A_186 : memref<32x128xf32, #tpu.memory_space<vmem_shared>>)
      tpu.yield
    }) : () -> ()
    %barrier3A = arith.constant 0 : index
    tpu.barrier barrier_id(%barrier3A)
    %scan3A_116 = arith.constant 0 : i32
    %scan3A_117 = arith.constant 0 : i32
    %scan3A_118 = arith.constant 39 : i32
    %scan3A_119 = arith.addi %scan3A_117, %scan3A_118 : i32
    %scan3A_120 = arith.constant 1 : i32
    %scan3A_121 = scf.for %scan3A_178 = %scan3A_117 to %scan3A_119 step %scan3A_120 iter_args(%scan3A_179 = %scan3A_116) -> (i32)  : i32 {
      %mul3A_180 = arith.constant 2 : i32
      %mul3A_181 = arith.muli %mul3A_180, %scan3A_178 : i32
      %add3A_182 = arith.constant 1 : i32
      %add3A_183 = arith.addi %mul3A_181, %add3A_182 : i32
      %dma_wait3A_184 = arith.constant 0 : i32
      %dma_wait3A_185 = tpu.memref_slice %arg7[%mul3A_181, %dma_wait3A_184] : memref<79x128xi32, #tpu.memory_space<vmem>> -> memref<1x128xi32, #tpu.memory_space<vmem>>
      %dma_wait3A_186 = tpu.memref_squeeze %dma_wait3A_185 : memref<1x128xi32, #tpu.memory_space<vmem>> -> memref<128xi32, #tpu.memory_space<vmem>>
      %dma_wait3A_187 = arith.constant 0 : i32
      %dma_wait3A_188 = arith.constant 0 : i32
      %dma_wait3A_189 = tpu.memref_slice %arg2[%dma_wait3A_187, %dma_wait3A_188] : memref<10000x128xf32, #tpu.memory_space<hbm>> -> memref<10000x128xf32, #tpu.memory_space<hbm>>
      tpu.wait_indirect_dma semaphore(%arg13 : memref<!tpu.dma_semaphore, #tpu.memory_space<semaphore_mem>>) src(%dma_wait3A_189 : memref<10000x128xf32, #tpu.memory_space<hbm>>) dst(%arg10 : memref<128x128xf32, #tpu.memory_space<vmem>>)
      %dma_wait3A_190 = arith.constant 0 : i32
      %dma_wait3A_191 = tpu.memref_slice %arg4[%add3A, %mul3A_181, %dma_wait3A_190] : memref<32x79x128xi32, #tpu.memory_space<hbm>> -> memref<1x1x128xi32, #tpu.memory_space<hbm>>
      %dma_wait3A_192 = tpu.memref_squeeze %dma_wait3A_191 : memref<1x1x128xi32, #tpu.memory_space<hbm>> -> memref<1x128xi32, #tpu.memory_space<hbm>>
      %dma_wait3A_193 = arith.constant 0 : i32
      %dma_wait3A_194 = tpu.memref_slice %arg4[%add3A, %mul3A_181, %dma_wait3A_193] : memref<32x79x128xi32, #tpu.memory_space<hbm>> -> memref<1x1x128xi32, #tpu.memory_space<hbm>>
      %dma_wait3A_195 = tpu.memref_squeeze %dma_wait3A_194 : memref<1x1x128xi32, #tpu.memory_space<hbm>> -> memref<1x128xi32, #tpu.memory_space<hbm>>
      tpu.wait_dma2 semaphore(%arg15 : memref<!tpu.dma_semaphore, #tpu.memory_space<semaphore_mem>>) src(%dma_wait3A_195 : memref<1x128xi32, #tpu.memory_space<hbm>>) dst(%arg8 : memref<1x128xi32, #tpu.memory_space<vmem>>)
      %run_scoped3A_196 = arith.constant 0 : i32
      "tpu.region"() ({
        %run_scoped3A_229 = tpu.sem_alloc : memref<!tpu.dma_semaphore, #tpu.memory_space<semaphore_mem>>
        %dma_start3A_230 = arith.constant 0 : i32
        %dma_start3A_231 = tpu.memref_slice %arg8[%run_scoped3A_196, %dma_start3A_230] : memref<1x128xi32, #tpu.memory_space<vmem>> -> memref<1x128xi32, #tpu.memory_space<vmem>>
        %dma_start3A_232 = tpu.memref_squeeze %dma_start3A_231 : memref<1x128xi32, #tpu.memory_space<vmem>> -> memref<128xi32, #tpu.memory_space<vmem>>
        %dma_start3A_233 = arith.constant 0 : i32
        %dma_start3A_234 = arith.constant 0 : i32
        %dma_start3A_235 = tpu.memref_slice %arg6[%dma_start3A_233, %dma_start3A_234] : memref<10240x128xf32, #tpu.memory_space<vmem_shared>> -> memref<10240x128xf32, #tpu.memory_space<vmem_shared>>
        tpu.enqueue_indirect_dma source(%arg10 : memref<128x128xf32, #tpu.memory_space<vmem>>) target(%dma_start3A_235 : memref<10240x128xf32, #tpu.memory_space<vmem_shared>>) offsets(%dma_start3A_232 : memref<128xi32, #tpu.memory_space<vmem>>) semaphore(%run_scoped3A_229 : memref<!tpu.dma_semaphore, #tpu.memory_space<semaphore_mem>>) {add = true}
        %dma_wait3A_236 = arith.constant 0 : i32
        %dma_wait3A_237 = tpu.memref_slice %arg8[%run_scoped3A_196, %dma_wait3A_236] : memref<1x128xi32, #tpu.memory_space<vmem>> -> memref<1x128xi32, #tpu.memory_space<vmem>>
        %dma_wait3A_238 = tpu.memref_squeeze %dma_wait3A_237 : memref<1x128xi32, #tpu.memory_space<vmem>> -> memref<128xi32, #tpu.memory_space<vmem>>
        %dma_wait3A_239 = arith.constant 0 : i32
        %dma_wait3A_240 = arith.constant 0 : i32
        %dma_wait3A_241 = tpu.memref_slice %arg6[%dma_wait3A_239, %dma_wait3A_240] : memref<10240x128xf32, #tpu.memory_space<vmem_shared>> -> memref<10240x128xf32, #tpu.memory_space<vmem_shared>>
        tpu.wait_indirect_dma semaphore(%run_scoped3A_229 : memref<!tpu.dma_semaphore, #tpu.memory_space<semaphore_mem>>) src(%arg10 : memref<128x128xf32, #tpu.memory_space<vmem>>) dst(%dma_wait3A_241 : memref<10240x128xf32, #tpu.memory_space<vmem_shared>>)
        tpu.yield
      }) : () -> ()
      %add3A_197 = arith.constant 2 : i32
      %add3A_198 = arith.addi %mul3A_181, %add3A_197 : i32
      %dma_start3A_199 = arith.constant 0 : i32
      %dma_start3A_200 = tpu.memref_slice %arg4[%add3A, %add3A_198, %dma_start3A_199] : memref<32x79x128xi32, #tpu.memory_space<hbm>> -> memref<1x1x128xi32, #tpu.memory_space<hbm>>
      %dma_start3A_201 = tpu.memref_squeeze %dma_start3A_200 : memref<1x1x128xi32, #tpu.memory_space<hbm>> -> memref<1x128xi32, #tpu.memory_space<hbm>>
      %dma_start3A_202 = arith.constant 0 : i32
      %dma_start3A_203 = tpu.memref_slice %arg4[%add3A, %add3A_198, %dma_start3A_202] : memref<32x79x128xi32, #tpu.memory_space<hbm>> -> memref<1x1x128xi32, #tpu.memory_space<hbm>>
      %dma_start3A_204 = tpu.memref_squeeze %dma_start3A_203 : memref<1x1x128xi32, #tpu.memory_space<hbm>> -> memref<1x128xi32, #tpu.memory_space<hbm>>
      tpu.enqueue_dma source(%dma_start3A_204 : memref<1x128xi32, #tpu.memory_space<hbm>>) target(%arg8 : memref<1x128xi32, #tpu.memory_space<vmem>>) target_semaphore(%arg15 : memref<!tpu.dma_semaphore, #tpu.memory_space<semaphore_mem>>)
      %add3A_205 = arith.constant 2 : i32
      %add3A_206 = arith.addi %mul3A_181, %add3A_205 : i32
      %dma_start3A_207 = arith.constant 0 : i32
      %dma_start3A_208 = tpu.memref_slice %arg7[%add3A_206, %dma_start3A_207] : memref<79x128xi32, #tpu.memory_space<vmem>> -> memref<1x128xi32, #tpu.memory_space<vmem>>
      %dma_start3A_209 = tpu.memref_squeeze %dma_start3A_208 : memref<1x128xi32, #tpu.memory_space<vmem>> -> memref<128xi32, #tpu.memory_space<vmem>>
      %dma_start3A_210 = arith.constant 0 : i32
      %dma_start3A_211 = arith.constant 0 : i32
      %dma_start3A_212 = tpu.memref_slice %arg2[%dma_start3A_210, %dma_start3A_211] : memref<10000x128xf32, #tpu.memory_space<hbm>> -> memref<10000x128xf32, #tpu.memory_space<hbm>>
      tpu.enqueue_indirect_dma source(%dma_start3A_212 : memref<10000x128xf32, #tpu.memory_space<hbm>>) target(%arg10 : memref<128x128xf32, #tpu.memory_space<vmem>>) offsets(%dma_start3A_209 : memref<128xi32, #tpu.memory_space<vmem>>) semaphore(%arg13 : memref<!tpu.dma_semaphore, #tpu.memory_space<semaphore_mem>>)
      %dma_wait3A_213 = arith.constant 0 : i32
      %dma_wait3A_214 = tpu.memref_slice %arg7[%add3A_183, %dma_wait3A_213] : memref<79x128xi32, #tpu.memory_space<vmem>> -> memref<1x128xi32, #tpu.memory_space<vmem>>
      %dma_wait3A_215 = tpu.memref_squeeze %dma_wait3A_214 : memref<1x128xi32, #tpu.memory_space<vmem>> -> memref<128xi32, #tpu.memory_space<vmem>>
      %dma_wait3A_216 = arith.constant 0 : i32
      %dma_wait3A_217 = arith.constant 0 : i32
      %dma_wait3A_218 = tpu.memref_slice %arg2[%dma_wait3A_216, %dma_wait3A_217] : memref<10000x128xf32, #tpu.memory_space<hbm>> -> memref<10000x128xf32, #tpu.memory_space<hbm>>
      tpu.wait_indirect_dma semaphore(%arg14 : memref<!tpu.dma_semaphore, #tpu.memory_space<semaphore_mem>>) src(%dma_wait3A_218 : memref<10000x128xf32, #tpu.memory_space<hbm>>) dst(%arg11 : memref<128x128xf32, #tpu.memory_space<vmem>>)
      %dma_wait3A_219 = arith.constant 0 : i32
      %dma_wait3A_220 = tpu.memref_slice %arg4[%add3A, %add3A_183, %dma_wait3A_219] : memref<32x79x128xi32, #tpu.memory_space<hbm>> -> memref<1x1x128xi32, #tpu.memory_space<hbm>>
      %dma_wait3A_221 = tpu.memref_squeeze %dma_wait3A_220 : memref<1x1x128xi32, #tpu.memory_space<hbm>> -> memref<1x128xi32, #tpu.memory_space<hbm>>
      %dma_wait3A_222 = arith.constant 0 : i32
      %dma_wait3A_223 = tpu.memref_slice %arg4[%add3A, %add3A_183, %dma_wait3A_222] : memref<32x79x128xi32, #tpu.memory_space<hbm>> -> memref<1x1x128xi32, #tpu.memory_space<hbm>>
      %dma_wait3A_224 = tpu.memref_squeeze %dma_wait3A_223 : memref<1x1x128xi32, #tpu.memory_space<hbm>> -> memref<1x128xi32, #tpu.memory_space<hbm>>
      tpu.wait_dma2 semaphore(%arg16 : memref<!tpu.dma_semaphore, #tpu.memory_space<semaphore_mem>>) src(%dma_wait3A_224 : memref<1x128xi32, #tpu.memory_space<hbm>>) dst(%arg9 : memref<1x128xi32, #tpu.memory_space<vmem>>)
      %run_scoped3A_225 = arith.constant 0 : i32
      "tpu.region"() ({
        %run_scoped3A_229 = tpu.sem_alloc : memref<!tpu.dma_semaphore, #tpu.memory_space<semaphore_mem>>
        %dma_start3A_230 = arith.constant 0 : i32
        %dma_start3A_231 = tpu.memref_slice %arg9[%run_scoped3A_225, %dma_start3A_230] : memref<1x128xi32, #tpu.memory_space<vmem>> -> memref<1x128xi32, #tpu.memory_space<vmem>>
        %dma_start3A_232 = tpu.memref_squeeze %dma_start3A_231 : memref<1x128xi32, #tpu.memory_space<vmem>> -> memref<128xi32, #tpu.memory_space<vmem>>
        %dma_start3A_233 = arith.constant 0 : i32
        %dma_start3A_234 = arith.constant 0 : i32
        %dma_start3A_235 = tpu.memref_slice %arg6[%dma_start3A_233, %dma_start3A_234] : memref<10240x128xf32, #tpu.memory_space<vmem_shared>> -> memref<10240x128xf32, #tpu.memory_space<vmem_shared>>
        tpu.enqueue_indirect_dma source(%arg11 : memref<128x128xf32, #tpu.memory_space<vmem>>) target(%dma_start3A_235 : memref<10240x128xf32, #tpu.memory_space<vmem_shared>>) offsets(%dma_start3A_232 : memref<128xi32, #tpu.memory_space<vmem>>) semaphore(%run_scoped3A_229 : memref<!tpu.dma_semaphore, #tpu.memory_space<semaphore_mem>>) {add = true}
        %dma_wait3A_236 = arith.constant 0 : i32
        %dma_wait3A_237 = tpu.memref_slice %arg9[%run_scoped3A_225, %dma_wait3A_236] : memref<1x128xi32, #tpu.memory_space<vmem>> -> memref<1x128xi32, #tpu.memory_space<vmem>>
        %dma_wait3A_238 = tpu.memref_squeeze %dma_wait3A_237 : memref<1x128xi32, #tpu.memory_space<vmem>> -> memref<128xi32, #tpu.memory_space<vmem>>
        %dma_wait3A_239 = arith.constant 0 : i32
        %dma_wait3A_240 = arith.constant 0 : i32
        %dma_wait3A_241 = tpu.memref_slice %arg6[%dma_wait3A_239, %dma_wait3A_240] : memref<10240x128xf32, #tpu.memory_space<vmem_shared>> -> memref<10240x128xf32, #tpu.memory_space<vmem_shared>>
        tpu.wait_indirect_dma semaphore(%run_scoped3A_229 : memref<!tpu.dma_semaphore, #tpu.memory_space<semaphore_mem>>) src(%arg11 : memref<128x128xf32, #tpu.memory_space<vmem>>) dst(%dma_wait3A_241 : memref<10240x128xf32, #tpu.memory_space<vmem_shared>>)
        tpu.yield
      }) : () -> ()
      %lt3A = arith.constant 38 : i32
      %lt3A_226 = arith.cmpi slt, %scan3A_178, %lt3A : i32
      %convert_element_type3A = arith.extui %lt3A_226 : i1 to i32
      %cond3A = arith.constant 0 : i32
      %cond3A_227 = arith.cmpi ne, %convert_element_type3A, %cond3A : i32
      scf.if %cond3A_227 {
        %add3A_229 = arith.constant 2 : i32
        %add3A_230 = arith.addi %add3A_183, %add3A_229 : i32
        %dma_start3A_231 = arith.constant 0 : i32
        %dma_start3A_232 = tpu.memref_slice %arg4[%add3A, %add3A_230, %dma_start3A_231] : memref<32x79x128xi32, #tpu.memory_space<hbm>> -> memref<1x1x128xi32, #tpu.memory_space<hbm>>
        %dma_start3A_233 = tpu.memref_squeeze %dma_start3A_232 : memref<1x1x128xi32, #tpu.memory_space<hbm>> -> memref<1x128xi32, #tpu.memory_space<hbm>>
        %dma_start3A_234 = arith.constant 0 : i32
        %dma_start3A_235 = tpu.memref_slice %arg4[%add3A, %add3A_230, %dma_start3A_234] : memref<32x79x128xi32, #tpu.memory_space<hbm>> -> memref<1x1x128xi32, #tpu.memory_space<hbm>>
        %dma_start3A_236 = tpu.memref_squeeze %dma_start3A_235 : memref<1x1x128xi32, #tpu.memory_space<hbm>> -> memref<1x128xi32, #tpu.memory_space<hbm>>
        tpu.enqueue_dma source(%dma_start3A_236 : memref<1x128xi32, #tpu.memory_space<hbm>>) target(%arg9 : memref<1x128xi32, #tpu.memory_space<vmem>>) target_semaphore(%arg16 : memref<!tpu.dma_semaphore, #tpu.memory_space<semaphore_mem>>)
        %add3A_237 = arith.constant 2 : i32
        %add3A_238 = arith.addi %add3A_183, %add3A_237 : i32
        %dma_start3A_239 = arith.constant 0 : i32
        %dma_start3A_240 = tpu.memref_slice %arg7[%add3A_238, %dma_start3A_239] : memref<79x128xi32, #tpu.memory_space<vmem>> -> memref<1x128xi32, #tpu.memory_space<vmem>>
        %dma_start3A_241 = tpu.memref_squeeze %dma_start3A_240 : memref<1x128xi32, #tpu.memory_space<vmem>> -> memref<128xi32, #tpu.memory_space<vmem>>
        %dma_start3A_242 = arith.constant 0 : i32
        %dma_start3A_243 = arith.constant 0 : i32
        %dma_start3A_244 = tpu.memref_slice %arg2[%dma_start3A_242, %dma_start3A_243] : memref<10000x128xf32, #tpu.memory_space<hbm>> -> memref<10000x128xf32, #tpu.memory_space<hbm>>
        tpu.enqueue_indirect_dma source(%dma_start3A_244 : memref<10000x128xf32, #tpu.memory_space<hbm>>) target(%arg11 : memref<128x128xf32, #tpu.memory_space<vmem>>) offsets(%dma_start3A_241 : memref<128xi32, #tpu.memory_space<vmem>>) semaphore(%arg14 : memref<!tpu.dma_semaphore, #tpu.memory_space<semaphore_mem>>)
      } else {
      }
      %scan3A_228 = arith.constant 0 : i32
      scf.yield %scan3A_228 : i32
    }
    %scan3A_122 = arith.constant 39 : i32
    %dma_wait3A = arith.constant 78 : i32
    %dma_wait3A_123 = arith.constant 0 : i32
    %dma_wait3A_124 = tpu.memref_slice %arg7[%dma_wait3A, %dma_wait3A_123] : memref<79x128xi32, #tpu.memory_space<vmem>> -> memref<1x128xi32, #tpu.memory_space<vmem>>
    %dma_wait3A_125 = tpu.memref_squeeze %dma_wait3A_124 : memref<1x128xi32, #tpu.memory_space<vmem>> -> memref<128xi32, #tpu.memory_space<vmem>>
    %dma_wait3A_126 = arith.constant 0 : i32
    %dma_wait3A_127 = arith.constant 0 : i32
    %dma_wait3A_128 = tpu.memref_slice %arg2[%dma_wait3A_126, %dma_wait3A_127] : memref<10000x128xf32, #tpu.memory_space<hbm>> -> memref<10000x128xf32, #tpu.memory_space<hbm>>
    tpu.wait_indirect_dma semaphore(%arg13 : memref<!tpu.dma_semaphore, #tpu.memory_space<semaphore_mem>>) src(%dma_wait3A_128 : memref<10000x128xf32, #tpu.memory_space<hbm>>) dst(%arg10 : memref<128x128xf32, #tpu.memory_space<vmem>>)
    %dma_wait3A_129 = arith.constant 78 : i32
    %dma_wait3A_130 = arith.constant 0 : i32
    %dma_wait3A_131 = tpu.memref_slice %arg4[%add3A, %dma_wait3A_129, %dma_wait3A_130] : memref<32x79x128xi32, #tpu.memory_space<hbm>> -> memref<1x1x128xi32, #tpu.memory_space<hbm>>
    %dma_wait3A_132 = tpu.memref_squeeze %dma_wait3A_131 : memref<1x1x128xi32, #tpu.memory_space<hbm>> -> memref<1x128xi32, #tpu.memory_space<hbm>>
    %dma_wait3A_133 = arith.constant 78 : i32
    %dma_wait3A_134 = arith.constant 0 : i32
    %dma_wait3A_135 = tpu.memref_slice %arg4[%add3A, %dma_wait3A_133, %dma_wait3A_134] : memref<32x79x128xi32, #tpu.memory_space<hbm>> -> memref<1x1x128xi32, #tpu.memory_space<hbm>>
    %dma_wait3A_136 = tpu.memref_squeeze %dma_wait3A_135 : memref<1x1x128xi32, #tpu.memory_space<hbm>> -> memref<1x128xi32, #tpu.memory_space<hbm>>
    tpu.wait_dma2 semaphore(%arg15 : memref<!tpu.dma_semaphore, #tpu.memory_space<semaphore_mem>>) src(%dma_wait3A_136 : memref<1x128xi32, #tpu.memory_space<hbm>>) dst(%arg8 : memref<1x128xi32, #tpu.memory_space<vmem>>)
    %run_scoped3A = arith.constant 0 : i32
    "tpu.region"() ({
      %run_scoped3A_178 = tpu.sem_alloc : memref<!tpu.dma_semaphore, #tpu.memory_space<semaphore_mem>>
      %dma_start3A_179 = arith.constant 0 : i32
      %dma_start3A_180 = tpu.memref_slice %arg8[%run_scoped3A, %dma_start3A_179] : memref<1x128xi32, #tpu.memory_space<vmem>> -> memref<1x128xi32, #tpu.memory_space<vmem>>
      %dma_start3A_181 = tpu.memref_squeeze %dma_start3A_180 : memref<1x128xi32, #tpu.memory_space<vmem>> -> memref<128xi32, #tpu.memory_space<vmem>>
      %dma_start3A_182 = arith.constant 0 : i32
      %dma_start3A_183 = arith.constant 0 : i32
      %dma_start3A_184 = tpu.memref_slice %arg6[%dma_start3A_182, %dma_start3A_183] : memref<10240x128xf32, #tpu.memory_space<vmem_shared>> -> memref<10240x128xf32, #tpu.memory_space<vmem_shared>>
      tpu.enqueue_indirect_dma source(%arg10 : memref<128x128xf32, #tpu.memory_space<vmem>>) target(%dma_start3A_184 : memref<10240x128xf32, #tpu.memory_space<vmem_shared>>) offsets(%dma_start3A_181 : memref<128xi32, #tpu.memory_space<vmem>>) semaphore(%run_scoped3A_178 : memref<!tpu.dma_semaphore, #tpu.memory_space<semaphore_mem>>) {add = true}
      %dma_wait3A_185 = arith.constant 0 : i32
      %dma_wait3A_186 = tpu.memref_slice %arg8[%run_scoped3A, %dma_wait3A_185] : memref<1x128xi32, #tpu.memory_space<vmem>> -> memref<1x128xi32, #tpu.memory_space<vmem>>
      %dma_wait3A_187 = tpu.memref_squeeze %dma_wait3A_186 : memref<1x128xi32, #tpu.memory_space<vmem>> -> memref<128xi32, #tpu.memory_space<vmem>>
      %dma_wait3A_188 = arith.constant 0 : i32
      %dma_wait3A_189 = arith.constant 0 : i32
      %dma_wait3A_190 = tpu.memref_slice %arg6[%dma_wait3A_188, %dma_wait3A_189] : memref<10240x128xf32, #tpu.memory_space<vmem_shared>> -> memref<10240x128xf32, #tpu.memory_space<vmem_shared>>
      tpu.wait_indirect_dma semaphore(%run_scoped3A_178 : memref<!tpu.dma_semaphore, #tpu.memory_space<semaphore_mem>>) src(%arg10 : memref<128x128xf32, #tpu.memory_space<vmem>>) dst(%dma_wait3A_190 : memref<10240x128xf32, #tpu.memory_space<vmem_shared>>)
      tpu.yield
    }) : () -> ()
    %barrier3A_137 = arith.constant 0 : index
    tpu.barrier barrier_id(%barrier3A_137)
    %mul3A_138 = arith.constant 640 : i32
    %mul3A_139 = arith.muli %arg1, %mul3A_138 : i32
    %add3A_140 = arith.constant 0 : i32
    %add3A_141 = arith.addi %mul3A_139, %add3A_140 : i32
    %mul3A_142 = arith.constant 640 : i32
    %mul3A_143 = arith.muli %arg1, %mul3A_142 : i32
    %add3A_144 = arith.constant 0 : i32
    %add3A_145 = arith.addi %mul3A_143, %add3A_144 : i32
    "tpu.region"() ({
      %run_scoped3A_178 = tpu.sem_alloc : memref<!tpu.dma_semaphore, #tpu.memory_space<semaphore_mem>>
      %dma_start3A_179 = arith.constant 0 : i32
      %dma_start3A_180 = tpu.memref_slice %arg5[%arg0, %add3A_145, %dma_start3A_179] : memref<2x10240x128xf32, #tpu.memory_space<hbm>> -> memref<1x128x128xf32, #tpu.memory_space<hbm>>
      %dma_start3A_181 = tpu.memref_squeeze %dma_start3A_180 : memref<1x128x128xf32, #tpu.memory_space<hbm>> -> memref<128x128xf32, #tpu.memory_space<hbm>>
      %dma_start3A_182 = arith.constant 0 : i32
      %dma_start3A_183 = tpu.memref_slice %arg6[%add3A_141, %dma_start3A_182] : memref<10240x128xf32, #tpu.memory_space<vmem_shared>> -> memref<128x128xf32, #tpu.memory_space<vmem_shared>>
      tpu.enqueue_dma source(%dma_start3A_183 : memref<128x128xf32, #tpu.memory_space<vmem_shared>>) target(%dma_start3A_181 : memref<128x128xf32, #tpu.memory_space<hbm>>) target_semaphore(%run_scoped3A_178 : memref<!tpu.dma_semaphore, #tpu.memory_space<semaphore_mem>>)
      %dma_wait3A_184 = arith.constant 0 : i32
      %dma_wait3A_185 = tpu.memref_slice %arg5[%arg0, %add3A_145, %dma_wait3A_184] : memref<2x10240x128xf32, #tpu.memory_space<hbm>> -> memref<1x128x128xf32, #tpu.memory_space<hbm>>
      %dma_wait3A_186 = tpu.memref_squeeze %dma_wait3A_185 : memref<1x128x128xf32, #tpu.memory_space<hbm>> -> memref<128x128xf32, #tpu.memory_space<hbm>>
      %dma_wait3A_187 = arith.constant 0 : i32
      %dma_wait3A_188 = tpu.memref_slice %arg6[%add3A_141, %dma_wait3A_187] : memref<10240x128xf32, #tpu.memory_space<vmem_shared>> -> memref<128x128xf32, #tpu.memory_space<vmem_shared>>
      tpu.wait_dma2 semaphore(%run_scoped3A_178 : memref<!tpu.dma_semaphore, #tpu.memory_space<semaphore_mem>>) src(%dma_wait3A_188 : memref<128x128xf32, #tpu.memory_space<vmem_shared>>) dst(%dma_wait3A_186 : memref<128x128xf32, #tpu.memory_space<hbm>>)
      tpu.yield
    }) : () -> ()
    %mul3A_146 = arith.constant 640 : i32
    %mul3A_147 = arith.muli %arg1, %mul3A_146 : i32
    %add3A_148 = arith.constant 128 : i32
    %add3A_149 = arith.addi %mul3A_147, %add3A_148 : i32
    %mul3A_150 = arith.constant 640 : i32
    %mul3A_151 = arith.muli %arg1, %mul3A_150 : i32
    %add3A_152 = arith.constant 128 : i32
    %add3A_153 = arith.addi %mul3A_151, %add3A_152 : i32
    "tpu.region"() ({
      %run_scoped3A_178 = tpu.sem_alloc : memref<!tpu.dma_semaphore, #tpu.memory_space<semaphore_mem>>
      %dma_start3A_179 = arith.constant 0 : i32
      %dma_start3A_180 = tpu.memref_slice %arg5[%arg0, %add3A_153, %dma_start3A_179] : memref<2x10240x128xf32, #tpu.memory_space<hbm>> -> memref<1x128x128xf32, #tpu.memory_space<hbm>>
      %dma_start3A_181 = tpu.memref_squeeze %dma_start3A_180 : memref<1x128x128xf32, #tpu.memory_space<hbm>> -> memref<128x128xf32, #tpu.memory_space<hbm>>
      %dma_start3A_182 = arith.constant 0 : i32
      %dma_start3A_183 = tpu.memref_slice %arg6[%add3A_149, %dma_start3A_182] : memref<10240x128xf32, #tpu.memory_space<vmem_shared>> -> memref<128x128xf32, #tpu.memory_space<vmem_shared>>
      tpu.enqueue_dma source(%dma_start3A_183 : memref<128x128xf32, #tpu.memory_space<vmem_shared>>) target(%dma_start3A_181 : memref<128x128xf32, #tpu.memory_space<hbm>>) target_semaphore(%run_scoped3A_178 : memref<!tpu.dma_semaphore, #tpu.memory_space<semaphore_mem>>)
      %dma_wait3A_184 = arith.constant 0 : i32
      %dma_wait3A_185 = tpu.memref_slice %arg5[%arg0, %add3A_153, %dma_wait3A_184] : memref<2x10240x128xf32, #tpu.memory_space<hbm>> -> memref<1x128x128xf32, #tpu.memory_space<hbm>>
      %dma_wait3A_186 = tpu.memref_squeeze %dma_wait3A_185 : memref<1x128x128xf32, #tpu.memory_space<hbm>> -> memref<128x128xf32, #tpu.memory_space<hbm>>
      %dma_wait3A_187 = arith.constant 0 : i32
      %dma_wait3A_188 = tpu.memref_slice %arg6[%add3A_149, %dma_wait3A_187] : memref<10240x128xf32, #tpu.memory_space<vmem_shared>> -> memref<128x128xf32, #tpu.memory_space<vmem_shared>>
      tpu.wait_dma2 semaphore(%run_scoped3A_178 : memref<!tpu.dma_semaphore, #tpu.memory_space<semaphore_mem>>) src(%dma_wait3A_188 : memref<128x128xf32, #tpu.memory_space<vmem_shared>>) dst(%dma_wait3A_186 : memref<128x128xf32, #tpu.memory_space<hbm>>)
      tpu.yield
    }) : () -> ()
    %mul3A_154 = arith.constant 640 : i32
    %mul3A_155 = arith.muli %arg1, %mul3A_154 : i32
    %add3A_156 = arith.constant 256 : i32
    %add3A_157 = arith.addi %mul3A_155, %add3A_156 : i32
    %mul3A_158 = arith.constant 640 : i32
    %mul3A_159 = arith.muli %arg1, %mul3A_158 : i32
    %add3A_160 = arith.constant 256 : i32
    %add3A_161 = arith.addi %mul3A_159, %add3A_160 : i32
    "tpu.region"() ({
      %run_scoped3A_178 = tpu.sem_alloc : memref<!tpu.dma_semaphore, #tpu.memory_space<semaphore_mem>>
      %dma_start3A_179 = arith.constant 0 : i32
      %dma_start3A_180 = tpu.memref_slice %arg5[%arg0, %add3A_161, %dma_start3A_179] : memref<2x10240x128xf32, #tpu.memory_space<hbm>> -> memref<1x128x128xf32, #tpu.memory_space<hbm>>
      %dma_start3A_181 = tpu.memref_squeeze %dma_start3A_180 : memref<1x128x128xf32, #tpu.memory_space<hbm>> -> memref<128x128xf32, #tpu.memory_space<hbm>>
      %dma_start3A_182 = arith.constant 0 : i32
      %dma_start3A_183 = tpu.memref_slice %arg6[%add3A_157, %dma_start3A_182] : memref<10240x128xf32, #tpu.memory_space<vmem_shared>> -> memref<128x128xf32, #tpu.memory_space<vmem_shared>>
      tpu.enqueue_dma source(%dma_start3A_183 : memref<128x128xf32, #tpu.memory_space<vmem_shared>>) target(%dma_start3A_181 : memref<128x128xf32, #tpu.memory_space<hbm>>) target_semaphore(%run_scoped3A_178 : memref<!tpu.dma_semaphore, #tpu.memory_space<semaphore_mem>>)
      %dma_wait3A_184 = arith.constant 0 : i32
      %dma_wait3A_185 = tpu.memref_slice %arg5[%arg0, %add3A_161, %dma_wait3A_184] : memref<2x10240x128xf32, #tpu.memory_space<hbm>> -> memref<1x128x128xf32, #tpu.memory_space<hbm>>
      %dma_wait3A_186 = tpu.memref_squeeze %dma_wait3A_185 : memref<1x128x128xf32, #tpu.memory_space<hbm>> -> memref<128x128xf32, #tpu.memory_space<hbm>>
      %dma_wait3A_187 = arith.constant 0 : i32
      %dma_wait3A_188 = tpu.memref_slice %arg6[%add3A_157, %dma_wait3A_187] : memref<10240x128xf32, #tpu.memory_space<vmem_shared>> -> memref<128x128xf32, #tpu.memory_space<vmem_shared>>
      tpu.wait_dma2 semaphore(%run_scoped3A_178 : memref<!tpu.dma_semaphore, #tpu.memory_space<semaphore_mem>>) src(%dma_wait3A_188 : memref<128x128xf32, #tpu.memory_space<vmem_shared>>) dst(%dma_wait3A_186 : memref<128x128xf32, #tpu.memory_space<hbm>>)
      tpu.yield
    }) : () -> ()
    %mul3A_162 = arith.constant 640 : i32
    %mul3A_163 = arith.muli %arg1, %mul3A_162 : i32
    %add3A_164 = arith.constant 384 : i32
    %add3A_165 = arith.addi %mul3A_163, %add3A_164 : i32
    %mul3A_166 = arith.constant 640 : i32
    %mul3A_167 = arith.muli %arg1, %mul3A_166 : i32
    %add3A_168 = arith.constant 384 : i32
    %add3A_169 = arith.addi %mul3A_167, %add3A_168 : i32
    "tpu.region"() ({
      %run_scoped3A_178 = tpu.sem_alloc : memref<!tpu.dma_semaphore, #tpu.memory_space<semaphore_mem>>
      %dma_start3A_179 = arith.constant 0 : i32
      %dma_start3A_180 = tpu.memref_slice %arg5[%arg0, %add3A_169, %dma_start3A_179] : memref<2x10240x128xf32, #tpu.memory_space<hbm>> -> memref<1x128x128xf32, #tpu.memory_space<hbm>>
      %dma_start3A_181 = tpu.memref_squeeze %dma_start3A_180 : memref<1x128x128xf32, #tpu.memory_space<hbm>> -> memref<128x128xf32, #tpu.memory_space<hbm>>
      %dma_start3A_182 = arith.constant 0 : i32
      %dma_start3A_183 = tpu.memref_slice %arg6[%add3A_165, %dma_start3A_182] : memref<10240x128xf32, #tpu.memory_space<vmem_shared>> -> memref<128x128xf32, #tpu.memory_space<vmem_shared>>
      tpu.enqueue_dma source(%dma_start3A_183 : memref<128x128xf32, #tpu.memory_space<vmem_shared>>) target(%dma_start3A_181 : memref<128x128xf32, #tpu.memory_space<hbm>>) target_semaphore(%run_scoped3A_178 : memref<!tpu.dma_semaphore, #tpu.memory_space<semaphore_mem>>)
      %dma_wait3A_184 = arith.constant 0 : i32
      %dma_wait3A_185 = tpu.memref_slice %arg5[%arg0, %add3A_169, %dma_wait3A_184] : memref<2x10240x128xf32, #tpu.memory_space<hbm>> -> memref<1x128x128xf32, #tpu.memory_space<hbm>>
      %dma_wait3A_186 = tpu.memref_squeeze %dma_wait3A_185 : memref<1x128x128xf32, #tpu.memory_space<hbm>> -> memref<128x128xf32, #tpu.memory_space<hbm>>
      %dma_wait3A_187 = arith.constant 0 : i32
      %dma_wait3A_188 = tpu.memref_slice %arg6[%add3A_165, %dma_wait3A_187] : memref<10240x128xf32, #tpu.memory_space<vmem_shared>> -> memref<128x128xf32, #tpu.memory_space<vmem_shared>>
      tpu.wait_dma2 semaphore(%run_scoped3A_178 : memref<!tpu.dma_semaphore, #tpu.memory_space<semaphore_mem>>) src(%dma_wait3A_188 : memref<128x128xf32, #tpu.memory_space<vmem_shared>>) dst(%dma_wait3A_186 : memref<128x128xf32, #tpu.memory_space<hbm>>)
      tpu.yield
    }) : () -> ()
    %mul3A_170 = arith.constant 640 : i32
    %mul3A_171 = arith.muli %arg1, %mul3A_170 : i32
    %add3A_172 = arith.constant 512 : i32
    %add3A_173 = arith.addi %mul3A_171, %add3A_172 : i32
    %mul3A_174 = arith.constant 640 : i32
    %mul3A_175 = arith.muli %arg1, %mul3A_174 : i32
    %add3A_176 = arith.constant 512 : i32
    %add3A_177 = arith.addi %mul3A_175, %add3A_176 : i32
    "tpu.region"() ({
      %run_scoped3A_178 = tpu.sem_alloc : memref<!tpu.dma_semaphore, #tpu.memory_space<semaphore_mem>>
      %dma_start3A_179 = arith.constant 0 : i32
      %dma_start3A_180 = tpu.memref_slice %arg5[%arg0, %add3A_177, %dma_start3A_179] : memref<2x10240x128xf32, #tpu.memory_space<hbm>> -> memref<1x128x128xf32, #tpu.memory_space<hbm>>
      %dma_start3A_181 = tpu.memref_squeeze %dma_start3A_180 : memref<1x128x128xf32, #tpu.memory_space<hbm>> -> memref<128x128xf32, #tpu.memory_space<hbm>>
      %dma_start3A_182 = arith.constant 0 : i32
      %dma_start3A_183 = tpu.memref_slice %arg6[%add3A_173, %dma_start3A_182] : memref<10240x128xf32, #tpu.memory_space<vmem_shared>> -> memref<128x128xf32, #tpu.memory_space<vmem_shared>>
      tpu.enqueue_dma source(%dma_start3A_183 : memref<128x128xf32, #tpu.memory_space<vmem_shared>>) target(%dma_start3A_181 : memref<128x128xf32, #tpu.memory_space<hbm>>) target_semaphore(%run_scoped3A_178 : memref<!tpu.dma_semaphore, #tpu.memory_space<semaphore_mem>>)
      %dma_wait3A_184 = arith.constant 0 : i32
      %dma_wait3A_185 = tpu.memref_slice %arg5[%arg0, %add3A_177, %dma_wait3A_184] : memref<2x10240x128xf32, #tpu.memory_space<hbm>> -> memref<1x128x128xf32, #tpu.memory_space<hbm>>
      %dma_wait3A_186 = tpu.memref_squeeze %dma_wait3A_185 : memref<1x128x128xf32, #tpu.memory_space<hbm>> -> memref<128x128xf32, #tpu.memory_space<hbm>>
      %dma_wait3A_187 = arith.constant 0 : i32
      %dma_wait3A_188 = tpu.memref_slice %arg6[%add3A_173, %dma_wait3A_187] : memref<10240x128xf32, #tpu.memory_space<vmem_shared>> -> memref<128x128xf32, #tpu.memory_space<vmem_shared>>
      tpu.wait_dma2 semaphore(%run_scoped3A_178 : memref<!tpu.dma_semaphore, #tpu.memory_space<semaphore_mem>>) src(%dma_wait3A_188 : memref<128x128xf32, #tpu.memory_space<vmem_shared>>) dst(%dma_wait3A_186 : memref<128x128xf32, #tpu.memory_space<hbm>>)
      tpu.yield
    }) : () -> ()
    return
  }
}

module attributes {stable_mosaic.version = 14 : i64} {
  func.func @_tc0a_body(%arg0: i32, %arg1: memref<1000x128xf32, #tpu.memory_space<vmem>>, %arg2: memref<128x128xf32, #tpu.memory_space<vmem>>, %arg3: memref<1000x128xf32, #tpu.memory_space<vmem>>) attributes {dimension_semantics = [#tpu.dimension_semantics<arbitrary>], iteration_bounds = array<i64: 10>, scalar_prefetch = 0 : i64, scratch_operands = 0 : i64, tpu.core_type = #tpu.core_type<tc>, window_params = [{transform_indices = @transform_0, window_bounds = array<i64: 1000, 128>}, {pipeline_mode = #tpu.pipeline_mode<synchronous>, transform_indices = @transform_1, window_bounds = array<i64: 128, 128>}, {transform_indices = @transform_2, window_bounds = array<i64: 1000, 128>}]} {
    %get3A = arith.constant 0 : index
    %get3A_0 = arith.constant 0 : index
    %get3A_1 = vector.load %arg1[%get3A, %get3A_0] : memref<1000x128xf32, #tpu.memory_space<vmem>>, vector<1000x128xf32>
    %get3A_2 = arith.constant 0 : index
    %get3A_3 = arith.constant 0 : index
    %get3A_4 = vector.load %arg2[%get3A_2, %get3A_3] : memref<128x128xf32, #tpu.memory_space<vmem>>, vector<128x128xf32>
    %dot_general3A = arith.constant dense<0.000000e+00> : vector<1000x128xf32>
    %dot_general3A_5 = tpu.matmul %get3A_1, %get3A_4, %dot_general3A {dimension_numbers = #tpu.dot_dimension_numbers<[1], [0], [0], [1], [0, 0, 1, 1], [], []>, precision = #tpu.contract_precision<fp32>, transpose_lhs_hint = false} : vector<1000x128xf32>, vector<128x128xf32>, vector<1000x128xf32> -> vector<1000x128xf32>
    %swap3A = arith.constant 0 : index
    %swap3A_6 = arith.constant 0 : index
    %swap3A_7 = vector.load %arg3[%swap3A, %swap3A_6] : memref<1000x128xf32, #tpu.memory_space<vmem>>, vector<1000x128xf32>
    tpu.vector_store %arg3[%swap3A, %swap3A_6], %dot_general3A_5 {strides = array<i32>} : memref<1000x128xf32, #tpu.memory_space<vmem>>, vector<1000x128xf32>,
    return
  }
  func.func @transform_0(%arg0: i32) -> (i32, i32) {
    %c0_i32 = arith.constant 0 : i32
    %c0_i32_0 = arith.constant 0 : i32
    return %arg0, %c0_i32 : i32, i32
  }
  func.func @transform_1(%arg0: i32) -> (i32, i32) {
    %c0_i32 = arith.constant 0 : i32
    %c0_i32_0 = arith.constant 0 : i32
    %c0_i32_1 = arith.constant 0 : i32
    return %c0_i32, %c0_i32_0 : i32, i32
  }
  func.func @transform_2(%arg0: i32) -> (i32, i32) {
    %c0_i32 = arith.constant 0 : i32
    %c0_i32_0 = arith.constant 0 : i32
    return %arg0, %c0_i32 : i32, i32
  }
}

module attributes {stable_mosaic.version = 14 : i64} {
  func.func @_tc0b_body(%arg0: i32, %arg1: memref<1000x128xf32, #tpu.memory_space<vmem>>, %arg2: memref<2x1000x16xf32, #tpu.memory_space<vmem>>, %arg3: memref<1000x128xf32, #tpu.memory_space<vmem>>) attributes {dimension_semantics = [#tpu.dimension_semantics<arbitrary>], iteration_bounds = array<i64: 10>, scalar_prefetch = 0 : i64, scratch_operands = 0 : i64, tpu.core_type = #tpu.core_type<tc>, window_params = [{transform_indices = @transform_0, window_bounds = array<i64: 1000, 128>}, {transform_indices = @transform_1, window_bounds = array<i64: 2, 1000, 16>}, {transform_indices = @transform_2, window_bounds = array<i64: 1000, 128>}]} {
    %get3A = arith.constant 0 : index
    %get3A_0 = arith.constant 0 : index
    %get3A_1 = arith.constant 0 : index
    %get3A_2 = vector.load %arg2[%get3A, %get3A_0, %get3A_1] : memref<2x1000x16xf32, #tpu.memory_space<vmem>>, vector<1x1000x16xf32>
    %get3A_3 = vector.shape_cast %get3A_2 : vector<1x1000x16xf32> to vector<1000x16xf32>
    %get3A_4 = arith.constant 1 : index
    %get3A_5 = arith.constant 0 : index
    %get3A_6 = arith.constant 0 : index
    %get3A_7 = vector.load %arg2[%get3A_4, %get3A_5, %get3A_6] : memref<2x1000x16xf32, #tpu.memory_space<vmem>>, vector<1x1000x16xf32>
    %get3A_8 = vector.shape_cast %get3A_7 : vector<1x1000x16xf32> to vector<1000x16xf32>
    %slice3A = vector.extract_strided_slice %get3A_3 {offsets = [0, 0], sizes = [1000, 1], strides = [1, 1]} : vector<1000x16xf32> to vector<1000x1xf32>
    %slice3A_9 = vector.extract_strided_slice %get3A_8 {offsets = [0, 0], sizes = [1000, 1], strides = [1, 1]} : vector<1000x16xf32> to vector<1000x1xf32>
    %add3A = arith.addf %slice3A, %slice3A_9 : vector<1000x1xf32>
    %add3A_10 = arith.constant 1.000000e+00 : f32
    %add3A_11 = vector.broadcast %add3A_10 : f32 to vector<1000x1xf32>
    %add3A_12 = arith.addf %add3A, %add3A_11 : vector<1000x1xf32>
    %rsqrt3A = math.rsqrt %add3A_12 : vector<1000x1xf32>
    %get3A_13 = arith.constant 0 : index
    %get3A_14 = arith.constant 0 : index
    %get3A_15 = vector.load %arg1[%get3A_13, %get3A_14] : memref<1000x128xf32, #tpu.memory_space<vmem>>, vector<1000x128xf32>
    %mul3A = vector.broadcast %rsqrt3A : vector<1000x1xf32> to vector<1000x128xf32>
    %mul3A_16 = arith.mulf %get3A_15, %mul3A : vector<1000x128xf32>
    %swap3A = arith.constant 0 : index
    %swap3A_17 = arith.constant 0 : index
    %swap3A_18 = vector.load %arg3[%swap3A, %swap3A_17] : memref<1000x128xf32, #tpu.memory_space<vmem>>, vector<1000x128xf32>
    tpu.vector_store %arg3[%swap3A, %swap3A_17], %mul3A_16 {strides = array<i32>} : memref<1000x128xf32, #tpu.memory_space<vmem>>, vector<1000x128xf32>,
    return
  }
  func.func @transform_0(%arg0: i32) -> (i32, i32) {
    %c0_i32 = arith.constant 0 : i32
    %c0_i32_0 = arith.constant 0 : i32
    return %arg0, %c0_i32 : i32, i32
  }
  func.func @transform_1(%arg0: i32) -> (i32, i32, i32) {
    %c0_i32 = arith.constant 0 : i32
    %c0_i32_0 = arith.constant 0 : i32
    %c0_i32_1 = arith.constant 0 : i32
    return %c0_i32, %arg0, %c0_i32_0 : i32, i32, i32
  }
  func.func @transform_2(%arg0: i32) -> (i32, i32) {
    %c0_i32 = arith.constant 0 : i32
    %c0_i32_0 = arith.constant 0 : i32
    return %arg0, %c0_i32 : i32, i32
  }
}

module attributes {stable_mosaic.version = 14 : i64} {
  func.func @_tcmid_body(%arg0: i32, %arg1: memref<2x1000x128xf32, #tpu.memory_space<vmem>>, %arg2: memref<1000x128xf32, #tpu.memory_space<vmem>>, %arg3: memref<2x1000x16xf32, #tpu.memory_space<vmem>>, %arg4: memref<1x128xf32, #tpu.memory_space<vmem>>, %arg5: memref<128x128xf32, #tpu.memory_space<vmem>>, %arg6: memref<1000x128xf32, #tpu.memory_space<vmem>>) attributes {dimension_semantics = [#tpu.dimension_semantics<arbitrary>], iteration_bounds = array<i64: 10>, scalar_prefetch = 0 : i64, scratch_operands = 0 : i64, tpu.core_type = #tpu.core_type<tc>, window_params = [{transform_indices = @transform_0, window_bounds = array<i64: 2, 1000, 128>}, {transform_indices = @transform_1, window_bounds = array<i64: 1000, 128>}, {transform_indices = @transform_2, window_bounds = array<i64: 2, 1000, 16>}, {pipeline_mode = #tpu.pipeline_mode<synchronous>, transform_indices = @transform_3, window_bounds = array<i64: 1, 128>}, {pipeline_mode = #tpu.pipeline_mode<synchronous>, transform_indices = @transform_4, window_bounds = array<i64: 128, 128>}, {transform_indices = @transform_5, window_bounds = array<i64: 1000, 128>}]} {
    %get3A = arith.constant 0 : index
    %get3A_0 = arith.constant 0 : index
    %get3A_1 = arith.constant 0 : index
    %get3A_2 = vector.load %arg3[%get3A, %get3A_0, %get3A_1] : memref<2x1000x16xf32, #tpu.memory_space<vmem>>, vector<1x1000x16xf32>
    %get3A_3 = vector.shape_cast %get3A_2 : vector<1x1000x16xf32> to vector<1000x16xf32>
    %get3A_4 = arith.constant 1 : index
    %get3A_5 = arith.constant 0 : index
    %get3A_6 = arith.constant 0 : index
    %get3A_7 = vector.load %arg3[%get3A_4, %get3A_5, %get3A_6] : memref<2x1000x16xf32, #tpu.memory_space<vmem>>, vector<1x1000x16xf32>
    %get3A_8 = vector.shape_cast %get3A_7 : vector<1x1000x16xf32> to vector<1000x16xf32>
    %slice3A = vector.extract_strided_slice %get3A_3 {offsets = [0, 0], sizes = [1000, 1], strides = [1, 1]} : vector<1000x16xf32> to vector<1000x1xf32>
    %slice3A_9 = vector.extract_strided_slice %get3A_8 {offsets = [0, 0], sizes = [1000, 1], strides = [1, 1]} : vector<1000x16xf32> to vector<1000x1xf32>
    %add3A = arith.addf %slice3A, %slice3A_9 : vector<1000x1xf32>
    %add3A_10 = arith.constant 1.000000e+00 : f32
    %add3A_11 = vector.broadcast %add3A_10 : f32 to vector<1000x1xf32>
    %add3A_12 = arith.addf %add3A, %add3A_11 : vector<1000x1xf32>
    %rsqrt3A = math.rsqrt %add3A_12 : vector<1000x1xf32>
    %get3A_13 = arith.constant 0 : index
    %get3A_14 = arith.constant 0 : index
    %get3A_15 = arith.constant 0 : index
    %get3A_16 = vector.load %arg1[%get3A_13, %get3A_14, %get3A_15] : memref<2x1000x128xf32, #tpu.memory_space<vmem>>, vector<1x1000x128xf32>
    %get3A_17 = vector.shape_cast %get3A_16 : vector<1x1000x128xf32> to vector<1000x128xf32>
    %get3A_18 = arith.constant 1 : index
    %get3A_19 = arith.constant 0 : index
    %get3A_20 = arith.constant 0 : index
    %get3A_21 = vector.load %arg1[%get3A_18, %get3A_19, %get3A_20] : memref<2x1000x128xf32, #tpu.memory_space<vmem>>, vector<1x1000x128xf32>
    %get3A_22 = vector.shape_cast %get3A_21 : vector<1x1000x128xf32> to vector<1000x128xf32>
    %add3A_23 = arith.addf %get3A_17, %get3A_22 : vector<1000x128xf32>
    %get3A_24 = arith.constant 0 : index
    %get3A_25 = arith.constant 0 : index
    %get3A_26 = vector.load %arg2[%get3A_24, %get3A_25] : memref<1000x128xf32, #tpu.memory_space<vmem>>, vector<1000x128xf32>
    %add3A_27 = arith.addf %add3A_23, %get3A_26 : vector<1000x128xf32>
    %mul3A = vector.broadcast %rsqrt3A : vector<1000x1xf32> to vector<1000x128xf32>
    %mul3A_28 = arith.mulf %mul3A, %add3A_27 : vector<1000x128xf32>
    %get3A_29 = arith.constant 0 : index
    %get3A_30 = arith.constant 0 : index
    %get3A_31 = vector.load %arg4[%get3A_29, %get3A_30] : memref<1x128xf32, #tpu.memory_space<vmem>>, vector<1x128xf32>
    %add3A_32 = vector.broadcast %get3A_31 : vector<1x128xf32> to vector<1000x128xf32>
    %add3A_33 = arith.addf %mul3A_28, %add3A_32 : vector<1000x128xf32>
    %max3A = arith.constant 0.000000e+00 : f32
    %max3A_34 = vector.broadcast %max3A : f32 to vector<1000x128xf32>
    %max3A_35 = arith.maximumf %add3A_33, %max3A_34 : vector<1000x128xf32>
    %get3A_36 = arith.constant 0 : index
    %get3A_37 = arith.constant 0 : index
    %get3A_38 = vector.load %arg5[%get3A_36, %get3A_37] : memref<128x128xf32, #tpu.memory_space<vmem>>, vector<128x128xf32>
    %dot_general3A = arith.constant dense<0.000000e+00> : vector<1000x128xf32>
    %dot_general3A_39 = tpu.matmul %max3A_35, %get3A_38, %dot_general3A {dimension_numbers = #tpu.dot_dimension_numbers<[1], [0], [0], [1], [0, 0, 1, 1], [], []>, precision = #tpu.contract_precision<fp32>, transpose_lhs_hint = false} : vector<1000x128xf32>, vector<128x128xf32>, vector<1000x128xf32> -> vector<1000x128xf32>
    %mul3A_40 = vector.broadcast %rsqrt3A : vector<1000x1xf32> to vector<1000x128xf32>
    %mul3A_41 = arith.mulf %mul3A_40, %dot_general3A_39 : vector<1000x128xf32>
    %swap3A = arith.constant 0 : index
    %swap3A_42 = arith.constant 0 : index
    %swap3A_43 = vector.load %arg6[%swap3A, %swap3A_42] : memref<1000x128xf32, #tpu.memory_space<vmem>>, vector<1000x128xf32>
    tpu.vector_store %arg6[%swap3A, %swap3A_42], %mul3A_41 {strides = array<i32>} : memref<1000x128xf32, #tpu.memory_space<vmem>>, vector<1000x128xf32>,
    return
  }
  func.func @transform_0(%arg0: i32) -> (i32, i32, i32) {
    %c0_i32 = arith.constant 0 : i32
    %c0_i32_0 = arith.constant 0 : i32
    %c0_i32_1 = arith.constant 0 : i32
    return %c0_i32, %arg0, %c0_i32_0 : i32, i32, i32
  }
  func.func @transform_1(%arg0: i32) -> (i32, i32) {
    %c0_i32 = arith.constant 0 : i32
    %c0_i32_0 = arith.constant 0 : i32
    return %arg0, %c0_i32 : i32, i32
  }
  func.func @transform_2(%arg0: i32) -> (i32, i32, i32) {
    %c0_i32 = arith.constant 0 : i32
    %c0_i32_0 = arith.constant 0 : i32
    %c0_i32_1 = arith.constant 0 : i32
    return %c0_i32, %arg0, %c0_i32_0 : i32, i32, i32
  }
  func.func @transform_3(%arg0: i32) -> (i32, i32) {
    %c0_i32 = arith.constant 0 : i32
    %c0_i32_0 = arith.constant 0 : i32
    %c0_i32_1 = arith.constant 0 : i32
    return %c0_i32, %c0_i32_0 : i32, i32
  }
  func.func @transform_4(%arg0: i32) -> (i32, i32) {
    %c0_i32 = arith.constant 0 : i32
    %c0_i32_0 = arith.constant 0 : i32
    %c0_i32_1 = arith.constant 0 : i32
    return %c0_i32, %c0_i32_0 : i32, i32
  }
  func.func @transform_5(%arg0: i32) -> (i32, i32) {
    %c0_i32 = arith.constant 0 : i32
    %c0_i32_0 = arith.constant 0 : i32
    return %arg0, %c0_i32 : i32, i32
  }
}

module attributes {stable_mosaic.version = 14 : i64} {
  func.func @_tc3_body(%arg0: i32, %arg1: memref<2x1000x128xf32, #tpu.memory_space<vmem>>, %arg2: memref<1000x128xf32, #tpu.memory_space<vmem>>, %arg3: memref<2x1000x16xf32, #tpu.memory_space<vmem>>, %arg4: memref<1x128xf32, #tpu.memory_space<vmem>>, %arg5: memref<1000x1xi32, #tpu.memory_space<vmem>>, %arg6: memref<128x64xf32, #tpu.memory_space<vmem>>, %arg7: memref<1x64xf32, #tpu.memory_space<vmem>>, %arg8: memref<64x10xf32, #tpu.memory_space<vmem>>, %arg9: memref<1x10xf32, #tpu.memory_space<vmem>>, %arg10: memref<1000x128xf32, #tpu.memory_space<vmem>>, %arg11: memref<64x10xf32, #tpu.memory_space<vmem>>, %arg12: memref<64x10xf32, #tpu.memory_space<vmem>>, %arg13: memref<64x128xf32, #tpu.memory_space<vmem>>, %arg14: memref<64x128xf32, #tpu.memory_space<vmem>>) attributes {dimension_semantics = [#tpu.dimension_semantics<arbitrary>], iteration_bounds = array<i64: 10>, scalar_prefetch = 0 : i64, scratch_operands = 2 : i64, tpu.core_type = #tpu.core_type<tc>, window_params = [{transform_indices = @transform_0, window_bounds = array<i64: 2, 1000, 128>}, {transform_indices = @transform_1, window_bounds = array<i64: 1000, 128>}, {transform_indices = @transform_2, window_bounds = array<i64: 2, 1000, 16>}, {pipeline_mode = #tpu.pipeline_mode<synchronous>, transform_indices = @transform_3, window_bounds = array<i64: 1, 128>}, {transform_indices = @transform_4, window_bounds = array<i64: 1000, 1>}, {pipeline_mode = #tpu.pipeline_mode<synchronous>, transform_indices = @transform_5, window_bounds = array<i64: 128, 64>}, {pipeline_mode = #tpu.pipeline_mode<synchronous>, transform_indices = @transform_6, window_bounds = array<i64: 1, 64>}, {pipeline_mode = #tpu.pipeline_mode<synchronous>, transform_indices = @transform_7, window_bounds = array<i64: 64, 10>}, {pipeline_mode = #tpu.pipeline_mode<synchronous>, transform_indices = @transform_8, window_bounds = array<i64: 1, 10>}, {transform_indices = @transform_9, window_bounds = array<i64: 1000, 128>}, {pipeline_mode = #tpu.pipeline_mode<synchronous>, transform_indices = @transform_10, window_bounds = array<i64: 64, 10>}, {pipeline_mode = #tpu.pipeline_mode<synchronous>, transform_indices = @transform_11, window_bounds = array<i64: 64, 10>}]} {
    %get3A = arith.constant 0 : index
    %get3A_0 = arith.constant 0 : index
    %get3A_1 = arith.constant 0 : index
    %get3A_2 = vector.load %arg3[%get3A, %get3A_0, %get3A_1] : memref<2x1000x16xf32, #tpu.memory_space<vmem>>, vector<1x1000x16xf32>
    %get3A_3 = vector.shape_cast %get3A_2 : vector<1x1000x16xf32> to vector<1000x16xf32>
    %get3A_4 = arith.constant 1 : index
    %get3A_5 = arith.constant 0 : index
    %get3A_6 = arith.constant 0 : index
    %get3A_7 = vector.load %arg3[%get3A_4, %get3A_5, %get3A_6] : memref<2x1000x16xf32, #tpu.memory_space<vmem>>, vector<1x1000x16xf32>
    %get3A_8 = vector.shape_cast %get3A_7 : vector<1x1000x16xf32> to vector<1000x16xf32>
    %slice3A = vector.extract_strided_slice %get3A_3 {offsets = [0, 0], sizes = [1000, 1], strides = [1, 1]} : vector<1000x16xf32> to vector<1000x1xf32>
    %slice3A_9 = vector.extract_strided_slice %get3A_8 {offsets = [0, 0], sizes = [1000, 1], strides = [1, 1]} : vector<1000x16xf32> to vector<1000x1xf32>
    %add3A = arith.addf %slice3A, %slice3A_9 : vector<1000x1xf32>
    %add3A_10 = arith.constant 1.000000e+00 : f32
    %add3A_11 = vector.broadcast %add3A_10 : f32 to vector<1000x1xf32>
    %add3A_12 = arith.addf %add3A, %add3A_11 : vector<1000x1xf32>
    %rsqrt3A = math.rsqrt %add3A_12 : vector<1000x1xf32>
    %get3A_13 = arith.constant 0 : index
    %get3A_14 = arith.constant 0 : index
    %get3A_15 = arith.constant 0 : index
    %get3A_16 = vector.load %arg1[%get3A_13, %get3A_14, %get3A_15] : memref<2x1000x128xf32, #tpu.memory_space<vmem>>, vector<1x1000x128xf32>
    %get3A_17 = vector.shape_cast %get3A_16 : vector<1x1000x128xf32> to vector<1000x128xf32>
    %get3A_18 = arith.constant 1 : index
    %get3A_19 = arith.constant 0 : index
    %get3A_20 = arith.constant 0 : index
    %get3A_21 = vector.load %arg1[%get3A_18, %get3A_19, %get3A_20] : memref<2x1000x128xf32, #tpu.memory_space<vmem>>, vector<1x1000x128xf32>
    %get3A_22 = vector.shape_cast %get3A_21 : vector<1x1000x128xf32> to vector<1000x128xf32>
    %add3A_23 = arith.addf %get3A_17, %get3A_22 : vector<1000x128xf32>
    %get3A_24 = arith.constant 0 : index
    %get3A_25 = arith.constant 0 : index
    %get3A_26 = vector.load %arg2[%get3A_24, %get3A_25] : memref<1000x128xf32, #tpu.memory_space<vmem>>, vector<1000x128xf32>
    %add3A_27 = arith.addf %add3A_23, %get3A_26 : vector<1000x128xf32>
    %mul3A = vector.broadcast %rsqrt3A : vector<1000x1xf32> to vector<1000x128xf32>
    %mul3A_28 = arith.mulf %mul3A, %add3A_27 : vector<1000x128xf32>
    %get3A_29 = arith.constant 0 : index
    %get3A_30 = arith.constant 0 : index
    %get3A_31 = vector.load %arg4[%get3A_29, %get3A_30] : memref<1x128xf32, #tpu.memory_space<vmem>>, vector<1x128xf32>
    %add3A_32 = vector.broadcast %get3A_31 : vector<1x128xf32> to vector<1000x128xf32>
    %add3A_33 = arith.addf %mul3A_28, %add3A_32 : vector<1000x128xf32>
    %max3A = arith.constant 0.000000e+00 : f32
    %max3A_34 = vector.broadcast %max3A : f32 to vector<1000x128xf32>
    %max3A_35 = arith.maximumf %add3A_33, %max3A_34 : vector<1000x128xf32>
    %swap3A = arith.constant 0 : index
    %swap3A_36 = arith.constant 0 : index
    %swap3A_37 = vector.load %arg10[%swap3A, %swap3A_36] : memref<1000x128xf32, #tpu.memory_space<vmem>>, vector<1000x128xf32>
    tpu.vector_store %arg10[%swap3A, %swap3A_36], %max3A_35 {strides = array<i32>} : memref<1000x128xf32, #tpu.memory_space<vmem>>, vector<1000x128xf32>,
    %iota3A = tpu.iota {dimensions = array<i32: 1>} : vector<1x64xi32>
    %get3A_38 = arith.constant 0 : index
    %get3A_39 = arith.constant 0 : index
    %get3A_40 = vector.load %arg5[%get3A_38, %get3A_39] : memref<1000x1xi32, #tpu.memory_space<vmem>>, vector<1000x1xi32>
    %eq3A = vector.broadcast %get3A_40 : vector<1000x1xi32> to vector<1000x64xi32>
    %eq3A_41 = vector.broadcast %iota3A : vector<1x64xi32> to vector<1000x64xi32>
    %eq3A_42 = arith.cmpi eq, %eq3A, %eq3A_41 : vector<1000x64xi32>
    %convert_element_type3A = arith.extui %eq3A_42 : vector<1000x64xi1> to vector<1000x64xi32>
    %convert_element_type3A_43 = arith.sitofp %convert_element_type3A : vector<1000x64xi32> to vector<1000x64xf32>
    %dot_general3A = arith.constant dense<0.000000e+00> : vector<64x128xf32>
    %dot_general3A_44 = tpu.matmul %convert_element_type3A_43, %max3A_35, %dot_general3A {dimension_numbers = #tpu.dot_dimension_numbers<[0], [0], [1], [1], [0, 1, 1, 1], [], []>, precision = #tpu.contract_precision<fp32>, transpose_lhs_hint = false} : vector<1000x64xf32>, vector<1000x128xf32>, vector<64x128xf32> -> vector<64x128xf32>
    %broadcast_in_dim3A = arith.constant 1.000000e+00 : f32
    %broadcast_in_dim3A_45 = vector.broadcast %broadcast_in_dim3A : f32 to vector<1000x128xf32>
    %dot_general3A_46 = arith.constant dense<0.000000e+00> : vector<64x128xf32>
    %dot_general3A_47 = tpu.matmul %convert_element_type3A_43, %broadcast_in_dim3A_45, %dot_general3A_46 {dimension_numbers = #tpu.dot_dimension_numbers<[0], [0], [1], [1], [0, 1, 1, 1], [], []>, precision = #tpu.contract_precision<fp32>, transpose_lhs_hint = false} : vector<1000x64xf32>, vector<1000x128xf32>, vector<64x128xf32> -> vector<64x128xf32>
    %eq3A_48 = arith.constant 0 : i32
    %eq3A_49 = arith.cmpi eq, %arg0, %eq3A_48 : i32
    %convert_element_type3A_50 = arith.extui %eq3A_49 : i1 to i32
    %cond3A = arith.constant 0 : i32
    %cond3A_51 = arith.cmpi ne, %convert_element_type3A_50, %cond3A : i32
    scf.if %cond3A_51 {
      %broadcast_in_dim3A_71 = arith.constant 0.000000e+00 : f32
      %broadcast_in_dim3A_72 = vector.broadcast %broadcast_in_dim3A_71 : f32 to vector<64x128xf32>
      %swap3A_73 = arith.constant 0 : index
      %swap3A_74 = arith.constant 0 : index
      %swap3A_75 = vector.load %arg13[%swap3A_73, %swap3A_74] : memref<64x128xf32, #tpu.memory_space<vmem>>, vector<64x128xf32>
      tpu.vector_store %arg13[%swap3A_73, %swap3A_74], %broadcast_in_dim3A_72 {strides = array<i32>} : memref<64x128xf32, #tpu.memory_space<vmem>>, vector<64x128xf32>,
      %broadcast_in_dim3A_76 = arith.constant 0.000000e+00 : f32
      %broadcast_in_dim3A_77 = vector.broadcast %broadcast_in_dim3A_76 : f32 to vector<64x128xf32>
      %swap3A_78 = arith.constant 0 : index
      %swap3A_79 = arith.constant 0 : index
      %swap3A_80 = vector.load %arg14[%swap3A_78, %swap3A_79] : memref<64x128xf32, #tpu.memory_space<vmem>>, vector<64x128xf32>
      tpu.vector_store %arg14[%swap3A_78, %swap3A_79], %broadcast_in_dim3A_77 {strides = array<i32>} : memref<64x128xf32, #tpu.memory_space<vmem>>, vector<64x128xf32>,
    } else {
    }
    %get3A_52 = arith.constant 0 : index
    %get3A_53 = arith.constant 0 : index
    %get3A_54 = vector.load %arg13[%get3A_52, %get3A_53] : memref<64x128xf32, #tpu.memory_space<vmem>>, vector<64x128xf32>
    %add3A_55 = arith.addf %get3A_54, %dot_general3A_44 : vector<64x128xf32>
    %swap3A_56 = arith.constant 0 : index
    %swap3A_57 = arith.constant 0 : index
    %swap3A_58 = vector.load %arg13[%swap3A_56, %swap3A_57] : memref<64x128xf32, #tpu.memory_space<vmem>>, vector<64x128xf32>
    tpu.vector_store %arg13[%swap3A_56, %swap3A_57], %add3A_55 {strides = array<i32>} : memref<64x128xf32, #tpu.memory_space<vmem>>, vector<64x128xf32>,
    %get3A_59 = arith.constant 0 : index
    %get3A_60 = arith.constant 0 : index
    %get3A_61 = vector.load %arg14[%get3A_59, %get3A_60] : memref<64x128xf32, #tpu.memory_space<vmem>>, vector<64x128xf32>
    %add3A_62 = arith.addf %get3A_61, %dot_general3A_47 : vector<64x128xf32>
    %swap3A_63 = arith.constant 0 : index
    %swap3A_64 = arith.constant 0 : index
    %swap3A_65 = vector.load %arg14[%swap3A_63, %swap3A_64] : memref<64x128xf32, #tpu.memory_space<vmem>>, vector<64x128xf32>
    tpu.vector_store %arg14[%swap3A_63, %swap3A_64], %add3A_62 {strides = array<i32>} : memref<64x128xf32, #tpu.memory_space<vmem>>, vector<64x128xf32>,
    %eq3A_66 = arith.constant 9 : i32
    %eq3A_67 = arith.cmpi eq, %arg0, %eq3A_66 : i32
    %convert_element_type3A_68 = arith.extui %eq3A_67 : i1 to i32
    %cond3A_69 = arith.constant 0 : i32
    %cond3A_70 = arith.cmpi ne, %convert_element_type3A_68, %cond3A_69 : i32
    scf.if %cond3A_70 {
      %get3A_71 = arith.constant 0 : index
      %get3A_72 = arith.constant 0 : index
      %get3A_73 = vector.load %arg13[%get3A_71, %get3A_72] : memref<64x128xf32, #tpu.memory_space<vmem>>, vector<64x128xf32>
      %get3A_74 = arith.constant 0 : index
      %get3A_75 = arith.constant 0 : index
      %get3A_76 = vector.load %arg14[%get3A_74, %get3A_75] : memref<64x128xf32, #tpu.memory_space<vmem>>, vector<64x128xf32>
      %max3A_77 = arith.constant 1.000000e+00 : f32
      %max3A_78 = vector.broadcast %max3A_77 : f32 to vector<64x128xf32>
      %max3A_79 = arith.maximumf %get3A_76, %max3A_78 : vector<64x128xf32>
      %div3A = arith.divf %get3A_73, %max3A_79 : vector<64x128xf32>
      %get3A_80 = arith.constant 0 : index
      %get3A_81 = arith.constant 0 : index
      %get3A_82 = vector.load %arg6[%get3A_80, %get3A_81] : memref<128x64xf32, #tpu.memory_space<vmem>>, vector<128x64xf32>
      %dot_general3A_83 = arith.constant dense<0.000000e+00> : vector<64x64xf32>
      %dot_general3A_84 = tpu.matmul %div3A, %get3A_82, %dot_general3A_83 {dimension_numbers = #tpu.dot_dimension_numbers<[1], [0], [0], [1], [0, 0, 1, 1], [], []>, precision = #tpu.contract_precision<fp32>, transpose_lhs_hint = false} : vector<64x128xf32>, vector<128x64xf32>, vector<64x64xf32> -> vector<64x64xf32>
      %get3A_85 = arith.constant 0 : index
      %get3A_86 = arith.constant 0 : index
      %get3A_87 = vector.load %arg7[%get3A_85, %get3A_86] : memref<1x64xf32, #tpu.memory_space<vmem>>, vector<1x64xf32>
      %add3A_88 = vector.broadcast %get3A_87 : vector<1x64xf32> to vector<64x64xf32>
      %add3A_89 = arith.addf %dot_general3A_84, %add3A_88 : vector<64x64xf32>
      %gt3A = arith.constant 0.000000e+00 : f32
      %gt3A_90 = vector.broadcast %gt3A : f32 to vector<64x64xf32>
      %gt3A_91 = arith.cmpf ogt, %add3A_89, %gt3A_90 : vector<64x64xf32>
      %min3A = arith.constant 0.000000e+00 : f32
      %min3A_92 = vector.broadcast %min3A : f32 to vector<64x64xf32>
      %min3A_93 = arith.minimumf %add3A_89, %min3A_92 : vector<64x64xf32>
      %exp3A = math.exp %min3A_93 : vector<64x64xf32>
      %sub3A = arith.constant 1.000000e+00 : f32
      %sub3A_94 = vector.broadcast %sub3A : f32 to vector<64x64xf32>
      %sub3A_95 = arith.subf %exp3A, %sub3A_94 : vector<64x64xf32>
      %select_n3A = arith.select %gt3A_91, %add3A_89, %sub3A_95 : vector<64x64xi1>, vector<64x64xf32>
      %get3A_96 = arith.constant 0 : index
      %get3A_97 = arith.constant 0 : index
      %get3A_98 = vector.load %arg8[%get3A_96, %get3A_97] : memref<64x10xf32, #tpu.memory_space<vmem>>, vector<64x10xf32>
      %dot_general3A_99 = arith.constant dense<0.000000e+00> : vector<64x10xf32>
      %dot_general3A_100 = tpu.matmul %select_n3A, %get3A_98, %dot_general3A_99 {dimension_numbers = #tpu.dot_dimension_numbers<[1], [0], [0], [1], [0, 0, 1, 1], [], []>, precision = #tpu.contract_precision<fp32>, transpose_lhs_hint = false} : vector<64x64xf32>, vector<64x10xf32>, vector<64x10xf32> -> vector<64x10xf32>
      %get3A_101 = arith.constant 0 : index
      %get3A_102 = arith.constant 0 : index
      %get3A_103 = vector.load %arg9[%get3A_101, %get3A_102] : memref<1x10xf32, #tpu.memory_space<vmem>>, vector<1x10xf32>
      %add3A_104 = vector.broadcast %get3A_103 : vector<1x10xf32> to vector<64x10xf32>
      %add3A_105 = arith.addf %dot_general3A_100, %add3A_104 : vector<64x10xf32>
      %swap3A_106 = arith.constant 0 : index
      %swap3A_107 = arith.constant 0 : index
      %swap3A_108 = vector.load %arg11[%swap3A_106, %swap3A_107] : memref<64x10xf32, #tpu.memory_space<vmem>>, vector<64x10xf32>
      tpu.vector_store %arg11[%swap3A_106, %swap3A_107], %add3A_105 {strides = array<i32>} : memref<64x10xf32, #tpu.memory_space<vmem>>, vector<64x10xf32>,
      %reduce_max3A = arith.constant dense<0xFF800000> : vector<64xf32>
      %reduce_max3A_109 = vector.multi_reduction <maximumf>, %add3A_105, %reduce_max3A [1] : vector<64x10xf32> to vector<64xf32>
      %broadcast_in_dim3A_110 = vector.shape_cast %reduce_max3A_109 : vector<64xf32> to vector<64x1xf32>
      %sub3A_111 = vector.broadcast %broadcast_in_dim3A_110 : vector<64x1xf32> to vector<64x10xf32>
      %sub3A_112 = arith.subf %add3A_105, %sub3A_111 : vector<64x10xf32>
      %exp3A_113 = math.exp %sub3A_112 : vector<64x10xf32>
      %reduce_sum3A = arith.constant dense<0.000000e+00> : vector<64xf32>
      %reduce_sum3A_114 = vector.multi_reduction <add>, %exp3A_113, %reduce_sum3A [1] : vector<64x10xf32> to vector<64xf32>
      %broadcast_in_dim3A_115 = vector.shape_cast %reduce_sum3A_114 : vector<64xf32> to vector<64x1xf32>
      %div3A_116 = vector.broadcast %broadcast_in_dim3A_115 : vector<64x1xf32> to vector<64x10xf32>
      %div3A_117 = arith.divf %exp3A_113, %div3A_116 : vector<64x10xf32>
      %swap3A_118 = arith.constant 0 : index
      %swap3A_119 = arith.constant 0 : index
      %swap3A_120 = vector.load %arg12[%swap3A_118, %swap3A_119] : memref<64x10xf32, #tpu.memory_space<vmem>>, vector<64x10xf32>
      tpu.vector_store %arg12[%swap3A_118, %swap3A_119], %div3A_117 {strides = array<i32>} : memref<64x10xf32, #tpu.memory_space<vmem>>, vector<64x10xf32>,
    } else {
    }
    return
  }
  func.func @transform_0(%arg0: i32) -> (i32, i32, i32) {
    %c0_i32 = arith.constant 0 : i32
    %c0_i32_0 = arith.constant 0 : i32
    %c0_i32_1 = arith.constant 0 : i32
    return %c0_i32, %arg0, %c0_i32_0 : i32, i32, i32
  }
  func.func @transform_1(%arg0: i32) -> (i32, i32) {
    %c0_i32 = arith.constant 0 : i32
    %c0_i32_0 = arith.constant 0 : i32
    return %arg0, %c0_i32 : i32, i32
  }
  func.func @transform_2(%arg0: i32) -> (i32, i32, i32) {
    %c0_i32 = arith.constant 0 : i32
    %c0_i32_0 = arith.constant 0 : i32
    %c0_i32_1 = arith.constant 0 : i32
    return %c0_i32, %arg0, %c0_i32_0 : i32, i32, i32
  }
  func.func @transform_3(%arg0: i32) -> (i32, i32) {
    %c0_i32 = arith.constant 0 : i32
    %c0_i32_0 = arith.constant 0 : i32
    %c0_i32_1 = arith.constant 0 : i32
    return %c0_i32, %c0_i32_0 : i32, i32
  }
  func.func @transform_4(%arg0: i32) -> (i32, i32) {
    %c0_i32 = arith.constant 0 : i32
    %c0_i32_0 = arith.constant 0 : i32
    return %arg0, %c0_i32 : i32, i32
  }
  func.func @transform_5(%arg0: i32) -> (i32, i32) {
    %c0_i32 = arith.constant 0 : i32
    %c0_i32_0 = arith.constant 0 : i32
    %c0_i32_1 = arith.constant 0 : i32
    return %c0_i32, %c0_i32_0 : i32, i32
  }
  func.func @transform_6(%arg0: i32) -> (i32, i32) {
    %c0_i32 = arith.constant 0 : i32
    %c0_i32_0 = arith.constant 0 : i32
    %c0_i32_1 = arith.constant 0 : i32
    return %c0_i32, %c0_i32_0 : i32, i32
  }
  func.func @transform_7(%arg0: i32) -> (i32, i32) {
    %c0_i32 = arith.constant 0 : i32
    %c0_i32_0 = arith.constant 0 : i32
    %c0_i32_1 = arith.constant 0 : i32
    return %c0_i32, %c0_i32_0 : i32, i32
  }
  func.func @transform_8(%arg0: i32) -> (i32, i32) {
    %c0_i32 = arith.constant 0 : i32
    %c0_i32_0 = arith.constant 0 : i32
    %c0_i32_1 = arith.constant 0 : i32
    return %c0_i32, %c0_i32_0 : i32, i32
  }
  func.func @transform_9(%arg0: i32) -> (i32, i32) {
    %c0_i32 = arith.constant 0 : i32
    %c0_i32_0 = arith.constant 0 : i32
    return %arg0, %c0_i32 : i32, i32
  }
  func.func @transform_10(%arg0: i32) -> (i32, i32) {
    %c0_i32 = arith.constant 0 : i32
    %c0_i32_0 = arith.constant 0 : i32
    %c0_i32_1 = arith.constant 0 : i32
    return %c0_i32, %c0_i32_0 : i32, i32
  }
  func.func @transform_11(%arg0: i32) -> (i32, i32) {
    %c0_i32 = arith.constant 0 : i32
    %c0_i32_0 = arith.constant 0 : i32
    %c0_i32_1 = arith.constant 0 : i32
    return %c0_i32, %c0_i32_0 : i32, i32
  }
}

</mosaic_0001>

<sc_bundles>
// kernel: kernel.11.cloned.1.call-start
scs
__scs_entry_jumppad:
0x0: {  	(pc) =	sbr.rel $0x88, $3  }
0x1: {  	(tag) =	ssettag $0x0;
	lr =	simm.s32 $0x1  }
0x2: {  	[smem:$0x3F94] =	sst lr;
	_ =	strace $0xD0000000  }
0x3: {  	_ = 	snop  }
0x4: {  	_ = 	snop  }
0x5: {  	_ = 	snop  }
0x6: {  	_ = 	snop  }
0x7: {  	_ = 	snop  }
__scs_overlays_trampoline_lowered:
0x8: {  	[smem:$0x3FA3] =	sst s0  }
0x9: {  	[smem:$0x3FA4] =	sst s1  }
0xa: {  	[smem:$0x3FA5] =	sst s2  }
0xb: {  	[smem:$0x3FA6] =	sst s3  }
0xc: {  	[smem:$0x3FA7] =	sst s4  }
0xd: {  	[smem:$0x3FA8] =	sst s5  }
0xe: {  	[smem:$0x3FA9] =	sst s6  }
0xf: {  	[smem:$0x3FAA] =	sst s7  }
0x10: {  	[smem:$0x3FAB] =	sst s8  }
0x11: {  	[smem:$0x3FAC] =	sst s9;
	s0 =	simm.s32 @!p0 $0x0  }
0x12: {  	s1 =	sld [smem:$0x3F92];
	s0 =	simm.s32 @p0 $0x1  }
0x13: {  	[smem:$0x3FAD] =	sst s0;
	s0 =	simm.s32 @!p1 $0x0  }
0x14: {  	s2 =	sld [smem:$0x3F91];
	s0 =	simm.s32 @p1 $0x1  }
0x15: {  	[smem:$0x3FAE] =	sst s0;
	s0 =	simm.s32 @!p2 $0x0  }
0x16: {  	s3 =	sld [smem:$0x3FDB];
	s0 =	simm.s32 @p2 $0x1  }
0x17: {  	s4 =	simm.s32 $0x1BF5;
	[smem:$0x3FB0] =	sst s0  }
0x18: {  	s0 =	sld [smem:$0x3F93];
	_ =	swait.ge [sflag:s4], $0x0  }
0x19: {  	s7 =	sld [smem:$0x3F94]  }
0x1a: {  	s8 =	sadd.s32 $0xFFFFE003, lr  }
0x1b: {  	s9 =	sadd.s32 $0xFFFFFEF7, lr;
	s5 =	simm.s32 $0xFFFFFFFF;
	p2 =	slt.u32 s8, $0xFFFFF086  }
0x1c: {  	p1 =	slt.u32 s9, $0xF7A;
	s5 =	simm.s32 @!p2 $0x0  }
0x1d: {  	s5 =	simm.s32 @p1 $0x1;
	p0 =	seq.s32 s7, s2  }
0x1e: {  	s7 =	smul.u32 @!p0 $0xF7A, s2;
	p2 =	seq.s32 @!p0 s5, $0x0  }
0x1f: {  	s9 =	smul.u32 $0xF7A, s1;
	s8 =	simm.s32 @!p0 $0x1BF5;
	p2 =	por !p2, p0  }
0x20: {  	[sflag:s8] =	ssyncset.s32 @!p0 $0xFFFFF086;
	s6 =	sadd.s32 @!p0 s3, s7;
	s7 =	simm.s32 @!p0 $0x108  }
0x21: {  	s3 =	sadd.s32 s3, s9;
	s6 =	sadd.s32 @!p0 $0x88, s6;
	s7 =	simm.s32 @p2 $0x1082  }
0x22: {  	[simem:s7], [sflag:s8] =	dma.local @!p0 [hbm:s6], $0xF7A  }
0x23: {  	s9 =	sor.u32 $0xD0000000, s2;
	s6 =	simm.s32 $0x108;
	_ =	swait.ge @!p0 [sflag:s8], $0x0  }
0x24: {  	s3 =	sadd.s32 $0x88, s3;
	s6 =	simm.s32 @!p1 $0x1082;
	[sflag:s4] =	ssyncset.s32 $0xFFFFF086  }
0x25: {  	[simem:s6], [sflag:s4] =	dma.local [hbm:s3], $0xF7A  }
0x26: {  	[smem:$0x3F94] =	sst s1;
	(tag) =	ssettag s2;
	_ =	strace s9  }
0x27: {  	s1 =	sld [smem:$0x3FA4]  }
0x28: {  	s2 =	sld [smem:$0x3FA5]  }
0x29: {  	s4 =	sld [smem:$0x3FA7]  }
0x2a: {  	p0 =	seq.s32 s5, $0x0;
	s5 =	sld [smem:$0x3FA8]  }
0x2b: {  	s6 =	sld [smem:$0x3FA9]  }
0x2c: {  	s7 =	sld [smem:$0x3FAA]  }
0x2d: {  	s3 =	simm.s32 $0x108;
	s8 =	sld [smem:$0x3FAB]  }
0x2e: {  	s3 =	simm.s32 @!p0 $0x1082;
	s9 =	sld [smem:$0x3FAC]  }
0x2f: {  	lr =	sadd.s32 s0, s3;
	s0 =	sld [smem:$0x3FA3]  }
0x30: {  	s3 =	sld [smem:$0x3FA6]  }
0x31: {  	[smem:$0x3FAF] =	sst s10  }
0x32: {  	s10 =	sld [smem:$0x3FAD];
	_ =	sdelay $0x3  }
0x33: {  	p0 =	seq.s32 s10, $0x1;
	s10 =	sld [smem:$0x3FAF];
	_ =	sdelay $0x3  }
0x34: {  	[smem:$0x3FAF] =	sst s10  }
0x35: {  	s10 =	sld [smem:$0x3FAE];
	_ =	sdelay $0x3  }
0x36: {  	p1 =	seq.s32 s10, $0x1;
	s10 =	sld [smem:$0x3FAF];
	_ =	sdelay $0x3  }
0x37: {  	[smem:$0x3FAF] =	sst s10  }
0x38: {  	s10 =	sld [smem:$0x3FB0]  }
0x39: {  	_ = 	snop;
	(pc) =	sbr.ind lr, $3  }
0x3a: {  	_ = 	snop  }
0x3b: {  	_ = 	snop  }
0x3c: {  	p2 =	seq.s32 s10, $0x1;
	s10 =	sld [smem:$0x3FAF]  }
0x3d: {  	_ =	shalt  }
0x3e: {  	_ =	shalt  }
0x3f: {  	_ =	shalt  }
0x40: {  	_ =	shalt  }
0x41: {  	_ =	shalt  }
0x42: {  	_ =	shalt  }
0x43: {  	_ =	shalt  }
0x44: {  	_ =	shalt  }
0x45: {  	_ =	shalt  }
0x46: {  	_ =	shalt  }
0x47: {  	_ =	shalt  }
0x48: {  	_ =	shalt  }
0x49: {  	_ =	shalt  }
0x4a: {  	_ =	shalt  }
0x4b: {  	_ =	shalt  }
0x4c: {  	_ =	shalt  }
0x4d: {  	_ =	shalt  }
0x4e: {  	_ =	shalt  }
0x4f: {  	_ =	shalt  }
0x50: {  	_ =	shalt  }
0x51: {  	_ =	shalt  }
0x52: {  	_ =	shalt  }
0x53: {  	_ =	shalt  }
0x54: {  	_ =	shalt  }
0x55: {  	_ =	shalt  }
0x56: {  	_ =	shalt  }
0x57: {  	_ =	shalt  }
0x58: {  	_ =	shalt  }
0x59: {  	_ =	shalt  }
0x5a: {  	_ =	shalt  }
0x5b: {  	_ =	shalt  }
0x5c: {  	_ =	shalt  }
0x5d: {  	_ =	shalt  }
0x5e: {  	_ =	shalt  }
0x5f: {  	_ =	shalt  }
0x60: {  	_ =	shalt  }
0x61: {  	_ =	shalt  }
0x62: {  	_ =	shalt  }
0x63: {  	_ =	shalt  }
0x64: {  	_ =	shalt  }
0x65: {  	_ =	shalt  }
0x66: {  	_ =	shalt  }
0x67: {  	_ =	shalt  }
0x68: {  	_ =	shalt  }
0x69: {  	_ =	shalt  }
0x6a: {  	_ =	shalt  }
0x6b: {  	_ =	shalt  }
0x6c: {  	_ =	shalt  }
0x6d: {  	_ =	shalt  }
0x6e: {  	_ =	shalt  }
0x6f: {  	_ =	shalt  }
0x70: {  	_ =	shalt  }
0x71: {  	_ =	shalt  }
0x72: {  	_ =	shalt  }
0x73: {  	_ =	shalt  }
0x74: {  	_ =	shalt  }
0x75: {  	_ =	shalt  }
0x76: {  	_ =	shalt  }
0x77: {  	_ =	shalt  }
0x78: {  	_ =	shalt  }
0x79: {  	_ =	shalt  }
0x7a: {  	_ =	shalt  }
0x7b: {  	_ =	shalt  }
0x7c: {  	_ =	shalt  }
0x7d: {  	_ =	shalt  }
0x7e: {  	_ =	shalt  }
0x7f: {  	_ =	shalt  }
0x80: {  	_ =	shalt  }
0x81: {  	_ =	shalt  }
0x82: {  	_ =	shalt  }
0x83: {  	_ =	shalt  }
0x84: {  	_ =	shalt  }
0x85: {  	_ =	shalt  }
0x86: {  	_ =	shalt  }
0x87: {  	_ =	shalt  }
.Lfunc_end0:
.L_simem_size_0:
called_computation_lowered:
.L_overlay_start_0:
0x88: {  	s2 =	sld [smem:$0x3FD9]  }
0x89: {  	s3 =	sld [smem:$0x3FFE];
	_ =	sdelay $0x1  }
0x8a: {  	s1 =	srdreg.scid  }
0x8b: {  	s0 =	sand.u32 $0x1, s1  }
0x8c: {  	s16 =	sshll.u32 s0, $0xA;
	s2 =	sadd.s32 s3, s2  }
0x8d: {  	s2 =	sadd.s32 s2, s16  }
0x8e: {  	[smem:$0x3FBB] =	sst s2  }
0x8f: {  	_ = 	snop  }
0x90: {  	(tm) =	ssettm $0x1  }
0x91: {  	s17 =	sld [smem:$0x3FFB];
	_ =	sdelay $0x3  }
0x92: {  	_ =	strace s17  }
0x93: {  	s2 =	sld [smem:$0x3FFC];
	_ =	sdelay $0x3  }
0x94: {  	_ =	strace s2  }
0x95: {  	s2 =	sld [smem:$0x3FFD];
	_ =	sdelay $0x3  }
0x96: {  	_ =	strace s2  }
0x97: {  	_ =	strace $0x8FFFFFFF  }
0x98: {  	s18 =	sld [smem:$0x3FDB];
	_ =	sdelay $0x1  }
0x99: {  	s19 =	simm.s32 $_scs_section_size  }
0x9a: {  	s4 =	simm.s32 $_size__tile_overlayer_lowered;
	s5 =	simm.s32 $_tile_overlayer_lowered  }
0x9b: {  	s22 =	simm.s32 $0x1BFF;
	s21 =	sshll.u32 s5, $0x1;
	s2 =	sadd.s32 s19, s18  }
0x9c: {  	s6 =	simm.s32 $0x0;
	s20 =	sshll.u32 s4, $0x1;
	s4 =	sadd.s32 s21, s2  }
0x9d: {  	[timem:s6], [sflag:s22] =	dma.local [hbm:s4], s20  }
0x9e: {  	_ =	swait.ge [sflag:s22], s20  }
0x9f: {  	s3 =	ssub.s32 $0x0, s20;
	[sflag:s22] =	ssyncset.done $0x0  }
0xa0: {  	[sflag:s22] =	ssyncadd.s32 s3;
	_ =	sdelay $0x1  }
0xa1: {  	s23 =	simm.s32 $0x1B8B  }
0xa2: {  	_ =	swait.ge [sflag:s23], $0x1  }
0xa3: {  	[sflag:s23] =	ssyncset.done $0x0  }
0xa4: {  	s25 =	simm.s32 $0x1B8E;
	s24 =	sld [smem:$0x3FFE];
	[sflag:s23] =	ssyncadd.s32 $0xFFFFFFFF  }
0xa5: {  	s26 =	simm.s32 $execute0_lowered;
	[smem:$0x3FD2] =	sst s25  }
0xa6: {  	s4 =	sshll.u32 s26, $0x1;
	_ =	strace $0x80000046;
	[dreg:$0x1] =	wrdreg $0xFFFFFFFF  }
0xa7: {  	s28 =	simm.s32 $_size_execute0_lowered;
	s2 =	sadd.s32 s2, s4;
	[dreg:$0x0] =	wrdreg $0x0  }
0xa8: {  	s4 =	sshll.u32 s28, $0x1;
	[dreg:$0x2] =	wrdreg s2  }
0xa9: {  	[dreg:$0x3] =	wrdreg s4  }
0xaa: {  	[dreg:$0x4] =	wrdreg $0xC0  }
0xab: {  	_ =	task [dreg:s6], $0x5FFFF  }
0xac: {  	[dreg:$0x1] =	wrdreg $0xFFFFFFFF  }
0xad: {  	[dreg:$0x0] =	wrdreg $0x60  }
0xae: {  	[dreg:$0x2] =	wrdreg s24  }
0xaf: {  	[dreg:$0x3] =	wrdreg $0x0  }
0xb0: {  	[dreg:$0x4] =	wrdreg $0x9  }
0xb1: {  	_ =	task.clear_ibuf [dreg:s6], $0x5FFFF;
	_ =	strace $0x90000046  }
0xb2: {  	s29 =	simm.s32 $0x9;
	_ =	strace $0x80000048  }
0xb3: {  	_ =	swait.ge [sflag:s29], $0x1  }
0xb4: {  	[sflag:s29] =	ssyncadd.s32 $0xFFFFFFFF  }
0xb5: {  	_ =	strace $0x90000048  }
0xb6: {  	_ =	sfence  }
0xb7: {  	s30 =	sld [smem:$0x0];
	_ =	sdelay $0x2  }
0xb8: {  	s31 =	sshll.u32 s1, $0xD;
	s1 =	sshrl.u32 s1, $0x2  }
0xb9: {  	s3 =	sand.u32 $0x4000, s31;
	s1 =	sadd.s32 s1, s30  }
0xba: {  	s0 =	sor.u32 s3, s0;
	s1 =	sshll.u32 s1, $0x11  }
0xbb: {  	s0 =	sor.u32 s1, s0  }
0xbc: {  	s0 =	sadd.s32 $0x8F2B, s0  }
0xbd: {  	[sflag:s0] =	ssyncadd.remote.s32 $0x1  }
0xbe: {  	_ =	sfence.sel $0xFFFF  }
0xbf: {  	[dreg:$0x0] =	wrdreg $0xFFFFFFFF;
	(pc) =	sbr.abs _section_cstart, $3  }
0xc0: {  	[dreg:$0x1] =	wrdreg $0xFFFFFFFF  }
0xc1: {  	_ =	task.clear_ibuf [dreg:s6], $0x2FFFF;
	_ =	strace $0x9FFFFFFF  }
0xc2: {  	(tm) =	ssettm $0x7FFFFFFF  }
0xc3: {  	_ =	shalt  }
tec
execute0_lowered:
.L_overlay_start_1:
0x0: {  	(tag) =	ssettag $0x1  }
0x1: {  	s5 =	rddreg [dreg:$0x0]  }
0x2: {  	s1 =	rddreg [dreg:$0x1];
	s3 =	simm.s32 $0x0;
	s4 =	srdreg.scid  }
0x3: {  	s2 =	stileid.u32;
	s22 =	simm.s32 $0x2880;
	s23 =	simm.s32 $0x80  }
0x4: {  	s24 =	simm.s32 $0x2;
	s25 =	simm.s32 $0x0;
	[smem:$0x7FF] =	sst s3  }
0x5: {  	s8 =	sand.u32 $0x1, s4;
	s7 =	smul.u32 $0x50000, s2;
	s4 =	sadd.s32 $0x3C00, s5  }
0x6: {  	s11 =	smul.u32 $0x14000, s2;
	s16 =	sadd.s32 $0xDC00, s5;
	s29 =	sshll.u32 s2, $0x1  }
0x7: {  	_ =	strace $0x80000047;
	s6 =	ssub.s32 $0x2, s8;
	s30 =	sor.u32 s8, s29  }
0x8: {  	s18 =	smul.u32 $0x140000, s8;
	s9 =	sshrl.u32 s6, $0x1;
	s31 =	sshrl.u32 s7, $0x2  }
0x9: {  	s12 =	sadd.s32 $0x4000, s11;
	s14 =	sadd.s32 $0x8000, s11;
	s15 =	sadd.s32 $0xC000, s11  }
0xa: {  	s19 =	sadd.s32 $0x10000, s11;
	s17 =	ssub.s32 s6, s9;
	s5 =	sadd.s32 s31, s1  }
0xb: {  	s6 =	sadd.s32 s12, s1;
	s7 =	sadd.s32 s14, s1;
	s8 =	sadd.s32 s15, s1  }
0xc: {  	s9 =	smul.u32 $0x2800, s30;
	s10 =	sadd.s32 s19, s1;
	s11 =	sadd.s32 s11, s18  }
0xd: {  	s12 =	sadd.s32 s18, s12;
	s14 =	sadd.s32 s18, s14;
	s15 =	sadd.s32 s18, s15  }
0xe: {  	s18 =	sadd.s32 s18, s19;
	s19 =	simm.s32 $0x3;
	s20 =	sshrl.u32 s11, $0x3  }
0xf: {  	s21 =	sshrl.u32 s12, $0x3;
	s14 =	sshrl.u32 s14, $0x3;
	s15 =	sshrl.u32 s15, $0x3  }
0x10: {  	s18 =	sshrl.u32 s18, $0x3;
	s17 =	smax.u32 s17, $0x1;
	s13 =	sshrl.u32 s9, $0x3  }
0x11: {  	s12 =	sadd.s32 s16, s20;
	s14 =	sadd.s32 s16, s14;
	s15 =	sadd.s32 s16, s15  }
0x12: {  	s20 =	simm.s32 $0x2800;
	s11 =	sadd.s32 s4, s13;
	s13 =	sadd.s32 s16, s21  }
0x13: {  	v0 =	vimm.f32 $0.0e+00;
	v1 =	vimm.f32 $1.000000000e+00;
	s16 =	sadd.s32 s16, s18;
	s18 =	simm.s32 $0x2900;
	s21 =	simm.s32 $0x1  }
.LBB2_1:
0x14: {  	s26 =	simm.s32 $0x200;
	s28 =	simm.s32 $0x0  }
.LBB2_2:
0x15: {  	p0 =	sne.s32 s26, $0xFE00;
	[tilespmem:s28+$0x2900] =	vst v0;
	s28 =	smov.u32 s26;
	s26 =	sadd.s32 $0x200, s26  }
.Ltmp0:
0x16: {  	(pc) =	sbr.rel @p0 .LBB2_2-.Ltmp0, $2  }
0x17: {  	_ =	sdelay $0x2  }
0x18: {  	s28 =	sshra.s32 s28, $0x2  }
0x19: {  	[tilespmem:s28+$0x2900] =	vst v0  }
0x1a: {  	[spmem:s5] =	stream.linear.scatter [tilespmem:s18], [sflag:$0x3], $0x4000, $0x38;
	[tilespmem:$0x6900] =	vst v63  }
0x1b: {  	_ =	swait.ge [sflag:s19], $0x4000  }
0x1c: {  	[sflag:s19] =	ssyncset.done $0x0  }
0x1d: {  	[sflag:s19] =	ssyncadd.s32 $0xFFFFC000  }
0x1e: {  	[spmem:s6] =	stream.linear.scatter [tilespmem:s18], [sflag:$0x3], $0x4000, $0x38;
	[tilespmem:$0x6900] =	vst v63  }
0x1f: {  	_ =	swait.ge [sflag:s19], $0x4000  }
0x20: {  	[sflag:s19] =	ssyncset.done $0x0  }
0x21: {  	[sflag:s19] =	ssyncadd.s32 $0xFFFFC000  }
0x22: {  	[spmem:s7] =	stream.linear.scatter [tilespmem:s18], [sflag:$0x3], $0x4000, $0x38;
	[tilespmem:$0x6900] =	vst v63  }
0x23: {  	_ =	swait.ge [sflag:s19], $0x4000  }
0x24: {  	[sflag:s19] =	ssyncset.done $0x0  }
0x25: {  	[sflag:s19] =	ssyncadd.s32 $0xFFFFC000  }
0x26: {  	[spmem:s8] =	stream.linear.scatter [tilespmem:s18], [sflag:$0x3], $0x4000, $0x38;
	[tilespmem:$0x6900] =	vst v63  }
0x27: {  	_ =	swait.ge [sflag:s19], $0x4000  }
0x28: {  	[sflag:s19] =	ssyncset.done $0x0  }
0x29: {  	[sflag:s19] =	ssyncadd.s32 $0xFFFFC000  }
0x2a: {  	[spmem:s10] =	stream.linear.scatter [tilespmem:s18], [sflag:$0x3], $0x4000, $0x38;
	[tilespmem:$0x6900] =	vst v63  }
0x2b: {  	_ =	swait.ge [sflag:s19], $0x4000  }
0x2c: {  	[sflag:s19] =	ssyncset.done $0x0  }
0x2d: {  	s26 =	simm.s32 $0x200;
	s28 =	simm.s32 $0x0;
	[sflag:s19] =	ssyncadd.s32 $0xFFFFC000  }
.LBB2_4:
0x2e: {  	p0 =	sne.s32 s26, $0xFE00;
	[tilespmem:s28+$0x2900] =	vst v1;
	s28 =	smov.u32 s26;
	s26 =	sadd.s32 $0x200, s26  }
.Ltmp1:
0x2f: {  	(pc) =	sbr.rel @p0 .LBB2_4-.Ltmp1, $2  }
0x30: {  	_ =	sdelay $0x2  }
0x31: {  	s28 =	sshra.s32 s28, $0x2  }
0x32: {  	[tilespmem:s28+$0x2900] =	vst v1;
	s26 =	simm.s32 $0x0  }
0x33: {  	[bflag:$0x0] =	sbarrier.arrive $0xFFFF;
	s28 =	sand.u32 $0x3C00, s26  }
0x34: {  	[tilespmem:s20], [sflag:$0x1] =	stream.linear.gather [hbm4b:s11+s3], $0x80, $0x38;
	[tilespmem:$0x6900] =	vst v63  }
0x35: {  	s26 =	sand.u32 $0x300, s26;
	s28 =	sadd.s32 s9, s28  }
0x36: {  	s26 =	sor.u32 s28, s26  }
0x37: {  	_ =	swait.ge [sflag:s21], $0x80;
	s26 =	sor.u32 $0x80, s26  }
0x38: {  	[sflag:s21] =	ssyncset.done $0x0;
	s26 =	sshrl.u32 s26, $0x3  }
0x39: {  	[sflag:s21] =	ssyncadd.s32 $0xFFFFFF80;
	s26 =	sadd.s32 s4, s26  }
0x3a: {  	[tilespmem:s22], [sflag:$0x2] =	stream.linear.gather [hbm4b:s26+s3], $0x80, $0x38;
	[tilespmem:$0x6900] =	vst v63  }
0x3b: {  	_ = 	snop  }
0x3c: {  	[spmem:s1] =	stream.indirect.scatter.add.f32 [tilespmem:s18], [sflag:$0x3], $0x10, s20, s23, $0xb8;
	[tilespmem:$0x6900] =	vst v63  }
0x3d: {  	s31 =	simm.s32 $0x100;
	_ =	swait.ge [sflag:s19], $0x800  }
0x3e: {  	s28 =	sand.u32 $0x7C00, s31;
	[sflag:s19] =	ssyncset.done $0x0  }
0x3f: {  	s28 =	sadd.s32 s9, s28;
	s26 =	sand.u32 $0x300, s31;
	[sflag:s19] =	ssyncadd.s32 $0xFFFFF800  }
0x40: {  	s26 =	sor.u32 s26, s28;
	_ =	swait.ge [sflag:s24], $0x80  }
0x41: {  	s26 =	sshrl.u32 s26, $0x3;
	[sflag:s24] =	ssyncset.done $0x0  }
0x42: {  	s26 =	sadd.s32 s4, s26;
	[sflag:s24] =	ssyncadd.s32 $0xFFFFFF80  }
0x43: {  	[tilespmem:s20], [sflag:$0x1] =	stream.linear.gather [hbm4b:s26+s3], $0x80, $0x38;
	[tilespmem:$0x6900] =	vst v63  }
0x44: {  	s28 =	simm.s32 $0x100  }
0x45: {  	[spmem:s1] =	stream.indirect.scatter.add.f32 [tilespmem:s18], [sflag:$0x3], $0x10, s22, s23, $0xb8;
	[tilespmem:$0x6900] =	vst v63  }
0x46: {  	s29 =	simm.s32 $0x300;
	s30 =	sand.u32 $0x3C00, s28;
	_ =	swait.ge [sflag:s19], $0x800  }
0x47: {  	s28 =	sand.u32 $0x300, s28;
	s26 =	simm.s32 $0x200;
	[sflag:s19] =	ssyncset.done $0x0  }
.LBB2_6:
0x48: {  	s30 =	sadd.s32 s9, s30  }
0x49: {  	[sflag:s19] =	ssyncadd.s32 $0xFFFFF800;
	s31 =	smov.u32 s29;
	s0 =	sadd.s32 $0x100, s29  }
0x4a: {  	p0 =	sne.s32 s29, $0x2700;
	s28 =	sor.u32 s30, s28  }
0x4b: {  	_ =	swait.ge [sflag:s21], $0x80;
	s28 =	sor.u32 $0x80, s28  }
0x4c: {  	[sflag:s21] =	ssyncset.done $0x0;
	s28 =	sshrl.u32 s28, $0x3  }
0x4d: {  	[sflag:s21] =	ssyncadd.s32 $0xFFFFFF80;
	s28 =	sadd.s32 s4, s28  }
0x4e: {  	[tilespmem:s22], [sflag:$0x2] =	stream.linear.gather [hbm4b:s28+s3], $0x80, $0x38;
	[tilespmem:$0x6900] =	vst v63  }
0x4f: {  	_ = 	snop  }
0x50: {  	[spmem:s1] =	stream.indirect.scatter.add.f32 [tilespmem:s18], [sflag:$0x3], $0x10, s20, s23, $0xb8;
	[tilespmem:$0x6900] =	vst v63  }
0x51: {  	_ =	swait.ge [sflag:s19], $0x800  }
0x52: {  	s28 =	sand.u32 $0x7C00, s26;
	[sflag:s19] =	ssyncset.done $0x0  }
0x53: {  	s26 =	sand.u32 $0x300, s26;
	s28 =	sadd.s32 s9, s28;
	[sflag:s19] =	ssyncadd.s32 $0xFFFFF800  }
0x54: {  	s28 =	sor.u32 s26, s28;
	s26 =	smov.u32 s31;
	_ =	swait.ge [sflag:s24], $0x80  }
0x55: {  	s28 =	sshrl.u32 s28, $0x3;
	[sflag:s24] =	ssyncset.done $0x0  }
0x56: {  	s28 =	sadd.s32 s4, s28;
	[sflag:s24] =	ssyncadd.s32 $0xFFFFFF80  }
0x57: {  	[tilespmem:s20], [sflag:$0x1] =	stream.linear.gather [hbm4b:s28+s3], $0x80, $0x38;
	[tilespmem:$0x6900] =	vst v63  }
.Ltmp2:
0x58: {  	_ = 	snop;
	(pc) =	sbr.rel @p0 .LBB2_6-.Ltmp2, $4  }
0x59: {  	_ = 	snop  }
0x5a: {  	[spmem:s1] =	stream.indirect.scatter.add.f32 [tilespmem:s18], [sflag:$0x3], $0x10, s22, s23, $0xb8;
	[tilespmem:$0x6900] =	vst v63  }
0x5b: {  	s29 =	smov.u32 s0;
	s28 =	sadd.s32 $0xFFFFFF00, s26;
	_ =	swait.ge [sflag:s19], $0x800  }
0x5c: {  	s30 =	sand.u32 $0x3C00, s28;
	s28 =	sand.u32 $0x300, s28;
	[sflag:s19] =	ssyncset.done $0x0  }
0x5d: {  	s0 =	sadd.s32 s9, s30  }
0x5e: {  	[sflag:s19] =	ssyncadd.s32 $0xFFFFF800;
	s0 =	sor.u32 s0, s28  }
0x5f: {  	_ =	swait.ge [sflag:s21], $0x80;
	s0 =	sor.u32 $0x80, s0  }
0x60: {  	[sflag:s21] =	ssyncset.done $0x0;
	s0 =	sshrl.u32 s0, $0x3  }
0x61: {  	[sflag:s21] =	ssyncadd.s32 $0xFFFFFF80;
	s0 =	sadd.s32 s4, s0  }
0x62: {  	[tilespmem:s22], [sflag:$0x2] =	stream.linear.gather [hbm4b:s0+s3], $0x80, $0x38;
	[tilespmem:$0x6900] =	vst v63  }
0x63: {  	_ = 	snop  }
0x64: {  	[spmem:s1] =	stream.indirect.scatter.add.f32 [tilespmem:s18], [sflag:$0x3], $0x10, s20, s23, $0xb8;
	[tilespmem:$0x6900] =	vst v63  }
0x65: {  	_ =	swait.ge [sflag:s19], $0x800  }
0x66: {  	s28 =	sand.u32 $0x7C00, s26;
	[sflag:s19] =	ssyncset.done $0x0  }
0x67: {  	s29 =	sand.u32 $0x300, s26;
	s0 =	sadd.s32 s9, s28;
	[sflag:s19] =	ssyncadd.s32 $0xFFFFF800  }
0x68: {  	s0 =	sor.u32 s29, s0;
	_ =	swait.ge [sflag:s24], $0x80  }
0x69: {  	s0 =	sshrl.u32 s0, $0x3;
	[sflag:s24] =	ssyncset.done $0x0  }
0x6a: {  	s0 =	sadd.s32 s4, s0;
	[sflag:s24] =	ssyncadd.s32 $0xFFFFFF80  }
0x6b: {  	[tilespmem:s20], [sflag:$0x1] =	stream.linear.gather [hbm4b:s0+s3], $0x80, $0x38;
	[tilespmem:$0x6900] =	vst v63  }
0x6c: {  	_ = 	snop  }
0x6d: {  	[spmem:s1] =	stream.indirect.scatter.add.f32 [tilespmem:s18], [sflag:$0x3], $0x10, s22, s23, $0xb8;
	[tilespmem:$0x6900] =	vst v63  }
0x6e: {  	_ =	swait.ge [sflag:s19], $0x800  }
0x6f: {  	[sflag:s19] =	ssyncset.done $0x0  }
0x70: {  	[sflag:s19] =	ssyncadd.s32 $0xFFFFF800  }
0x71: {  	_ =	swait.ge [sflag:s21], $0x80  }
0x72: {  	[sflag:s21] =	ssyncset.done $0x0  }
0x73: {  	[sflag:s21] =	ssyncadd.s32 $0xFFFFFF80  }
0x74: {  	[spmem:s1] =	stream.indirect.scatter.add.f32 [tilespmem:s18], [sflag:$0x3], $0x10, s20, s23, $0xb8;
	[tilespmem:$0x6900] =	vst v63  }
0x75: {  	_ =	swait.ge [sflag:s19], $0x800  }
0x76: {  	[sflag:s19] =	ssyncset.done $0x0  }
0x77: {  	s30 =	sshll.u32 s2, $0x6;
	[sflag:s19] =	ssyncadd.s32 $0xFFFFF800  }
0x78: {  	s31 =	sshrl.u32 s5, $0x3;
	s0 =	sor.u32 $0x1C03, s30;
	[bflag:$0x0] =	sbarrier.arrive $0xFFFF  }
0x79: {  	[hbm:s12], [sflag:s0] =	dma.local [spmem:s31], $0x800  }
0x7a: {  	_ =	swait.ge [sflag:s19], $0x800  }
0x7b: {  	[sflag:s19] =	ssyncset.done $0x0  }
0x7c: {  	s28 =	sshrl.u32 s6, $0x3;
	[sflag:s19] =	ssyncadd.s32 $0xFFFFF800  }
0x7d: {  	[hbm:s13], [sflag:s0] =	dma.local [spmem:s28], $0x800  }
0x7e: {  	_ =	swait.ge [sflag:s19], $0x800  }
0x7f: {  	[sflag:s19] =	ssyncset.done $0x0  }
0x80: {  	s29 =	sshrl.u32 s7, $0x3;
	[sflag:s19] =	ssyncadd.s32 $0xFFFFF800  }
0x81: {  	[hbm:s14], [sflag:s0] =	dma.local [spmem:s29], $0x800  }
0x82: {  	_ =	swait.ge [sflag:s19], $0x800  }
0x83: {  	[sflag:s19] =	ssyncset.done $0x0  }
0x84: {  	s30 =	sshrl.u32 s8, $0x3;
	[sflag:s19] =	ssyncadd.s32 $0xFFFFF800  }
0x85: {  	[hbm:s15], [sflag:s0] =	dma.local [spmem:s30], $0x800  }
0x86: {  	s25 =	sadd.s32 $0x1, s25;
	_ =	swait.ge [sflag:s19], $0x800  }
0x87: {  	p0 =	sne.s32 s25, s17;
	[sflag:s19] =	ssyncset.done $0x0  }
.Ltmp3:
0x88: {  	s31 =	sshrl.u32 s10, $0x3;
	[sflag:s19] =	ssyncadd.s32 $0xFFFFF800;
	(pc) =	sbr.rel @p0 .LBB2_1-.Ltmp3, $4  }
0x89: {  	[hbm:s16], [sflag:s0] =	dma.local [spmem:s31], $0x800  }
0x8a: {  	_ =	swait.ge [sflag:s19], $0x800  }
0x8b: {  	[sflag:s19] =	ssyncset.done $0x0  }
0x8c: {  	[sflag:s19] =	ssyncadd.s32 $0xFFFFF800  }
0x8d: {  	_ =	sfence.sel $0x180000  }
0x8e: {  	[bflag:$0x0] =	sbarrier.arrive $0xFFFF  }
0x8f: {  	_ =	strace $0x90000047  }
0x90: {  	[bflag:$0x2] =	sbarrier.arrive $0xFFFF  }
0x91: {  	p0 =	sne.s32 s2, $0x0;
	s0 =	rddreg [dreg:$0x2]  }
0x92: {  	s0 =	sadd.s32 @!p0 $0x100000, s0  }
0x93: {  	[sflag:s0] =	ssyncadd.tile.s32 @!p0 $0x1;
	_ =	shalt  }
.Lfunc_end2:
_tile_overlayer_lowered:
.L_overlay_start_2:
0x94: {  	(tag) =	ssettag $0x2  }
0x95: {  	s0 =	rddreg [dreg:$0x0];
	s2 =	stileid.u32  }
0x96: {  	s1 =	rddreg [dreg:$0x1];
	p0 =	sne.s32 s2, $0x0  }
0x97: {  	s3 =	rddreg [dreg:$0x2];
	[bflag:$0x3] =	sbarrier.arrive $0xFFFF;
	s2 =	simm.s32 @!p0 $0x1C03  }
0x98: {  	[timem:s3], [sflag:s2] =	dma.local @!p0 [hbm:s0], s1  }
0x99: {  	s0 =	simm.s32 @!p0 $0x3  }
0x9a: {  	_ =	swait.ge @!p0 [sflag:s0], s1  }
0x9b: {  	s1 =	ssub.s32 @!p0 $0x0, s1;
	[sflag:s0] =	ssyncset.done @!p0 $0x0  }
0x9c: {  	[sflag:s0] =	ssyncadd.s32 @!p0 s1  }
0x9d: {  	[bflag:$0x3] =	sbarrier.arrive $0xFFFF  }
0x9e: {  	_ =	shalt  }

// kernel: kernel.14.cloned.1.call-start
scs
__scs_entry_jumppad:
0x0: {  	(pc) =	sbr.rel $0x88, $3  }
0x1: {  	(tag) =	ssettag $0x0;
	lr =	simm.s32 $0x1  }
0x2: {  	[smem:$0x3F94] =	sst lr;
	_ =	strace $0xD0000000  }
0x3: {  	_ = 	snop  }
0x4: {  	_ = 	snop  }
0x5: {  	_ = 	snop  }
0x6: {  	_ = 	snop  }
0x7: {  	_ = 	snop  }
__scs_overlays_trampoline_lowered:
0x8: {  	[smem:$0x3FA3] =	sst s0  }
0x9: {  	[smem:$0x3FA4] =	sst s1  }
0xa: {  	[smem:$0x3FA5] =	sst s2  }
0xb: {  	[smem:$0x3FA6] =	sst s3  }
0xc: {  	[smem:$0x3FA7] =	sst s4  }
0xd: {  	[smem:$0x3FA8] =	sst s5  }
0xe: {  	[smem:$0x3FA9] =	sst s6  }
0xf: {  	[smem:$0x3FAA] =	sst s7  }
0x10: {  	[smem:$0x3FAB] =	sst s8  }
0x11: {  	[smem:$0x3FAC] =	sst s9;
	s0 =	simm.s32 @!p0 $0x0  }
0x12: {  	s1 =	sld [smem:$0x3F92];
	s0 =	simm.s32 @p0 $0x1  }
0x13: {  	[smem:$0x3FAD] =	sst s0;
	s0 =	simm.s32 @!p1 $0x0  }
0x14: {  	s2 =	sld [smem:$0x3F91];
	s0 =	simm.s32 @p1 $0x1  }
0x15: {  	[smem:$0x3FAE] =	sst s0;
	s0 =	simm.s32 @!p2 $0x0  }
0x16: {  	s3 =	sld [smem:$0x3FDB];
	s0 =	simm.s32 @p2 $0x1  }
0x17: {  	s4 =	simm.s32 $0x1BF5;
	[smem:$0x3FB0] =	sst s0  }
0x18: {  	s0 =	sld [smem:$0x3F93];
	_ =	swait.ge [sflag:s4], $0x0  }
0x19: {  	s7 =	sld [smem:$0x3F94]  }
0x1a: {  	s8 =	sadd.s32 $0xFFFFE003, lr  }
0x1b: {  	s9 =	sadd.s32 $0xFFFFFEF7, lr;
	s5 =	simm.s32 $0xFFFFFFFF;
	p2 =	slt.u32 s8, $0xFFFFF086  }
0x1c: {  	p1 =	slt.u32 s9, $0xF7A;
	s5 =	simm.s32 @!p2 $0x0  }
0x1d: {  	s5 =	simm.s32 @p1 $0x1;
	p0 =	seq.s32 s7, s2  }
0x1e: {  	s7 =	smul.u32 @!p0 $0xF7A, s2;
	p2 =	seq.s32 @!p0 s5, $0x0  }
0x1f: {  	s9 =	smul.u32 $0xF7A, s1;
	s8 =	simm.s32 @!p0 $0x1BF5;
	p2 =	por !p2, p0  }
0x20: {  	[sflag:s8] =	ssyncset.s32 @!p0 $0xFFFFF086;
	s6 =	sadd.s32 @!p0 s3, s7;
	s7 =	simm.s32 @!p0 $0x108  }
0x21: {  	s3 =	sadd.s32 s3, s9;
	s6 =	sadd.s32 @!p0 $0x88, s6;
	s7 =	simm.s32 @p2 $0x1082  }
0x22: {  	[simem:s7], [sflag:s8] =	dma.local @!p0 [hbm:s6], $0xF7A  }
0x23: {  	s9 =	sor.u32 $0xD0000000, s2;
	s6 =	simm.s32 $0x108;
	_ =	swait.ge @!p0 [sflag:s8], $0x0  }
0x24: {  	s3 =	sadd.s32 $0x88, s3;
	s6 =	simm.s32 @!p1 $0x1082;
	[sflag:s4] =	ssyncset.s32 $0xFFFFF086  }
0x25: {  	[simem:s6], [sflag:s4] =	dma.local [hbm:s3], $0xF7A  }
0x26: {  	[smem:$0x3F94] =	sst s1;
	(tag) =	ssettag s2;
	_ =	strace s9  }
0x27: {  	s1 =	sld [smem:$0x3FA4]  }
0x28: {  	s2 =	sld [smem:$0x3FA5]  }
0x29: {  	s4 =	sld [smem:$0x3FA7]  }
0x2a: {  	p0 =	seq.s32 s5, $0x0;
	s5 =	sld [smem:$0x3FA8]  }
0x2b: {  	s6 =	sld [smem:$0x3FA9]  }
0x2c: {  	s7 =	sld [smem:$0x3FAA]  }
0x2d: {  	s3 =	simm.s32 $0x108;
	s8 =	sld [smem:$0x3FAB]  }
0x2e: {  	s3 =	simm.s32 @!p0 $0x1082;
	s9 =	sld [smem:$0x3FAC]  }
0x2f: {  	lr =	sadd.s32 s0, s3;
	s0 =	sld [smem:$0x3FA3]  }
0x30: {  	s3 =	sld [smem:$0x3FA6]  }
0x31: {  	[smem:$0x3FAF] =	sst s10  }
0x32: {  	s10 =	sld [smem:$0x3FAD];
	_ =	sdelay $0x3  }
0x33: {  	p0 =	seq.s32 s10, $0x1;
	s10 =	sld [smem:$0x3FAF];
	_ =	sdelay $0x3  }
0x34: {  	[smem:$0x3FAF] =	sst s10  }
0x35: {  	s10 =	sld [smem:$0x3FAE];
	_ =	sdelay $0x3  }
0x36: {  	p1 =	seq.s32 s10, $0x1;
	s10 =	sld [smem:$0x3FAF];
	_ =	sdelay $0x3  }
0x37: {  	[smem:$0x3FAF] =	sst s10  }
0x38: {  	s10 =	sld [smem:$0x3FB0]  }
0x39: {  	_ = 	snop;
	(pc) =	sbr.ind lr, $3  }
0x3a: {  	_ = 	snop  }
0x3b: {  	_ = 	snop  }
0x3c: {  	p2 =	seq.s32 s10, $0x1;
	s10 =	sld [smem:$0x3FAF]  }
0x3d: {  	_ =	shalt  }
0x3e: {  	_ =	shalt  }
0x3f: {  	_ =	shalt  }
0x40: {  	_ =	shalt  }
0x41: {  	_ =	shalt  }
0x42: {  	_ =	shalt  }
0x43: {  	_ =	shalt  }
0x44: {  	_ =	shalt  }
0x45: {  	_ =	shalt  }
0x46: {  	_ =	shalt  }
0x47: {  	_ =	shalt  }
0x48: {  	_ =	shalt  }
0x49: {  	_ =	shalt  }
0x4a: {  	_ =	shalt  }
0x4b: {  	_ =	shalt  }
0x4c: {  	_ =	shalt  }
0x4d: {  	_ =	shalt  }
0x4e: {  	_ =	shalt  }
0x4f: {  	_ =	shalt  }
0x50: {  	_ =	shalt  }
0x51: {  	_ =	shalt  }
0x52: {  	_ =	shalt  }
0x53: {  	_ =	shalt  }
0x54: {  	_ =	shalt  }
0x55: {  	_ =	shalt  }
0x56: {  	_ =	shalt  }
0x57: {  	_ =	shalt  }
0x58: {  	_ =	shalt  }
0x59: {  	_ =	shalt  }
0x5a: {  	_ =	shalt  }
0x5b: {  	_ =	shalt  }
0x5c: {  	_ =	shalt  }
0x5d: {  	_ =	shalt  }
0x5e: {  	_ =	shalt  }
0x5f: {  	_ =	shalt  }
0x60: {  	_ =	shalt  }
0x61: {  	_ =	shalt  }
0x62: {  	_ =	shalt  }
0x63: {  	_ =	shalt  }
0x64: {  	_ =	shalt  }
0x65: {  	_ =	shalt  }
0x66: {  	_ =	shalt  }
0x67: {  	_ =	shalt  }
0x68: {  	_ =	shalt  }
0x69: {  	_ =	shalt  }
0x6a: {  	_ =	shalt  }
0x6b: {  	_ =	shalt  }
0x6c: {  	_ =	shalt  }
0x6d: {  	_ =	shalt  }
0x6e: {  	_ =	shalt  }
0x6f: {  	_ =	shalt  }
0x70: {  	_ =	shalt  }
0x71: {  	_ =	shalt  }
0x72: {  	_ =	shalt  }
0x73: {  	_ =	shalt  }
0x74: {  	_ =	shalt  }
0x75: {  	_ =	shalt  }
0x76: {  	_ =	shalt  }
0x77: {  	_ =	shalt  }
0x78: {  	_ =	shalt  }
0x79: {  	_ =	shalt  }
0x7a: {  	_ =	shalt  }
0x7b: {  	_ =	shalt  }
0x7c: {  	_ =	shalt  }
0x7d: {  	_ =	shalt  }
0x7e: {  	_ =	shalt  }
0x7f: {  	_ =	shalt  }
0x80: {  	_ =	shalt  }
0x81: {  	_ =	shalt  }
0x82: {  	_ =	shalt  }
0x83: {  	_ =	shalt  }
0x84: {  	_ =	shalt  }
0x85: {  	_ =	shalt  }
0x86: {  	_ =	shalt  }
0x87: {  	_ =	shalt  }
.Lfunc_end0:
.L_simem_size_0:
called_computation.1_lowered:
.L_overlay_start_0:
0x88: {  	s2 =	sld [smem:$0x3FD9]  }
0x89: {  	s3 =	sld [smem:$0x3FFE];
	_ =	sdelay $0x1  }
0x8a: {  	s1 =	srdreg.scid  }
0x8b: {  	s0 =	sand.u32 $0x1, s1  }
0x8c: {  	s14 =	sshll.u32 s0, $0xA;
	s2 =	sadd.s32 s3, s2  }
0x8d: {  	s2 =	sadd.s32 s2, s14  }
0x8e: {  	[smem:$0x3FBB] =	sst s2  }
0x8f: {  	_ = 	snop  }
0x90: {  	s2 =	sld [smem:$0x3FD0];
	_ =	sdelay $0x2  }
0x91: {  	s15 =	simm.s32 $0xA;
	s4 =	simm.s32 $0x10  }
0x92: {  	[smem:s4], [sflag:s15] =	dma.local [hbm:s2], $0x1  }
0x93: {  	_ =	swait.eq [sflag:s15], $0x1  }
0x94: {  	[sflag:s15] =	ssyncset.done $0x0  }
0x95: {  	[sflag:s15] =	ssyncadd.s32 $0xFFFFFFFF  }
0x96: {  	s16 =	sld [smem:$0x12];
	(tm) =	ssettm $0x1  }
0x97: {  	s17 =	sld [smem:$0x3FFB];
	_ =	sdelay $0x3  }
0x98: {  	_ =	strace s17  }
0x99: {  	s3 =	sld [smem:$0x3FFC];
	_ =	sdelay $0x3  }
0x9a: {  	_ =	strace s3  }
0x9b: {  	s3 =	sld [smem:$0x3FFD];
	_ =	sdelay $0x3  }
0x9c: {  	_ =	strace s3  }
0x9d: {  	_ =	strace $0x8FFFFFFF  }
0x9e: {  	s18 =	sld [smem:$0x3FDB];
	_ =	sdelay $0x1  }
0x9f: {  	s19 =	simm.s32 $_scs_section_size  }
0xa0: {  	s5 =	simm.s32 $_size__tile_overlayer_lowered;
	s6 =	simm.s32 $_tile_overlayer_lowered  }
0xa1: {  	s22 =	simm.s32 $0x1BFF;
	s21 =	sshll.u32 s6, $0x1;
	s3 =	sadd.s32 s19, s18  }
0xa2: {  	s7 =	simm.s32 $0x0;
	s20 =	sshll.u32 s5, $0x1;
	s5 =	sadd.s32 s21, s3  }
0xa3: {  	[timem:s7], [sflag:s22] =	dma.local [hbm:s5], s20  }
0xa4: {  	_ =	swait.ge [sflag:s22], s20  }
0xa5: {  	s4 =	ssub.s32 $0x0, s20;
	[sflag:s22] =	ssyncset.done $0x0  }
0xa6: {  	[sflag:s22] =	ssyncadd.s32 s4;
	_ =	sdelay $0x1  }
0xa7: {  	s23 =	simm.s32 $0x1B8B  }
0xa8: {  	_ =	swait.ge [sflag:s23], $0x1  }
0xa9: {  	[sflag:s23] =	ssyncset.done $0x0  }
0xaa: {  	s25 =	simm.s32 $0x1B8E;
	s24 =	sld [smem:$0x3FFE];
	[sflag:s23] =	ssyncadd.s32 $0xFFFFFFFF  }
0xab: {  	s26 =	simm.s32 $execute0_lowered;
	[smem:$0x3FD2] =	sst s25  }
0xac: {  	s5 =	sshll.u32 s26, $0x1;
	_ =	strace $0x80000049;
	[dreg:$0x1] =	wrdreg $0xFFFFFFFF  }
0xad: {  	s28 =	simm.s32 $_size_execute0_lowered;
	s3 =	sadd.s32 s3, s5;
	[dreg:$0x0] =	wrdreg $0x0  }
0xae: {  	s5 =	sshll.u32 s28, $0x1;
	[dreg:$0x2] =	wrdreg s3  }
0xaf: {  	[dreg:$0x3] =	wrdreg s5  }
0xb0: {  	[dreg:$0x4] =	wrdreg $0xC0  }
0xb1: {  	_ =	task [dreg:s7], $0x5FFFF  }
0xb2: {  	[dreg:$0x1] =	wrdreg $0xFFFFFFFF  }
0xb3: {  	[dreg:$0x0] =	wrdreg $0x60  }
0xb4: {  	[dreg:$0x2] =	wrdreg s16  }
0xb5: {  	[dreg:$0x3] =	wrdreg s24  }
0xb6: {  	[dreg:$0x4] =	wrdreg $0x0  }
0xb7: {  	[dreg:$0x5] =	wrdreg $0x9  }
0xb8: {  	_ =	task.clear_ibuf [dreg:s7], $0x6FFFF;
	_ =	strace $0x90000049  }
0xb9: {  	s29 =	simm.s32 $0x9;
	_ =	strace $0x8000004B  }
0xba: {  	_ =	swait.ge [sflag:s29], $0x1  }
0xbb: {  	[sflag:s29] =	ssyncadd.s32 $0xFFFFFFFF  }
0xbc: {  	_ =	strace $0x9000004B  }
0xbd: {  	_ =	sfence  }
0xbe: {  	s30 =	sld [smem:$0x0];
	_ =	sdelay $0x2  }
0xbf: {  	s31 =	sshll.u32 s1, $0xD;
	s1 =	sshrl.u32 s1, $0x2  }
0xc0: {  	s3 =	sand.u32 $0x4000, s31;
	s1 =	sadd.s32 s1, s30  }
0xc1: {  	s0 =	sor.u32 s3, s0;
	s1 =	sshll.u32 s1, $0x11  }
0xc2: {  	s0 =	sor.u32 s1, s0  }
0xc3: {  	s0 =	sadd.s32 $0x8F2B, s0  }
0xc4: {  	[sflag:s0] =	ssyncadd.remote.s32 $0x1  }
0xc5: {  	_ =	sfence.sel $0xFFFF  }
0xc6: {  	[dreg:$0x0] =	wrdreg $0xFFFFFFFF;
	(pc) =	sbr.abs _section_cstart, $3  }
0xc7: {  	[dreg:$0x1] =	wrdreg $0xFFFFFFFF  }
0xc8: {  	_ =	task.clear_ibuf [dreg:s7], $0x2FFFF;
	_ =	strace $0x9FFFFFFF  }
0xc9: {  	(tm) =	ssettm $0x7FFFFFFF  }
tec
execute0_lowered:
.L_overlay_start_1:
0x0: {  	(tag) =	ssettag $0x1  }
0x1: {  	s1 =	rddreg [dreg:$0x0]  }
0x2: {  	s0 =	srdreg.scid;
	s2 =	rddreg [dreg:$0x1]  }
0x3: {  	s12 =	stileid.u32;
	s3 =	rddreg [dreg:$0x2];
	s28 =	simm.s32 $0x4  }
0x4: {  	s0 =	sand.u32 $0x1, s0;
	s4 =	sshll.u32 s12, $0x1;
	s10 =	smul.u32 $0x50000, s12  }
0x5: {  	s29 =	simm.s32 $0x0;
	s18 =	smul.u32 $0x14000, s12;
	s5 =	sor.u32 s0, s4  }
0x6: {  	s4 =	simm.s32 $0x0;
	s9 =	ssub.s32 $0x2, s0;
	s0 =	smul.u32 $0x140000, s0  }
0x7: {  	s6 =	sadd.s32 $0x3C00, s2;
	s5 =	smul.u32 $0x2800, s5;
	[smem:$0x7FF] =	sst s4  }
0x8: {  	s11 =	sshrl.u32 s9, $0x1;
	s17 =	sshrl.u32 s10, $0x2;
	s23 =	sadd.s32 $0x4000, s18  }
0x9: {  	s25 =	sadd.s32 $0x8000, s18;
	s12 =	sadd.s32 $0xC000, s18;
	_ =	strace $0x8000004A  }
0xa: {  	s11 =	ssub.s32 s9, s11;
	s9 =	sadd.s32 s17, s3;
	s14 =	sadd.s32 s23, s3  }
0xb: {  	s13 =	sadd.s32 s18, s0;
	s26 =	sadd.s32 s0, s25;
	s30 =	sadd.s32 s0, s12  }
0xc: {  	s7 =	sshrl.u32 s5, $0x3;
	s20 =	sadd.s32 $0x1000, s9;
	s21 =	sadd.s32 $0x2000, s9  }
0xd: {  	s22 =	sadd.s32 $0x3000, s9;
	s24 =	sadd.s32 $0x5000, s9;
	s13 =	sshrl.u32 s13, $0x3  }
0xe: {  	s31 =	sshrl.u32 s30, $0x3;
	s16 =	smax.u32 s11, $0x1;
	[dreg:$0x6] =	wrdreg s20  }
0xf: {  	s17 =	sadd.s32 $0x7000, s9;
	s30 =	sadd.s32 $0x11000, s9;
	[dreg:$0x7] =	wrdreg s21  }
0x10: {  	s11 =	sadd.s32 $0x13000, s9;
	s8 =	sadd.s32 s7, s2;
	[dreg:$0x8] =	wrdreg s22  }
0x11: {  	s2 =	sadd.s32 $0x67C00, s2;
	s15 =	sadd.s32 s6, s7;
	[dreg:$0x9] =	wrdreg s24  }
0x12: {  	s7 =	sadd.s32 $0x10000, s18;
	s22 =	sadd.s32 s25, s3;
	[dreg:$0x10] =	wrdreg s16  }
0x13: {  	[dreg:$0x11] =	wrdreg s17;
	s18 =	sadd.s32 $0x9000, s9;
	s20 =	sadd.s32 $0xB000, s9  }
0x14: {  	s21 =	sadd.s32 $0xD000, s9;
	s25 =	sadd.s32 $0xE000, s9;
	[dreg:$0x18] =	wrdreg s30  }
0x15: {  	s16 =	simm.s32 $0x80;
	s17 =	simm.s32 $0x16900;
	[dreg:$0x12] =	wrdreg s18  }
0x16: {  	s8 =	sadd.s32 $0x5DC00, s8;
	s19 =	sadd.s32 $0x10, s15;
	[dreg:$0x14] =	wrdreg s20  }
0x17: {  	s13 =	sadd.s32 s2, s13;
	s24 =	sadd.s32 s7, s3;
	[dreg:$0x15] =	wrdreg s21  }
0x18: {  	[dreg:$0x16] =	wrdreg s25;
	s10 =	smov.u32 s15;
	s18 =	simm.s32 $0x1A900  }
0x19: {  	s20 =	simm.s32 $0x1E900;
	s21 =	simm.s32 $0x1;
	[dreg:$0x4] =	wrdreg s8  }
0x1a: {  	s25 =	simm.s32 $0x3;
	[dreg:$0x5] =	wrdreg s19;
	s8 =	sadd.s32 s0, s23  }
0x1b: {  	[dreg:$0xa] =	wrdreg s13;
	s0 =	sadd.s32 s0, s7;
	s13 =	sadd.s32 $0x6000, s9  }
0x1c: {  	s19 =	sadd.s32 $0xA000, s9;
	s8 =	sshrl.u32 s8, $0x3;
	[dreg:$0xf] =	wrdreg s13  }
0x1d: {  	s0 =	sshrl.u32 s0, $0x3;
	[dreg:$0x13] =	wrdreg s19;
	s8 =	sadd.s32 s2, s8  }
0x1e: {  	s23 =	sadd.s32 s12, s3;
	s0 =	sadd.s32 s2, s0;
	[dreg:$0xb] =	wrdreg s8  }
0x1f: {  	s8 =	sshrl.u32 s26, $0x3;
	[dreg:$0xe] =	wrdreg s0;
	s26 =	sadd.s32 $0xF000, s9  }
0x20: {  	s12 =	sadd.s32 $0x4E0, s15;
	s8 =	sadd.s32 s2, s8;
	[dreg:$0x17] =	wrdreg s26  }
0x21: {  	s15 =	simm.s32 $0x5;
	[dreg:$0xc] =	wrdreg s8;
	s8 =	sadd.s32 s2, s31  }
0x22: {  	s19 =	simm.s32 $0x16880;
	s31 =	sadd.s32 $0x12000, s9;
	[dreg:$0xd] =	wrdreg s8  }
0x23: {  	v0 =	vimm.f32 $0.0e+00;
	s26 =	simm.s32 $0x2;
	[dreg:$0x19] =	wrdreg s31;
	s8 =	simm.s32 $0x16800  }
.LBB2_1:
0x24: {  	s0 =	rddreg [dreg:$0x4];
	s2 =	simm.s32 $0x14000  }
0x25: {  	[tilespmem:s2], [sflag:$0x5] =	stream.linear.gather [hbm4b:s0+s4], $0x2780, $0x38;
	[tilespmem:$0x1F900] =	vst v63  }
0x26: {  	_ =	swait.ge [sflag:s15], $0x2780  }
0x27: {  	[sflag:s15] =	ssyncset.done $0x0  }
0x28: {  	[sflag:s15] =	ssyncadd.s32 $0xFFFFD880  }
0x29: {  	[tilespmem:s17], [sflag:$0x1] =	stream.indirect.gather [hbm4b:s1+s16], $0x80, s2, s16, $0xb8;
	[tilespmem:$0x1F900] =	vst v63  }
0x2a: {  	_ = 	snop  }
0x2b: {  	[tilespmem:s8], [sflag:$0x3] =	stream.linear.gather [hbm4b:s10+s4], $0x80, $0x38;
	[tilespmem:$0x1F900] =	vst v63  }
0x2c: {  	s13 =	simm.s32 $0x14080  }
0x2d: {  	[tilespmem:s18], [sflag:$0x2] =	stream.indirect.gather [hbm4b:s1+s16], $0x80, s13, s16, $0xb8;
	[tilespmem:$0x1F900] =	vst v63  }
0x2e: {  	s30 =	simm.s32 $0x200;
	s31 =	rddreg [dreg:$0x5];
	s2 =	simm.s32 $0x0  }
0x2f: {  	[tilespmem:s19], [sflag:$0x4] =	stream.linear.gather [hbm4b:s31+s4], $0x80, $0x38;
	[tilespmem:$0x1F900] =	vst v63  }
.LBB2_2:
0x30: {  	p0 =	sne.s32 s30, $0x3E00;
	[tilespmem:s2+$0x1E970] =	vst v0  }
0x31: {  	[tilespmem:s2+$0x1E900] =	vst v0  }
0x32: {  	[tilespmem:s2+$0x1E910] =	vst v0  }
.Ltmp0:
0x33: {  	[tilespmem:s2+$0x1E920] =	vst v0;
	(pc) =	sbr.rel @p0 .LBB2_2-.Ltmp0, $4  }
0x34: {  	[tilespmem:s2+$0x1E930] =	vst v0  }
0x35: {  	[tilespmem:s2+$0x1E940] =	vst v0  }
0x36: {  	[tilespmem:s2+$0x1E950] =	vst v0  }
0x37: {  	[tilespmem:s2+$0x1E960] =	vst v0;
	s2 =	sshra.s32 s30, $0x2;
	s30 =	sadd.s32 $0x200, s30  }
0x38: {  	[tilespmem:s2+$0x1E970] =	vst v0  }
0x39: {  	[tilespmem:s2+$0x1E900] =	vst v0  }
0x3a: {  	[tilespmem:s2+$0x1E910] =	vst v0  }
0x3b: {  	[tilespmem:s2+$0x1E920] =	vst v0  }
0x3c: {  	[tilespmem:s2+$0x1E930] =	vst v0  }
0x3d: {  	[tilespmem:s2+$0x1E940] =	vst v0  }
0x3e: {  	[tilespmem:s2+$0x1E950] =	vst v0  }
0x3f: {  	[tilespmem:s2+$0x1E960] =	vst v0  }
0x40: {  	[spmem:s9] =	stream.linear.scatter [tilespmem:s20], [sflag:$0x5], $0x1000, $0x38;
	[tilespmem:$0x1F900] =	vst v63  }
0x41: {  	_ =	swait.ge [sflag:s15], $0x1000  }
0x42: {  	[sflag:s15] =	ssyncset.done $0x0  }
0x43: {  	s0 =	rddreg [dreg:$0x6];
	[sflag:s15] =	ssyncadd.s32 $0xFFFFF000  }
0x44: {  	[spmem:s0] =	stream.linear.scatter [tilespmem:s20], [sflag:$0x5], $0x1000, $0x38;
	[tilespmem:$0x1F900] =	vst v63  }
0x45: {  	_ =	swait.ge [sflag:s15], $0x1000  }
0x46: {  	[sflag:s15] =	ssyncset.done $0x0  }
0x47: {  	s13 =	rddreg [dreg:$0x7];
	[sflag:s15] =	ssyncadd.s32 $0xFFFFF000  }
0x48: {  	[spmem:s13] =	stream.linear.scatter [tilespmem:s20], [sflag:$0x5], $0x1000, $0x38;
	[tilespmem:$0x1F900] =	vst v63  }
0x49: {  	_ =	swait.ge [sflag:s15], $0x1000  }
0x4a: {  	[sflag:s15] =	ssyncset.done $0x0  }
0x4b: {  	s2 =	rddreg [dreg:$0x8];
	[sflag:s15] =	ssyncadd.s32 $0xFFFFF000  }
0x4c: {  	[spmem:s2] =	stream.linear.scatter [tilespmem:s20], [sflag:$0x5], $0x1000, $0x38;
	[tilespmem:$0x1F900] =	vst v63  }
0x4d: {  	_ =	swait.ge [sflag:s15], $0x1000  }
0x4e: {  	[sflag:s15] =	ssyncset.done $0x0  }
0x4f: {  	[sflag:s15] =	ssyncadd.s32 $0xFFFFF000  }
0x50: {  	[spmem:s14] =	stream.linear.scatter [tilespmem:s20], [sflag:$0x5], $0x1000, $0x38;
	[tilespmem:$0x1F900] =	vst v63  }
0x51: {  	_ =	swait.ge [sflag:s15], $0x1000  }
0x52: {  	[sflag:s15] =	ssyncset.done $0x0  }
0x53: {  	s7 =	rddreg [dreg:$0x9];
	[sflag:s15] =	ssyncadd.s32 $0xFFFFF000  }
0x54: {  	[spmem:s7] =	stream.linear.scatter [tilespmem:s20], [sflag:$0x5], $0x1000, $0x38;
	[tilespmem:$0x1F900] =	vst v63  }
0x55: {  	_ =	swait.ge [sflag:s15], $0x1000  }
0x56: {  	[sflag:s15] =	ssyncset.done $0x0  }
0x57: {  	s13 =	rddreg [dreg:$0xf];
	[sflag:s15] =	ssyncadd.s32 $0xFFFFF000  }
0x58: {  	[spmem:s13] =	stream.linear.scatter [tilespmem:s20], [sflag:$0x5], $0x1000, $0x38;
	[tilespmem:$0x1F900] =	vst v63  }
0x59: {  	_ =	swait.ge [sflag:s15], $0x1000  }
0x5a: {  	[sflag:s15] =	ssyncset.done $0x0  }
0x5b: {  	s2 =	rddreg [dreg:$0x11];
	[sflag:s15] =	ssyncadd.s32 $0xFFFFF000  }
0x5c: {  	[spmem:s2] =	stream.linear.scatter [tilespmem:s20], [sflag:$0x5], $0x1000, $0x38;
	[tilespmem:$0x1F900] =	vst v63  }
0x5d: {  	_ =	swait.ge [sflag:s15], $0x1000  }
0x5e: {  	[sflag:s15] =	ssyncset.done $0x0  }
0x5f: {  	[sflag:s15] =	ssyncadd.s32 $0xFFFFF000  }
0x60: {  	[spmem:s22] =	stream.linear.scatter [tilespmem:s20], [sflag:$0x5], $0x1000, $0x38;
	[tilespmem:$0x1F900] =	vst v63  }
0x61: {  	_ =	swait.ge [sflag:s15], $0x1000  }
0x62: {  	[sflag:s15] =	ssyncset.done $0x0  }
0x63: {  	s7 =	rddreg [dreg:$0x12];
	[sflag:s15] =	ssyncadd.s32 $0xFFFFF000  }
0x64: {  	[spmem:s7] =	stream.linear.scatter [tilespmem:s20], [sflag:$0x5], $0x1000, $0x38;
	[tilespmem:$0x1F900] =	vst v63  }
0x65: {  	_ =	swait.ge [sflag:s15], $0x1000  }
0x66: {  	[sflag:s15] =	ssyncset.done $0x0  }
0x67: {  	s13 =	rddreg [dreg:$0x13];
	[sflag:s15] =	ssyncadd.s32 $0xFFFFF000  }
0x68: {  	[spmem:s13] =	stream.linear.scatter [tilespmem:s20], [sflag:$0x5], $0x1000, $0x38;
	[tilespmem:$0x1F900] =	vst v63  }
0x69: {  	_ =	swait.ge [sflag:s15], $0x1000  }
0x6a: {  	[sflag:s15] =	ssyncset.done $0x0  }
0x6b: {  	s2 =	rddreg [dreg:$0x14];
	[sflag:s15] =	ssyncadd.s32 $0xFFFFF000  }
0x6c: {  	[spmem:s2] =	stream.linear.scatter [tilespmem:s20], [sflag:$0x5], $0x1000, $0x38;
	[tilespmem:$0x1F900] =	vst v63  }
0x6d: {  	_ =	swait.ge [sflag:s15], $0x1000  }
0x6e: {  	[sflag:s15] =	ssyncset.done $0x0  }
0x6f: {  	[sflag:s15] =	ssyncadd.s32 $0xFFFFF000  }
0x70: {  	[spmem:s23] =	stream.linear.scatter [tilespmem:s20], [sflag:$0x5], $0x1000, $0x38;
	[tilespmem:$0x1F900] =	vst v63  }
0x71: {  	_ =	swait.ge [sflag:s15], $0x1000  }
0x72: {  	[sflag:s15] =	ssyncset.done $0x0  }
0x73: {  	s7 =	rddreg [dreg:$0x15];
	[sflag:s15] =	ssyncadd.s32 $0xFFFFF000  }
0x74: {  	[spmem:s7] =	stream.linear.scatter [tilespmem:s20], [sflag:$0x5], $0x1000, $0x38;
	[tilespmem:$0x1F900] =	vst v63  }
0x75: {  	_ =	swait.ge [sflag:s15], $0x1000  }
0x76: {  	[sflag:s15] =	ssyncset.done $0x0  }
0x77: {  	s13 =	rddreg [dreg:$0x16];
	[sflag:s15] =	ssyncadd.s32 $0xFFFFF000  }
0x78: {  	[spmem:s13] =	stream.linear.scatter [tilespmem:s20], [sflag:$0x5], $0x1000, $0x38;
	[tilespmem:$0x1F900] =	vst v63  }
0x79: {  	_ =	swait.ge [sflag:s15], $0x1000  }
0x7a: {  	[sflag:s15] =	ssyncset.done $0x0  }
0x7b: {  	s2 =	rddreg [dreg:$0x17];
	[sflag:s15] =	ssyncadd.s32 $0xFFFFF000  }
0x7c: {  	[spmem:s2] =	stream.linear.scatter [tilespmem:s20], [sflag:$0x5], $0x1000, $0x38;
	[tilespmem:$0x1F900] =	vst v63  }
0x7d: {  	_ =	swait.ge [sflag:s15], $0x1000  }
0x7e: {  	[sflag:s15] =	ssyncset.done $0x0  }
0x7f: {  	[sflag:s15] =	ssyncadd.s32 $0xFFFFF000  }
0x80: {  	[spmem:s24] =	stream.linear.scatter [tilespmem:s20], [sflag:$0x5], $0x1000, $0x38;
	[tilespmem:$0x1F900] =	vst v63  }
0x81: {  	_ =	swait.ge [sflag:s15], $0x1000  }
0x82: {  	[sflag:s15] =	ssyncset.done $0x0  }
0x83: {  	s7 =	rddreg [dreg:$0x18];
	[sflag:s15] =	ssyncadd.s32 $0xFFFFF000  }
0x84: {  	[spmem:s7] =	stream.linear.scatter [tilespmem:s20], [sflag:$0x5], $0x1000, $0x38;
	[tilespmem:$0x1F900] =	vst v63  }
0x85: {  	_ =	swait.ge [sflag:s15], $0x1000  }
0x86: {  	[sflag:s15] =	ssyncset.done $0x0  }
0x87: {  	s13 =	rddreg [dreg:$0x19];
	[sflag:s15] =	ssyncadd.s32 $0xFFFFF000  }
0x88: {  	[spmem:s13] =	stream.linear.scatter [tilespmem:s20], [sflag:$0x5], $0x1000, $0x38;
	[tilespmem:$0x1F900] =	vst v63  }
0x89: {  	_ =	swait.ge [sflag:s15], $0x1000  }
0x8a: {  	[sflag:s15] =	ssyncset.done $0x0  }
0x8b: {  	[sflag:s15] =	ssyncadd.s32 $0xFFFFF000  }
0x8c: {  	[spmem:s11] =	stream.linear.scatter [tilespmem:s20], [sflag:$0x5], $0x1000, $0x38;
	[tilespmem:$0x1F900] =	vst v63  }
0x8d: {  	_ =	swait.ge [sflag:s15], $0x1000  }
0x8e: {  	[sflag:s15] =	ssyncset.done $0x0  }
0x8f: {  	[sflag:s15] =	ssyncadd.s32 $0xFFFFF000  }
0x90: {  	[bflag:$0x0] =	sbarrier.arrive $0xFFFF  }
0x91: {  	_ =	swait.ge [sflag:s21], $0x4000  }
0x92: {  	[sflag:s21] =	ssyncset.done $0x0  }
0x93: {  	[sflag:s21] =	ssyncadd.s32 $0xFFFFC000  }
0x94: {  	s0 =	simm.s32 $0x100;
	_ =	swait.ge [sflag:s25], $0x80  }
0x95: {  	s30 =	sand.u32 $0x7C00, s0;
	[sflag:s25] =	ssyncset.done $0x0  }
0x96: {  	s30 =	sadd.s32 s5, s30;
	s2 =	sand.u32 $0x300, s0;
	[sflag:s25] =	ssyncadd.s32 $0xFFFFFF80  }
0x97: {  	[spmem:s3] =	stream.indirect.scatter.add.f32 [tilespmem:s17], [sflag:$0x5], $0x80, s8, s16, $0xb8;
	[tilespmem:$0x1F900] =	vst v63  }
0x98: {  	s2 =	sor.u32 s2, s30;
	_ =	swait.ge [sflag:s15], $0x4000  }
0x99: {  	s2 =	sshrl.u32 s2, $0x3;
	[sflag:s15] =	ssyncset.done $0x0  }
0x9a: {  	s2 =	sadd.s32 s6, s2;
	[sflag:s15] =	ssyncadd.s32 $0xFFFFC000  }
0x9b: {  	[tilespmem:s8], [sflag:$0x3] =	stream.linear.gather [hbm4b:s2+s4], $0x80, $0x38;
	[tilespmem:$0x1F900] =	vst v63  }
0x9c: {  	s7 =	simm.s32 $0x14100  }
0x9d: {  	[tilespmem:s17], [sflag:$0x1] =	stream.indirect.gather [hbm4b:s1+s16], $0x80, s7, s16, $0xb8;
	[tilespmem:$0x1F900] =	vst v63  }
0x9e: {  	_ =	swait.ge [sflag:s26], $0x4000  }
0x9f: {  	[sflag:s26] =	ssyncset.done $0x0  }
0xa0: {  	[sflag:s26] =	ssyncadd.s32 $0xFFFFC000  }
0xa1: {  	s13 =	simm.s32 $0x180;
	_ =	swait.ge [sflag:s28], $0x80  }
0xa2: {  	s30 =	sand.u32 $0x7C00, s13;
	[sflag:s28] =	ssyncset.done $0x0  }
0xa3: {  	s30 =	sadd.s32 s5, s30;
	s2 =	sand.u32 $0x380, s13;
	[sflag:s28] =	ssyncadd.s32 $0xFFFFFF80  }
0xa4: {  	[spmem:s3] =	stream.indirect.scatter.add.f32 [tilespmem:s18], [sflag:$0x5], $0x80, s19, s16, $0xb8;
	[tilespmem:$0x1F900] =	vst v63  }
0xa5: {  	s2 =	sor.u32 s2, s30;
	_ =	swait.ge [sflag:s15], $0x4000  }
0xa6: {  	s2 =	sshrl.u32 s2, $0x3;
	[sflag:s15] =	ssyncset.done $0x0  }
0xa7: {  	s2 =	sadd.s32 s6, s2;
	[sflag:s15] =	ssyncadd.s32 $0xFFFFC000  }
0xa8: {  	[tilespmem:s19], [sflag:$0x4] =	stream.linear.gather [hbm4b:s2+s4], $0x80, $0x38;
	[tilespmem:$0x1F900] =	vst v63  }
0xa9: {  	s31 =	simm.s32 $0x14180;
	s30 =	simm.s32 $0x280;
	s2 =	simm.s32 $0x14200  }
.LBB2_4:
0xaa: {  	s13 =	sadd.s32 $0x80, s2  }
0xab: {  	p0 =	sne.s32 s30, $0x2680;
	s0 =	smov.u32 s30;
	s30 =	sadd.s32 $0x100, s30  }
0xac: {  	[tilespmem:s18], [sflag:$0x2] =	stream.indirect.gather [hbm4b:s1+s16], $0x80, s31, s16, $0xb8;
	[tilespmem:$0x1F900] =	vst v63  }
0xad: {  	s31 =	smov.u32 s13;
	_ =	swait.ge [sflag:s21], $0x4000  }
0xae: {  	[sflag:s21] =	ssyncset.done $0x0  }
0xaf: {  	[sflag:s21] =	ssyncadd.s32 $0xFFFFC000  }
0xb0: {  	_ =	swait.ge [sflag:s25], $0x80  }
0xb1: {  	s13 =	sadd.s32 $0xFFFFFF80, s0;
	[sflag:s25] =	ssyncset.done $0x0  }
0xb2: {  	s7 =	sand.u32 $0x7C00, s13;
	s13 =	sand.u32 $0x300, s13;
	[sflag:s25] =	ssyncadd.s32 $0xFFFFFF80  }
0xb3: {  	[spmem:s3] =	stream.indirect.scatter.add.f32 [tilespmem:s17], [sflag:$0x5], $0x80, s8, s16, $0xb8;
	[tilespmem:$0x1F900] =	vst v63  }
0xb4: {  	s7 =	sadd.s32 s5, s7;
	_ =	swait.ge [sflag:s15], $0x4000  }
0xb5: {  	s7 =	sor.u32 s13, s7;
	[sflag:s15] =	ssyncset.done $0x0  }
0xb6: {  	s7 =	sshrl.u32 s7, $0x3;
	[sflag:s15] =	ssyncadd.s32 $0xFFFFC000  }
0xb7: {  	s7 =	sadd.s32 s6, s7  }
0xb8: {  	[tilespmem:s8], [sflag:$0x3] =	stream.linear.gather [hbm4b:s7+s4], $0x80, $0x38;
	[tilespmem:$0x1F900] =	vst v63  }
0xb9: {  	_ = 	snop  }
0xba: {  	[tilespmem:s17], [sflag:$0x1] =	stream.indirect.gather [hbm4b:s1+s16], $0x80, s2, s16, $0xb8;
	[tilespmem:$0x1F900] =	vst v63  }
0xbb: {  	_ =	swait.ge [sflag:s26], $0x4000  }
0xbc: {  	[sflag:s26] =	ssyncset.done $0x0  }
0xbd: {  	[sflag:s26] =	ssyncadd.s32 $0xFFFFC000  }
0xbe: {  	_ =	swait.ge [sflag:s28], $0x80  }
0xbf: {  	s7 =	sand.u32 $0x7C00, s0;
	[sflag:s28] =	ssyncset.done $0x0  }
0xc0: {  	s0 =	sand.u32 $0x380, s0;
	s7 =	sadd.s32 s5, s7;
	[sflag:s28] =	ssyncadd.s32 $0xFFFFFF80  }
0xc1: {  	[spmem:s3] =	stream.indirect.scatter.add.f32 [tilespmem:s18], [sflag:$0x5], $0x80, s19, s16, $0xb8;
	[tilespmem:$0x1F900] =	vst v63  }
.Ltmp1:
0xc2: {  	_ = 	snop;
	(pc) =	sbr.rel @p0 .LBB2_4-.Ltmp1, $4  }
0xc3: {  	s0 =	sor.u32 s0, s7;
	_ =	swait.ge [sflag:s15], $0x4000  }
0xc4: {  	s0 =	sshrl.u32 s0, $0x3;
	[sflag:s15] =	ssyncset.done $0x0  }
0xc5: {  	s2 =	sadd.s32 $0x100, s2;
	s0 =	sadd.s32 s6, s0;
	[sflag:s15] =	ssyncadd.s32 $0xFFFFC000  }
0xc6: {  	[tilespmem:s19], [sflag:$0x4] =	stream.linear.gather [hbm4b:s0+s4], $0x80, $0x38;
	[tilespmem:$0x1F900] =	vst v63  }
0xc7: {  	[tilespmem:s18], [sflag:$0x2] =	stream.indirect.gather [hbm4b:s1+s16], $0x80, s31, s16, $0xb8;
	[tilespmem:$0x1F900] =	vst v63  }
0xc8: {  	_ =	swait.ge [sflag:s21], $0x4000  }
0xc9: {  	[sflag:s21] =	ssyncset.done $0x0  }
0xca: {  	[sflag:s21] =	ssyncadd.s32 $0xFFFFC000  }
0xcb: {  	_ =	swait.ge [sflag:s25], $0x80  }
0xcc: {  	[sflag:s25] =	ssyncset.done $0x0  }
0xcd: {  	[sflag:s25] =	ssyncadd.s32 $0xFFFFFF80  }
0xce: {  	[spmem:s3] =	stream.indirect.scatter.add.f32 [tilespmem:s17], [sflag:$0x5], $0x80, s8, s16, $0xb8;
	[tilespmem:$0x1F900] =	vst v63  }
0xcf: {  	_ =	swait.ge [sflag:s15], $0x4000  }
0xd0: {  	[sflag:s15] =	ssyncset.done $0x0  }
0xd1: {  	[sflag:s15] =	ssyncadd.s32 $0xFFFFC000  }
0xd2: {  	[tilespmem:s8], [sflag:$0x3] =	stream.linear.gather [hbm4b:s12+s4], $0x80, $0x38;
	[tilespmem:$0x1F900] =	vst v63  }
0xd3: {  	s0 =	simm.s32 $0x16700  }
0xd4: {  	[tilespmem:s17], [sflag:$0x1] =	stream.indirect.gather [hbm4b:s1+s16], $0x80, s0, s16, $0xb8;
	[tilespmem:$0x1F900] =	vst v63  }
0xd5: {  	_ =	swait.ge [sflag:s26], $0x4000  }
0xd6: {  	[sflag:s26] =	ssyncset.done $0x0  }
0xd7: {  	[sflag:s26] =	ssyncadd.s32 $0xFFFFC000  }
0xd8: {  	_ =	swait.ge [sflag:s28], $0x80  }
0xd9: {  	[sflag:s28] =	ssyncset.done $0x0  }
0xda: {  	[sflag:s28] =	ssyncadd.s32 $0xFFFFFF80  }
0xdb: {  	[spmem:s3] =	stream.indirect.scatter.add.f32 [tilespmem:s18], [sflag:$0x5], $0x80, s19, s16, $0xb8;
	[tilespmem:$0x1F900] =	vst v63  }
0xdc: {  	_ =	swait.ge [sflag:s15], $0x4000  }
0xdd: {  	[sflag:s15] =	ssyncset.done $0x0  }
0xde: {  	[sflag:s15] =	ssyncadd.s32 $0xFFFFC000  }
0xdf: {  	_ =	swait.ge [sflag:s21], $0x4000  }
0xe0: {  	[sflag:s21] =	ssyncset.done $0x0  }
0xe1: {  	[sflag:s21] =	ssyncadd.s32 $0xFFFFC000  }
0xe2: {  	_ =	swait.ge [sflag:s25], $0x80  }
0xe3: {  	[sflag:s25] =	ssyncset.done $0x0  }
0xe4: {  	[sflag:s25] =	ssyncadd.s32 $0xFFFFFF80  }
0xe5: {  	[spmem:s3] =	stream.indirect.scatter.add.f32 [tilespmem:s17], [sflag:$0x5], $0x80, s8, s16, $0xb8;
	[tilespmem:$0x1F900] =	vst v63  }
0xe6: {  	_ =	swait.ge [sflag:s15], $0x4000  }
0xe7: {  	[sflag:s15] =	ssyncset.done $0x0  }
0xe8: {  	s13 =	stileid.u32;
	[sflag:s15] =	ssyncadd.s32 $0xFFFFC000  }
0xe9: {  	s0 =	sshll.u32 s13, $0x6;
	[bflag:$0x0] =	sbarrier.arrive $0xFFFF  }
0xea: {  	s2 =	sshrl.u32 s9, $0x3;
	s0 =	sor.u32 $0x1C05, s0;
	s7 =	rddreg [dreg:$0xa]  }
0xeb: {  	[hbm:s7], [sflag:s0] =	dma.local [spmem:s2], $0x800  }
0xec: {  	_ =	swait.ge [sflag:s15], $0x800  }
0xed: {  	[sflag:s15] =	ssyncset.done $0x0  }
0xee: {  	s30 =	sshrl.u32 s14, $0x3;
	s31 =	rddreg [dreg:$0xb];
	[sflag:s15] =	ssyncadd.s32 $0xFFFFF800  }
0xef: {  	[hbm:s31], [sflag:s0] =	dma.local [spmem:s30], $0x800  }
0xf0: {  	_ =	swait.ge [sflag:s15], $0x800  }
0xf1: {  	[sflag:s15] =	ssyncset.done $0x0  }
0xf2: {  	s7 =	sshrl.u32 s22, $0x3;
	s13 =	rddreg [dreg:$0xc];
	[sflag:s15] =	ssyncadd.s32 $0xFFFFF800  }
0xf3: {  	[hbm:s13], [sflag:s0] =	dma.local [spmem:s7], $0x800  }
0xf4: {  	_ =	swait.ge [sflag:s15], $0x800  }
0xf5: {  	[sflag:s15] =	ssyncset.done $0x0  }
0xf6: {  	s30 =	sshrl.u32 s23, $0x3;
	s31 =	rddreg [dreg:$0xd];
	[sflag:s15] =	ssyncadd.s32 $0xFFFFF800  }
0xf7: {  	[hbm:s31], [sflag:s0] =	dma.local [spmem:s30], $0x800  }
0xf8: {  	_ =	swait.ge [sflag:s15], $0x800  }
0xf9: {  	[sflag:s15] =	ssyncset.done $0x0  }
0xfa: {  	s13 =	sshrl.u32 s24, $0x3;
	s30 =	rddreg [dreg:$0xe];
	[sflag:s15] =	ssyncadd.s32 $0xFFFFF800  }
0xfb: {  	[hbm:s30], [sflag:s0] =	dma.local [spmem:s13], $0x800  }
0xfc: {  	_ =	swait.ge [sflag:s15], $0x800  }
0xfd: {  	s29 =	sadd.s32 $0x1, s29;
	s31 =	rddreg [dreg:$0x10]  }
0xfe: {  	p0 =	sne.s32 s29, s31  }
.Ltmp2:
0xff: {  	_ = 	snop;
	(pc) =	sbr.rel @p0 .LBB2_1-.Ltmp2, $3  }
0x100: {  	_ =	sdelay $0x1  }
0x101: {  	[sflag:s15] =	ssyncset.done $0x0  }
0x102: {  	[sflag:s15] =	ssyncadd.s32 $0xFFFFF800  }
0x103: {  	_ =	sfence.sel $0x180000  }
0x104: {  	[bflag:$0x0] =	sbarrier.arrive $0xFFFF  }
0x105: {  	_ =	strace $0x9000004A  }
0x106: {  	s0 =	stileid.u32;
	[bflag:$0x2] =	sbarrier.arrive $0xFFFF  }
0x107: {  	p0 =	sne.s32 s0, $0x0;
	s0 =	rddreg [dreg:$0x3]  }
0x108: {  	s0 =	sadd.s32 @!p0 $0x100000, s0  }
0x109: {  	[sflag:s0] =	ssyncadd.tile.s32 @!p0 $0x1;
	_ =	shalt  }
.Lfunc_end2:
_tile_overlayer_lowered:
.L_overlay_start_2:
0x10a: {  	(tag) =	ssettag $0x2  }
0x10b: {  	s0 =	rddreg [dreg:$0x0];
	s2 =	stileid.u32  }
0x10c: {  	s1 =	rddreg [dreg:$0x1];
	p0 =	sne.s32 s2, $0x0  }
0x10d: {  	s3 =	rddreg [dreg:$0x2];
	[bflag:$0x3] =	sbarrier.arrive $0xFFFF;
	s2 =	simm.s32 @!p0 $0x1C05  }
0x10e: {  	[timem:s3], [sflag:s2] =	dma.local @!p0 [hbm:s0], s1  }
0x10f: {  	s0 =	simm.s32 @!p0 $0x5  }
0x110: {  	_ =	swait.ge @!p0 [sflag:s0], s1  }
0x111: {  	s1 =	ssub.s32 @!p0 $0x0, s1;
	[sflag:s0] =	ssyncset.done @!p0 $0x0  }
0x112: {  	[sflag:s0] =	ssyncadd.s32 @!p0 s1  }
0x113: {  	[bflag:$0x3] =	sbarrier.arrive $0xFFFF  }
0x114: {  	_ =	shalt  }

// kernel: kernel.17.cloned.1.call-start
scs
__scs_entry_jumppad:
0x0: {  	(pc) =	sbr.rel $0x88, $3  }
0x1: {  	(tag) =	ssettag $0x0;
	lr =	simm.s32 $0x1  }
0x2: {  	[smem:$0x3F94] =	sst lr;
	_ =	strace $0xD0000000  }
0x3: {  	_ = 	snop  }
0x4: {  	_ = 	snop  }
0x5: {  	_ = 	snop  }
0x6: {  	_ = 	snop  }
0x7: {  	_ = 	snop  }
__scs_overlays_trampoline_lowered:
0x8: {  	[smem:$0x3FA3] =	sst s0  }
0x9: {  	[smem:$0x3FA4] =	sst s1  }
0xa: {  	[smem:$0x3FA5] =	sst s2  }
0xb: {  	[smem:$0x3FA6] =	sst s3  }
0xc: {  	[smem:$0x3FA7] =	sst s4  }
0xd: {  	[smem:$0x3FA8] =	sst s5  }
0xe: {  	[smem:$0x3FA9] =	sst s6  }
0xf: {  	[smem:$0x3FAA] =	sst s7  }
0x10: {  	[smem:$0x3FAB] =	sst s8  }
0x11: {  	[smem:$0x3FAC] =	sst s9;
	s0 =	simm.s32 @!p0 $0x0  }
0x12: {  	s1 =	sld [smem:$0x3F92];
	s0 =	simm.s32 @p0 $0x1  }
0x13: {  	[smem:$0x3FAD] =	sst s0;
	s0 =	simm.s32 @!p1 $0x0  }
0x14: {  	s2 =	sld [smem:$0x3F91];
	s0 =	simm.s32 @p1 $0x1  }
0x15: {  	[smem:$0x3FAE] =	sst s0;
	s0 =	simm.s32 @!p2 $0x0  }
0x16: {  	s3 =	sld [smem:$0x3FDB];
	s0 =	simm.s32 @p2 $0x1  }
0x17: {  	s4 =	simm.s32 $0x1BF5;
	[smem:$0x3FB0] =	sst s0  }
0x18: {  	s0 =	sld [smem:$0x3F93];
	_ =	swait.ge [sflag:s4], $0x0  }
0x19: {  	s7 =	sld [smem:$0x3F94]  }
0x1a: {  	s8 =	sadd.s32 $0xFFFFE003, lr  }
0x1b: {  	s9 =	sadd.s32 $0xFFFFFEF7, lr;
	s5 =	simm.s32 $0xFFFFFFFF;
	p2 =	slt.u32 s8, $0xFFFFF086  }
0x1c: {  	p1 =	slt.u32 s9, $0xF7A;
	s5 =	simm.s32 @!p2 $0x0  }
0x1d: {  	s5 =	simm.s32 @p1 $0x1;
	p0 =	seq.s32 s7, s2  }
0x1e: {  	s7 =	smul.u32 @!p0 $0xF7A, s2;
	p2 =	seq.s32 @!p0 s5, $0x0  }
0x1f: {  	s9 =	smul.u32 $0xF7A, s1;
	s8 =	simm.s32 @!p0 $0x1BF5;
	p2 =	por !p2, p0  }
0x20: {  	[sflag:s8] =	ssyncset.s32 @!p0 $0xFFFFF086;
	s6 =	sadd.s32 @!p0 s3, s7;
	s7 =	simm.s32 @!p0 $0x108  }
0x21: {  	s3 =	sadd.s32 s3, s9;
	s6 =	sadd.s32 @!p0 $0x88, s6;
	s7 =	simm.s32 @p2 $0x1082  }
0x22: {  	[simem:s7], [sflag:s8] =	dma.local @!p0 [hbm:s6], $0xF7A  }
0x23: {  	s9 =	sor.u32 $0xD0000000, s2;
	s6 =	simm.s32 $0x108;
	_ =	swait.ge @!p0 [sflag:s8], $0x0  }
0x24: {  	s3 =	sadd.s32 $0x88, s3;
	s6 =	simm.s32 @!p1 $0x1082;
	[sflag:s4] =	ssyncset.s32 $0xFFFFF086  }
0x25: {  	[simem:s6], [sflag:s4] =	dma.local [hbm:s3], $0xF7A  }
0x26: {  	[smem:$0x3F94] =	sst s1;
	(tag) =	ssettag s2;
	_ =	strace s9  }
0x27: {  	s1 =	sld [smem:$0x3FA4]  }
0x28: {  	s2 =	sld [smem:$0x3FA5]  }
0x29: {  	s4 =	sld [smem:$0x3FA7]  }
0x2a: {  	p0 =	seq.s32 s5, $0x0;
	s5 =	sld [smem:$0x3FA8]  }
0x2b: {  	s6 =	sld [smem:$0x3FA9]  }
0x2c: {  	s7 =	sld [smem:$0x3FAA]  }
0x2d: {  	s3 =	simm.s32 $0x108;
	s8 =	sld [smem:$0x3FAB]  }
0x2e: {  	s3 =	simm.s32 @!p0 $0x1082;
	s9 =	sld [smem:$0x3FAC]  }
0x2f: {  	lr =	sadd.s32 s0, s3;
	s0 =	sld [smem:$0x3FA3]  }
0x30: {  	s3 =	sld [smem:$0x3FA6]  }
0x31: {  	[smem:$0x3FAF] =	sst s10  }
0x32: {  	s10 =	sld [smem:$0x3FAD];
	_ =	sdelay $0x3  }
0x33: {  	p0 =	seq.s32 s10, $0x1;
	s10 =	sld [smem:$0x3FAF];
	_ =	sdelay $0x3  }
0x34: {  	[smem:$0x3FAF] =	sst s10  }
0x35: {  	s10 =	sld [smem:$0x3FAE];
	_ =	sdelay $0x3  }
0x36: {  	p1 =	seq.s32 s10, $0x1;
	s10 =	sld [smem:$0x3FAF];
	_ =	sdelay $0x3  }
0x37: {  	[smem:$0x3FAF] =	sst s10  }
0x38: {  	s10 =	sld [smem:$0x3FB0]  }
0x39: {  	_ = 	snop;
	(pc) =	sbr.ind lr, $3  }
0x3a: {  	_ = 	snop  }
0x3b: {  	_ = 	snop  }
0x3c: {  	p2 =	seq.s32 s10, $0x1;
	s10 =	sld [smem:$0x3FAF]  }
0x3d: {  	_ =	shalt  }
0x3e: {  	_ =	shalt  }
0x3f: {  	_ =	shalt  }
0x40: {  	_ =	shalt  }
0x41: {  	_ =	shalt  }
0x42: {  	_ =	shalt  }
0x43: {  	_ =	shalt  }
0x44: {  	_ =	shalt  }
0x45: {  	_ =	shalt  }
0x46: {  	_ =	shalt  }
0x47: {  	_ =	shalt  }
0x48: {  	_ =	shalt  }
0x49: {  	_ =	shalt  }
0x4a: {  	_ =	shalt  }
0x4b: {  	_ =	shalt  }
0x4c: {  	_ =	shalt  }
0x4d: {  	_ =	shalt  }
0x4e: {  	_ =	shalt  }
0x4f: {  	_ =	shalt  }
0x50: {  	_ =	shalt  }
0x51: {  	_ =	shalt  }
0x52: {  	_ =	shalt  }
0x53: {  	_ =	shalt  }
0x54: {  	_ =	shalt  }
0x55: {  	_ =	shalt  }
0x56: {  	_ =	shalt  }
0x57: {  	_ =	shalt  }
0x58: {  	_ =	shalt  }
0x59: {  	_ =	shalt  }
0x5a: {  	_ =	shalt  }
0x5b: {  	_ =	shalt  }
0x5c: {  	_ =	shalt  }
0x5d: {  	_ =	shalt  }
0x5e: {  	_ =	shalt  }
0x5f: {  	_ =	shalt  }
0x60: {  	_ =	shalt  }
0x61: {  	_ =	shalt  }
0x62: {  	_ =	shalt  }
0x63: {  	_ =	shalt  }
0x64: {  	_ =	shalt  }
0x65: {  	_ =	shalt  }
0x66: {  	_ =	shalt  }
0x67: {  	_ =	shalt  }
0x68: {  	_ =	shalt  }
0x69: {  	_ =	shalt  }
0x6a: {  	_ =	shalt  }
0x6b: {  	_ =	shalt  }
0x6c: {  	_ =	shalt  }
0x6d: {  	_ =	shalt  }
0x6e: {  	_ =	shalt  }
0x6f: {  	_ =	shalt  }
0x70: {  	_ =	shalt  }
0x71: {  	_ =	shalt  }
0x72: {  	_ =	shalt  }
0x73: {  	_ =	shalt  }
0x74: {  	_ =	shalt  }
0x75: {  	_ =	shalt  }
0x76: {  	_ =	shalt  }
0x77: {  	_ =	shalt  }
0x78: {  	_ =	shalt  }
0x79: {  	_ =	shalt  }
0x7a: {  	_ =	shalt  }
0x7b: {  	_ =	shalt  }
0x7c: {  	_ =	shalt  }
0x7d: {  	_ =	shalt  }
0x7e: {  	_ =	shalt  }
0x7f: {  	_ =	shalt  }
0x80: {  	_ =	shalt  }
0x81: {  	_ =	shalt  }
0x82: {  	_ =	shalt  }
0x83: {  	_ =	shalt  }
0x84: {  	_ =	shalt  }
0x85: {  	_ =	shalt  }
0x86: {  	_ =	shalt  }
0x87: {  	_ =	shalt  }
.Lfunc_end0:
.L_simem_size_0:
called_computation.2_lowered:
.L_overlay_start_0:
0x88: {  	s2 =	sld [smem:$0x3FD9]  }
0x89: {  	s3 =	sld [smem:$0x3FFE];
	_ =	sdelay $0x1  }
0x8a: {  	s1 =	srdreg.scid  }
0x8b: {  	s0 =	sand.u32 $0x1, s1  }
0x8c: {  	s14 =	sshll.u32 s0, $0xA;
	s2 =	sadd.s32 s3, s2  }
0x8d: {  	s2 =	sadd.s32 s2, s14  }
0x8e: {  	[smem:$0x3FBB] =	sst s2  }
0x8f: {  	_ = 	snop  }
0x90: {  	s2 =	sld [smem:$0x3FD0];
	_ =	sdelay $0x2  }
0x91: {  	s15 =	simm.s32 $0xA;
	s4 =	simm.s32 $0x10  }
0x92: {  	[smem:s4], [sflag:s15] =	dma.local [hbm:s2], $0x1  }
0x93: {  	_ =	swait.eq [sflag:s15], $0x1  }
0x94: {  	[sflag:s15] =	ssyncset.done $0x0  }
0x95: {  	[sflag:s15] =	ssyncadd.s32 $0xFFFFFFFF  }
0x96: {  	s16 =	sld [smem:$0x12];
	(tm) =	ssettm $0x1  }
0x97: {  	s17 =	sld [smem:$0x3FFB];
	_ =	sdelay $0x3  }
0x98: {  	_ =	strace s17  }
0x99: {  	s3 =	sld [smem:$0x3FFC];
	_ =	sdelay $0x3  }
0x9a: {  	_ =	strace s3  }
0x9b: {  	s3 =	sld [smem:$0x3FFD];
	_ =	sdelay $0x3  }
0x9c: {  	_ =	strace s3  }
0x9d: {  	_ =	strace $0x8FFFFFFF  }
0x9e: {  	s18 =	sld [smem:$0x3FDB];
	_ =	sdelay $0x1  }
0x9f: {  	s19 =	simm.s32 $_scs_section_size  }
0xa0: {  	s5 =	simm.s32 $_size__tile_overlayer_lowered;
	s6 =	simm.s32 $_tile_overlayer_lowered  }
0xa1: {  	s22 =	simm.s32 $0x1BFF;
	s21 =	sshll.u32 s6, $0x1;
	s3 =	sadd.s32 s19, s18  }
0xa2: {  	s7 =	simm.s32 $0x0;
	s20 =	sshll.u32 s5, $0x1;
	s5 =	sadd.s32 s21, s3  }
0xa3: {  	[timem:s7], [sflag:s22] =	dma.local [hbm:s5], s20  }
0xa4: {  	_ =	swait.ge [sflag:s22], s20  }
0xa5: {  	s4 =	ssub.s32 $0x0, s20;
	[sflag:s22] =	ssyncset.done $0x0  }
0xa6: {  	[sflag:s22] =	ssyncadd.s32 s4;
	_ =	sdelay $0x1  }
0xa7: {  	s23 =	simm.s32 $0x1B8B  }
0xa8: {  	_ =	swait.ge [sflag:s23], $0x1  }
0xa9: {  	[sflag:s23] =	ssyncset.done $0x0  }
0xaa: {  	s25 =	simm.s32 $0x1B8E;
	s24 =	sld [smem:$0x3FFE];
	[sflag:s23] =	ssyncadd.s32 $0xFFFFFFFF  }
0xab: {  	s26 =	simm.s32 $execute0_lowered;
	[smem:$0x3FD2] =	sst s25  }
0xac: {  	s5 =	sshll.u32 s26, $0x1;
	_ =	strace $0x8000004C;
	[dreg:$0x1] =	wrdreg $0xFFFFFFFF  }
0xad: {  	s28 =	simm.s32 $_size_execute0_lowered;
	s3 =	sadd.s32 s3, s5;
	[dreg:$0x0] =	wrdreg $0x0  }
0xae: {  	s5 =	sshll.u32 s28, $0x1;
	[dreg:$0x2] =	wrdreg s3  }
0xaf: {  	[dreg:$0x3] =	wrdreg s5  }
0xb0: {  	[dreg:$0x4] =	wrdreg $0xC0  }
0xb1: {  	_ =	task [dreg:s7], $0x5FFFF  }
0xb2: {  	[dreg:$0x1] =	wrdreg $0xFFFFFFFF  }
0xb3: {  	[dreg:$0x0] =	wrdreg $0x60  }
0xb4: {  	[dreg:$0x2] =	wrdreg s16  }
0xb5: {  	[dreg:$0x3] =	wrdreg s24  }
0xb6: {  	[dreg:$0x4] =	wrdreg $0x0  }
0xb7: {  	[dreg:$0x5] =	wrdreg $0x9  }
0xb8: {  	_ =	task.clear_ibuf [dreg:s7], $0x6FFFF;
	_ =	strace $0x9000004C  }
0xb9: {  	s29 =	simm.s32 $0x9;
	_ =	strace $0x8000004E  }
0xba: {  	_ =	swait.ge [sflag:s29], $0x1  }
0xbb: {  	[sflag:s29] =	ssyncadd.s32 $0xFFFFFFFF  }
0xbc: {  	_ =	strace $0x9000004E  }
0xbd: {  	_ =	sfence  }
0xbe: {  	s30 =	sld [smem:$0x0];
	_ =	sdelay $0x2  }
0xbf: {  	s31 =	sshll.u32 s1, $0xD;
	s1 =	sshrl.u32 s1, $0x2  }
0xc0: {  	s3 =	sand.u32 $0x4000, s31;
	s1 =	sadd.s32 s1, s30  }
0xc1: {  	s0 =	sor.u32 s3, s0;
	s1 =	sshll.u32 s1, $0x11  }
0xc2: {  	s0 =	sor.u32 s1, s0  }
0xc3: {  	s0 =	sadd.s32 $0x8F2B, s0  }
0xc4: {  	[sflag:s0] =	ssyncadd.remote.s32 $0x1  }
0xc5: {  	_ =	sfence.sel $0xFFFF  }
0xc6: {  	[dreg:$0x0] =	wrdreg $0xFFFFFFFF;
	(pc) =	sbr.abs _section_cstart, $3  }
0xc7: {  	[dreg:$0x1] =	wrdreg $0xFFFFFFFF  }
0xc8: {  	_ =	task.clear_ibuf [dreg:s7], $0x2FFFF;
	_ =	strace $0x9FFFFFFF  }
0xc9: {  	(tm) =	ssettm $0x7FFFFFFF  }
tec
execute0_lowered:
.L_overlay_start_1:
0x0: {  	(tag) =	ssettag $0x1  }
0x1: {  	s1 =	rddreg [dreg:$0x0]  }
0x2: {  	s0 =	srdreg.scid;
	s2 =	rddreg [dreg:$0x1]  }
0x3: {  	s12 =	stileid.u32;
	s3 =	rddreg [dreg:$0x2];
	s28 =	simm.s32 $0x4  }
0x4: {  	s0 =	sand.u32 $0x1, s0;
	s4 =	sshll.u32 s12, $0x1;
	s10 =	smul.u32 $0x50000, s12  }
0x5: {  	s29 =	simm.s32 $0x0;
	s18 =	smul.u32 $0x14000, s12;
	s5 =	sor.u32 s0, s4  }
0x6: {  	s4 =	simm.s32 $0x0;
	s9 =	ssub.s32 $0x2, s0;
	s0 =	smul.u32 $0x140000, s0  }
0x7: {  	s6 =	sadd.s32 $0x3C00, s2;
	s5 =	smul.u32 $0x2800, s5;
	[smem:$0x7FF] =	sst s4  }
0x8: {  	s11 =	sshrl.u32 s9, $0x1;
	s17 =	sshrl.u32 s10, $0x2;
	s23 =	sadd.s32 $0x4000, s18  }
0x9: {  	s25 =	sadd.s32 $0x8000, s18;
	s12 =	sadd.s32 $0xC000, s18;
	_ =	strace $0x8000004D  }
0xa: {  	s11 =	ssub.s32 s9, s11;
	s9 =	sadd.s32 s17, s3;
	s14 =	sadd.s32 s23, s3  }
0xb: {  	s13 =	sadd.s32 s18, s0;
	s26 =	sadd.s32 s0, s25;
	s30 =	sadd.s32 s0, s12  }
0xc: {  	s7 =	sshrl.u32 s5, $0x3;
	s20 =	sadd.s32 $0x1000, s9;
	s21 =	sadd.s32 $0x2000, s9  }
0xd: {  	s22 =	sadd.s32 $0x3000, s9;
	s24 =	sadd.s32 $0x5000, s9;
	s13 =	sshrl.u32 s13, $0x3  }
0xe: {  	s31 =	sshrl.u32 s30, $0x3;
	s16 =	smax.u32 s11, $0x1;
	[dreg:$0x6] =	wrdreg s20  }
0xf: {  	s17 =	sadd.s32 $0x7000, s9;
	s30 =	sadd.s32 $0x11000, s9;
	[dreg:$0x7] =	wrdreg s21  }
0x10: {  	s11 =	sadd.s32 $0x13000, s9;
	s8 =	sadd.s32 s7, s2;
	[dreg:$0x8] =	wrdreg s22  }
0x11: {  	s2 =	sadd.s32 $0x67C00, s2;
	s15 =	sadd.s32 s6, s7;
	[dreg:$0x9] =	wrdreg s24  }
0x12: {  	s7 =	sadd.s32 $0x10000, s18;
	s22 =	sadd.s32 s25, s3;
	[dreg:$0x10] =	wrdreg s16  }
0x13: {  	[dreg:$0x11] =	wrdreg s17;
	s18 =	sadd.s32 $0x9000, s9;
	s20 =	sadd.s32 $0xB000, s9  }
0x14: {  	s21 =	sadd.s32 $0xD000, s9;
	s25 =	sadd.s32 $0xE000, s9;
	[dreg:$0x18] =	wrdreg s30  }
0x15: {  	s16 =	simm.s32 $0x80;
	s17 =	simm.s32 $0x16900;
	[dreg:$0x12] =	wrdreg s18  }
0x16: {  	s8 =	sadd.s32 $0x5DC00, s8;
	s19 =	sadd.s32 $0x10, s15;
	[dreg:$0x14] =	wrdreg s20  }
0x17: {  	s13 =	sadd.s32 s2, s13;
	s24 =	sadd.s32 s7, s3;
	[dreg:$0x15] =	wrdreg s21  }
0x18: {  	[dreg:$0x16] =	wrdreg s25;
	s10 =	smov.u32 s15;
	s18 =	simm.s32 $0x1A900  }
0x19: {  	s20 =	simm.s32 $0x1E900;
	s21 =	simm.s32 $0x1;
	[dreg:$0x4] =	wrdreg s8  }
0x1a: {  	s25 =	simm.s32 $0x3;
	[dreg:$0x5] =	wrdreg s19;
	s8 =	sadd.s32 s0, s23  }
0x1b: {  	[dreg:$0xa] =	wrdreg s13;
	s0 =	sadd.s32 s0, s7;
	s13 =	sadd.s32 $0x6000, s9  }
0x1c: {  	s19 =	sadd.s32 $0xA000, s9;
	s8 =	sshrl.u32 s8, $0x3;
	[dreg:$0xf] =	wrdreg s13  }
0x1d: {  	s0 =	sshrl.u32 s0, $0x3;
	[dreg:$0x13] =	wrdreg s19;
	s8 =	sadd.s32 s2, s8  }
0x1e: {  	s23 =	sadd.s32 s12, s3;
	s0 =	sadd.s32 s2, s0;
	[dreg:$0xb] =	wrdreg s8  }
0x1f: {  	s8 =	sshrl.u32 s26, $0x3;
	[dreg:$0xe] =	wrdreg s0;
	s26 =	sadd.s32 $0xF000, s9  }
0x20: {  	s12 =	sadd.s32 $0x4E0, s15;
	s8 =	sadd.s32 s2, s8;
	[dreg:$0x17] =	wrdreg s26  }
0x21: {  	s15 =	simm.s32 $0x5;
	[dreg:$0xc] =	wrdreg s8;
	s8 =	sadd.s32 s2, s31  }
0x22: {  	s19 =	simm.s32 $0x16880;
	s31 =	sadd.s32 $0x12000, s9;
	[dreg:$0xd] =	wrdreg s8  }
0x23: {  	v0 =	vimm.f32 $0.0e+00;
	s26 =	simm.s32 $0x2;
	[dreg:$0x19] =	wrdreg s31;
	s8 =	simm.s32 $0x16800  }
.LBB2_1:
0x24: {  	s0 =	rddreg [dreg:$0x4];
	s2 =	simm.s32 $0x14000  }
0x25: {  	[tilespmem:s2], [sflag:$0x5] =	stream.linear.gather [hbm4b:s0+s4], $0x2780, $0x38;
	[tilespmem:$0x1F900] =	vst v63  }
0x26: {  	_ =	swait.ge [sflag:s15], $0x2780  }
0x27: {  	[sflag:s15] =	ssyncset.done $0x0  }
0x28: {  	[sflag:s15] =	ssyncadd.s32 $0xFFFFD880  }
0x29: {  	[tilespmem:s17], [sflag:$0x1] =	stream.indirect.gather [hbm4b:s1+s16], $0x80, s2, s16, $0xb8;
	[tilespmem:$0x1F900] =	vst v63  }
0x2a: {  	_ = 	snop  }
0x2b: {  	[tilespmem:s8], [sflag:$0x3] =	stream.linear.gather [hbm4b:s10+s4], $0x80, $0x38;
	[tilespmem:$0x1F900] =	vst v63  }
0x2c: {  	s13 =	simm.s32 $0x14080  }
0x2d: {  	[tilespmem:s18], [sflag:$0x2] =	stream.indirect.gather [hbm4b:s1+s16], $0x80, s13, s16, $0xb8;
	[tilespmem:$0x1F900] =	vst v63  }
0x2e: {  	s30 =	simm.s32 $0x200;
	s31 =	rddreg [dreg:$0x5];
	s2 =	simm.s32 $0x0  }
0x2f: {  	[tilespmem:s19], [sflag:$0x4] =	stream.linear.gather [hbm4b:s31+s4], $0x80, $0x38;
	[tilespmem:$0x1F900] =	vst v63  }
.LBB2_2:
0x30: {  	p0 =	sne.s32 s30, $0x3E00;
	[tilespmem:s2+$0x1E970] =	vst v0  }
0x31: {  	[tilespmem:s2+$0x1E900] =	vst v0  }
0x32: {  	[tilespmem:s2+$0x1E910] =	vst v0  }
.Ltmp0:
0x33: {  	[tilespmem:s2+$0x1E920] =	vst v0;
	(pc) =	sbr.rel @p0 .LBB2_2-.Ltmp0, $4  }
0x34: {  	[tilespmem:s2+$0x1E930] =	vst v0  }
0x35: {  	[tilespmem:s2+$0x1E940] =	vst v0  }
0x36: {  	[tilespmem:s2+$0x1E950] =	vst v0  }
0x37: {  	[tilespmem:s2+$0x1E960] =	vst v0;
	s2 =	sshra.s32 s30, $0x2;
	s30 =	sadd.s32 $0x200, s30  }
0x38: {  	[tilespmem:s2+$0x1E970] =	vst v0  }
0x39: {  	[tilespmem:s2+$0x1E900] =	vst v0  }
0x3a: {  	[tilespmem:s2+$0x1E910] =	vst v0  }
0x3b: {  	[tilespmem:s2+$0x1E920] =	vst v0  }
0x3c: {  	[tilespmem:s2+$0x1E930] =	vst v0  }
0x3d: {  	[tilespmem:s2+$0x1E940] =	vst v0  }
0x3e: {  	[tilespmem:s2+$0x1E950] =	vst v0  }
0x3f: {  	[tilespmem:s2+$0x1E960] =	vst v0  }
0x40: {  	[spmem:s9] =	stream.linear.scatter [tilespmem:s20], [sflag:$0x5], $0x1000, $0x38;
	[tilespmem:$0x1F900] =	vst v63  }
0x41: {  	_ =	swait.ge [sflag:s15], $0x1000  }
0x42: {  	[sflag:s15] =	ssyncset.done $0x0  }
0x43: {  	s0 =	rddreg [dreg:$0x6];
	[sflag:s15] =	ssyncadd.s32 $0xFFFFF000  }
0x44: {  	[spmem:s0] =	stream.linear.scatter [tilespmem:s20], [sflag:$0x5], $0x1000, $0x38;
	[tilespmem:$0x1F900] =	vst v63  }
0x45: {  	_ =	swait.ge [sflag:s15], $0x1000  }
0x46: {  	[sflag:s15] =	ssyncset.done $0x0  }
0x47: {  	s13 =	rddreg [dreg:$0x7];
	[sflag:s15] =	ssyncadd.s32 $0xFFFFF000  }
0x48: {  	[spmem:s13] =	stream.linear.scatter [tilespmem:s20], [sflag:$0x5], $0x1000, $0x38;
	[tilespmem:$0x1F900] =	vst v63  }
0x49: {  	_ =	swait.ge [sflag:s15], $0x1000  }
0x4a: {  	[sflag:s15] =	ssyncset.done $0x0  }
0x4b: {  	s2 =	rddreg [dreg:$0x8];
	[sflag:s15] =	ssyncadd.s32 $0xFFFFF000  }
0x4c: {  	[spmem:s2] =	stream.linear.scatter [tilespmem:s20], [sflag:$0x5], $0x1000, $0x38;
	[tilespmem:$0x1F900] =	vst v63  }
0x4d: {  	_ =	swait.ge [sflag:s15], $0x1000  }
0x4e: {  	[sflag:s15] =	ssyncset.done $0x0  }
0x4f: {  	[sflag:s15] =	ssyncadd.s32 $0xFFFFF000  }
0x50: {  	[spmem:s14] =	stream.linear.scatter [tilespmem:s20], [sflag:$0x5], $0x1000, $0x38;
	[tilespmem:$0x1F900] =	vst v63  }
0x51: {  	_ =	swait.ge [sflag:s15], $0x1000  }
0x52: {  	[sflag:s15] =	ssyncset.done $0x0  }
0x53: {  	s7 =	rddreg [dreg:$0x9];
	[sflag:s15] =	ssyncadd.s32 $0xFFFFF000  }
0x54: {  	[spmem:s7] =	stream.linear.scatter [tilespmem:s20], [sflag:$0x5], $0x1000, $0x38;
	[tilespmem:$0x1F900] =	vst v63  }
0x55: {  	_ =	swait.ge [sflag:s15], $0x1000  }
0x56: {  	[sflag:s15] =	ssyncset.done $0x0  }
0x57: {  	s13 =	rddreg [dreg:$0xf];
	[sflag:s15] =	ssyncadd.s32 $0xFFFFF000  }
0x58: {  	[spmem:s13] =	stream.linear.scatter [tilespmem:s20], [sflag:$0x5], $0x1000, $0x38;
	[tilespmem:$0x1F900] =	vst v63  }
0x59: {  	_ =	swait.ge [sflag:s15], $0x1000  }
0x5a: {  	[sflag:s15] =	ssyncset.done $0x0  }
0x5b: {  	s2 =	rddreg [dreg:$0x11];
	[sflag:s15] =	ssyncadd.s32 $0xFFFFF000  }
0x5c: {  	[spmem:s2] =	stream.linear.scatter [tilespmem:s20], [sflag:$0x5], $0x1000, $0x38;
	[tilespmem:$0x1F900] =	vst v63  }
0x5d: {  	_ =	swait.ge [sflag:s15], $0x1000  }
0x5e: {  	[sflag:s15] =	ssyncset.done $0x0  }
0x5f: {  	[sflag:s15] =	ssyncadd.s32 $0xFFFFF000  }
0x60: {  	[spmem:s22] =	stream.linear.scatter [tilespmem:s20], [sflag:$0x5], $0x1000, $0x38;
	[tilespmem:$0x1F900] =	vst v63  }
0x61: {  	_ =	swait.ge [sflag:s15], $0x1000  }
0x62: {  	[sflag:s15] =	ssyncset.done $0x0  }
0x63: {  	s7 =	rddreg [dreg:$0x12];
	[sflag:s15] =	ssyncadd.s32 $0xFFFFF000  }
0x64: {  	[spmem:s7] =	stream.linear.scatter [tilespmem:s20], [sflag:$0x5], $0x1000, $0x38;
	[tilespmem:$0x1F900] =	vst v63  }
0x65: {  	_ =	swait.ge [sflag:s15], $0x1000  }
0x66: {  	[sflag:s15] =	ssyncset.done $0x0  }
0x67: {  	s13 =	rddreg [dreg:$0x13];
	[sflag:s15] =	ssyncadd.s32 $0xFFFFF000  }
0x68: {  	[spmem:s13] =	stream.linear.scatter [tilespmem:s20], [sflag:$0x5], $0x1000, $0x38;
	[tilespmem:$0x1F900] =	vst v63  }
0x69: {  	_ =	swait.ge [sflag:s15], $0x1000  }
0x6a: {  	[sflag:s15] =	ssyncset.done $0x0  }
0x6b: {  	s2 =	rddreg [dreg:$0x14];
	[sflag:s15] =	ssyncadd.s32 $0xFFFFF000  }
0x6c: {  	[spmem:s2] =	stream.linear.scatter [tilespmem:s20], [sflag:$0x5], $0x1000, $0x38;
	[tilespmem:$0x1F900] =	vst v63  }
0x6d: {  	_ =	swait.ge [sflag:s15], $0x1000  }
0x6e: {  	[sflag:s15] =	ssyncset.done $0x0  }
0x6f: {  	[sflag:s15] =	ssyncadd.s32 $0xFFFFF000  }
0x70: {  	[spmem:s23] =	stream.linear.scatter [tilespmem:s20], [sflag:$0x5], $0x1000, $0x38;
	[tilespmem:$0x1F900] =	vst v63  }
0x71: {  	_ =	swait.ge [sflag:s15], $0x1000  }
0x72: {  	[sflag:s15] =	ssyncset.done $0x0  }
0x73: {  	s7 =	rddreg [dreg:$0x15];
	[sflag:s15] =	ssyncadd.s32 $0xFFFFF000  }
0x74: {  	[spmem:s7] =	stream.linear.scatter [tilespmem:s20], [sflag:$0x5], $0x1000, $0x38;
	[tilespmem:$0x1F900] =	vst v63  }
0x75: {  	_ =	swait.ge [sflag:s15], $0x1000  }
0x76: {  	[sflag:s15] =	ssyncset.done $0x0  }
0x77: {  	s13 =	rddreg [dreg:$0x16];
	[sflag:s15] =	ssyncadd.s32 $0xFFFFF000  }
0x78: {  	[spmem:s13] =	stream.linear.scatter [tilespmem:s20], [sflag:$0x5], $0x1000, $0x38;
	[tilespmem:$0x1F900] =	vst v63  }
0x79: {  	_ =	swait.ge [sflag:s15], $0x1000  }
0x7a: {  	[sflag:s15] =	ssyncset.done $0x0  }
0x7b: {  	s2 =	rddreg [dreg:$0x17];
	[sflag:s15] =	ssyncadd.s32 $0xFFFFF000  }
0x7c: {  	[spmem:s2] =	stream.linear.scatter [tilespmem:s20], [sflag:$0x5], $0x1000, $0x38;
	[tilespmem:$0x1F900] =	vst v63  }
0x7d: {  	_ =	swait.ge [sflag:s15], $0x1000  }
0x7e: {  	[sflag:s15] =	ssyncset.done $0x0  }
0x7f: {  	[sflag:s15] =	ssyncadd.s32 $0xFFFFF000  }
0x80: {  	[spmem:s24] =	stream.linear.scatter [tilespmem:s20], [sflag:$0x5], $0x1000, $0x38;
	[tilespmem:$0x1F900] =	vst v63  }
0x81: {  	_ =	swait.ge [sflag:s15], $0x1000  }
0x82: {  	[sflag:s15] =	ssyncset.done $0x0  }
0x83: {  	s7 =	rddreg [dreg:$0x18];
	[sflag:s15] =	ssyncadd.s32 $0xFFFFF000  }
0x84: {  	[spmem:s7] =	stream.linear.scatter [tilespmem:s20], [sflag:$0x5], $0x1000, $0x38;
	[tilespmem:$0x1F900] =	vst v63  }
0x85: {  	_ =	swait.ge [sflag:s15], $0x1000  }
0x86: {  	[sflag:s15] =	ssyncset.done $0x0  }
0x87: {  	s13 =	rddreg [dreg:$0x19];
	[sflag:s15] =	ssyncadd.s32 $0xFFFFF000  }
0x88: {  	[spmem:s13] =	stream.linear.scatter [tilespmem:s20], [sflag:$0x5], $0x1000, $0x38;
	[tilespmem:$0x1F900] =	vst v63  }
0x89: {  	_ =	swait.ge [sflag:s15], $0x1000  }
0x8a: {  	[sflag:s15] =	ssyncset.done $0x0  }
0x8b: {  	[sflag:s15] =	ssyncadd.s32 $0xFFFFF000  }
0x8c: {  	[spmem:s11] =	stream.linear.scatter [tilespmem:s20], [sflag:$0x5], $0x1000, $0x38;
	[tilespmem:$0x1F900] =	vst v63  }
0x8d: {  	_ =	swait.ge [sflag:s15], $0x1000  }
0x8e: {  	[sflag:s15] =	ssyncset.done $0x0  }
0x8f: {  	[sflag:s15] =	ssyncadd.s32 $0xFFFFF000  }
0x90: {  	[bflag:$0x0] =	sbarrier.arrive $0xFFFF  }
0x91: {  	_ =	swait.ge [sflag:s21], $0x4000  }
0x92: {  	[sflag:s21] =	ssyncset.done $0x0  }
0x93: {  	[sflag:s21] =	ssyncadd.s32 $0xFFFFC000  }
0x94: {  	s0 =	simm.s32 $0x100;
	_ =	swait.ge [sflag:s25], $0x80  }
0x95: {  	s30 =	sand.u32 $0x7C00, s0;
	[sflag:s25] =	ssyncset.done $0x0  }
0x96: {  	s30 =	sadd.s32 s5, s30;
	s2 =	sand.u32 $0x300, s0;
	[sflag:s25] =	ssyncadd.s32 $0xFFFFFF80  }
0x97: {  	[spmem:s3] =	stream.indirect.scatter.add.f32 [tilespmem:s17], [sflag:$0x5], $0x80, s8, s16, $0xb8;
	[tilespmem:$0x1F900] =	vst v63  }
0x98: {  	s2 =	sor.u32 s2, s30;
	_ =	swait.ge [sflag:s15], $0x4000  }
0x99: {  	s2 =	sshrl.u32 s2, $0x3;
	[sflag:s15] =	ssyncset.done $0x0  }
0x9a: {  	s2 =	sadd.s32 s6, s2;
	[sflag:s15] =	ssyncadd.s32 $0xFFFFC000  }
0x9b: {  	[tilespmem:s8], [sflag:$0x3] =	stream.linear.gather [hbm4b:s2+s4], $0x80, $0x38;
	[tilespmem:$0x1F900] =	vst v63  }
0x9c: {  	s7 =	simm.s32 $0x14100  }
0x9d: {  	[tilespmem:s17], [sflag:$0x1] =	stream.indirect.gather [hbm4b:s1+s16], $0x80, s7, s16, $0xb8;
	[tilespmem:$0x1F900] =	vst v63  }
0x9e: {  	_ =	swait.ge [sflag:s26], $0x4000  }
0x9f: {  	[sflag:s26] =	ssyncset.done $0x0  }
0xa0: {  	[sflag:s26] =	ssyncadd.s32 $0xFFFFC000  }
0xa1: {  	s13 =	simm.s32 $0x180;
	_ =	swait.ge [sflag:s28], $0x80  }
0xa2: {  	s30 =	sand.u32 $0x7C00, s13;
	[sflag:s28] =	ssyncset.done $0x0  }
0xa3: {  	s30 =	sadd.s32 s5, s30;
	s2 =	sand.u32 $0x380, s13;
	[sflag:s28] =	ssyncadd.s32 $0xFFFFFF80  }
0xa4: {  	[spmem:s3] =	stream.indirect.scatter.add.f32 [tilespmem:s18], [sflag:$0x5], $0x80, s19, s16, $0xb8;
	[tilespmem:$0x1F900] =	vst v63  }
0xa5: {  	s2 =	sor.u32 s2, s30;
	_ =	swait.ge [sflag:s15], $0x4000  }
0xa6: {  	s2 =	sshrl.u32 s2, $0x3;
	[sflag:s15] =	ssyncset.done $0x0  }
0xa7: {  	s2 =	sadd.s32 s6, s2;
	[sflag:s15] =	ssyncadd.s32 $0xFFFFC000  }
0xa8: {  	[tilespmem:s19], [sflag:$0x4] =	stream.linear.gather [hbm4b:s2+s4], $0x80, $0x38;
	[tilespmem:$0x1F900] =	vst v63  }
0xa9: {  	s31 =	simm.s32 $0x14180;
	s30 =	simm.s32 $0x280;
	s2 =	simm.s32 $0x14200  }
.LBB2_4:
0xaa: {  	s13 =	sadd.s32 $0x80, s2  }
0xab: {  	p0 =	sne.s32 s30, $0x2680;
	s0 =	smov.u32 s30;
	s30 =	sadd.s32 $0x100, s30  }
0xac: {  	[tilespmem:s18], [sflag:$0x2] =	stream.indirect.gather [hbm4b:s1+s16], $0x80, s31, s16, $0xb8;
	[tilespmem:$0x1F900] =	vst v63  }
0xad: {  	s31 =	smov.u32 s13;
	_ =	swait.ge [sflag:s21], $0x4000  }
0xae: {  	[sflag:s21] =	ssyncset.done $0x0  }
0xaf: {  	[sflag:s21] =	ssyncadd.s32 $0xFFFFC000  }
0xb0: {  	_ =	swait.ge [sflag:s25], $0x80  }
0xb1: {  	s13 =	sadd.s32 $0xFFFFFF80, s0;
	[sflag:s25] =	ssyncset.done $0x0  }
0xb2: {  	s7 =	sand.u32 $0x7C00, s13;
	s13 =	sand.u32 $0x300, s13;
	[sflag:s25] =	ssyncadd.s32 $0xFFFFFF80  }
0xb3: {  	[spmem:s3] =	stream.indirect.scatter.add.f32 [tilespmem:s17], [sflag:$0x5], $0x80, s8, s16, $0xb8;
	[tilespmem:$0x1F900] =	vst v63  }
0xb4: {  	s7 =	sadd.s32 s5, s7;
	_ =	swait.ge [sflag:s15], $0x4000  }
0xb5: {  	s7 =	sor.u32 s13, s7;
	[sflag:s15] =	ssyncset.done $0x0  }
0xb6: {  	s7 =	sshrl.u32 s7, $0x3;
	[sflag:s15] =	ssyncadd.s32 $0xFFFFC000  }
0xb7: {  	s7 =	sadd.s32 s6, s7  }
0xb8: {  	[tilespmem:s8], [sflag:$0x3] =	stream.linear.gather [hbm4b:s7+s4], $0x80, $0x38;
	[tilespmem:$0x1F900] =	vst v63  }
0xb9: {  	_ = 	snop  }
0xba: {  	[tilespmem:s17], [sflag:$0x1] =	stream.indirect.gather [hbm4b:s1+s16], $0x80, s2, s16, $0xb8;
	[tilespmem:$0x1F900] =	vst v63  }
0xbb: {  	_ =	swait.ge [sflag:s26], $0x4000  }
0xbc: {  	[sflag:s26] =	ssyncset.done $0x0  }
0xbd: {  	[sflag:s26] =	ssyncadd.s32 $0xFFFFC000  }
0xbe: {  	_ =	swait.ge [sflag:s28], $0x80  }
0xbf: {  	s7 =	sand.u32 $0x7C00, s0;
	[sflag:s28] =	ssyncset.done $0x0  }
0xc0: {  	s0 =	sand.u32 $0x380, s0;
	s7 =	sadd.s32 s5, s7;
	[sflag:s28] =	ssyncadd.s32 $0xFFFFFF80  }
0xc1: {  	[spmem:s3] =	stream.indirect.scatter.add.f32 [tilespmem:s18], [sflag:$0x5], $0x80, s19, s16, $0xb8;
	[tilespmem:$0x1F900] =	vst v63  }
.Ltmp1:
0xc2: {  	_ = 	snop;
	(pc) =	sbr.rel @p0 .LBB2_4-.Ltmp1, $4  }
0xc3: {  	s0 =	sor.u32 s0, s7;
	_ =	swait.ge [sflag:s15], $0x4000  }
0xc4: {  	s0 =	sshrl.u32 s0, $0x3;
	[sflag:s15] =	ssyncset.done $0x0  }
0xc5: {  	s2 =	sadd.s32 $0x100, s2;
	s0 =	sadd.s32 s6, s0;
	[sflag:s15] =	ssyncadd.s32 $0xFFFFC000  }
0xc6: {  	[tilespmem:s19], [sflag:$0x4] =	stream.linear.gather [hbm4b:s0+s4], $0x80, $0x38;
	[tilespmem:$0x1F900] =	vst v63  }
0xc7: {  	[tilespmem:s18], [sflag:$0x2] =	stream.indirect.gather [hbm4b:s1+s16], $0x80, s31, s16, $0xb8;
	[tilespmem:$0x1F900] =	vst v63  }
0xc8: {  	_ =	swait.ge [sflag:s21], $0x4000  }
0xc9: {  	[sflag:s21] =	ssyncset.done $0x0  }
0xca: {  	[sflag:s21] =	ssyncadd.s32 $0xFFFFC000  }
0xcb: {  	_ =	swait.ge [sflag:s25], $0x80  }
0xcc: {  	[sflag:s25] =	ssyncset.done $0x0  }
0xcd: {  	[sflag:s25] =	ssyncadd.s32 $0xFFFFFF80  }
0xce: {  	[spmem:s3] =	stream.indirect.scatter.add.f32 [tilespmem:s17], [sflag:$0x5], $0x80, s8, s16, $0xb8;
	[tilespmem:$0x1F900] =	vst v63  }
0xcf: {  	_ =	swait.ge [sflag:s15], $0x4000  }
0xd0: {  	[sflag:s15] =	ssyncset.done $0x0  }
0xd1: {  	[sflag:s15] =	ssyncadd.s32 $0xFFFFC000  }
0xd2: {  	[tilespmem:s8], [sflag:$0x3] =	stream.linear.gather [hbm4b:s12+s4], $0x80, $0x38;
	[tilespmem:$0x1F900] =	vst v63  }
0xd3: {  	s0 =	simm.s32 $0x16700  }
0xd4: {  	[tilespmem:s17], [sflag:$0x1] =	stream.indirect.gather [hbm4b:s1+s16], $0x80, s0, s16, $0xb8;
	[tilespmem:$0x1F900] =	vst v63  }
0xd5: {  	_ =	swait.ge [sflag:s26], $0x4000  }
0xd6: {  	[sflag:s26] =	ssyncset.done $0x0  }
0xd7: {  	[sflag:s26] =	ssyncadd.s32 $0xFFFFC000  }
0xd8: {  	_ =	swait.ge [sflag:s28], $0x80  }
0xd9: {  	[sflag:s28] =	ssyncset.done $0x0  }
0xda: {  	[sflag:s28] =	ssyncadd.s32 $0xFFFFFF80  }
0xdb: {  	[spmem:s3] =	stream.indirect.scatter.add.f32 [tilespmem:s18], [sflag:$0x5], $0x80, s19, s16, $0xb8;
	[tilespmem:$0x1F900] =	vst v63  }
0xdc: {  	_ =	swait.ge [sflag:s15], $0x4000  }
0xdd: {  	[sflag:s15] =	ssyncset.done $0x0  }
0xde: {  	[sflag:s15] =	ssyncadd.s32 $0xFFFFC000  }
0xdf: {  	_ =	swait.ge [sflag:s21], $0x4000  }
0xe0: {  	[sflag:s21] =	ssyncset.done $0x0  }
0xe1: {  	[sflag:s21] =	ssyncadd.s32 $0xFFFFC000  }
0xe2: {  	_ =	swait.ge [sflag:s25], $0x80  }
0xe3: {  	[sflag:s25] =	ssyncset.done $0x0  }
0xe4: {  	[sflag:s25] =	ssyncadd.s32 $0xFFFFFF80  }
0xe5: {  	[spmem:s3] =	stream.indirect.scatter.add.f32 [tilespmem:s17], [sflag:$0x5], $0x80, s8, s16, $0xb8;
	[tilespmem:$0x1F900] =	vst v63  }
0xe6: {  	_ =	swait.ge [sflag:s15], $0x4000  }
0xe7: {  	[sflag:s15] =	ssyncset.done $0x0  }
0xe8: {  	s13 =	stileid.u32;
	[sflag:s15] =	ssyncadd.s32 $0xFFFFC000  }
0xe9: {  	s0 =	sshll.u32 s13, $0x6;
	[bflag:$0x0] =	sbarrier.arrive $0xFFFF  }
0xea: {  	s2 =	sshrl.u32 s9, $0x3;
	s0 =	sor.u32 $0x1C05, s0;
	s7 =	rddreg [dreg:$0xa]  }
0xeb: {  	[hbm:s7], [sflag:s0] =	dma.local [spmem:s2], $0x800  }
0xec: {  	_ =	swait.ge [sflag:s15], $0x800  }
0xed: {  	[sflag:s15] =	ssyncset.done $0x0  }
0xee: {  	s30 =	sshrl.u32 s14, $0x3;
	s31 =	rddreg [dreg:$0xb];
	[sflag:s15] =	ssyncadd.s32 $0xFFFFF800  }
0xef: {  	[hbm:s31], [sflag:s0] =	dma.local [spmem:s30], $0x800  }
0xf0: {  	_ =	swait.ge [sflag:s15], $0x800  }
0xf1: {  	[sflag:s15] =	ssyncset.done $0x0  }
0xf2: {  	s7 =	sshrl.u32 s22, $0x3;
	s13 =	rddreg [dreg:$0xc];
	[sflag:s15] =	ssyncadd.s32 $0xFFFFF800  }
0xf3: {  	[hbm:s13], [sflag:s0] =	dma.local [spmem:s7], $0x800  }
0xf4: {  	_ =	swait.ge [sflag:s15], $0x800  }
0xf5: {  	[sflag:s15] =	ssyncset.done $0x0  }
0xf6: {  	s30 =	sshrl.u32 s23, $0x3;
	s31 =	rddreg [dreg:$0xd];
	[sflag:s15] =	ssyncadd.s32 $0xFFFFF800  }
0xf7: {  	[hbm:s31], [sflag:s0] =	dma.local [spmem:s30], $0x800  }
0xf8: {  	_ =	swait.ge [sflag:s15], $0x800  }
0xf9: {  	[sflag:s15] =	ssyncset.done $0x0  }
0xfa: {  	s13 =	sshrl.u32 s24, $0x3;
	s30 =	rddreg [dreg:$0xe];
	[sflag:s15] =	ssyncadd.s32 $0xFFFFF800  }
0xfb: {  	[hbm:s30], [sflag:s0] =	dma.local [spmem:s13], $0x800  }
0xfc: {  	_ =	swait.ge [sflag:s15], $0x800  }
0xfd: {  	s29 =	sadd.s32 $0x1, s29;
	s31 =	rddreg [dreg:$0x10]  }
0xfe: {  	p0 =	sne.s32 s29, s31  }
.Ltmp2:
0xff: {  	_ = 	snop;
	(pc) =	sbr.rel @p0 .LBB2_1-.Ltmp2, $3  }
0x100: {  	_ =	sdelay $0x1  }
0x101: {  	[sflag:s15] =	ssyncset.done $0x0  }
0x102: {  	[sflag:s15] =	ssyncadd.s32 $0xFFFFF800  }
0x103: {  	_ =	sfence.sel $0x180000  }
0x104: {  	[bflag:$0x0] =	sbarrier.arrive $0xFFFF  }
0x105: {  	_ =	strace $0x9000004D  }
0x106: {  	s0 =	stileid.u32;
	[bflag:$0x2] =	sbarrier.arrive $0xFFFF  }
0x107: {  	p0 =	sne.s32 s0, $0x0;
	s0 =	rddreg [dreg:$0x3]  }
0x108: {  	s0 =	sadd.s32 @!p0 $0x100000, s0  }
0x109: {  	[sflag:s0] =	ssyncadd.tile.s32 @!p0 $0x1;
	_ =	shalt  }
.Lfunc_end2:
_tile_overlayer_lowered:
.L_overlay_start_2:
0x10a: {  	(tag) =	ssettag $0x2  }
0x10b: {  	s0 =	rddreg [dreg:$0x0];
	s2 =	stileid.u32  }
0x10c: {  	s1 =	rddreg [dreg:$0x1];
	p0 =	sne.s32 s2, $0x0  }
0x10d: {  	s3 =	rddreg [dreg:$0x2];
	[bflag:$0x3] =	sbarrier.arrive $0xFFFF;
	s2 =	simm.s32 @!p0 $0x1C05  }
0x10e: {  	[timem:s3], [sflag:s2] =	dma.local @!p0 [hbm:s0], s1  }
0x10f: {  	s0 =	simm.s32 @!p0 $0x5  }
0x110: {  	_ =	swait.ge @!p0 [sflag:s0], s1  }
0x111: {  	s1 =	ssub.s32 @!p0 $0x0, s1;
	[sflag:s0] =	ssyncset.done @!p0 $0x0  }
0x112: {  	[sflag:s0] =	ssyncadd.s32 @!p0 s1  }
0x113: {  	[bflag:$0x3] =	sbarrier.arrive $0xFFFF  }
0x114: {  	_ =	shalt  }

// kernel: kernel.20.cloned.1.call-start
scs
__scs_entry_jumppad:
0x0: {  	(pc) =	sbr.rel $0x88, $3  }
0x1: {  	(tag) =	ssettag $0x0;
	lr =	simm.s32 $0x1  }
0x2: {  	[smem:$0x3F94] =	sst lr;
	_ =	strace $0xD0000000  }
0x3: {  	_ = 	snop  }
0x4: {  	_ = 	snop  }
0x5: {  	_ = 	snop  }
0x6: {  	_ = 	snop  }
0x7: {  	_ = 	snop  }
__scs_overlays_trampoline_lowered:
0x8: {  	[smem:$0x3FA3] =	sst s0  }
0x9: {  	[smem:$0x3FA4] =	sst s1  }
0xa: {  	[smem:$0x3FA5] =	sst s2  }
0xb: {  	[smem:$0x3FA6] =	sst s3  }
0xc: {  	[smem:$0x3FA7] =	sst s4  }
0xd: {  	[smem:$0x3FA8] =	sst s5  }
0xe: {  	[smem:$0x3FA9] =	sst s6  }
0xf: {  	[smem:$0x3FAA] =	sst s7  }
0x10: {  	[smem:$0x3FAB] =	sst s8  }
0x11: {  	[smem:$0x3FAC] =	sst s9;
	s0 =	simm.s32 @!p0 $0x0  }
0x12: {  	s1 =	sld [smem:$0x3F92];
	s0 =	simm.s32 @p0 $0x1  }
0x13: {  	[smem:$0x3FAD] =	sst s0;
	s0 =	simm.s32 @!p1 $0x0  }
0x14: {  	s2 =	sld [smem:$0x3F91];
	s0 =	simm.s32 @p1 $0x1  }
0x15: {  	[smem:$0x3FAE] =	sst s0;
	s0 =	simm.s32 @!p2 $0x0  }
0x16: {  	s3 =	sld [smem:$0x3FDB];
	s0 =	simm.s32 @p2 $0x1  }
0x17: {  	s4 =	simm.s32 $0x1BF5;
	[smem:$0x3FB0] =	sst s0  }
0x18: {  	s0 =	sld [smem:$0x3F93];
	_ =	swait.ge [sflag:s4], $0x0  }
0x19: {  	s7 =	sld [smem:$0x3F94]  }
0x1a: {  	s8 =	sadd.s32 $0xFFFFE003, lr  }
0x1b: {  	s9 =	sadd.s32 $0xFFFFFEF7, lr;
	s5 =	simm.s32 $0xFFFFFFFF;
	p2 =	slt.u32 s8, $0xFFFFF086  }
0x1c: {  	p1 =	slt.u32 s9, $0xF7A;
	s5 =	simm.s32 @!p2 $0x0  }
0x1d: {  	s5 =	simm.s32 @p1 $0x1;
	p0 =	seq.s32 s7, s2  }
0x1e: {  	s7 =	smul.u32 @!p0 $0xF7A, s2;
	p2 =	seq.s32 @!p0 s5, $0x0  }
0x1f: {  	s9 =	smul.u32 $0xF7A, s1;
	s8 =	simm.s32 @!p0 $0x1BF5;
	p2 =	por !p2, p0  }
0x20: {  	[sflag:s8] =	ssyncset.s32 @!p0 $0xFFFFF086;
	s6 =	sadd.s32 @!p0 s3, s7;
	s7 =	simm.s32 @!p0 $0x108  }
0x21: {  	s3 =	sadd.s32 s3, s9;
	s6 =	sadd.s32 @!p0 $0x88, s6;
	s7 =	simm.s32 @p2 $0x1082  }
0x22: {  	[simem:s7], [sflag:s8] =	dma.local @!p0 [hbm:s6], $0xF7A  }
0x23: {  	s9 =	sor.u32 $0xD0000000, s2;
	s6 =	simm.s32 $0x108;
	_ =	swait.ge @!p0 [sflag:s8], $0x0  }
0x24: {  	s3 =	sadd.s32 $0x88, s3;
	s6 =	simm.s32 @!p1 $0x1082;
	[sflag:s4] =	ssyncset.s32 $0xFFFFF086  }
0x25: {  	[simem:s6], [sflag:s4] =	dma.local [hbm:s3], $0xF7A  }
0x26: {  	[smem:$0x3F94] =	sst s1;
	(tag) =	ssettag s2;
	_ =	strace s9  }
0x27: {  	s1 =	sld [smem:$0x3FA4]  }
0x28: {  	s2 =	sld [smem:$0x3FA5]  }
0x29: {  	s4 =	sld [smem:$0x3FA7]  }
0x2a: {  	p0 =	seq.s32 s5, $0x0;
	s5 =	sld [smem:$0x3FA8]  }
0x2b: {  	s6 =	sld [smem:$0x3FA9]  }
0x2c: {  	s7 =	sld [smem:$0x3FAA]  }
0x2d: {  	s3 =	simm.s32 $0x108;
	s8 =	sld [smem:$0x3FAB]  }
0x2e: {  	s3 =	simm.s32 @!p0 $0x1082;
	s9 =	sld [smem:$0x3FAC]  }
0x2f: {  	lr =	sadd.s32 s0, s3;
	s0 =	sld [smem:$0x3FA3]  }
0x30: {  	s3 =	sld [smem:$0x3FA6]  }
0x31: {  	[smem:$0x3FAF] =	sst s10  }
0x32: {  	s10 =	sld [smem:$0x3FAD];
	_ =	sdelay $0x3  }
0x33: {  	p0 =	seq.s32 s10, $0x1;
	s10 =	sld [smem:$0x3FAF];
	_ =	sdelay $0x3  }
0x34: {  	[smem:$0x3FAF] =	sst s10  }
0x35: {  	s10 =	sld [smem:$0x3FAE];
	_ =	sdelay $0x3  }
0x36: {  	p1 =	seq.s32 s10, $0x1;
	s10 =	sld [smem:$0x3FAF];
	_ =	sdelay $0x3  }
0x37: {  	[smem:$0x3FAF] =	sst s10  }
0x38: {  	s10 =	sld [smem:$0x3FB0]  }
0x39: {  	_ = 	snop;
	(pc) =	sbr.ind lr, $3  }
0x3a: {  	_ = 	snop  }
0x3b: {  	_ = 	snop  }
0x3c: {  	p2 =	seq.s32 s10, $0x1;
	s10 =	sld [smem:$0x3FAF]  }
0x3d: {  	_ =	shalt  }
0x3e: {  	_ =	shalt  }
0x3f: {  	_ =	shalt  }
0x40: {  	_ =	shalt  }
0x41: {  	_ =	shalt  }
0x42: {  	_ =	shalt  }
0x43: {  	_ =	shalt  }
0x44: {  	_ =	shalt  }
0x45: {  	_ =	shalt  }
0x46: {  	_ =	shalt  }
0x47: {  	_ =	shalt  }
0x48: {  	_ =	shalt  }
0x49: {  	_ =	shalt  }
0x4a: {  	_ =	shalt  }
0x4b: {  	_ =	shalt  }
0x4c: {  	_ =	shalt  }
0x4d: {  	_ =	shalt  }
0x4e: {  	_ =	shalt  }
0x4f: {  	_ =	shalt  }
0x50: {  	_ =	shalt  }
0x51: {  	_ =	shalt  }
0x52: {  	_ =	shalt  }
0x53: {  	_ =	shalt  }
0x54: {  	_ =	shalt  }
0x55: {  	_ =	shalt  }
0x56: {  	_ =	shalt  }
0x57: {  	_ =	shalt  }
0x58: {  	_ =	shalt  }
0x59: {  	_ =	shalt  }
0x5a: {  	_ =	shalt  }
0x5b: {  	_ =	shalt  }
0x5c: {  	_ =	shalt  }
0x5d: {  	_ =	shalt  }
0x5e: {  	_ =	shalt  }
0x5f: {  	_ =	shalt  }
0x60: {  	_ =	shalt  }
0x61: {  	_ =	shalt  }
0x62: {  	_ =	shalt  }
0x63: {  	_ =	shalt  }
0x64: {  	_ =	shalt  }
0x65: {  	_ =	shalt  }
0x66: {  	_ =	shalt  }
0x67: {  	_ =	shalt  }
0x68: {  	_ =	shalt  }
0x69: {  	_ =	shalt  }
0x6a: {  	_ =	shalt  }
0x6b: {  	_ =	shalt  }
0x6c: {  	_ =	shalt  }
0x6d: {  	_ =	shalt  }
0x6e: {  	_ =	shalt  }
0x6f: {  	_ =	shalt  }
0x70: {  	_ =	shalt  }
0x71: {  	_ =	shalt  }
0x72: {  	_ =	shalt  }
0x73: {  	_ =	shalt  }
0x74: {  	_ =	shalt  }
0x75: {  	_ =	shalt  }
0x76: {  	_ =	shalt  }
0x77: {  	_ =	shalt  }
0x78: {  	_ =	shalt  }
0x79: {  	_ =	shalt  }
0x7a: {  	_ =	shalt  }
0x7b: {  	_ =	shalt  }
0x7c: {  	_ =	shalt  }
0x7d: {  	_ =	shalt  }
0x7e: {  	_ =	shalt  }
0x7f: {  	_ =	shalt  }
0x80: {  	_ =	shalt  }
0x81: {  	_ =	shalt  }
0x82: {  	_ =	shalt  }
0x83: {  	_ =	shalt  }
0x84: {  	_ =	shalt  }
0x85: {  	_ =	shalt  }
0x86: {  	_ =	shalt  }
0x87: {  	_ =	shalt  }
.Lfunc_end0:
.L_simem_size_0:
called_computation.3_lowered:
.L_overlay_start_0:
0x88: {  	s2 =	sld [smem:$0x3FD9]  }
0x89: {  	s3 =	sld [smem:$0x3FFE];
	_ =	sdelay $0x1  }
0x8a: {  	s1 =	srdreg.scid  }
0x8b: {  	s0 =	sand.u32 $0x1, s1  }
0x8c: {  	s14 =	sshll.u32 s0, $0xA;
	s2 =	sadd.s32 s3, s2  }
0x8d: {  	s2 =	sadd.s32 s2, s14  }
0x8e: {  	[smem:$0x3FBB] =	sst s2  }
0x8f: {  	_ = 	snop  }
0x90: {  	s2 =	sld [smem:$0x3FD0];
	_ =	sdelay $0x2  }
0x91: {  	s15 =	simm.s32 $0xA;
	s4 =	simm.s32 $0x10  }
0x92: {  	[smem:s4], [sflag:s15] =	dma.local [hbm:s2], $0x1  }
0x93: {  	_ =	swait.eq [sflag:s15], $0x1  }
0x94: {  	[sflag:s15] =	ssyncset.done $0x0  }
0x95: {  	[sflag:s15] =	ssyncadd.s32 $0xFFFFFFFF  }
0x96: {  	s16 =	sld [smem:$0x12];
	(tm) =	ssettm $0x1  }
0x97: {  	s17 =	sld [smem:$0x3FFB];
	_ =	sdelay $0x3  }
0x98: {  	_ =	strace s17  }
0x99: {  	s3 =	sld [smem:$0x3FFC];
	_ =	sdelay $0x3  }
0x9a: {  	_ =	strace s3  }
0x9b: {  	s3 =	sld [smem:$0x3FFD];
	_ =	sdelay $0x3  }
0x9c: {  	_ =	strace s3  }
0x9d: {  	_ =	strace $0x8FFFFFFF  }
0x9e: {  	s18 =	sld [smem:$0x3FDB];
	_ =	sdelay $0x1  }
0x9f: {  	s19 =	simm.s32 $_scs_section_size  }
0xa0: {  	s5 =	simm.s32 $_size__tile_overlayer_lowered;
	s6 =	simm.s32 $_tile_overlayer_lowered  }
0xa1: {  	s22 =	simm.s32 $0x1BFF;
	s21 =	sshll.u32 s6, $0x1;
	s3 =	sadd.s32 s19, s18  }
0xa2: {  	s7 =	simm.s32 $0x0;
	s20 =	sshll.u32 s5, $0x1;
	s5 =	sadd.s32 s21, s3  }
0xa3: {  	[timem:s7], [sflag:s22] =	dma.local [hbm:s5], s20  }
0xa4: {  	_ =	swait.ge [sflag:s22], s20  }
0xa5: {  	s4 =	ssub.s32 $0x0, s20;
	[sflag:s22] =	ssyncset.done $0x0  }
0xa6: {  	[sflag:s22] =	ssyncadd.s32 s4;
	_ =	sdelay $0x1  }
0xa7: {  	s23 =	simm.s32 $0x1B8B  }
0xa8: {  	_ =	swait.ge [sflag:s23], $0x1  }
0xa9: {  	[sflag:s23] =	ssyncset.done $0x0  }
0xaa: {  	s25 =	simm.s32 $0x1B8E;
	s24 =	sld [smem:$0x3FFE];
	[sflag:s23] =	ssyncadd.s32 $0xFFFFFFFF  }
0xab: {  	s26 =	simm.s32 $execute0_lowered;
	[smem:$0x3FD2] =	sst s25  }
0xac: {  	s5 =	sshll.u32 s26, $0x1;
	_ =	strace $0x8000004F;
	[dreg:$0x1] =	wrdreg $0xFFFFFFFF  }
0xad: {  	s28 =	simm.s32 $_size_execute0_lowered;
	s3 =	sadd.s32 s3, s5;
	[dreg:$0x0] =	wrdreg $0x0  }
0xae: {  	s5 =	sshll.u32 s28, $0x1;
	[dreg:$0x2] =	wrdreg s3  }
0xaf: {  	[dreg:$0x3] =	wrdreg s5  }
0xb0: {  	[dreg:$0x4] =	wrdreg $0xC0  }
0xb1: {  	_ =	task [dreg:s7], $0x5FFFF  }
0xb2: {  	[dreg:$0x1] =	wrdreg $0xFFFFFFFF  }
0xb3: {  	[dreg:$0x0] =	wrdreg $0x60  }
0xb4: {  	[dreg:$0x2] =	wrdreg s16  }
0xb5: {  	[dreg:$0x3] =	wrdreg s24  }
0xb6: {  	[dreg:$0x4] =	wrdreg $0x0  }
0xb7: {  	[dreg:$0x5] =	wrdreg $0x9  }
0xb8: {  	_ =	task.clear_ibuf [dreg:s7], $0x6FFFF;
	_ =	strace $0x9000004F  }
0xb9: {  	s29 =	simm.s32 $0x9;
	_ =	strace $0x80000051  }
0xba: {  	_ =	swait.ge [sflag:s29], $0x1  }
0xbb: {  	[sflag:s29] =	ssyncadd.s32 $0xFFFFFFFF  }
0xbc: {  	_ =	strace $0x90000051  }
0xbd: {  	_ =	sfence  }
0xbe: {  	s30 =	sld [smem:$0x0];
	_ =	sdelay $0x2  }
0xbf: {  	s31 =	sshll.u32 s1, $0xD;
	s1 =	sshrl.u32 s1, $0x2  }
0xc0: {  	s3 =	sand.u32 $0x4000, s31;
	s1 =	sadd.s32 s1, s30  }
0xc1: {  	s0 =	sor.u32 s3, s0;
	s1 =	sshll.u32 s1, $0x11  }
0xc2: {  	s0 =	sor.u32 s1, s0  }
0xc3: {  	s0 =	sadd.s32 $0x8F2B, s0  }
0xc4: {  	[sflag:s0] =	ssyncadd.remote.s32 $0x1  }
0xc5: {  	_ =	sfence.sel $0xFFFF  }
0xc6: {  	[dreg:$0x0] =	wrdreg $0xFFFFFFFF;
	(pc) =	sbr.abs _section_cstart, $3  }
0xc7: {  	[dreg:$0x1] =	wrdreg $0xFFFFFFFF  }
0xc8: {  	_ =	task.clear_ibuf [dreg:s7], $0x2FFFF;
	_ =	strace $0x9FFFFFFF  }
0xc9: {  	(tm) =	ssettm $0x7FFFFFFF  }
tec
execute0_lowered:
.L_overlay_start_1:
0x0: {  	(tag) =	ssettag $0x1  }
0x1: {  	s1 =	rddreg [dreg:$0x0]  }
0x2: {  	s0 =	srdreg.scid;
	s2 =	rddreg [dreg:$0x1]  }
0x3: {  	s12 =	stileid.u32;
	s3 =	rddreg [dreg:$0x2];
	s28 =	simm.s32 $0x4  }
0x4: {  	s0 =	sand.u32 $0x1, s0;
	s4 =	sshll.u32 s12, $0x1;
	s10 =	smul.u32 $0x50000, s12  }
0x5: {  	s29 =	simm.s32 $0x0;
	s18 =	smul.u32 $0x14000, s12;
	s5 =	sor.u32 s0, s4  }
0x6: {  	s4 =	simm.s32 $0x0;
	s9 =	ssub.s32 $0x2, s0;
	s0 =	smul.u32 $0x140000, s0  }
0x7: {  	s6 =	sadd.s32 $0x3C00, s2;
	s5 =	smul.u32 $0x2800, s5;
	[smem:$0x7FF] =	sst s4  }
0x8: {  	s11 =	sshrl.u32 s9, $0x1;
	s17 =	sshrl.u32 s10, $0x2;
	s23 =	sadd.s32 $0x4000, s18  }
0x9: {  	s25 =	sadd.s32 $0x8000, s18;
	s12 =	sadd.s32 $0xC000, s18;
	_ =	strace $0x80000050  }
0xa: {  	s11 =	ssub.s32 s9, s11;
	s9 =	sadd.s32 s17, s3;
	s14 =	sadd.s32 s23, s3  }
0xb: {  	s13 =	sadd.s32 s18, s0;
	s26 =	sadd.s32 s0, s25;
	s30 =	sadd.s32 s0, s12  }
0xc: {  	s7 =	sshrl.u32 s5, $0x3;
	s20 =	sadd.s32 $0x1000, s9;
	s21 =	sadd.s32 $0x2000, s9  }
0xd: {  	s22 =	sadd.s32 $0x3000, s9;
	s24 =	sadd.s32 $0x5000, s9;
	s13 =	sshrl.u32 s13, $0x3  }
0xe: {  	s31 =	sshrl.u32 s30, $0x3;
	s16 =	smax.u32 s11, $0x1;
	[dreg:$0x6] =	wrdreg s20  }
0xf: {  	s17 =	sadd.s32 $0x7000, s9;
	s30 =	sadd.s32 $0x11000, s9;
	[dreg:$0x7] =	wrdreg s21  }
0x10: {  	s11 =	sadd.s32 $0x13000, s9;
	s8 =	sadd.s32 s7, s2;
	[dreg:$0x8] =	wrdreg s22  }
0x11: {  	s2 =	sadd.s32 $0x67C00, s2;
	s15 =	sadd.s32 s6, s7;
	[dreg:$0x9] =	wrdreg s24  }
0x12: {  	s7 =	sadd.s32 $0x10000, s18;
	s22 =	sadd.s32 s25, s3;
	[dreg:$0x10] =	wrdreg s16  }
0x13: {  	[dreg:$0x11] =	wrdreg s17;
	s18 =	sadd.s32 $0x9000, s9;
	s20 =	sadd.s32 $0xB000, s9  }
0x14: {  	s21 =	sadd.s32 $0xD000, s9;
	s25 =	sadd.s32 $0xE000, s9;
	[dreg:$0x18] =	wrdreg s30  }
0x15: {  	s16 =	simm.s32 $0x80;
	s17 =	simm.s32 $0x16900;
	[dreg:$0x12] =	wrdreg s18  }
0x16: {  	s8 =	sadd.s32 $0x5DC00, s8;
	s19 =	sadd.s32 $0x10, s15;
	[dreg:$0x14] =	wrdreg s20  }
0x17: {  	s13 =	sadd.s32 s2, s13;
	s24 =	sadd.s32 s7, s3;
	[dreg:$0x15] =	wrdreg s21  }
0x18: {  	[dreg:$0x16] =	wrdreg s25;
	s10 =	smov.u32 s15;
	s18 =	simm.s32 $0x1A900  }
0x19: {  	s20 =	simm.s32 $0x1E900;
	s21 =	simm.s32 $0x1;
	[dreg:$0x4] =	wrdreg s8  }
0x1a: {  	s25 =	simm.s32 $0x3;
	[dreg:$0x5] =	wrdreg s19;
	s8 =	sadd.s32 s0, s23  }
0x1b: {  	[dreg:$0xa] =	wrdreg s13;
	s0 =	sadd.s32 s0, s7;
	s13 =	sadd.s32 $0x6000, s9  }
0x1c: {  	s19 =	sadd.s32 $0xA000, s9;
	s8 =	sshrl.u32 s8, $0x3;
	[dreg:$0xf] =	wrdreg s13  }
0x1d: {  	s0 =	sshrl.u32 s0, $0x3;
	[dreg:$0x13] =	wrdreg s19;
	s8 =	sadd.s32 s2, s8  }
0x1e: {  	s23 =	sadd.s32 s12, s3;
	s0 =	sadd.s32 s2, s0;
	[dreg:$0xb] =	wrdreg s8  }
0x1f: {  	s8 =	sshrl.u32 s26, $0x3;
	[dreg:$0xe] =	wrdreg s0;
	s26 =	sadd.s32 $0xF000, s9  }
0x20: {  	s12 =	sadd.s32 $0x4E0, s15;
	s8 =	sadd.s32 s2, s8;
	[dreg:$0x17] =	wrdreg s26  }
0x21: {  	s15 =	simm.s32 $0x5;
	[dreg:$0xc] =	wrdreg s8;
	s8 =	sadd.s32 s2, s31  }
0x22: {  	s19 =	simm.s32 $0x16880;
	s31 =	sadd.s32 $0x12000, s9;
	[dreg:$0xd] =	wrdreg s8  }
0x23: {  	v0 =	vimm.f32 $0.0e+00;
	s26 =	simm.s32 $0x2;
	[dreg:$0x19] =	wrdreg s31;
	s8 =	simm.s32 $0x16800  }
.LBB2_1:
0x24: {  	s0 =	rddreg [dreg:$0x4];
	s2 =	simm.s32 $0x14000  }
0x25: {  	[tilespmem:s2], [sflag:$0x5] =	stream.linear.gather [hbm4b:s0+s4], $0x2780, $0x38;
	[tilespmem:$0x1F900] =	vst v63  }
0x26: {  	_ =	swait.ge [sflag:s15], $0x2780  }
0x27: {  	[sflag:s15] =	ssyncset.done $0x0  }
0x28: {  	[sflag:s15] =	ssyncadd.s32 $0xFFFFD880  }
0x29: {  	[tilespmem:s17], [sflag:$0x1] =	stream.indirect.gather [hbm4b:s1+s16], $0x80, s2, s16, $0xb8;
	[tilespmem:$0x1F900] =	vst v63  }
0x2a: {  	_ = 	snop  }
0x2b: {  	[tilespmem:s8], [sflag:$0x3] =	stream.linear.gather [hbm4b:s10+s4], $0x80, $0x38;
	[tilespmem:$0x1F900] =	vst v63  }
0x2c: {  	s13 =	simm.s32 $0x14080  }
0x2d: {  	[tilespmem:s18], [sflag:$0x2] =	stream.indirect.gather [hbm4b:s1+s16], $0x80, s13, s16, $0xb8;
	[tilespmem:$0x1F900] =	vst v63  }
0x2e: {  	s30 =	simm.s32 $0x200;
	s31 =	rddreg [dreg:$0x5];
	s2 =	simm.s32 $0x0  }
0x2f: {  	[tilespmem:s19], [sflag:$0x4] =	stream.linear.gather [hbm4b:s31+s4], $0x80, $0x38;
	[tilespmem:$0x1F900] =	vst v63  }
.LBB2_2:
0x30: {  	p0 =	sne.s32 s30, $0x3E00;
	[tilespmem:s2+$0x1E970] =	vst v0  }
0x31: {  	[tilespmem:s2+$0x1E900] =	vst v0  }
0x32: {  	[tilespmem:s2+$0x1E910] =	vst v0  }
.Ltmp0:
0x33: {  	[tilespmem:s2+$0x1E920] =	vst v0;
	(pc) =	sbr.rel @p0 .LBB2_2-.Ltmp0, $4  }
0x34: {  	[tilespmem:s2+$0x1E930] =	vst v0  }
0x35: {  	[tilespmem:s2+$0x1E940] =	vst v0  }
0x36: {  	[tilespmem:s2+$0x1E950] =	vst v0  }
0x37: {  	[tilespmem:s2+$0x1E960] =	vst v0;
	s2 =	sshra.s32 s30, $0x2;
	s30 =	sadd.s32 $0x200, s30  }
0x38: {  	[tilespmem:s2+$0x1E970] =	vst v0  }
0x39: {  	[tilespmem:s2+$0x1E900] =	vst v0  }
0x3a: {  	[tilespmem:s2+$0x1E910] =	vst v0  }
0x3b: {  	[tilespmem:s2+$0x1E920] =	vst v0  }
0x3c: {  	[tilespmem:s2+$0x1E930] =	vst v0  }
0x3d: {  	[tilespmem:s2+$0x1E940] =	vst v0  }
0x3e: {  	[tilespmem:s2+$0x1E950] =	vst v0  }
0x3f: {  	[tilespmem:s2+$0x1E960] =	vst v0  }
0x40: {  	[spmem:s9] =	stream.linear.scatter [tilespmem:s20], [sflag:$0x5], $0x1000, $0x38;
	[tilespmem:$0x1F900] =	vst v63  }
0x41: {  	_ =	swait.ge [sflag:s15], $0x1000  }
0x42: {  	[sflag:s15] =	ssyncset.done $0x0  }
0x43: {  	s0 =	rddreg [dreg:$0x6];
	[sflag:s15] =	ssyncadd.s32 $0xFFFFF000  }
0x44: {  	[spmem:s0] =	stream.linear.scatter [tilespmem:s20], [sflag:$0x5], $0x1000, $0x38;
	[tilespmem:$0x1F900] =	vst v63  }
0x45: {  	_ =	swait.ge [sflag:s15], $0x1000  }
0x46: {  	[sflag:s15] =	ssyncset.done $0x0  }
0x47: {  	s13 =	rddreg [dreg:$0x7];
	[sflag:s15] =	ssyncadd.s32 $0xFFFFF000  }
0x48: {  	[spmem:s13] =	stream.linear.scatter [tilespmem:s20], [sflag:$0x5], $0x1000, $0x38;
	[tilespmem:$0x1F900] =	vst v63  }
0x49: {  	_ =	swait.ge [sflag:s15], $0x1000  }
0x4a: {  	[sflag:s15] =	ssyncset.done $0x0  }
0x4b: {  	s2 =	rddreg [dreg:$0x8];
	[sflag:s15] =	ssyncadd.s32 $0xFFFFF000  }
0x4c: {  	[spmem:s2] =	stream.linear.scatter [tilespmem:s20], [sflag:$0x5], $0x1000, $0x38;
	[tilespmem:$0x1F900] =	vst v63  }
0x4d: {  	_ =	swait.ge [sflag:s15], $0x1000  }
0x4e: {  	[sflag:s15] =	ssyncset.done $0x0  }
0x4f: {  	[sflag:s15] =	ssyncadd.s32 $0xFFFFF000  }
0x50: {  	[spmem:s14] =	stream.linear.scatter [tilespmem:s20], [sflag:$0x5], $0x1000, $0x38;
	[tilespmem:$0x1F900] =	vst v63  }
0x51: {  	_ =	swait.ge [sflag:s15], $0x1000  }
0x52: {  	[sflag:s15] =	ssyncset.done $0x0  }
0x53: {  	s7 =	rddreg [dreg:$0x9];
	[sflag:s15] =	ssyncadd.s32 $0xFFFFF000  }
0x54: {  	[spmem:s7] =	stream.linear.scatter [tilespmem:s20], [sflag:$0x5], $0x1000, $0x38;
	[tilespmem:$0x1F900] =	vst v63  }
0x55: {  	_ =	swait.ge [sflag:s15], $0x1000  }
0x56: {  	[sflag:s15] =	ssyncset.done $0x0  }
0x57: {  	s13 =	rddreg [dreg:$0xf];
	[sflag:s15] =	ssyncadd.s32 $0xFFFFF000  }
0x58: {  	[spmem:s13] =	stream.linear.scatter [tilespmem:s20], [sflag:$0x5], $0x1000, $0x38;
	[tilespmem:$0x1F900] =	vst v63  }
0x59: {  	_ =	swait.ge [sflag:s15], $0x1000  }
0x5a: {  	[sflag:s15] =	ssyncset.done $0x0  }
0x5b: {  	s2 =	rddreg [dreg:$0x11];
	[sflag:s15] =	ssyncadd.s32 $0xFFFFF000  }
0x5c: {  	[spmem:s2] =	stream.linear.scatter [tilespmem:s20], [sflag:$0x5], $0x1000, $0x38;
	[tilespmem:$0x1F900] =	vst v63  }
0x5d: {  	_ =	swait.ge [sflag:s15], $0x1000  }
0x5e: {  	[sflag:s15] =	ssyncset.done $0x0  }
0x5f: {  	[sflag:s15] =	ssyncadd.s32 $0xFFFFF000  }
0x60: {  	[spmem:s22] =	stream.linear.scatter [tilespmem:s20], [sflag:$0x5], $0x1000, $0x38;
	[tilespmem:$0x1F900] =	vst v63  }
0x61: {  	_ =	swait.ge [sflag:s15], $0x1000  }
0x62: {  	[sflag:s15] =	ssyncset.done $0x0  }
0x63: {  	s7 =	rddreg [dreg:$0x12];
	[sflag:s15] =	ssyncadd.s32 $0xFFFFF000  }
0x64: {  	[spmem:s7] =	stream.linear.scatter [tilespmem:s20], [sflag:$0x5], $0x1000, $0x38;
	[tilespmem:$0x1F900] =	vst v63  }
0x65: {  	_ =	swait.ge [sflag:s15], $0x1000  }
0x66: {  	[sflag:s15] =	ssyncset.done $0x0  }
0x67: {  	s13 =	rddreg [dreg:$0x13];
	[sflag:s15] =	ssyncadd.s32 $0xFFFFF000  }
0x68: {  	[spmem:s13] =	stream.linear.scatter [tilespmem:s20], [sflag:$0x5], $0x1000, $0x38;
	[tilespmem:$0x1F900] =	vst v63  }
0x69: {  	_ =	swait.ge [sflag:s15], $0x1000  }
0x6a: {  	[sflag:s15] =	ssyncset.done $0x0  }
0x6b: {  	s2 =	rddreg [dreg:$0x14];
	[sflag:s15] =	ssyncadd.s32 $0xFFFFF000  }
0x6c: {  	[spmem:s2] =	stream.linear.scatter [tilespmem:s20], [sflag:$0x5], $0x1000, $0x38;
	[tilespmem:$0x1F900] =	vst v63  }
0x6d: {  	_ =	swait.ge [sflag:s15], $0x1000  }
0x6e: {  	[sflag:s15] =	ssyncset.done $0x0  }
0x6f: {  	[sflag:s15] =	ssyncadd.s32 $0xFFFFF000  }
0x70: {  	[spmem:s23] =	stream.linear.scatter [tilespmem:s20], [sflag:$0x5], $0x1000, $0x38;
	[tilespmem:$0x1F900] =	vst v63  }
0x71: {  	_ =	swait.ge [sflag:s15], $0x1000  }
0x72: {  	[sflag:s15] =	ssyncset.done $0x0  }
0x73: {  	s7 =	rddreg [dreg:$0x15];
	[sflag:s15] =	ssyncadd.s32 $0xFFFFF000  }
0x74: {  	[spmem:s7] =	stream.linear.scatter [tilespmem:s20], [sflag:$0x5], $0x1000, $0x38;
	[tilespmem:$0x1F900] =	vst v63  }
0x75: {  	_ =	swait.ge [sflag:s15], $0x1000  }
0x76: {  	[sflag:s15] =	ssyncset.done $0x0  }
0x77: {  	s13 =	rddreg [dreg:$0x16];
	[sflag:s15] =	ssyncadd.s32 $0xFFFFF000  }
0x78: {  	[spmem:s13] =	stream.linear.scatter [tilespmem:s20], [sflag:$0x5], $0x1000, $0x38;
	[tilespmem:$0x1F900] =	vst v63  }
0x79: {  	_ =	swait.ge [sflag:s15], $0x1000  }
0x7a: {  	[sflag:s15] =	ssyncset.done $0x0  }
0x7b: {  	s2 =	rddreg [dreg:$0x17];
	[sflag:s15] =	ssyncadd.s32 $0xFFFFF000  }
0x7c: {  	[spmem:s2] =	stream.linear.scatter [tilespmem:s20], [sflag:$0x5], $0x1000, $0x38;
	[tilespmem:$0x1F900] =	vst v63  }
0x7d: {  	_ =	swait.ge [sflag:s15], $0x1000  }
0x7e: {  	[sflag:s15] =	ssyncset.done $0x0  }
0x7f: {  	[sflag:s15] =	ssyncadd.s32 $0xFFFFF000  }
0x80: {  	[spmem:s24] =	stream.linear.scatter [tilespmem:s20], [sflag:$0x5], $0x1000, $0x38;
	[tilespmem:$0x1F900] =	vst v63  }
0x81: {  	_ =	swait.ge [sflag:s15], $0x1000  }
0x82: {  	[sflag:s15] =	ssyncset.done $0x0  }
0x83: {  	s7 =	rddreg [dreg:$0x18];
	[sflag:s15] =	ssyncadd.s32 $0xFFFFF000  }
0x84: {  	[spmem:s7] =	stream.linear.scatter [tilespmem:s20], [sflag:$0x5], $0x1000, $0x38;
	[tilespmem:$0x1F900] =	vst v63  }
0x85: {  	_ =	swait.ge [sflag:s15], $0x1000  }
0x86: {  	[sflag:s15] =	ssyncset.done $0x0  }
0x87: {  	s13 =	rddreg [dreg:$0x19];
	[sflag:s15] =	ssyncadd.s32 $0xFFFFF000  }
0x88: {  	[spmem:s13] =	stream.linear.scatter [tilespmem:s20], [sflag:$0x5], $0x1000, $0x38;
	[tilespmem:$0x1F900] =	vst v63  }
0x89: {  	_ =	swait.ge [sflag:s15], $0x1000  }
0x8a: {  	[sflag:s15] =	ssyncset.done $0x0  }
0x8b: {  	[sflag:s15] =	ssyncadd.s32 $0xFFFFF000  }
0x8c: {  	[spmem:s11] =	stream.linear.scatter [tilespmem:s20], [sflag:$0x5], $0x1000, $0x38;
	[tilespmem:$0x1F900] =	vst v63  }
0x8d: {  	_ =	swait.ge [sflag:s15], $0x1000  }
0x8e: {  	[sflag:s15] =	ssyncset.done $0x0  }
0x8f: {  	[sflag:s15] =	ssyncadd.s32 $0xFFFFF000  }
0x90: {  	[bflag:$0x0] =	sbarrier.arrive $0xFFFF  }
0x91: {  	_ =	swait.ge [sflag:s21], $0x4000  }
0x92: {  	[sflag:s21] =	ssyncset.done $0x0  }
0x93: {  	[sflag:s21] =	ssyncadd.s32 $0xFFFFC000  }
0x94: {  	s0 =	simm.s32 $0x100;
	_ =	swait.ge [sflag:s25], $0x80  }
0x95: {  	s30 =	sand.u32 $0x7C00, s0;
	[sflag:s25] =	ssyncset.done $0x0  }
0x96: {  	s30 =	sadd.s32 s5, s30;
	s2 =	sand.u32 $0x300, s0;
	[sflag:s25] =	ssyncadd.s32 $0xFFFFFF80  }
0x97: {  	[spmem:s3] =	stream.indirect.scatter.add.f32 [tilespmem:s17], [sflag:$0x5], $0x80, s8, s16, $0xb8;
	[tilespmem:$0x1F900] =	vst v63  }
0x98: {  	s2 =	sor.u32 s2, s30;
	_ =	swait.ge [sflag:s15], $0x4000  }
0x99: {  	s2 =	sshrl.u32 s2, $0x3;
	[sflag:s15] =	ssyncset.done $0x0  }
0x9a: {  	s2 =	sadd.s32 s6, s2;
	[sflag:s15] =	ssyncadd.s32 $0xFFFFC000  }
0x9b: {  	[tilespmem:s8], [sflag:$0x3] =	stream.linear.gather [hbm4b:s2+s4], $0x80, $0x38;
	[tilespmem:$0x1F900] =	vst v63  }
0x9c: {  	s7 =	simm.s32 $0x14100  }
0x9d: {  	[tilespmem:s17], [sflag:$0x1] =	stream.indirect.gather [hbm4b:s1+s16], $0x80, s7, s16, $0xb8;
	[tilespmem:$0x1F900] =	vst v63  }
0x9e: {  	_ =	swait.ge [sflag:s26], $0x4000  }
0x9f: {  	[sflag:s26] =	ssyncset.done $0x0  }
0xa0: {  	[sflag:s26] =	ssyncadd.s32 $0xFFFFC000  }
0xa1: {  	s13 =	simm.s32 $0x180;
	_ =	swait.ge [sflag:s28], $0x80  }
0xa2: {  	s30 =	sand.u32 $0x7C00, s13;
	[sflag:s28] =	ssyncset.done $0x0  }
0xa3: {  	s30 =	sadd.s32 s5, s30;
	s2 =	sand.u32 $0x380, s13;
	[sflag:s28] =	ssyncadd.s32 $0xFFFFFF80  }
0xa4: {  	[spmem:s3] =	stream.indirect.scatter.add.f32 [tilespmem:s18], [sflag:$0x5], $0x80, s19, s16, $0xb8;
	[tilespmem:$0x1F900] =	vst v63  }
0xa5: {  	s2 =	sor.u32 s2, s30;
	_ =	swait.ge [sflag:s15], $0x4000  }
0xa6: {  	s2 =	sshrl.u32 s2, $0x3;
	[sflag:s15] =	ssyncset.done $0x0  }
0xa7: {  	s2 =	sadd.s32 s6, s2;
	[sflag:s15] =	ssyncadd.s32 $0xFFFFC000  }
0xa8: {  	[tilespmem:s19], [sflag:$0x4] =	stream.linear.gather [hbm4b:s2+s4], $0x80, $0x38;
	[tilespmem:$0x1F900] =	vst v63  }
0xa9: {  	s31 =	simm.s32 $0x14180;
	s30 =	simm.s32 $0x280;
	s2 =	simm.s32 $0x14200  }
.LBB2_4:
0xaa: {  	s13 =	sadd.s32 $0x80, s2  }
0xab: {  	p0 =	sne.s32 s30, $0x2680;
	s0 =	smov.u32 s30;
	s30 =	sadd.s32 $0x100, s30  }
0xac: {  	[tilespmem:s18], [sflag:$0x2] =	stream.indirect.gather [hbm4b:s1+s16], $0x80, s31, s16, $0xb8;
	[tilespmem:$0x1F900] =	vst v63  }
0xad: {  	s31 =	smov.u32 s13;
	_ =	swait.ge [sflag:s21], $0x4000  }
0xae: {  	[sflag:s21] =	ssyncset.done $0x0  }
0xaf: {  	[sflag:s21] =	ssyncadd.s32 $0xFFFFC000  }
0xb0: {  	_ =	swait.ge [sflag:s25], $0x80  }
0xb1: {  	s13 =	sadd.s32 $0xFFFFFF80, s0;
	[sflag:s25] =	ssyncset.done $0x0  }
0xb2: {  	s7 =	sand.u32 $0x7C00, s13;
	s13 =	sand.u32 $0x300, s13;
	[sflag:s25] =	ssyncadd.s32 $0xFFFFFF80  }
0xb3: {  	[spmem:s3] =	stream.indirect.scatter.add.f32 [tilespmem:s17], [sflag:$0x5], $0x80, s8, s16, $0xb8;
	[tilespmem:$0x1F900] =	vst v63  }
0xb4: {  	s7 =	sadd.s32 s5, s7;
	_ =	swait.ge [sflag:s15], $0x4000  }
0xb5: {  	s7 =	sor.u32 s13, s7;
	[sflag:s15] =	ssyncset.done $0x0  }
0xb6: {  	s7 =	sshrl.u32 s7, $0x3;
	[sflag:s15] =	ssyncadd.s32 $0xFFFFC000  }
0xb7: {  	s7 =	sadd.s32 s6, s7  }
0xb8: {  	[tilespmem:s8], [sflag:$0x3] =	stream.linear.gather [hbm4b:s7+s4], $0x80, $0x38;
	[tilespmem:$0x1F900] =	vst v63  }
0xb9: {  	_ = 	snop  }
0xba: {  	[tilespmem:s17], [sflag:$0x1] =	stream.indirect.gather [hbm4b:s1+s16], $0x80, s2, s16, $0xb8;
	[tilespmem:$0x1F900] =	vst v63  }
0xbb: {  	_ =	swait.ge [sflag:s26], $0x4000  }
0xbc: {  	[sflag:s26] =	ssyncset.done $0x0  }
0xbd: {  	[sflag:s26] =	ssyncadd.s32 $0xFFFFC000  }
0xbe: {  	_ =	swait.ge [sflag:s28], $0x80  }
0xbf: {  	s7 =	sand.u32 $0x7C00, s0;
	[sflag:s28] =	ssyncset.done $0x0  }
0xc0: {  	s0 =	sand.u32 $0x380, s0;
	s7 =	sadd.s32 s5, s7;
	[sflag:s28] =	ssyncadd.s32 $0xFFFFFF80  }
0xc1: {  	[spmem:s3] =	stream.indirect.scatter.add.f32 [tilespmem:s18], [sflag:$0x5], $0x80, s19, s16, $0xb8;
	[tilespmem:$0x1F900] =	vst v63  }
.Ltmp1:
0xc2: {  	_ = 	snop;
	(pc) =	sbr.rel @p0 .LBB2_4-.Ltmp1, $4  }
0xc3: {  	s0 =	sor.u32 s0, s7;
	_ =	swait.ge [sflag:s15], $0x4000  }
0xc4: {  	s0 =	sshrl.u32 s0, $0x3;
	[sflag:s15] =	ssyncset.done $0x0  }
0xc5: {  	s2 =	sadd.s32 $0x100, s2;
	s0 =	sadd.s32 s6, s0;
	[sflag:s15] =	ssyncadd.s32 $0xFFFFC000  }
0xc6: {  	[tilespmem:s19], [sflag:$0x4] =	stream.linear.gather [hbm4b:s0+s4], $0x80, $0x38;
	[tilespmem:$0x1F900] =	vst v63  }
0xc7: {  	[tilespmem:s18], [sflag:$0x2] =	stream.indirect.gather [hbm4b:s1+s16], $0x80, s31, s16, $0xb8;
	[tilespmem:$0x1F900] =	vst v63  }
0xc8: {  	_ =	swait.ge [sflag:s21], $0x4000  }
0xc9: {  	[sflag:s21] =	ssyncset.done $0x0  }
0xca: {  	[sflag:s21] =	ssyncadd.s32 $0xFFFFC000  }
0xcb: {  	_ =	swait.ge [sflag:s25], $0x80  }
0xcc: {  	[sflag:s25] =	ssyncset.done $0x0  }
0xcd: {  	[sflag:s25] =	ssyncadd.s32 $0xFFFFFF80  }
0xce: {  	[spmem:s3] =	stream.indirect.scatter.add.f32 [tilespmem:s17], [sflag:$0x5], $0x80, s8, s16, $0xb8;
	[tilespmem:$0x1F900] =	vst v63  }
0xcf: {  	_ =	swait.ge [sflag:s15], $0x4000  }
0xd0: {  	[sflag:s15] =	ssyncset.done $0x0  }
0xd1: {  	[sflag:s15] =	ssyncadd.s32 $0xFFFFC000  }
0xd2: {  	[tilespmem:s8], [sflag:$0x3] =	stream.linear.gather [hbm4b:s12+s4], $0x80, $0x38;
	[tilespmem:$0x1F900] =	vst v63  }
0xd3: {  	s0 =	simm.s32 $0x16700  }
0xd4: {  	[tilespmem:s17], [sflag:$0x1] =	stream.indirect.gather [hbm4b:s1+s16], $0x80, s0, s16, $0xb8;
	[tilespmem:$0x1F900] =	vst v63  }
0xd5: {  	_ =	swait.ge [sflag:s26], $0x4000  }
0xd6: {  	[sflag:s26] =	ssyncset.done $0x0  }
0xd7: {  	[sflag:s26] =	ssyncadd.s32 $0xFFFFC000  }
0xd8: {  	_ =	swait.ge [sflag:s28], $0x80  }
0xd9: {  	[sflag:s28] =	ssyncset.done $0x0  }
0xda: {  	[sflag:s28] =	ssyncadd.s32 $0xFFFFFF80  }
0xdb: {  	[spmem:s3] =	stream.indirect.scatter.add.f32 [tilespmem:s18], [sflag:$0x5], $0x80, s19, s16, $0xb8;
	[tilespmem:$0x1F900] =	vst v63  }
0xdc: {  	_ =	swait.ge [sflag:s15], $0x4000  }
0xdd: {  	[sflag:s15] =	ssyncset.done $0x0  }
0xde: {  	[sflag:s15] =	ssyncadd.s32 $0xFFFFC000  }
0xdf: {  	_ =	swait.ge [sflag:s21], $0x4000  }
0xe0: {  	[sflag:s21] =	ssyncset.done $0x0  }
0xe1: {  	[sflag:s21] =	ssyncadd.s32 $0xFFFFC000  }
0xe2: {  	_ =	swait.ge [sflag:s25], $0x80  }
0xe3: {  	[sflag:s25] =	ssyncset.done $0x0  }
0xe4: {  	[sflag:s25] =	ssyncadd.s32 $0xFFFFFF80  }
0xe5: {  	[spmem:s3] =	stream.indirect.scatter.add.f32 [tilespmem:s17], [sflag:$0x5], $0x80, s8, s16, $0xb8;
	[tilespmem:$0x1F900] =	vst v63  }
0xe6: {  	_ =	swait.ge [sflag:s15], $0x4000  }
0xe7: {  	[sflag:s15] =	ssyncset.done $0x0  }
0xe8: {  	s13 =	stileid.u32;
	[sflag:s15] =	ssyncadd.s32 $0xFFFFC000  }
0xe9: {  	s0 =	sshll.u32 s13, $0x6;
	[bflag:$0x0] =	sbarrier.arrive $0xFFFF  }
0xea: {  	s2 =	sshrl.u32 s9, $0x3;
	s0 =	sor.u32 $0x1C05, s0;
	s7 =	rddreg [dreg:$0xa]  }
0xeb: {  	[hbm:s7], [sflag:s0] =	dma.local [spmem:s2], $0x800  }
0xec: {  	_ =	swait.ge [sflag:s15], $0x800  }
0xed: {  	[sflag:s15] =	ssyncset.done $0x0  }
0xee: {  	s30 =	sshrl.u32 s14, $0x3;
	s31 =	rddreg [dreg:$0xb];
	[sflag:s15] =	ssyncadd.s32 $0xFFFFF800  }
0xef: {  	[hbm:s31], [sflag:s0] =	dma.local [spmem:s30], $0x800  }
0xf0: {  	_ =	swait.ge [sflag:s15], $0x800  }
0xf1: {  	[sflag:s15] =	ssyncset.done $0x0  }
0xf2: {  	s7 =	sshrl.u32 s22, $0x3;
	s13 =	rddreg [dreg:$0xc];
	[sflag:s15] =	ssyncadd.s32 $0xFFFFF800  }
0xf3: {  	[hbm:s13], [sflag:s0] =	dma.local [spmem:s7], $0x800  }
0xf4: {  	_ =	swait.ge [sflag:s15], $0x800  }
0xf5: {  	[sflag:s15] =	ssyncset.done $0x0  }
0xf6: {  	s30 =	sshrl.u32 s23, $0x3;
	s31 =	rddreg [dreg:$0xd];
	[sflag:s15] =	ssyncadd.s32 $0xFFFFF800  }
0xf7: {  	[hbm:s31], [sflag:s0] =	dma.local [spmem:s30], $0x800  }
0xf8: {  	_ =	swait.ge [sflag:s15], $0x800  }
0xf9: {  	[sflag:s15] =	ssyncset.done $0x0  }
0xfa: {  	s13 =	sshrl.u32 s24, $0x3;
	s30 =	rddreg [dreg:$0xe];
	[sflag:s15] =	ssyncadd.s32 $0xFFFFF800  }
0xfb: {  	[hbm:s30], [sflag:s0] =	dma.local [spmem:s13], $0x800  }
0xfc: {  	_ =	swait.ge [sflag:s15], $0x800  }
0xfd: {  	s29 =	sadd.s32 $0x1, s29;
	s31 =	rddreg [dreg:$0x10]  }
0xfe: {  	p0 =	sne.s32 s29, s31  }
.Ltmp2:
0xff: {  	_ = 	snop;
	(pc) =	sbr.rel @p0 .LBB2_1-.Ltmp2, $3  }
0x100: {  	_ =	sdelay $0x1  }
0x101: {  	[sflag:s15] =	ssyncset.done $0x0  }
0x102: {  	[sflag:s15] =	ssyncadd.s32 $0xFFFFF800  }
0x103: {  	_ =	sfence.sel $0x180000  }
0x104: {  	[bflag:$0x0] =	sbarrier.arrive $0xFFFF  }
0x105: {  	_ =	strace $0x90000050  }
0x106: {  	s0 =	stileid.u32;
	[bflag:$0x2] =	sbarrier.arrive $0xFFFF  }
0x107: {  	p0 =	sne.s32 s0, $0x0;
	s0 =	rddreg [dreg:$0x3]  }
0x108: {  	s0 =	sadd.s32 @!p0 $0x100000, s0  }
0x109: {  	[sflag:s0] =	ssyncadd.tile.s32 @!p0 $0x1;
	_ =	shalt  }
.Lfunc_end2:
_tile_overlayer_lowered:
.L_overlay_start_2:
0x10a: {  	(tag) =	ssettag $0x2  }
0x10b: {  	s0 =	rddreg [dreg:$0x0];
	s2 =	stileid.u32  }
0x10c: {  	s1 =	rddreg [dreg:$0x1];
	p0 =	sne.s32 s2, $0x0  }
0x10d: {  	s3 =	rddreg [dreg:$0x2];
	[bflag:$0x3] =	sbarrier.arrive $0xFFFF;
	s2 =	simm.s32 @!p0 $0x1C05  }
0x10e: {  	[timem:s3], [sflag:s2] =	dma.local @!p0 [hbm:s0], s1  }
0x10f: {  	s0 =	simm.s32 @!p0 $0x5  }
0x110: {  	_ =	swait.ge @!p0 [sflag:s0], s1  }
0x111: {  	s1 =	ssub.s32 @!p0 $0x0, s1;
	[sflag:s0] =	ssyncset.done @!p0 $0x0  }
0x112: {  	[sflag:s0] =	ssyncadd.s32 @!p0 s1  }
0x113: {  	[bflag:$0x3] =	sbarrier.arrive $0xFFFF  }
0x114: {  	_ =	shalt  }

</sc_bundles>
